<compile_context>
chip_gen: v7x
topology: tpu7x:2x2x1
jax: 0.10.2.dev20260603
libtpu: 0.0.44.dev20260713+nightly
codegen_flags: <defaults>
</compile_context>

<pallas_src>
import functools

import jax
import jax.numpy as jnp
from jax import lax
from jax.experimental import pallas as pl
from jax.experimental.pallas import tpu as pltpu
from jax.experimental.pallas import tpu_sc as plsc

_NC = 2
_NS = 16
_K = 96
_JUNK = 16


def _sc_aggregate(x, srcp, dstp, chunks):
    n, d = x.shape
    dh = d // _NC
    rows_per_tile = (n // _NS) & ~7
    rows_tail = n - _NS * rows_per_tile
    nsteps = chunks // 2

    mesh = plsc.VectorSubcoreMesh(core_axis_name="c", subcore_axis_name="s")

    @functools.partial(
        pl.kernel,
        out_type=jax.ShapeDtypeStruct((n, d), jnp.float32),
        mesh=mesh,
        scratch_types=[
            pltpu.VMEM_SHARED((n + _JUNK, dh), jnp.float32),
            pltpu.VMEM((chunks * _K,), jnp.int32),
            pltpu.VMEM((chunks * _K,), jnp.int32),
            pltpu.VMEM((_K, dh), jnp.float32),
            pltpu.VMEM((_K, dh), jnp.float32),
            pltpu.SemaphoreType.DMA,
            pltpu.SemaphoreType.DMA,
            pltpu.SemaphoreType.DMA,
            pltpu.SemaphoreType.DMA,
        ],
    )
    def agg_kernel(x_hbm, src_hbm, dst_hbm, out_hbm, acc, sidx, didx, g0,
                   g1, sis, dis, gs0, gs1):
        c = lax.axis_index("c")
        s = lax.axis_index("s")
        col0 = c * dh
        row0 = s * rows_per_tile
        pltpu.async_copy(src_hbm.at[s], sidx, sis)
        pltpu.async_copy(dst_hbm.at[s], didx, dis)
        pltpu.sync_copy(x_hbm.at[pl.ds(row0, rows_per_tile),
                                 pl.ds(col0, dh)],
                        acc.at[pl.ds(row0, rows_per_tile)])
        if rows_tail:
            @pl.when(s == _NS - 1)
            def _():
                t0 = _NS * rows_per_tile
                pltpu.sync_copy(x_hbm.at[pl.ds(t0, rows_tail),
                                         pl.ds(col0, dh)],
                                acc.at[pl.ds(t0, rows_tail)])
        pltpu.make_async_copy(src_hbm.at[s], sidx, sis).wait()
        pltpu.make_async_copy(dst_hbm.at[s], didx, dis).wait()
        plsc.subcore_barrier()

        pltpu.async_copy(x_hbm.at[sidx.at[pl.ds(0, _K)], pl.ds(col0, dh)], g0, gs0)
        pltpu.async_copy(x_hbm.at[sidx.at[pl.ds(_K, _K)], pl.ds(col0, dh)], g1, gs1)

        def body(j, carry):
            j0 = 2 * j
            pltpu.make_async_copy(x_hbm.at[sidx.at[pl.ds(j0 * _K, _K)], pl.ds(col0, dh)],
                                  g0, gs0).wait()
            pltpu.sync_copy(g0, acc.at[didx.at[pl.ds(j0 * _K, _K)]], add=True)

            @pl.when(j0 + 2 < chunks)
            def _():
                pltpu.async_copy(x_hbm.at[sidx.at[pl.ds((j0 + 2) * _K, _K)],
                                          pl.ds(col0, dh)], g0, gs0)

            pltpu.make_async_copy(x_hbm.at[sidx.at[pl.ds((j0 + 1) * _K, _K)],
                                           pl.ds(col0, dh)], g1,
                                  gs1).wait()
            pltpu.sync_copy(g1, acc.at[didx.at[pl.ds((j0 + 1) * _K, _K)]], add=True)

            @pl.when(j0 + 3 < chunks)
            def _():
                pltpu.async_copy(x_hbm.at[sidx.at[pl.ds((j0 + 3) * _K, _K)],
                                          pl.ds(col0, dh)], g1, gs1)

            return carry

        lax.fori_loop(0, nsteps, body, 0)
        plsc.subcore_barrier()
        pltpu.sync_copy(acc.at[pl.ds(row0, rows_per_tile)],
                        out_hbm.at[pl.ds(row0, rows_per_tile),
                                   pl.ds(col0, dh)])
        if rows_tail:
            @pl.when(s == _NS - 1)
            def _():
                t0 = _NS * rows_per_tile
                pltpu.sync_copy(acc.at[pl.ds(t0, rows_tail)],
                                out_hbm.at[pl.ds(t0, rows_tail),
                                           pl.ds(col0, dh)])

    return agg_kernel(x, srcp, dstp)


def _tc_fold(w1, b1, w2, b2):
    d, h = w1.shape
    d2 = w2.shape[1]

    def fold_kernel(w1_ref, b1_ref, w2_ref, b2_ref, wc_ref, bc_ref):
        wc_ref[...] = jnp.dot(w1_ref[...], w2_ref[...],
                              preferred_element_type=jnp.float32)
        bc_ref[...] = jnp.dot(b1_ref[...], w2_ref[...],
                              preferred_element_type=jnp.float32) + b2_ref[...]

    return pl.pallas_call(
        fold_kernel,
        out_shape=(jax.ShapeDtypeStruct((d, d2), jnp.float32),
                   jax.ShapeDtypeStruct((1, d2), jnp.float32)),
    )(w1, b1.reshape(1, h), w2, b2.reshape(1, d2))


def _tc_dense(acc, x, eps, wc, bc, bn):
    n, d = acc.shape
    grid = (n // bn,)

    def dense_kernel(eps_ref, a_ref, x_ref, wc_ref, bc_ref, out_ref):
        h = a_ref[...] + eps_ref[0] * x_ref[...]
        r = jnp.dot(h, wc_ref[...], preferred_element_type=jnp.float32)
        out_ref[...] = jnp.maximum(r + bc_ref[...], 0.0)

    return pl.pallas_call(
        dense_kernel,
        grid=grid,
        in_specs=[
            pl.BlockSpec(memory_space=pltpu.SMEM),
            pl.BlockSpec((bn, d), lambda i: (i, 0)),
            pl.BlockSpec((bn, d), lambda i: (i, 0)),
            pl.BlockSpec((d, d), lambda i: (0, 0)),
            pl.BlockSpec((1, d), lambda i: (0, 0)),
        ],
        out_specs=pl.BlockSpec((bn, d), lambda i: (i, 0)),
        out_shape=jax.ShapeDtypeStruct((n, d), jnp.float32),
    )(eps.reshape(1), acc, x, wc, bc)


def kernel(x, edge_index, eps1, W11, b11, W12, b12, eps2, W21, b21, W22,
           b22):
    n, d = x.shape
    dh = d // 2
    e = edge_index.shape[1]
    src = edge_index[0]
    dst = edge_index[1]

    e_per_tile = e // _NS
    chunks = -(-e_per_tile // _K)
    chunks += chunks % 2
    pad = chunks * _K - e_per_tile
    src2 = src.reshape(_NS, e_per_tile)
    dst2 = dst.reshape(_NS, e_per_tile)
    if pad:
        pad_src = jnp.broadcast_to((jnp.arange(pad, dtype=jnp.int32) * 64)
                                   % n, (_NS, pad))
        pad_dst = jnp.broadcast_to(
            n + jnp.arange(pad, dtype=jnp.int32) % _JUNK, (_NS, pad))
        src2 = jnp.concatenate([src2, pad_src], axis=1)
        dst2 = jnp.concatenate([dst2, pad_dst], axis=1)
    srcp = src2.reshape(_NS, chunks * _K)
    dstp = dst2.reshape(_NS, chunks * _K)

    wc1, bc1 = _tc_fold(W11, b11, W12, b12)
    wc2, bc2 = _tc_fold(W21, b21, W22, b22)

    bn = 1000
    acc1 = _sc_aggregate(x, srcp, dstp, chunks)
    x1 = _tc_dense(acc1, x, eps1, wc1, bc1, bn)
    acc2 = _sc_aggregate(x1, srcp, dstp, chunks)
    x2 = _tc_dense(acc2, x1, eps2, wc2, bc2, bn)

    return jnp.concatenate([x1[:, :, None], x2[:, :, None]], axis=2)

# --- scband reference (transcript-rebuilt; emitter-appended) ---
"""Pipeline reference for scband-ginencoder-19851338842497 (READ-ONLY COPY).

The authoritative reference and input builder live on the scoring server;
editing this copy changes nothing except your own understanding.
"""

import jax, jax.numpy as jnp
import numpy as np

N = 10000
E = 160000
D = 256
H = D * 2  # 512, per GINConv MLP: Linear(D, 2D) -> Linear(2D, D)


def setup_inputs(seed: int = 0) -> dict:
    key = jax.random.key(seed)
    ks = jax.random.split(key, 12)
    x = jax.random.normal(ks[0], (N, D), dtype=jnp.float32)
    edge_index = jax.random.randint(ks[1], (2, E), 0, N, dtype=jnp.int32)
    s1 = 1.0 / np.sqrt(D)
    s2 = 1.0 / np.sqrt(H)
    # Layer 1 MLP params
    W11 = jax.random.uniform(ks[2], (D, H), minval=-s1, maxval=s1, dtype=jnp.float32)
    b11 = jax.random.uniform(ks[3], (H,), minval=-s1, maxval=s1, dtype=jnp.float32)
    W12 = jax.random.uniform(ks[4], (H, D), minval=-s2, maxval=s2, dtype=jnp.float32)
    b12 = jax.random.uniform(ks[5], (D,), minval=-s2, maxval=s2, dtype=jnp.float32)
    # Layer 2 MLP params
    W21 = jax.random.uniform(ks[6], (D, H), minval=-s1, maxval=s1, dtype=jnp.float32)
    b21 = jax.random.uniform(ks[7], (H,), minval=-s1, maxval=s1, dtype=jnp.float32)
    W22 = jax.random.uniform(ks[8], (H, D), minval=-s2, maxval=s2, dtype=jnp.float32)
    b22 = jax.random.uniform(ks[9], (D,), minval=-s2, maxval=s2, dtype=jnp.float32)
    # train_eps=True, initialized to 0
    eps1 = jnp.zeros((), dtype=jnp.float32)
    eps2 = jnp.zeros((), dtype=jnp.float32)
    return {
        "x": x, "edge_index": edge_index,
        "eps1": eps1, "W11": W11, "b11": b11, "W12": W12, "b12": b12,
        "eps2": eps2, "W21": W21, "b21": b21, "W22": W22, "b22": b22,
    }


def _gin_conv(x, edge_index, eps, W1, b1, W2, b2):
    # PyG GINConv: out = MLP((1 + eps) * x + sum_{j in N(i)} x_j)
    src = edge_index[0]
    dst = edge_index[1]
    msgs = jnp.take(x, src, axis=0)                 # gather (SparseCore)
    agg = jnp.zeros_like(x).at[dst].add(msgs)       # scatter-add (SparseCore)
    h = (1.0 + eps) * x + agg
    h = h @ W1 + b1
    h = h @ W2 + b2
    return h


def reference(x, edge_index, eps1, W11, b11, W12, b12, eps2, W21, b21, W22, b22):
    x1 = jax.nn.relu(_gin_conv(x, edge_index, eps1, W11, b11, W12, b12))
    x2 = jax.nn.relu(_gin_conv(x1, edge_index, eps2, W21, b21, W22, b22))
    return jnp.concatenate((x1[:, :, None], x2[:, :, None]), axis=2)

if __name__ == "__main__":
    import jax
    _d = setup_inputs()
    print(jax.jit(kernel)(*tuple(_d.values())))

</pallas_src>

<mosaic_0001>
#map = affine_map<(d0, d1) -> (0, 0)>
module attributes {stable_mosaic.version = 14 : i64} {
  func.func @agg_kernel(%arg0: i32, %arg1: i32, %arg2: memref<10000x256xf32, #tpu.memory_space<hbm>>, %arg3: memref<16x10176xi32, #tpu.memory_space<hbm>>, %arg4: memref<16x10176xi32, #tpu.memory_space<hbm>>, %arg5: memref<10000x256xf32, #tpu.memory_space<hbm>>, %arg6: memref<10016x128xf32, #tpu.memory_space<vmem_shared>>, %arg7: memref<10176xi32, #tpu.memory_space<vmem>>, %arg8: memref<10176xi32, #tpu.memory_space<vmem>>, %arg9: memref<96x128xf32, #tpu.memory_space<vmem>>, %arg10: memref<96x128xf32, #tpu.memory_space<vmem>>, %arg11: memref<!tpu.dma_semaphore, #tpu.memory_space<semaphore_mem>>, %arg12: memref<!tpu.dma_semaphore, #tpu.memory_space<semaphore_mem>>, %arg13: memref<!tpu.dma_semaphore, #tpu.memory_space<semaphore_mem>>, %arg14: memref<!tpu.dma_semaphore, #tpu.memory_space<semaphore_mem>>) attributes {dimension_semantics = [#tpu.dimension_semantics<core_parallel>, #tpu.dimension_semantics<subcore_parallel>], iteration_bounds = array<i64: 2, 16>, scalar_prefetch = 0 : i64, scratch_operands = 9 : i64, tpu.core_type = #tpu.core_type<sc_vector_subcore>, window_params = [{transform_indices = #map}, {transform_indices = #map}, {transform_indices = #map}, {transform_indices = #map}]} {
    %mul3A = arith.constant 128 : i32
    %mul3A_0 = arith.muli %arg0, %mul3A : i32
    %mul3A_1 = arith.constant 624 : i32
    %mul3A_2 = arith.muli %arg1, %mul3A_1 : i32
    %dma_start3A = arith.constant 0 : i32
    %dma_start3A_3 = tpu.memref_slice %arg3[%arg1, %dma_start3A] : memref<16x10176xi32, #tpu.memory_space<hbm>> -> memref<1x10176xi32, #tpu.memory_space<hbm>>
    %dma_start3A_4 = tpu.memref_squeeze %dma_start3A_3 : memref<1x10176xi32, #tpu.memory_space<hbm>> -> memref<10176xi32, #tpu.memory_space<hbm>>
    %dma_start3A_5 = arith.constant 0 : i32
    %dma_start3A_6 = tpu.memref_slice %arg3[%arg1, %dma_start3A_5] : memref<16x10176xi32, #tpu.memory_space<hbm>> -> memref<1x10176xi32, #tpu.memory_space<hbm>>
    %dma_start3A_7 = tpu.memref_squeeze %dma_start3A_6 : memref<1x10176xi32, #tpu.memory_space<hbm>> -> memref<10176xi32, #tpu.memory_space<hbm>>
    tpu.enqueue_dma source(%dma_start3A_7 : memref<10176xi32, #tpu.memory_space<hbm>>) target(%arg7 : memref<10176xi32, #tpu.memory_space<vmem>>) target_semaphore(%arg11 : memref<!tpu.dma_semaphore, #tpu.memory_space<semaphore_mem>>)
    %dma_start3A_8 = arith.constant 0 : i32
    %dma_start3A_9 = tpu.memref_slice %arg4[%arg1, %dma_start3A_8] : memref<16x10176xi32, #tpu.memory_space<hbm>> -> memref<1x10176xi32, #tpu.memory_space<hbm>>
    %dma_start3A_10 = tpu.memref_squeeze %dma_start3A_9 : memref<1x10176xi32, #tpu.memory_space<hbm>> -> memref<10176xi32, #tpu.memory_space<hbm>>
    %dma_start3A_11 = arith.constant 0 : i32
    %dma_start3A_12 = tpu.memref_slice %arg4[%arg1, %dma_start3A_11] : memref<16x10176xi32, #tpu.memory_space<hbm>> -> memref<1x10176xi32, #tpu.memory_space<hbm>>
    %dma_start3A_13 = tpu.memref_squeeze %dma_start3A_12 : memref<1x10176xi32, #tpu.memory_space<hbm>> -> memref<10176xi32, #tpu.memory_space<hbm>>
    tpu.enqueue_dma source(%dma_start3A_13 : memref<10176xi32, #tpu.memory_space<hbm>>) target(%arg8 : memref<10176xi32, #tpu.memory_space<vmem>>) target_semaphore(%arg12 : memref<!tpu.dma_semaphore, #tpu.memory_space<semaphore_mem>>)
    "tpu.region"() ({
      %run_scoped3A = tpu.sem_alloc : memref<!tpu.dma_semaphore, #tpu.memory_space<semaphore_mem>>
      %dma_start3A_46 = arith.constant 0 : i32
      %dma_start3A_47 = tpu.memref_slice %arg6[%mul3A_2, %dma_start3A_46] : memref<10016x128xf32, #tpu.memory_space<vmem_shared>> -> memref<624x128xf32, #tpu.memory_space<vmem_shared>>
      %dma_start3A_48 = tpu.memref_slice %arg2[%mul3A_2, %mul3A_0] : memref<10000x256xf32, #tpu.memory_space<hbm>> -> memref<624x128xf32, #tpu.memory_space<hbm>>
      tpu.enqueue_dma source(%dma_start3A_48 : memref<624x128xf32, #tpu.memory_space<hbm>>) target(%dma_start3A_47 : memref<624x128xf32, #tpu.memory_space<vmem_shared>>) target_semaphore(%run_scoped3A : memref<!tpu.dma_semaphore, #tpu.memory_space<semaphore_mem>>)
      %dma_wait3A_49 = arith.constant 0 : i32
      %dma_wait3A_50 = tpu.memref_slice %arg6[%mul3A_2, %dma_wait3A_49] : memref<10016x128xf32, #tpu.memory_space<vmem_shared>> -> memref<624x128xf32, #tpu.memory_space<vmem_shared>>
      %dma_wait3A_51 = tpu.memref_slice %arg2[%mul3A_2, %mul3A_0] : memref<10000x256xf32, #tpu.memory_space<hbm>> -> memref<624x128xf32, #tpu.memory_space<hbm>>
      tpu.wait_dma2 semaphore(%run_scoped3A : memref<!tpu.dma_semaphore, #tpu.memory_space<semaphore_mem>>) src(%dma_wait3A_51 : memref<624x128xf32, #tpu.memory_space<hbm>>) dst(%dma_wait3A_50 : memref<624x128xf32, #tpu.memory_space<vmem_shared>>)
      tpu.yield
    }) : () -> ()
    %eq3A = arith.constant 15 : i32
    %eq3A_14 = arith.cmpi eq, %arg1, %eq3A : i32
    %convert_element_type3A = arith.extui %eq3A_14 : i1 to i32
    %cond3A = arith.constant 0 : i32
    %cond3A_15 = arith.cmpi ne, %convert_element_type3A, %cond3A : i32
    scf.if %cond3A_15 {
      "tpu.region"() ({
        %run_scoped3A = tpu.sem_alloc : memref<!tpu.dma_semaphore, #tpu.memory_space<semaphore_mem>>
        %dma_start3A_46 = arith.constant 9984 : i32
        %dma_start3A_47 = arith.constant 0 : i32
        %dma_start3A_48 = tpu.memref_slice %arg6[%dma_start3A_46, %dma_start3A_47] : memref<10016x128xf32, #tpu.memory_space<vmem_shared>> -> memref<16x128xf32, #tpu.memory_space<vmem_shared>>
        %dma_start3A_49 = arith.constant 9984 : i32
        %dma_start3A_50 = tpu.memref_slice %arg2[%dma_start3A_49, %mul3A_0] : memref<10000x256xf32, #tpu.memory_space<hbm>> -> memref<16x128xf32, #tpu.memory_space<hbm>>
        tpu.enqueue_dma source(%dma_start3A_50 : memref<16x128xf32, #tpu.memory_space<hbm>>) target(%dma_start3A_48 : memref<16x128xf32, #tpu.memory_space<vmem_shared>>) target_semaphore(%run_scoped3A : memref<!tpu.dma_semaphore, #tpu.memory_space<semaphore_mem>>)
        %dma_wait3A_51 = arith.constant 9984 : i32
        %dma_wait3A_52 = arith.constant 0 : i32
        %dma_wait3A_53 = tpu.memref_slice %arg6[%dma_wait3A_51, %dma_wait3A_52] : memref<10016x128xf32, #tpu.memory_space<vmem_shared>> -> memref<16x128xf32, #tpu.memory_space<vmem_shared>>
        %dma_wait3A_54 = arith.constant 9984 : i32
        %dma_wait3A_55 = tpu.memref_slice %arg2[%dma_wait3A_54, %mul3A_0] : memref<10000x256xf32, #tpu.memory_space<hbm>> -> memref<16x128xf32, #tpu.memory_space<hbm>>
        tpu.wait_dma2 semaphore(%run_scoped3A : memref<!tpu.dma_semaphore, #tpu.memory_space<semaphore_mem>>) src(%dma_wait3A_55 : memref<16x128xf32, #tpu.memory_space<hbm>>) dst(%dma_wait3A_53 : memref<16x128xf32, #tpu.memory_space<vmem_shared>>)
        tpu.yield
      }) : () -> ()
    } else {
    }
    %dma_wait3A = arith.constant 0 : i32
    %dma_wait3A_16 = tpu.memref_slice %arg3[%arg1, %dma_wait3A] : memref<16x10176xi32, #tpu.memory_space<hbm>> -> memref<1x10176xi32, #tpu.memory_space<hbm>>
    %dma_wait3A_17 = tpu.memref_squeeze %dma_wait3A_16 : memref<1x10176xi32, #tpu.memory_space<hbm>> -> memref<10176xi32, #tpu.memory_space<hbm>>
    %dma_wait3A_18 = arith.constant 0 : i32
    %dma_wait3A_19 = tpu.memref_slice %arg3[%arg1, %dma_wait3A_18] : memref<16x10176xi32, #tpu.memory_space<hbm>> -> memref<1x10176xi32, #tpu.memory_space<hbm>>
    %dma_wait3A_20 = tpu.memref_squeeze %dma_wait3A_19 : memref<1x10176xi32, #tpu.memory_space<hbm>> -> memref<10176xi32, #tpu.memory_space<hbm>>
    tpu.wait_dma2 semaphore(%arg11 : memref<!tpu.dma_semaphore, #tpu.memory_space<semaphore_mem>>) src(%dma_wait3A_20 : memref<10176xi32, #tpu.memory_space<hbm>>) dst(%arg7 : memref<10176xi32, #tpu.memory_space<vmem>>)
    %dma_wait3A_21 = arith.constant 0 : i32
    %dma_wait3A_22 = tpu.memref_slice %arg4[%arg1, %dma_wait3A_21] : memref<16x10176xi32, #tpu.memory_space<hbm>> -> memref<1x10176xi32, #tpu.memory_space<hbm>>
    %dma_wait3A_23 = tpu.memref_squeeze %dma_wait3A_22 : memref<1x10176xi32, #tpu.memory_space<hbm>> -> memref<10176xi32, #tpu.memory_space<hbm>>
    %dma_wait3A_24 = arith.constant 0 : i32
    %dma_wait3A_25 = tpu.memref_slice %arg4[%arg1, %dma_wait3A_24] : memref<16x10176xi32, #tpu.memory_space<hbm>> -> memref<1x10176xi32, #tpu.memory_space<hbm>>
    %dma_wait3A_26 = tpu.memref_squeeze %dma_wait3A_25 : memref<1x10176xi32, #tpu.memory_space<hbm>> -> memref<10176xi32, #tpu.memory_space<hbm>>
    tpu.wait_dma2 semaphore(%arg12 : memref<!tpu.dma_semaphore, #tpu.memory_space<semaphore_mem>>) src(%dma_wait3A_26 : memref<10176xi32, #tpu.memory_space<hbm>>) dst(%arg8 : memref<10176xi32, #tpu.memory_space<vmem>>)
    %barrier3A = arith.constant 0 : index
    tpu.barrier barrier_id(%barrier3A)
    %dma_start3A_27 = arith.constant 0 : i32
    %dma_start3A_28 = tpu.memref_slice %arg7[%dma_start3A_27] : memref<10176xi32, #tpu.memory_space<vmem>> -> memref<96xi32, #tpu.memory_space<vmem>>
    %dma_start3A_29 = arith.constant 0 : i32
    %dma_start3A_30 = tpu.memref_slice %arg2[%dma_start3A_29, %mul3A_0] : memref<10000x256xf32, #tpu.memory_space<hbm>> -> memref<10000x128xf32, #tpu.memory_space<hbm>>
    tpu.enqueue_indirect_dma source(%dma_start3A_30 : memref<10000x128xf32, #tpu.memory_space<hbm>>) target(%arg9 : memref<96x128xf32, #tpu.memory_space<vmem>>) offsets(%dma_start3A_28 : memref<96xi32, #tpu.memory_space<vmem>>) semaphore(%arg13 : memref<!tpu.dma_semaphore, #tpu.memory_space<semaphore_mem>>)
    %dma_start3A_31 = arith.constant 96 : i32
    %dma_start3A_32 = tpu.memref_slice %arg7[%dma_start3A_31] : memref<10176xi32, #tpu.memory_space<vmem>> -> memref<96xi32, #tpu.memory_space<vmem>>
    %dma_start3A_33 = arith.constant 0 : i32
    %dma_start3A_34 = tpu.memref_slice %arg2[%dma_start3A_33, %mul3A_0] : memref<10000x256xf32, #tpu.memory_space<hbm>> -> memref<10000x128xf32, #tpu.memory_space<hbm>>
    tpu.enqueue_indirect_dma source(%dma_start3A_34 : memref<10000x128xf32, #tpu.memory_space<hbm>>) target(%arg10 : memref<96x128xf32, #tpu.memory_space<vmem>>) offsets(%dma_start3A_32 : memref<96xi32, #tpu.memory_space<vmem>>) semaphore(%arg14 : memref<!tpu.dma_semaphore, #tpu.memory_space<semaphore_mem>>)
    %scan3A = arith.constant 0 : i32
    %scan3A_35 = arith.constant 0 : i32
    %scan3A_36 = arith.constant 53 : i32
    %scan3A_37 = arith.addi %scan3A_35, %scan3A_36 : i32
    %scan3A_38 = arith.constant 1 : i32
    scf.for %scan3A_46 = %scan3A_35 to %scan3A_37 step %scan3A_38  : i32 {
      %mul3A_47 = arith.constant 2 : i32
      %mul3A_48 = arith.muli %mul3A_47, %scan3A_46 : i32
      %mul3A_49 = arith.constant 96 : i32
      %mul3A_50 = arith.muli %mul3A_48, %mul3A_49 : i32
      %dma_wait3A_51 = tpu.memref_slice %arg7[%mul3A_50] : memref<10176xi32, #tpu.memory_space<vmem>> -> memref<96xi32, #tpu.memory_space<vmem>>
      %dma_wait3A_52 = arith.constant 0 : i32
      %dma_wait3A_53 = tpu.memref_slice %arg2[%dma_wait3A_52, %mul3A_0] : memref<10000x256xf32, #tpu.memory_space<hbm>> -> memref<10000x128xf32, #tpu.memory_space<hbm>>
      tpu.wait_indirect_dma semaphore(%arg13 : memref<!tpu.dma_semaphore, #tpu.memory_space<semaphore_mem>>) src(%dma_wait3A_53 : memref<10000x128xf32, #tpu.memory_space<hbm>>) dst(%arg9 : memref<96x128xf32, #tpu.memory_space<vmem>>)
      %mul3A_54 = arith.constant 96 : i32
      %mul3A_55 = arith.muli %mul3A_48, %mul3A_54 : i32
      "tpu.region"() ({
        %run_scoped3A = tpu.sem_alloc : memref<!tpu.dma_semaphore, #tpu.memory_space<semaphore_mem>>
        %dma_start3A_79 = tpu.memref_slice %arg8[%mul3A_55] : memref<10176xi32, #tpu.memory_space<vmem>> -> memref<96xi32, #tpu.memory_space<vmem>>
        %dma_start3A_80 = arith.constant 0 : i32
        %dma_start3A_81 = arith.constant 0 : i32
        %dma_start3A_82 = tpu.memref_slice %arg6[%dma_start3A_80, %dma_start3A_81] : memref<10016x128xf32, #tpu.memory_space<vmem_shared>> -> memref<10016x128xf32, #tpu.memory_space<vmem_shared>>
        tpu.enqueue_indirect_dma source(%arg9 : memref<96x128xf32, #tpu.memory_space<vmem>>) target(%dma_start3A_82 : memref<10016x128xf32, #tpu.memory_space<vmem_shared>>) offsets(%dma_start3A_79 : memref<96xi32, #tpu.memory_space<vmem>>) semaphore(%run_scoped3A : memref<!tpu.dma_semaphore, #tpu.memory_space<semaphore_mem>>) {add = true}
        %dma_wait3A_83 = tpu.memref_slice %arg8[%mul3A_55] : memref<10176xi32, #tpu.memory_space<vmem>> -> memref<96xi32, #tpu.memory_space<vmem>>
        %dma_wait3A_84 = arith.constant 0 : i32
        %dma_wait3A_85 = arith.constant 0 : i32
        %dma_wait3A_86 = tpu.memref_slice %arg6[%dma_wait3A_84, %dma_wait3A_85] : memref<10016x128xf32, #tpu.memory_space<vmem_shared>> -> memref<10016x128xf32, #tpu.memory_space<vmem_shared>>
        tpu.wait_indirect_dma semaphore(%run_scoped3A : memref<!tpu.dma_semaphore, #tpu.memory_space<semaphore_mem>>) src(%arg9 : memref<96x128xf32, #tpu.memory_space<vmem>>) dst(%dma_wait3A_86 : memref<10016x128xf32, #tpu.memory_space<vmem_shared>>)
        tpu.yield
      }) : () -> ()
      %add3A = arith.constant 2 : i32
      %add3A_56 = arith.addi %mul3A_48, %add3A : i32
      %lt3A = arith.constant 106 : i32
      %lt3A_57 = arith.cmpi slt, %add3A_56, %lt3A : i32
      %convert_element_type3A_58 = arith.extui %lt3A_57 : i1 to i32
      %cond3A_59 = arith.constant 0 : i32
      %cond3A_60 = arith.cmpi ne, %convert_element_type3A_58, %cond3A_59 : i32
      scf.if %cond3A_60 {
        %add3A_79 = arith.constant 2 : i32
        %add3A_80 = arith.addi %mul3A_48, %add3A_79 : i32
        %mul3A_81 = arith.constant 96 : i32
        %mul3A_82 = arith.muli %add3A_80, %mul3A_81 : i32
        %dma_start3A_83 = tpu.memref_slice %arg7[%mul3A_82] : memref<10176xi32, #tpu.memory_space<vmem>> -> memref<96xi32, #tpu.memory_space<vmem>>
        %dma_start3A_84 = arith.constant 0 : i32
        %dma_start3A_85 = tpu.memref_slice %arg2[%dma_start3A_84, %mul3A_0] : memref<10000x256xf32, #tpu.memory_space<hbm>> -> memref<10000x128xf32, #tpu.memory_space<hbm>>
        tpu.enqueue_indirect_dma source(%dma_start3A_85 : memref<10000x128xf32, #tpu.memory_space<hbm>>) target(%arg9 : memref<96x128xf32, #tpu.memory_space<vmem>>) offsets(%dma_start3A_83 : memref<96xi32, #tpu.memory_space<vmem>>) semaphore(%arg13 : memref<!tpu.dma_semaphore, #tpu.memory_space<semaphore_mem>>)
      } else {
      }
      %add3A_61 = arith.constant 1 : i32
      %add3A_62 = arith.addi %mul3A_48, %add3A_61 : i32
      %mul3A_63 = arith.constant 96 : i32
      %mul3A_64 = arith.muli %add3A_62, %mul3A_63 : i32
      %dma_wait3A_65 = tpu.memref_slice %arg7[%mul3A_64] : memref<10176xi32, #tpu.memory_space<vmem>> -> memref<96xi32, #tpu.memory_space<vmem>>
      %dma_wait3A_66 = arith.constant 0 : i32
      %dma_wait3A_67 = tpu.memref_slice %arg2[%dma_wait3A_66, %mul3A_0] : memref<10000x256xf32, #tpu.memory_space<hbm>> -> memref<10000x128xf32, #tpu.memory_space<hbm>>
      tpu.wait_indirect_dma semaphore(%arg14 : memref<!tpu.dma_semaphore, #tpu.memory_space<semaphore_mem>>) src(%dma_wait3A_67 : memref<10000x128xf32, #tpu.memory_space<hbm>>) dst(%arg10 : memref<96x128xf32, #tpu.memory_space<vmem>>)
      %add3A_68 = arith.constant 1 : i32
      %add3A_69 = arith.addi %mul3A_48, %add3A_68 : i32
      %mul3A_70 = arith.constant 96 : i32
      %mul3A_71 = arith.muli %add3A_69, %mul3A_70 : i32
      "tpu.region"() ({
        %run_scoped3A = tpu.sem_alloc : memref<!tpu.dma_semaphore, #tpu.memory_space<semaphore_mem>>
        %dma_start3A_79 = tpu.memref_slice %arg8[%mul3A_71] : memref<10176xi32, #tpu.memory_space<vmem>> -> memref<96xi32, #tpu.memory_space<vmem>>
        %dma_start3A_80 = arith.constant 0 : i32
        %dma_start3A_81 = arith.constant 0 : i32
        %dma_start3A_82 = tpu.memref_slice %arg6[%dma_start3A_80, %dma_start3A_81] : memref<10016x128xf32, #tpu.memory_space<vmem_shared>> -> memref<10016x128xf32, #tpu.memory_space<vmem_shared>>
        tpu.enqueue_indirect_dma source(%arg10 : memref<96x128xf32, #tpu.memory_space<vmem>>) target(%dma_start3A_82 : memref<10016x128xf32, #tpu.memory_space<vmem_shared>>) offsets(%dma_start3A_79 : memref<96xi32, #tpu.memory_space<vmem>>) semaphore(%run_scoped3A : memref<!tpu.dma_semaphore, #tpu.memory_space<semaphore_mem>>) {add = true}
        %dma_wait3A_83 = tpu.memref_slice %arg8[%mul3A_71] : memref<10176xi32, #tpu.memory_space<vmem>> -> memref<96xi32, #tpu.memory_space<vmem>>
        %dma_wait3A_84 = arith.constant 0 : i32
        %dma_wait3A_85 = arith.constant 0 : i32
        %dma_wait3A_86 = tpu.memref_slice %arg6[%dma_wait3A_84, %dma_wait3A_85] : memref<10016x128xf32, #tpu.memory_space<vmem_shared>> -> memref<10016x128xf32, #tpu.memory_space<vmem_shared>>
        tpu.wait_indirect_dma semaphore(%run_scoped3A : memref<!tpu.dma_semaphore, #tpu.memory_space<semaphore_mem>>) src(%arg10 : memref<96x128xf32, #tpu.memory_space<vmem>>) dst(%dma_wait3A_86 : memref<10016x128xf32, #tpu.memory_space<vmem_shared>>)
        tpu.yield
      }) : () -> ()
      %add3A_72 = arith.constant 3 : i32
      %add3A_73 = arith.addi %mul3A_48, %add3A_72 : i32
      %lt3A_74 = arith.constant 106 : i32
      %lt3A_75 = arith.cmpi slt, %add3A_73, %lt3A_74 : i32
      %convert_element_type3A_76 = arith.extui %lt3A_75 : i1 to i32
      %cond3A_77 = arith.constant 0 : i32
      %cond3A_78 = arith.cmpi ne, %convert_element_type3A_76, %cond3A_77 : i32
      scf.if %cond3A_78 {
        %add3A_79 = arith.constant 3 : i32
        %add3A_80 = arith.addi %mul3A_48, %add3A_79 : i32
        %mul3A_81 = arith.constant 96 : i32
        %mul3A_82 = arith.muli %add3A_80, %mul3A_81 : i32
        %dma_start3A_83 = tpu.memref_slice %arg7[%mul3A_82] : memref<10176xi32, #tpu.memory_space<vmem>> -> memref<96xi32, #tpu.memory_space<vmem>>
        %dma_start3A_84 = arith.constant 0 : i32
        %dma_start3A_85 = tpu.memref_slice %arg2[%dma_start3A_84, %mul3A_0] : memref<10000x256xf32, #tpu.memory_space<hbm>> -> memref<10000x128xf32, #tpu.memory_space<hbm>>
        tpu.enqueue_indirect_dma source(%dma_start3A_85 : memref<10000x128xf32, #tpu.memory_space<hbm>>) target(%arg10 : memref<96x128xf32, #tpu.memory_space<vmem>>) offsets(%dma_start3A_83 : memref<96xi32, #tpu.memory_space<vmem>>) semaphore(%arg14 : memref<!tpu.dma_semaphore, #tpu.memory_space<semaphore_mem>>)
      } else {
      }
    }
    %scan3A_39 = arith.constant 53 : i32
    %barrier3A_40 = arith.constant 0 : index
    tpu.barrier barrier_id(%barrier3A_40)
    "tpu.region"() ({
      %run_scoped3A = tpu.sem_alloc : memref<!tpu.dma_semaphore, #tpu.memory_space<semaphore_mem>>
      %dma_start3A_46 = tpu.memref_slice %arg5[%mul3A_2, %mul3A_0] : memref<10000x256xf32, #tpu.memory_space<hbm>> -> memref<624x128xf32, #tpu.memory_space<hbm>>
      %dma_start3A_47 = arith.constant 0 : i32
      %dma_start3A_48 = tpu.memref_slice %arg6[%mul3A_2, %dma_start3A_47] : memref<10016x128xf32, #tpu.memory_space<vmem_shared>> -> memref<624x128xf32, #tpu.memory_space<vmem_shared>>
      tpu.enqueue_dma source(%dma_start3A_48 : memref<624x128xf32, #tpu.memory_space<vmem_shared>>) target(%dma_start3A_46 : memref<624x128xf32, #tpu.memory_space<hbm>>) target_semaphore(%run_scoped3A : memref<!tpu.dma_semaphore, #tpu.memory_space<semaphore_mem>>)
      %dma_wait3A_49 = tpu.memref_slice %arg5[%mul3A_2, %mul3A_0] : memref<10000x256xf32, #tpu.memory_space<hbm>> -> memref<624x128xf32, #tpu.memory_space<hbm>>
      %dma_wait3A_50 = arith.constant 0 : i32
      %dma_wait3A_51 = tpu.memref_slice %arg6[%mul3A_2, %dma_wait3A_50] : memref<10016x128xf32, #tpu.memory_space<vmem_shared>> -> memref<624x128xf32, #tpu.memory_space<vmem_shared>>
      tpu.wait_dma2 semaphore(%run_scoped3A : memref<!tpu.dma_semaphore, #tpu.memory_space<semaphore_mem>>) src(%dma_wait3A_51 : memref<624x128xf32, #tpu.memory_space<vmem_shared>>) dst(%dma_wait3A_49 : memref<624x128xf32, #tpu.memory_space<hbm>>)
      tpu.yield
    }) : () -> ()
    %eq3A_41 = arith.constant 15 : i32
    %eq3A_42 = arith.cmpi eq, %arg1, %eq3A_41 : i32
    %convert_element_type3A_43 = arith.extui %eq3A_42 : i1 to i32
    %cond3A_44 = arith.constant 0 : i32
    %cond3A_45 = arith.cmpi ne, %convert_element_type3A_43, %cond3A_44 : i32
    scf.if %cond3A_45 {
      "tpu.region"() ({
        %run_scoped3A = tpu.sem_alloc : memref<!tpu.dma_semaphore, #tpu.memory_space<semaphore_mem>>
        %dma_start3A_46 = arith.constant 9984 : i32
        %dma_start3A_47 = tpu.memref_slice %arg5[%dma_start3A_46, %mul3A_0] : memref<10000x256xf32, #tpu.memory_space<hbm>> -> memref<16x128xf32, #tpu.memory_space<hbm>>
        %dma_start3A_48 = arith.constant 9984 : i32
        %dma_start3A_49 = arith.constant 0 : i32
        %dma_start3A_50 = tpu.memref_slice %arg6[%dma_start3A_48, %dma_start3A_49] : memref<10016x128xf32, #tpu.memory_space<vmem_shared>> -> memref<16x128xf32, #tpu.memory_space<vmem_shared>>
        tpu.enqueue_dma source(%dma_start3A_50 : memref<16x128xf32, #tpu.memory_space<vmem_shared>>) target(%dma_start3A_47 : memref<16x128xf32, #tpu.memory_space<hbm>>) target_semaphore(%run_scoped3A : memref<!tpu.dma_semaphore, #tpu.memory_space<semaphore_mem>>)
        %dma_wait3A_51 = arith.constant 9984 : i32
        %dma_wait3A_52 = tpu.memref_slice %arg5[%dma_wait3A_51, %mul3A_0] : memref<10000x256xf32, #tpu.memory_space<hbm>> -> memref<16x128xf32, #tpu.memory_space<hbm>>
        %dma_wait3A_53 = arith.constant 9984 : i32
        %dma_wait3A_54 = arith.constant 0 : i32
        %dma_wait3A_55 = tpu.memref_slice %arg6[%dma_wait3A_53, %dma_wait3A_54] : memref<10016x128xf32, #tpu.memory_space<vmem_shared>> -> memref<16x128xf32, #tpu.memory_space<vmem_shared>>
        tpu.wait_dma2 semaphore(%run_scoped3A : memref<!tpu.dma_semaphore, #tpu.memory_space<semaphore_mem>>) src(%dma_wait3A_55 : memref<16x128xf32, #tpu.memory_space<vmem_shared>>) dst(%dma_wait3A_52 : memref<16x128xf32, #tpu.memory_space<hbm>>)
        tpu.yield
      }) : () -> ()
    } else {
    }
    return
  }
}

#map = affine_map<(d0, d1) -> (0, 0)>
module attributes {stable_mosaic.version = 14 : i64} {
  func.func @agg_kernel(%arg0: i32, %arg1: i32, %arg2: memref<10000x256xf32, #tpu.memory_space<hbm>>, %arg3: memref<16x10176xi32, #tpu.memory_space<hbm>>, %arg4: memref<16x10176xi32, #tpu.memory_space<hbm>>, %arg5: memref<10000x256xf32, #tpu.memory_space<hbm>>, %arg6: memref<10016x128xf32, #tpu.memory_space<vmem_shared>>, %arg7: memref<10176xi32, #tpu.memory_space<vmem>>, %arg8: memref<10176xi32, #tpu.memory_space<vmem>>, %arg9: memref<96x128xf32, #tpu.memory_space<vmem>>, %arg10: memref<96x128xf32, #tpu.memory_space<vmem>>, %arg11: memref<!tpu.dma_semaphore, #tpu.memory_space<semaphore_mem>>, %arg12: memref<!tpu.dma_semaphore, #tpu.memory_space<semaphore_mem>>, %arg13: memref<!tpu.dma_semaphore, #tpu.memory_space<semaphore_mem>>, %arg14: memref<!tpu.dma_semaphore, #tpu.memory_space<semaphore_mem>>) attributes {dimension_semantics = [#tpu.dimension_semantics<core_parallel>, #tpu.dimension_semantics<subcore_parallel>], iteration_bounds = array<i64: 2, 16>, scalar_prefetch = 0 : i64, scratch_operands = 9 : i64, tpu.core_type = #tpu.core_type<sc_vector_subcore>, window_params = [{transform_indices = #map}, {transform_indices = #map}, {transform_indices = #map}, {transform_indices = #map}]} {
    %mul3A = arith.constant 128 : i32
    %mul3A_0 = arith.muli %arg0, %mul3A : i32
    %mul3A_1 = arith.constant 624 : i32
    %mul3A_2 = arith.muli %arg1, %mul3A_1 : i32
    %dma_start3A = arith.constant 0 : i32
    %dma_start3A_3 = tpu.memref_slice %arg3[%arg1, %dma_start3A] : memref<16x10176xi32, #tpu.memory_space<hbm>> -> memref<1x10176xi32, #tpu.memory_space<hbm>>
    %dma_start3A_4 = tpu.memref_squeeze %dma_start3A_3 : memref<1x10176xi32, #tpu.memory_space<hbm>> -> memref<10176xi32, #tpu.memory_space<hbm>>
    %dma_start3A_5 = arith.constant 0 : i32
    %dma_start3A_6 = tpu.memref_slice %arg3[%arg1, %dma_start3A_5] : memref<16x10176xi32, #tpu.memory_space<hbm>> -> memref<1x10176xi32, #tpu.memory_space<hbm>>
    %dma_start3A_7 = tpu.memref_squeeze %dma_start3A_6 : memref<1x10176xi32, #tpu.memory_space<hbm>> -> memref<10176xi32, #tpu.memory_space<hbm>>
    tpu.enqueue_dma source(%dma_start3A_7 : memref<10176xi32, #tpu.memory_space<hbm>>) target(%arg7 : memref<10176xi32, #tpu.memory_space<vmem>>) target_semaphore(%arg11 : memref<!tpu.dma_semaphore, #tpu.memory_space<semaphore_mem>>)
    %dma_start3A_8 = arith.constant 0 : i32
    %dma_start3A_9 = tpu.memref_slice %arg4[%arg1, %dma_start3A_8] : memref<16x10176xi32, #tpu.memory_space<hbm>> -> memref<1x10176xi32, #tpu.memory_space<hbm>>
    %dma_start3A_10 = tpu.memref_squeeze %dma_start3A_9 : memref<1x10176xi32, #tpu.memory_space<hbm>> -> memref<10176xi32, #tpu.memory_space<hbm>>
    %dma_start3A_11 = arith.constant 0 : i32
    %dma_start3A_12 = tpu.memref_slice %arg4[%arg1, %dma_start3A_11] : memref<16x10176xi32, #tpu.memory_space<hbm>> -> memref<1x10176xi32, #tpu.memory_space<hbm>>
    %dma_start3A_13 = tpu.memref_squeeze %dma_start3A_12 : memref<1x10176xi32, #tpu.memory_space<hbm>> -> memref<10176xi32, #tpu.memory_space<hbm>>
    tpu.enqueue_dma source(%dma_start3A_13 : memref<10176xi32, #tpu.memory_space<hbm>>) target(%arg8 : memref<10176xi32, #tpu.memory_space<vmem>>) target_semaphore(%arg12 : memref<!tpu.dma_semaphore, #tpu.memory_space<semaphore_mem>>)
    "tpu.region"() ({
      %run_scoped3A = tpu.sem_alloc : memref<!tpu.dma_semaphore, #tpu.memory_space<semaphore_mem>>
      %dma_start3A_46 = arith.constant 0 : i32
      %dma_start3A_47 = tpu.memref_slice %arg6[%mul3A_2, %dma_start3A_46] : memref<10016x128xf32, #tpu.memory_space<vmem_shared>> -> memref<624x128xf32, #tpu.memory_space<vmem_shared>>
      %dma_start3A_48 = tpu.memref_slice %arg2[%mul3A_2, %mul3A_0] : memref<10000x256xf32, #tpu.memory_space<hbm>> -> memref<624x128xf32, #tpu.memory_space<hbm>>
      tpu.enqueue_dma source(%dma_start3A_48 : memref<624x128xf32, #tpu.memory_space<hbm>>) target(%dma_start3A_47 : memref<624x128xf32, #tpu.memory_space<vmem_shared>>) target_semaphore(%run_scoped3A : memref<!tpu.dma_semaphore, #tpu.memory_space<semaphore_mem>>)
      %dma_wait3A_49 = arith.constant 0 : i32
      %dma_wait3A_50 = tpu.memref_slice %arg6[%mul3A_2, %dma_wait3A_49] : memref<10016x128xf32, #tpu.memory_space<vmem_shared>> -> memref<624x128xf32, #tpu.memory_space<vmem_shared>>
      %dma_wait3A_51 = tpu.memref_slice %arg2[%mul3A_2, %mul3A_0] : memref<10000x256xf32, #tpu.memory_space<hbm>> -> memref<624x128xf32, #tpu.memory_space<hbm>>
      tpu.wait_dma2 semaphore(%run_scoped3A : memref<!tpu.dma_semaphore, #tpu.memory_space<semaphore_mem>>) src(%dma_wait3A_51 : memref<624x128xf32, #tpu.memory_space<hbm>>) dst(%dma_wait3A_50 : memref<624x128xf32, #tpu.memory_space<vmem_shared>>)
      tpu.yield
    }) : () -> ()
    %eq3A = arith.constant 15 : i32
    %eq3A_14 = arith.cmpi eq, %arg1, %eq3A : i32
    %convert_element_type3A = arith.extui %eq3A_14 : i1 to i32
    %cond3A = arith.constant 0 : i32
    %cond3A_15 = arith.cmpi ne, %convert_element_type3A, %cond3A : i32
    scf.if %cond3A_15 {
      "tpu.region"() ({
        %run_scoped3A = tpu.sem_alloc : memref<!tpu.dma_semaphore, #tpu.memory_space<semaphore_mem>>
        %dma_start3A_46 = arith.constant 9984 : i32
        %dma_start3A_47 = arith.constant 0 : i32
        %dma_start3A_48 = tpu.memref_slice %arg6[%dma_start3A_46, %dma_start3A_47] : memref<10016x128xf32, #tpu.memory_space<vmem_shared>> -> memref<16x128xf32, #tpu.memory_space<vmem_shared>>
        %dma_start3A_49 = arith.constant 9984 : i32
        %dma_start3A_50 = tpu.memref_slice %arg2[%dma_start3A_49, %mul3A_0] : memref<10000x256xf32, #tpu.memory_space<hbm>> -> memref<16x128xf32, #tpu.memory_space<hbm>>
        tpu.enqueue_dma source(%dma_start3A_50 : memref<16x128xf32, #tpu.memory_space<hbm>>) target(%dma_start3A_48 : memref<16x128xf32, #tpu.memory_space<vmem_shared>>) target_semaphore(%run_scoped3A : memref<!tpu.dma_semaphore, #tpu.memory_space<semaphore_mem>>)
        %dma_wait3A_51 = arith.constant 9984 : i32
        %dma_wait3A_52 = arith.constant 0 : i32
        %dma_wait3A_53 = tpu.memref_slice %arg6[%dma_wait3A_51, %dma_wait3A_52] : memref<10016x128xf32, #tpu.memory_space<vmem_shared>> -> memref<16x128xf32, #tpu.memory_space<vmem_shared>>
        %dma_wait3A_54 = arith.constant 9984 : i32
        %dma_wait3A_55 = tpu.memref_slice %arg2[%dma_wait3A_54, %mul3A_0] : memref<10000x256xf32, #tpu.memory_space<hbm>> -> memref<16x128xf32, #tpu.memory_space<hbm>>
        tpu.wait_dma2 semaphore(%run_scoped3A : memref<!tpu.dma_semaphore, #tpu.memory_space<semaphore_mem>>) src(%dma_wait3A_55 : memref<16x128xf32, #tpu.memory_space<hbm>>) dst(%dma_wait3A_53 : memref<16x128xf32, #tpu.memory_space<vmem_shared>>)
        tpu.yield
      }) : () -> ()
    } else {
    }
    %dma_wait3A = arith.constant 0 : i32
    %dma_wait3A_16 = tpu.memref_slice %arg3[%arg1, %dma_wait3A] : memref<16x10176xi32, #tpu.memory_space<hbm>> -> memref<1x10176xi32, #tpu.memory_space<hbm>>
    %dma_wait3A_17 = tpu.memref_squeeze %dma_wait3A_16 : memref<1x10176xi32, #tpu.memory_space<hbm>> -> memref<10176xi32, #tpu.memory_space<hbm>>
    %dma_wait3A_18 = arith.constant 0 : i32
    %dma_wait3A_19 = tpu.memref_slice %arg3[%arg1, %dma_wait3A_18] : memref<16x10176xi32, #tpu.memory_space<hbm>> -> memref<1x10176xi32, #tpu.memory_space<hbm>>
    %dma_wait3A_20 = tpu.memref_squeeze %dma_wait3A_19 : memref<1x10176xi32, #tpu.memory_space<hbm>> -> memref<10176xi32, #tpu.memory_space<hbm>>
    tpu.wait_dma2 semaphore(%arg11 : memref<!tpu.dma_semaphore, #tpu.memory_space<semaphore_mem>>) src(%dma_wait3A_20 : memref<10176xi32, #tpu.memory_space<hbm>>) dst(%arg7 : memref<10176xi32, #tpu.memory_space<vmem>>)
    %dma_wait3A_21 = arith.constant 0 : i32
    %dma_wait3A_22 = tpu.memref_slice %arg4[%arg1, %dma_wait3A_21] : memref<16x10176xi32, #tpu.memory_space<hbm>> -> memref<1x10176xi32, #tpu.memory_space<hbm>>
    %dma_wait3A_23 = tpu.memref_squeeze %dma_wait3A_22 : memref<1x10176xi32, #tpu.memory_space<hbm>> -> memref<10176xi32, #tpu.memory_space<hbm>>
    %dma_wait3A_24 = arith.constant 0 : i32
    %dma_wait3A_25 = tpu.memref_slice %arg4[%arg1, %dma_wait3A_24] : memref<16x10176xi32, #tpu.memory_space<hbm>> -> memref<1x10176xi32, #tpu.memory_space<hbm>>
    %dma_wait3A_26 = tpu.memref_squeeze %dma_wait3A_25 : memref<1x10176xi32, #tpu.memory_space<hbm>> -> memref<10176xi32, #tpu.memory_space<hbm>>
    tpu.wait_dma2 semaphore(%arg12 : memref<!tpu.dma_semaphore, #tpu.memory_space<semaphore_mem>>) src(%dma_wait3A_26 : memref<10176xi32, #tpu.memory_space<hbm>>) dst(%arg8 : memref<10176xi32, #tpu.memory_space<vmem>>)
    %barrier3A = arith.constant 0 : index
    tpu.barrier barrier_id(%barrier3A)
    %dma_start3A_27 = arith.constant 0 : i32
    %dma_start3A_28 = tpu.memref_slice %arg7[%dma_start3A_27] : memref<10176xi32, #tpu.memory_space<vmem>> -> memref<96xi32, #tpu.memory_space<vmem>>
    %dma_start3A_29 = arith.constant 0 : i32
    %dma_start3A_30 = tpu.memref_slice %arg2[%dma_start3A_29, %mul3A_0] : memref<10000x256xf32, #tpu.memory_space<hbm>> -> memref<10000x128xf32, #tpu.memory_space<hbm>>
    tpu.enqueue_indirect_dma source(%dma_start3A_30 : memref<10000x128xf32, #tpu.memory_space<hbm>>) target(%arg9 : memref<96x128xf32, #tpu.memory_space<vmem>>) offsets(%dma_start3A_28 : memref<96xi32, #tpu.memory_space<vmem>>) semaphore(%arg13 : memref<!tpu.dma_semaphore, #tpu.memory_space<semaphore_mem>>)
    %dma_start3A_31 = arith.constant 96 : i32
    %dma_start3A_32 = tpu.memref_slice %arg7[%dma_start3A_31] : memref<10176xi32, #tpu.memory_space<vmem>> -> memref<96xi32, #tpu.memory_space<vmem>>
    %dma_start3A_33 = arith.constant 0 : i32
    %dma_start3A_34 = tpu.memref_slice %arg2[%dma_start3A_33, %mul3A_0] : memref<10000x256xf32, #tpu.memory_space<hbm>> -> memref<10000x128xf32, #tpu.memory_space<hbm>>
    tpu.enqueue_indirect_dma source(%dma_start3A_34 : memref<10000x128xf32, #tpu.memory_space<hbm>>) target(%arg10 : memref<96x128xf32, #tpu.memory_space<vmem>>) offsets(%dma_start3A_32 : memref<96xi32, #tpu.memory_space<vmem>>) semaphore(%arg14 : memref<!tpu.dma_semaphore, #tpu.memory_space<semaphore_mem>>)
    %scan3A = arith.constant 0 : i32
    %scan3A_35 = arith.constant 0 : i32
    %scan3A_36 = arith.constant 53 : i32
    %scan3A_37 = arith.addi %scan3A_35, %scan3A_36 : i32
    %scan3A_38 = arith.constant 1 : i32
    scf.for %scan3A_46 = %scan3A_35 to %scan3A_37 step %scan3A_38  : i32 {
      %mul3A_47 = arith.constant 2 : i32
      %mul3A_48 = arith.muli %mul3A_47, %scan3A_46 : i32
      %mul3A_49 = arith.constant 96 : i32
      %mul3A_50 = arith.muli %mul3A_48, %mul3A_49 : i32
      %dma_wait3A_51 = tpu.memref_slice %arg7[%mul3A_50] : memref<10176xi32, #tpu.memory_space<vmem>> -> memref<96xi32, #tpu.memory_space<vmem>>
      %dma_wait3A_52 = arith.constant 0 : i32
      %dma_wait3A_53 = tpu.memref_slice %arg2[%dma_wait3A_52, %mul3A_0] : memref<10000x256xf32, #tpu.memory_space<hbm>> -> memref<10000x128xf32, #tpu.memory_space<hbm>>
      tpu.wait_indirect_dma semaphore(%arg13 : memref<!tpu.dma_semaphore, #tpu.memory_space<semaphore_mem>>) src(%dma_wait3A_53 : memref<10000x128xf32, #tpu.memory_space<hbm>>) dst(%arg9 : memref<96x128xf32, #tpu.memory_space<vmem>>)
      %mul3A_54 = arith.constant 96 : i32
      %mul3A_55 = arith.muli %mul3A_48, %mul3A_54 : i32
      "tpu.region"() ({
        %run_scoped3A = tpu.sem_alloc : memref<!tpu.dma_semaphore, #tpu.memory_space<semaphore_mem>>
        %dma_start3A_79 = tpu.memref_slice %arg8[%mul3A_55] : memref<10176xi32, #tpu.memory_space<vmem>> -> memref<96xi32, #tpu.memory_space<vmem>>
        %dma_start3A_80 = arith.constant 0 : i32
        %dma_start3A_81 = arith.constant 0 : i32
        %dma_start3A_82 = tpu.memref_slice %arg6[%dma_start3A_80, %dma_start3A_81] : memref<10016x128xf32, #tpu.memory_space<vmem_shared>> -> memref<10016x128xf32, #tpu.memory_space<vmem_shared>>
        tpu.enqueue_indirect_dma source(%arg9 : memref<96x128xf32, #tpu.memory_space<vmem>>) target(%dma_start3A_82 : memref<10016x128xf32, #tpu.memory_space<vmem_shared>>) offsets(%dma_start3A_79 : memref<96xi32, #tpu.memory_space<vmem>>) semaphore(%run_scoped3A : memref<!tpu.dma_semaphore, #tpu.memory_space<semaphore_mem>>) {add = true}
        %dma_wait3A_83 = tpu.memref_slice %arg8[%mul3A_55] : memref<10176xi32, #tpu.memory_space<vmem>> -> memref<96xi32, #tpu.memory_space<vmem>>
        %dma_wait3A_84 = arith.constant 0 : i32
        %dma_wait3A_85 = arith.constant 0 : i32
        %dma_wait3A_86 = tpu.memref_slice %arg6[%dma_wait3A_84, %dma_wait3A_85] : memref<10016x128xf32, #tpu.memory_space<vmem_shared>> -> memref<10016x128xf32, #tpu.memory_space<vmem_shared>>
        tpu.wait_indirect_dma semaphore(%run_scoped3A : memref<!tpu.dma_semaphore, #tpu.memory_space<semaphore_mem>>) src(%arg9 : memref<96x128xf32, #tpu.memory_space<vmem>>) dst(%dma_wait3A_86 : memref<10016x128xf32, #tpu.memory_space<vmem_shared>>)
        tpu.yield
      }) : () -> ()
      %add3A = arith.constant 2 : i32
      %add3A_56 = arith.addi %mul3A_48, %add3A : i32
      %lt3A = arith.constant 106 : i32
      %lt3A_57 = arith.cmpi slt, %add3A_56, %lt3A : i32
      %convert_element_type3A_58 = arith.extui %lt3A_57 : i1 to i32
      %cond3A_59 = arith.constant 0 : i32
      %cond3A_60 = arith.cmpi ne, %convert_element_type3A_58, %cond3A_59 : i32
      scf.if %cond3A_60 {
        %add3A_79 = arith.constant 2 : i32
        %add3A_80 = arith.addi %mul3A_48, %add3A_79 : i32
        %mul3A_81 = arith.constant 96 : i32
        %mul3A_82 = arith.muli %add3A_80, %mul3A_81 : i32
        %dma_start3A_83 = tpu.memref_slice %arg7[%mul3A_82] : memref<10176xi32, #tpu.memory_space<vmem>> -> memref<96xi32, #tpu.memory_space<vmem>>
        %dma_start3A_84 = arith.constant 0 : i32
        %dma_start3A_85 = tpu.memref_slice %arg2[%dma_start3A_84, %mul3A_0] : memref<10000x256xf32, #tpu.memory_space<hbm>> -> memref<10000x128xf32, #tpu.memory_space<hbm>>
        tpu.enqueue_indirect_dma source(%dma_start3A_85 : memref<10000x128xf32, #tpu.memory_space<hbm>>) target(%arg9 : memref<96x128xf32, #tpu.memory_space<vmem>>) offsets(%dma_start3A_83 : memref<96xi32, #tpu.memory_space<vmem>>) semaphore(%arg13 : memref<!tpu.dma_semaphore, #tpu.memory_space<semaphore_mem>>)
      } else {
      }
      %add3A_61 = arith.constant 1 : i32
      %add3A_62 = arith.addi %mul3A_48, %add3A_61 : i32
      %mul3A_63 = arith.constant 96 : i32
      %mul3A_64 = arith.muli %add3A_62, %mul3A_63 : i32
      %dma_wait3A_65 = tpu.memref_slice %arg7[%mul3A_64] : memref<10176xi32, #tpu.memory_space<vmem>> -> memref<96xi32, #tpu.memory_space<vmem>>
      %dma_wait3A_66 = arith.constant 0 : i32
      %dma_wait3A_67 = tpu.memref_slice %arg2[%dma_wait3A_66, %mul3A_0] : memref<10000x256xf32, #tpu.memory_space<hbm>> -> memref<10000x128xf32, #tpu.memory_space<hbm>>
      tpu.wait_indirect_dma semaphore(%arg14 : memref<!tpu.dma_semaphore, #tpu.memory_space<semaphore_mem>>) src(%dma_wait3A_67 : memref<10000x128xf32, #tpu.memory_space<hbm>>) dst(%arg10 : memref<96x128xf32, #tpu.memory_space<vmem>>)
      %add3A_68 = arith.constant 1 : i32
      %add3A_69 = arith.addi %mul3A_48, %add3A_68 : i32
      %mul3A_70 = arith.constant 96 : i32
      %mul3A_71 = arith.muli %add3A_69, %mul3A_70 : i32
      "tpu.region"() ({
        %run_scoped3A = tpu.sem_alloc : memref<!tpu.dma_semaphore, #tpu.memory_space<semaphore_mem>>
        %dma_start3A_79 = tpu.memref_slice %arg8[%mul3A_71] : memref<10176xi32, #tpu.memory_space<vmem>> -> memref<96xi32, #tpu.memory_space<vmem>>
        %dma_start3A_80 = arith.constant 0 : i32
        %dma_start3A_81 = arith.constant 0 : i32
        %dma_start3A_82 = tpu.memref_slice %arg6[%dma_start3A_80, %dma_start3A_81] : memref<10016x128xf32, #tpu.memory_space<vmem_shared>> -> memref<10016x128xf32, #tpu.memory_space<vmem_shared>>
        tpu.enqueue_indirect_dma source(%arg10 : memref<96x128xf32, #tpu.memory_space<vmem>>) target(%dma_start3A_82 : memref<10016x128xf32, #tpu.memory_space<vmem_shared>>) offsets(%dma_start3A_79 : memref<96xi32, #tpu.memory_space<vmem>>) semaphore(%run_scoped3A : memref<!tpu.dma_semaphore, #tpu.memory_space<semaphore_mem>>) {add = true}
        %dma_wait3A_83 = tpu.memref_slice %arg8[%mul3A_71] : memref<10176xi32, #tpu.memory_space<vmem>> -> memref<96xi32, #tpu.memory_space<vmem>>
        %dma_wait3A_84 = arith.constant 0 : i32
        %dma_wait3A_85 = arith.constant 0 : i32
        %dma_wait3A_86 = tpu.memref_slice %arg6[%dma_wait3A_84, %dma_wait3A_85] : memref<10016x128xf32, #tpu.memory_space<vmem_shared>> -> memref<10016x128xf32, #tpu.memory_space<vmem_shared>>
        tpu.wait_indirect_dma semaphore(%run_scoped3A : memref<!tpu.dma_semaphore, #tpu.memory_space<semaphore_mem>>) src(%arg10 : memref<96x128xf32, #tpu.memory_space<vmem>>) dst(%dma_wait3A_86 : memref<10016x128xf32, #tpu.memory_space<vmem_shared>>)
        tpu.yield
      }) : () -> ()
      %add3A_72 = arith.constant 3 : i32
      %add3A_73 = arith.addi %mul3A_48, %add3A_72 : i32
      %lt3A_74 = arith.constant 106 : i32
      %lt3A_75 = arith.cmpi slt, %add3A_73, %lt3A_74 : i32
      %convert_element_type3A_76 = arith.extui %lt3A_75 : i1 to i32
      %cond3A_77 = arith.constant 0 : i32
      %cond3A_78 = arith.cmpi ne, %convert_element_type3A_76, %cond3A_77 : i32
      scf.if %cond3A_78 {
        %add3A_79 = arith.constant 3 : i32
        %add3A_80 = arith.addi %mul3A_48, %add3A_79 : i32
        %mul3A_81 = arith.constant 96 : i32
        %mul3A_82 = arith.muli %add3A_80, %mul3A_81 : i32
        %dma_start3A_83 = tpu.memref_slice %arg7[%mul3A_82] : memref<10176xi32, #tpu.memory_space<vmem>> -> memref<96xi32, #tpu.memory_space<vmem>>
        %dma_start3A_84 = arith.constant 0 : i32
        %dma_start3A_85 = tpu.memref_slice %arg2[%dma_start3A_84, %mul3A_0] : memref<10000x256xf32, #tpu.memory_space<hbm>> -> memref<10000x128xf32, #tpu.memory_space<hbm>>
        tpu.enqueue_indirect_dma source(%dma_start3A_85 : memref<10000x128xf32, #tpu.memory_space<hbm>>) target(%arg10 : memref<96x128xf32, #tpu.memory_space<vmem>>) offsets(%dma_start3A_83 : memref<96xi32, #tpu.memory_space<vmem>>) semaphore(%arg14 : memref<!tpu.dma_semaphore, #tpu.memory_space<semaphore_mem>>)
      } else {
      }
    }
    %scan3A_39 = arith.constant 53 : i32
    %barrier3A_40 = arith.constant 0 : index
    tpu.barrier barrier_id(%barrier3A_40)
    "tpu.region"() ({
      %run_scoped3A = tpu.sem_alloc : memref<!tpu.dma_semaphore, #tpu.memory_space<semaphore_mem>>
      %dma_start3A_46 = tpu.memref_slice %arg5[%mul3A_2, %mul3A_0] : memref<10000x256xf32, #tpu.memory_space<hbm>> -> memref<624x128xf32, #tpu.memory_space<hbm>>
      %dma_start3A_47 = arith.constant 0 : i32
      %dma_start3A_48 = tpu.memref_slice %arg6[%mul3A_2, %dma_start3A_47] : memref<10016x128xf32, #tpu.memory_space<vmem_shared>> -> memref<624x128xf32, #tpu.memory_space<vmem_shared>>
      tpu.enqueue_dma source(%dma_start3A_48 : memref<624x128xf32, #tpu.memory_space<vmem_shared>>) target(%dma_start3A_46 : memref<624x128xf32, #tpu.memory_space<hbm>>) target_semaphore(%run_scoped3A : memref<!tpu.dma_semaphore, #tpu.memory_space<semaphore_mem>>)
      %dma_wait3A_49 = tpu.memref_slice %arg5[%mul3A_2, %mul3A_0] : memref<10000x256xf32, #tpu.memory_space<hbm>> -> memref<624x128xf32, #tpu.memory_space<hbm>>
      %dma_wait3A_50 = arith.constant 0 : i32
      %dma_wait3A_51 = tpu.memref_slice %arg6[%mul3A_2, %dma_wait3A_50] : memref<10016x128xf32, #tpu.memory_space<vmem_shared>> -> memref<624x128xf32, #tpu.memory_space<vmem_shared>>
      tpu.wait_dma2 semaphore(%run_scoped3A : memref<!tpu.dma_semaphore, #tpu.memory_space<semaphore_mem>>) src(%dma_wait3A_51 : memref<624x128xf32, #tpu.memory_space<vmem_shared>>) dst(%dma_wait3A_49 : memref<624x128xf32, #tpu.memory_space<hbm>>)
      tpu.yield
    }) : () -> ()
    %eq3A_41 = arith.constant 15 : i32
    %eq3A_42 = arith.cmpi eq, %arg1, %eq3A_41 : i32
    %convert_element_type3A_43 = arith.extui %eq3A_42 : i1 to i32
    %cond3A_44 = arith.constant 0 : i32
    %cond3A_45 = arith.cmpi ne, %convert_element_type3A_43, %cond3A_44 : i32
    scf.if %cond3A_45 {
      "tpu.region"() ({
        %run_scoped3A = tpu.sem_alloc : memref<!tpu.dma_semaphore, #tpu.memory_space<semaphore_mem>>
        %dma_start3A_46 = arith.constant 9984 : i32
        %dma_start3A_47 = tpu.memref_slice %arg5[%dma_start3A_46, %mul3A_0] : memref<10000x256xf32, #tpu.memory_space<hbm>> -> memref<16x128xf32, #tpu.memory_space<hbm>>
        %dma_start3A_48 = arith.constant 9984 : i32
        %dma_start3A_49 = arith.constant 0 : i32
        %dma_start3A_50 = tpu.memref_slice %arg6[%dma_start3A_48, %dma_start3A_49] : memref<10016x128xf32, #tpu.memory_space<vmem_shared>> -> memref<16x128xf32, #tpu.memory_space<vmem_shared>>
        tpu.enqueue_dma source(%dma_start3A_50 : memref<16x128xf32, #tpu.memory_space<vmem_shared>>) target(%dma_start3A_47 : memref<16x128xf32, #tpu.memory_space<hbm>>) target_semaphore(%run_scoped3A : memref<!tpu.dma_semaphore, #tpu.memory_space<semaphore_mem>>)
        %dma_wait3A_51 = arith.constant 9984 : i32
        %dma_wait3A_52 = tpu.memref_slice %arg5[%dma_wait3A_51, %mul3A_0] : memref<10000x256xf32, #tpu.memory_space<hbm>> -> memref<16x128xf32, #tpu.memory_space<hbm>>
        %dma_wait3A_53 = arith.constant 9984 : i32
        %dma_wait3A_54 = arith.constant 0 : i32
        %dma_wait3A_55 = tpu.memref_slice %arg6[%dma_wait3A_53, %dma_wait3A_54] : memref<10016x128xf32, #tpu.memory_space<vmem_shared>> -> memref<16x128xf32, #tpu.memory_space<vmem_shared>>
        tpu.wait_dma2 semaphore(%run_scoped3A : memref<!tpu.dma_semaphore, #tpu.memory_space<semaphore_mem>>) src(%dma_wait3A_55 : memref<16x128xf32, #tpu.memory_space<vmem_shared>>) dst(%dma_wait3A_52 : memref<16x128xf32, #tpu.memory_space<hbm>>)
        tpu.yield
      }) : () -> ()
    } else {
    }
    return
  }
}

module attributes {stable_mosaic.version = 14 : i64} {
  func.func @fold_kernel(%arg0: memref<256x512xf32, #tpu.memory_space<vmem>>, %arg1: memref<1x512xf32, #tpu.memory_space<vmem>>, %arg2: memref<512x256xf32, #tpu.memory_space<vmem>>, %arg3: memref<1x256xf32, #tpu.memory_space<vmem>>, %arg4: memref<256x256xf32, #tpu.memory_space<vmem>>, %arg5: memref<1x256xf32, #tpu.memory_space<vmem>>) attributes {dimension_semantics = [], scalar_prefetch = 0 : i64, scratch_operands = 0 : i64, tpu.core_type = #tpu.core_type<tc>} {
    %get3A = arith.constant 0 : index
    %get3A_0 = arith.constant 0 : index
    %get3A_1 = vector.load %arg0[%get3A, %get3A_0] : memref<256x512xf32, #tpu.memory_space<vmem>>, vector<256x512xf32>
    %get3A_2 = arith.constant 0 : index
    %get3A_3 = arith.constant 0 : index
    %get3A_4 = vector.load %arg2[%get3A_2, %get3A_3] : memref<512x256xf32, #tpu.memory_space<vmem>>, vector<512x256xf32>
    %dot_general3A = arith.constant dense<0.000000e+00> : vector<256x256xf32>
    %dot_general3A_5 = tpu.matmul %get3A_1, %get3A_4, %dot_general3A {dimension_numbers = #tpu.dot_dimension_numbers<[1], [0], [0], [1], [0, 0, 1, 1], [], []>, transpose_lhs_hint = false} : vector<256x512xf32>, vector<512x256xf32>, vector<256x256xf32> -> vector<256x256xf32>
    %swap3A = arith.constant 0 : index
    %swap3A_6 = arith.constant 0 : index
    %swap3A_7 = vector.load %arg4[%swap3A, %swap3A_6] : memref<256x256xf32, #tpu.memory_space<vmem>>, vector<256x256xf32>
    tpu.vector_store %arg4[%swap3A, %swap3A_6], %dot_general3A_5 {strides = array<i32>} : memref<256x256xf32, #tpu.memory_space<vmem>>, vector<256x256xf32>,
    %get3A_8 = arith.constant 0 : index
    %get3A_9 = arith.constant 0 : index
    %get3A_10 = vector.load %arg1[%get3A_8, %get3A_9] : memref<1x512xf32, #tpu.memory_space<vmem>>, vector<1x512xf32>
    %get3A_11 = arith.constant 0 : index
    %get3A_12 = arith.constant 0 : index
    %get3A_13 = vector.load %arg2[%get3A_11, %get3A_12] : memref<512x256xf32, #tpu.memory_space<vmem>>, vector<512x256xf32>
    %dot_general3A_14 = arith.constant dense<0.000000e+00> : vector<1x256xf32>
    %dot_general3A_15 = tpu.matmul %get3A_10, %get3A_13, %dot_general3A_14 {dimension_numbers = #tpu.dot_dimension_numbers<[1], [0], [0], [1], [0, 0, 1, 1], [], []>, transpose_lhs_hint = false} : vector<1x512xf32>, vector<512x256xf32>, vector<1x256xf32> -> vector<1x256xf32>
    %get3A_16 = arith.constant 0 : index
    %get3A_17 = arith.constant 0 : index
    %get3A_18 = vector.load %arg3[%get3A_16, %get3A_17] : memref<1x256xf32, #tpu.memory_space<vmem>>, vector<1x256xf32>
    %add3A = arith.addf %dot_general3A_15, %get3A_18 : vector<1x256xf32>
    %swap3A_19 = arith.constant 0 : index
    %swap3A_20 = arith.constant 0 : index
    %swap3A_21 = vector.load %arg5[%swap3A_19, %swap3A_20] : memref<1x256xf32, #tpu.memory_space<vmem>>, vector<1x256xf32>
    tpu.vector_store %arg5[%swap3A_19, %swap3A_20], %add3A {strides = array<i32>} : memref<1x256xf32, #tpu.memory_space<vmem>>, vector<1x256xf32>,
    return
  }
}

module attributes {stable_mosaic.version = 14 : i64} {
  func.func @dense_kernel(%arg0: i32, %arg1: memref<1xf32, #tpu.memory_space<smem>>, %arg2: memref<1000x256xf32, #tpu.memory_space<vmem>>, %arg3: memref<1000x256xf32, #tpu.memory_space<vmem>>, %arg4: memref<256x256xf32, #tpu.memory_space<vmem>>, %arg5: memref<1x256xf32, #tpu.memory_space<vmem>>, %arg6: memref<1000x256xf32, #tpu.memory_space<vmem>>) attributes {dimension_semantics = [#tpu.dimension_semantics<arbitrary>], iteration_bounds = array<i64: 10>, scalar_prefetch = 0 : i64, scratch_operands = 0 : i64, tpu.core_type = #tpu.core_type<tc>, window_params = [{transform_indices = @transform_0, window_bounds = array<i64: 1>}, {transform_indices = @transform_1, window_bounds = array<i64: 1000, 256>}, {transform_indices = @transform_2, window_bounds = array<i64: 1000, 256>}, {pipeline_mode = #tpu.pipeline_mode<synchronous>, transform_indices = @transform_3, window_bounds = array<i64: 256, 256>}, {pipeline_mode = #tpu.pipeline_mode<synchronous>, transform_indices = @transform_4, window_bounds = array<i64: 1, 256>}, {transform_indices = @transform_5, window_bounds = array<i64: 1000, 256>}]} {
    %get3A = arith.constant 0 : index
    %get3A_0 = arith.constant 0 : index
    %get3A_1 = vector.load %arg2[%get3A, %get3A_0] : memref<1000x256xf32, #tpu.memory_space<vmem>>, vector<1000x256xf32>
    %get3A_2 = arith.constant 0 : index
    %get3A_3 = memref.load %arg1[%get3A_2] : memref<1xf32, #tpu.memory_space<smem>>
    %get3A_4 = arith.constant 0 : index
    %get3A_5 = arith.constant 0 : index
    %get3A_6 = vector.load %arg3[%get3A_4, %get3A_5] : memref<1000x256xf32, #tpu.memory_space<vmem>>, vector<1000x256xf32>
    %mul3A = vector.broadcast %get3A_3 : f32 to vector<1000x256xf32>
    %mul3A_7 = arith.mulf %mul3A, %get3A_6 : vector<1000x256xf32>
    %add3A = arith.addf %get3A_1, %mul3A_7 : vector<1000x256xf32>
    %get3A_8 = arith.constant 0 : index
    %get3A_9 = arith.constant 0 : index
    %get3A_10 = vector.load %arg4[%get3A_8, %get3A_9] : memref<256x256xf32, #tpu.memory_space<vmem>>, vector<256x256xf32>
    %dot_general3A = arith.constant dense<0.000000e+00> : vector<1000x256xf32>
    %dot_general3A_11 = tpu.matmul %add3A, %get3A_10, %dot_general3A {dimension_numbers = #tpu.dot_dimension_numbers<[1], [0], [0], [1], [0, 0, 1, 1], [], []>, transpose_lhs_hint = false} : vector<1000x256xf32>, vector<256x256xf32>, vector<1000x256xf32> -> vector<1000x256xf32>
    %get3A_12 = arith.constant 0 : index
    %get3A_13 = arith.constant 0 : index
    %get3A_14 = vector.load %arg5[%get3A_12, %get3A_13] : memref<1x256xf32, #tpu.memory_space<vmem>>, vector<1x256xf32>
    %add3A_15 = vector.broadcast %get3A_14 : vector<1x256xf32> to vector<1000x256xf32>
    %add3A_16 = arith.addf %dot_general3A_11, %add3A_15 : vector<1000x256xf32>
    %max3A = arith.constant 0.000000e+00 : f32
    %max3A_17 = vector.broadcast %max3A : f32 to vector<1000x256xf32>
    %max3A_18 = arith.maximumf %add3A_16, %max3A_17 : vector<1000x256xf32>
    %swap3A = arith.constant 0 : index
    %swap3A_19 = arith.constant 0 : index
    %swap3A_20 = vector.load %arg6[%swap3A, %swap3A_19] : memref<1000x256xf32, #tpu.memory_space<vmem>>, vector<1000x256xf32>
    tpu.vector_store %arg6[%swap3A, %swap3A_19], %max3A_18 {strides = array<i32>} : memref<1000x256xf32, #tpu.memory_space<vmem>>, vector<1000x256xf32>,
    return
  }
  func.func @transform_0(%arg0: i32) -> i32 {
    %c0_i32 = arith.constant 0 : i32
    %c0_i32_0 = arith.constant 0 : i32
    return %c0_i32 : i32
  }
  func.func @transform_1(%arg0: i32) -> (i32, i32) {
    %c0_i32 = arith.constant 0 : i32
    %c0_i32_0 = arith.constant 0 : i32
    return %arg0, %c0_i32 : i32, i32
  }
  func.func @transform_2(%arg0: i32) -> (i32, i32) {
    %c0_i32 = arith.constant 0 : i32
    %c0_i32_0 = arith.constant 0 : i32
    return %arg0, %c0_i32 : i32, i32
  }
  func.func @transform_3(%arg0: i32) -> (i32, i32) {
    %c0_i32 = arith.constant 0 : i32
    %c0_i32_0 = arith.constant 0 : i32
    %c0_i32_1 = arith.constant 0 : i32
    return %c0_i32, %c0_i32_0 : i32, i32
  }
  func.func @transform_4(%arg0: i32) -> (i32, i32) {
    %c0_i32 = arith.constant 0 : i32
    %c0_i32_0 = arith.constant 0 : i32
    %c0_i32_1 = arith.constant 0 : i32
    return %c0_i32, %c0_i32_0 : i32, i32
  }
  func.func @transform_5(%arg0: i32) -> (i32, i32) {
    %c0_i32 = arith.constant 0 : i32
    %c0_i32_0 = arith.constant 0 : i32
    return %arg0, %c0_i32 : i32, i32
  }
}

</mosaic_0001>

<sc_bundles>
// kernel: kernel.11.cloned.1.call-start
scs
__scs_entry_jumppad:
0x0: {  	(pc) =	sbr.rel $0x88, $3  }
0x1: {  	(tag) =	ssettag $0x0;
	lr =	simm.s32 $0x1  }
0x2: {  	[smem:$0x3F95] =	sst lr;
	_ =	strace $0xD0000000  }
0x3: {  	_ = 	snop  }
0x4: {  	_ = 	snop  }
0x5: {  	_ = 	snop  }
0x6: {  	_ = 	snop  }
0x7: {  	_ = 	snop  }
__scs_overlays_trampoline_lowered:
0x8: {  	[smem:$0x3FA4] =	sst s0  }
0x9: {  	[smem:$0x3FA5] =	sst s1  }
0xa: {  	[smem:$0x3FA6] =	sst s2  }
0xb: {  	[smem:$0x3FA7] =	sst s3  }
0xc: {  	[smem:$0x3FA8] =	sst s4  }
0xd: {  	[smem:$0x3FA9] =	sst s5  }
0xe: {  	[smem:$0x3FAA] =	sst s6  }
0xf: {  	[smem:$0x3FAB] =	sst s7  }
0x10: {  	[smem:$0x3FAC] =	sst s8  }
0x11: {  	[smem:$0x3FAD] =	sst s9;
	s0 =	simm.s32 @!p0 $0x0  }
0x12: {  	s1 =	sld [smem:$0x3F93];
	s0 =	simm.s32 @p0 $0x1  }
0x13: {  	[smem:$0x3FAE] =	sst s0;
	s0 =	simm.s32 @!p1 $0x0  }
0x14: {  	s2 =	sld [smem:$0x3F92];
	s0 =	simm.s32 @p1 $0x1  }
0x15: {  	[smem:$0x3FAF] =	sst s0;
	s0 =	simm.s32 @!p2 $0x0  }
0x16: {  	s3 =	sld [smem:$0x3FDB];
	s0 =	simm.s32 @p2 $0x1  }
0x17: {  	s4 =	simm.s32 $0x1BF5;
	[smem:$0x3FB1] =	sst s0  }
0x18: {  	s0 =	sld [smem:$0x3F94];
	_ =	swait.ge [sflag:s4], $0x0  }
0x19: {  	s7 =	sld [smem:$0x3F95]  }
0x1a: {  	s8 =	sadd.s32 $0xFFFFE003, lr  }
0x1b: {  	s9 =	sadd.s32 $0xFFFFFEF7, lr;
	s5 =	simm.s32 $0xFFFFFFFF;
	p2 =	slt.u32 s8, $0xFFFFF086  }
0x1c: {  	p1 =	slt.u32 s9, $0xF7A;
	s5 =	simm.s32 @!p2 $0x0  }
0x1d: {  	s5 =	simm.s32 @p1 $0x1;
	p0 =	seq.s32 s7, s2  }
0x1e: {  	s7 =	smul.u32 @!p0 $0xF7A, s2;
	p2 =	seq.s32 @!p0 s5, $0x0  }
0x1f: {  	s9 =	smul.u32 $0xF7A, s1;
	s8 =	simm.s32 @!p0 $0x1BF5;
	p2 =	por !p2, p0  }
0x20: {  	[sflag:s8] =	ssyncset.s32 @!p0 $0xFFFFF086;
	s6 =	sadd.s32 @!p0 s3, s7;
	s7 =	simm.s32 @!p0 $0x108  }
0x21: {  	s3 =	sadd.s32 s3, s9;
	s6 =	sadd.s32 @!p0 $0x88, s6;
	s7 =	simm.s32 @p2 $0x1082  }
0x22: {  	[simem:s7], [sflag:s8] =	dma.local @!p0 [hbm:s6], $0xF7A  }
0x23: {  	s9 =	sor.u32 $0xD0000000, s2;
	s6 =	simm.s32 $0x108;
	_ =	swait.ge @!p0 [sflag:s8], $0x0  }
0x24: {  	s3 =	sadd.s32 $0x88, s3;
	s6 =	simm.s32 @!p1 $0x1082;
	[sflag:s4] =	ssyncset.s32 $0xFFFFF086  }
0x25: {  	[simem:s6], [sflag:s4] =	dma.local [hbm:s3], $0xF7A  }
0x26: {  	[smem:$0x3F95] =	sst s1;
	(tag) =	ssettag s2;
	_ =	strace s9  }
0x27: {  	s1 =	sld [smem:$0x3FA5]  }
0x28: {  	s2 =	sld [smem:$0x3FA6]  }
0x29: {  	s4 =	sld [smem:$0x3FA8]  }
0x2a: {  	p0 =	seq.s32 s5, $0x0;
	s5 =	sld [smem:$0x3FA9]  }
0x2b: {  	s6 =	sld [smem:$0x3FAA]  }
0x2c: {  	s7 =	sld [smem:$0x3FAB]  }
0x2d: {  	s3 =	simm.s32 $0x108;
	s8 =	sld [smem:$0x3FAC]  }
0x2e: {  	s3 =	simm.s32 @!p0 $0x1082;
	s9 =	sld [smem:$0x3FAD]  }
0x2f: {  	lr =	sadd.s32 s0, s3;
	s0 =	sld [smem:$0x3FA4]  }
0x30: {  	s3 =	sld [smem:$0x3FA7]  }
0x31: {  	[smem:$0x3FB0] =	sst s10  }
0x32: {  	s10 =	sld [smem:$0x3FAE];
	_ =	sdelay $0x3  }
0x33: {  	p0 =	seq.s32 s10, $0x1;
	s10 =	sld [smem:$0x3FB0];
	_ =	sdelay $0x3  }
0x34: {  	[smem:$0x3FB0] =	sst s10  }
0x35: {  	s10 =	sld [smem:$0x3FAF];
	_ =	sdelay $0x3  }
0x36: {  	p1 =	seq.s32 s10, $0x1;
	s10 =	sld [smem:$0x3FB0];
	_ =	sdelay $0x3  }
0x37: {  	[smem:$0x3FB0] =	sst s10  }
0x38: {  	s10 =	sld [smem:$0x3FB1]  }
0x39: {  	_ = 	snop;
	(pc) =	sbr.ind lr, $3  }
0x3a: {  	_ = 	snop  }
0x3b: {  	_ = 	snop  }
0x3c: {  	p2 =	seq.s32 s10, $0x1;
	s10 =	sld [smem:$0x3FB0]  }
0x3d: {  	_ =	shalt  }
0x3e: {  	_ =	shalt  }
0x3f: {  	_ =	shalt  }
0x40: {  	_ =	shalt  }
0x41: {  	_ =	shalt  }
0x42: {  	_ =	shalt  }
0x43: {  	_ =	shalt  }
0x44: {  	_ =	shalt  }
0x45: {  	_ =	shalt  }
0x46: {  	_ =	shalt  }
0x47: {  	_ =	shalt  }
0x48: {  	_ =	shalt  }
0x49: {  	_ =	shalt  }
0x4a: {  	_ =	shalt  }
0x4b: {  	_ =	shalt  }
0x4c: {  	_ =	shalt  }
0x4d: {  	_ =	shalt  }
0x4e: {  	_ =	shalt  }
0x4f: {  	_ =	shalt  }
0x50: {  	_ =	shalt  }
0x51: {  	_ =	shalt  }
0x52: {  	_ =	shalt  }
0x53: {  	_ =	shalt  }
0x54: {  	_ =	shalt  }
0x55: {  	_ =	shalt  }
0x56: {  	_ =	shalt  }
0x57: {  	_ =	shalt  }
0x58: {  	_ =	shalt  }
0x59: {  	_ =	shalt  }
0x5a: {  	_ =	shalt  }
0x5b: {  	_ =	shalt  }
0x5c: {  	_ =	shalt  }
0x5d: {  	_ =	shalt  }
0x5e: {  	_ =	shalt  }
0x5f: {  	_ =	shalt  }
0x60: {  	_ =	shalt  }
0x61: {  	_ =	shalt  }
0x62: {  	_ =	shalt  }
0x63: {  	_ =	shalt  }
0x64: {  	_ =	shalt  }
0x65: {  	_ =	shalt  }
0x66: {  	_ =	shalt  }
0x67: {  	_ =	shalt  }
0x68: {  	_ =	shalt  }
0x69: {  	_ =	shalt  }
0x6a: {  	_ =	shalt  }
0x6b: {  	_ =	shalt  }
0x6c: {  	_ =	shalt  }
0x6d: {  	_ =	shalt  }
0x6e: {  	_ =	shalt  }
0x6f: {  	_ =	shalt  }
0x70: {  	_ =	shalt  }
0x71: {  	_ =	shalt  }
0x72: {  	_ =	shalt  }
0x73: {  	_ =	shalt  }
0x74: {  	_ =	shalt  }
0x75: {  	_ =	shalt  }
0x76: {  	_ =	shalt  }
0x77: {  	_ =	shalt  }
0x78: {  	_ =	shalt  }
0x79: {  	_ =	shalt  }
0x7a: {  	_ =	shalt  }
0x7b: {  	_ =	shalt  }
0x7c: {  	_ =	shalt  }
0x7d: {  	_ =	shalt  }
0x7e: {  	_ =	shalt  }
0x7f: {  	_ =	shalt  }
0x80: {  	_ =	shalt  }
0x81: {  	_ =	shalt  }
0x82: {  	_ =	shalt  }
0x83: {  	_ =	shalt  }
0x84: {  	_ =	shalt  }
0x85: {  	_ =	shalt  }
0x86: {  	_ =	shalt  }
0x87: {  	_ =	shalt  }
.Lfunc_end0:
.L_simem_size_0:
called_computation.1_lowered:
.L_overlay_start_0:
0x88: {  	s2 =	sld [smem:$0x3FD9]  }
0x89: {  	s3 =	sld [smem:$0x3FFE];
	_ =	sdelay $0x1  }
0x8a: {  	s1 =	srdreg.scid  }
0x8b: {  	s0 =	sand.u32 $0x1, s1  }
0x8c: {  	s17 =	sshll.u32 s0, $0xA;
	s2 =	sadd.s32 s3, s2  }
0x8d: {  	s2 =	sadd.s32 s2, s17  }
0x8e: {  	[smem:$0x3FBC] =	sst s2  }
0x8f: {  	_ = 	snop  }
0x90: {  	s2 =	sld [smem:$0x3FD0];
	(tm) =	ssettm $0x1  }
0x91: {  	s18 =	sld [smem:$0x3FFB];
	_ =	sdelay $0x3  }
0x92: {  	_ =	strace s18  }
0x93: {  	s3 =	sld [smem:$0x3FFC];
	_ =	sdelay $0x3  }
0x94: {  	_ =	strace s3  }
0x95: {  	s3 =	sld [smem:$0x3FFD];
	_ =	sdelay $0x3  }
0x96: {  	_ =	strace s3  }
0x97: {  	_ =	strace $0x8FFFFFFF  }
0x98: {  	s19 =	sld [smem:$0x3FDB];
	_ =	sdelay $0x1  }
0x99: {  	s4 =	simm.s32 $_scs_section_size  }
0x9a: {  	s5 =	simm.s32 $_size__tile_overlayer_lowered;
	s6 =	simm.s32 $_tile_overlayer_lowered  }
0x9b: {  	s22 =	simm.s32 $0x1BFF;
	s21 =	sshll.u32 s6, $0x1;
	s3 =	sadd.s32 s4, s19  }
0x9c: {  	s7 =	simm.s32 $0x0;
	s20 =	sshll.u32 s5, $0x1;
	s5 =	sadd.s32 s21, s3  }
0x9d: {  	[timem:s7], [sflag:s22] =	dma.local [hbm:s5], s20  }
0x9e: {  	_ =	swait.ge [sflag:s22], s20  }
0x9f: {  	s4 =	ssub.s32 $0x0, s20;
	[sflag:s22] =	ssyncset.done $0x0  }
0xa0: {  	[sflag:s22] =	ssyncadd.s32 s4;
	_ =	sdelay $0x1  }
0xa1: {  	s23 =	simm.s32 $0x1B8B  }
0xa2: {  	_ =	swait.ge [sflag:s23], $0x1  }
0xa3: {  	[sflag:s23] =	ssyncset.done $0x0  }
0xa4: {  	s25 =	simm.s32 $0x1B8E;
	s24 =	sld [smem:$0x3FFE];
	[sflag:s23] =	ssyncadd.s32 $0xFFFFFFFF  }
0xa5: {  	s26 =	simm.s32 $execute0_lowered;
	[smem:$0x3FD2] =	sst s25  }
0xa6: {  	s5 =	sshll.u32 s26, $0x1;
	_ =	strace $0x80000049;
	[dreg:$0x1] =	wrdreg $0xFFFFFFFF  }
0xa7: {  	s28 =	simm.s32 $_size_execute0_lowered;
	s3 =	sadd.s32 s3, s5;
	[dreg:$0x0] =	wrdreg $0x0  }
0xa8: {  	s5 =	sshll.u32 s28, $0x1;
	[dreg:$0x2] =	wrdreg s3  }
0xa9: {  	[dreg:$0x3] =	wrdreg s5  }
0xaa: {  	[dreg:$0x4] =	wrdreg $0xC0  }
0xab: {  	_ =	task [dreg:s7], $0x5FFFF  }
0xac: {  	[dreg:$0x1] =	wrdreg $0xFFFFFFFF  }
0xad: {  	[dreg:$0x0] =	wrdreg $0x60  }
0xae: {  	[dreg:$0x2] =	wrdreg s2  }
0xaf: {  	[dreg:$0x3] =	wrdreg s24  }
0xb0: {  	[dreg:$0x4] =	wrdreg $0x0  }
0xb1: {  	[dreg:$0x5] =	wrdreg $0x9  }
0xb2: {  	_ =	task.clear_ibuf [dreg:s7], $0x6FFFF;
	_ =	strace $0x90000049  }
0xb3: {  	s29 =	simm.s32 $0x9;
	_ =	strace $0x8000004B  }
0xb4: {  	_ =	swait.ge [sflag:s29], $0x1  }
0xb5: {  	[sflag:s29] =	ssyncadd.s32 $0xFFFFFFFF  }
0xb6: {  	_ =	strace $0x9000004B  }
0xb7: {  	_ =	sfence  }
0xb8: {  	s30 =	sld [smem:$0x0];
	_ =	sdelay $0x2  }
0xb9: {  	s31 =	sshll.u32 s1, $0xD;
	s1 =	sshrl.u32 s1, $0x2  }
0xba: {  	s3 =	sand.u32 $0x4000, s31;
	s1 =	sadd.s32 s1, s30  }
0xbb: {  	s0 =	sor.u32 s3, s0;
	s1 =	sshll.u32 s1, $0x11  }
0xbc: {  	s0 =	sor.u32 s1, s0  }
0xbd: {  	s0 =	sadd.s32 $0x8F2B, s0  }
0xbe: {  	[sflag:s0] =	ssyncadd.remote.s32 $0x1  }
0xbf: {  	_ =	sfence.sel $0xFFFF  }
0xc0: {  	[dreg:$0x0] =	wrdreg $0xFFFFFFFF;
	(pc) =	sbr.abs _section_cstart, $3  }
0xc1: {  	[dreg:$0x1] =	wrdreg $0xFFFFFFFF  }
0xc2: {  	_ =	task.clear_ibuf [dreg:s7], $0x2FFFF;
	_ =	strace $0x9FFFFFFF  }
0xc3: {  	(tm) =	ssettm $0x7FFFFFFF  }
tec
execute0_lowered:
.L_overlay_start_1:
0x0: {  	(tag) =	ssettag $0x1  }
0x1: {  	s0 =	rddreg [dreg:$0x0]  }
0x2: {  	s1 =	rddreg [dreg:$0x1]  }
0x3: {  	s10 =	stileid.u32;
	s2 =	rddreg [dreg:$0x2]  }
0x4: {  	s6 =	srdreg.scid;
	s11 =	simm.s32 $0x80;
	s31 =	simm.s32 $0x18900  }
0x5: {  	s14 =	simm.s32 $0x1B900;
	s28 =	simm.s32 $0x1DB00;
	s29 =	simm.s32 $0x1DB80  }
0x6: {  	s30 =	simm.s32 $0x1DC00;
	s16 =	simm.s32 $0x1DD80;
	s15 =	simm.s32 $0x1DE80  }
0x7: {  	s3 =	sshrl.u32 s10, $0x3;
	s5 =	sshll.u32 s10, $0x7;
	s8 =	smul.u32 $0x4E000, s10  }
0x8: {  	s17 =	sand.u32 $0x1, s6;
	s18 =	smul.u32 $0x27000, s10;
	s21 =	sshll.u32 s10, $0x6  }
0x9: {  	s23 =	sadd.s32 $0x138000, s2;
	p0 =	sne.s32 s10, $0xF;
	s10 =	simm.s32 $0x1E880  }
0xa: {  	s4 =	smul.u32 $0x14000, s3;
	s3 =	simm.s32 $0x0;
	s5 =	sand.u32 $0x380, s5  }
0xb: {  	s6 =	ssub.s32 $0x2, s17;
	s19 =	sshll.u32 s17, $0xA;
	[smem:$0x7FF] =	sst s3  }
0xc: {  	s7 =	sshrl.u32 s6, $0x1;
	s8 =	sshrl.u32 s8, $0x2;
	s4 =	sor.u32 s5, s4  }
0xd: {  	_ =	strace $0x8000004A;
	s6 =	ssub.s32 s6, s7;
	s20 =	sadd.s32 s8, s2  }
0xe: {  	s7 =	sor.u32 s19, s18;
	s5 =	sshll.u32 s17, $0x7;
	[dreg:$0x8] =	wrdreg s23  }
0xf: {  	s23 =	simm.s32 $0x8;
	s2 =	simm.s32 $0x100;
	s17 =	simm.s32 $0x1DF00  }
0x10: {  	s19 =	simm.s32 $0x1DF80;
	s18 =	simm.s32 $0x1E600;
	s4 =	sshrl.u32 s4, $0x3  }
0x11: {  	s7 =	sshrl.u32 s7, $0x3;
	s8 =	sadd.s32 s0, s5;
	s26 =	smax.u32 s6, $0x1  }
0x12: {  	s4 =	sadd.s32 s4, s1;
	s1 =	sadd.s32 $0xBE00, s1;
	s22 =	sadd.s32 s0, s7  }
0x13: {  	s24 =	sadd.s32 $0x4E000, s8;
	[dreg:$0xc] =	wrdreg s26;
	s26 =	simm.s32 $0x1E780  }
0x14: {  	s9 =	sadd.s32 $0x1E00, s4;
	s4 =	sadd.s32 $0x6E00, s4;
	[dreg:$0x6] =	wrdreg s22  }
0x15: {  	v0 =	vimm.s32 $0x7;
	[dreg:$0x9] =	wrdreg s24;
	s25 =	sadd.s32 s5, s1;
	s1 =	sadd.s32 s1, s7  }
0x16: {  	v1 =	vimm.s32 $0x1;
	v2 =	vimm.s32 $0x0;
	v3 =	vlaneseq.u32;
	s22 =	sshrl.u32 s20, $0x3;
	s24 =	simm.s32 $0x1DE00;
	[dreg:$0x4] =	wrdreg s9  }
0x17: {  	vm0 =	vmmov $0x1;
	v4 =	vimm.s32 $0x2;
	v5 =	vimm.s32 $0x3;
	s20 =	simm.s32 $0x60;
	s5 =	simm.s32 $0x4;
	[dreg:$0x5] =	wrdreg s4  }
0x18: {  	v6 =	vimm.s32 $0x4;
	v7 =	vimm.s32 $0x5;
	v8 =	vimm.s32 $0x6;
	s7 =	simm.s32 $0x0;
	s9 =	sor.u32 $0x1C05, s21;
	[dreg:$0xa] =	wrdreg s1  }
0x19: {  	v9 =	vimm.s32 $0x8;
	v10 =	vimm.s32 $0x9;
	v11 =	vimm.s32 $0xA;
	s0 =	sadd.s32 $0x4E000, s25;
	s21 =	simm.s32 $0x5;
	[dreg:$0xd] =	wrdreg s22  }
0x1a: {  	v12 =	vimm.s32 $0xB;
	v13 =	vimm.s32 $0xC;
	v14 =	vimm.s32 $0xD;
	s1 =	simm.s32 $0x1DC80;
	s4 =	simm.s32 $0x3;
	[dreg:$0xb] =	wrdreg s0  }
0x1b: {  	v15 =	vimm.s32 $0xE;
	v16 =	vimm.s32 $0xF;
	v3 =	vmul.u32 $0x8, v3;
	s25 =	simm.s32 $0x1E700;
	s0 =	simm.s32 $0x1DD00;
	[dreg:$0x7] =	wrdreg s9  }
.LBB2_1:
0x1c: {  	[dreg:$0xe] =	wrdreg s7  }
0x1d: {  	s6 =	rddreg [dreg:$0x4];
	s12 =	simm.s32 $0x400;
	s13 =	simm.s32 $0x13900  }
0x1e: {  	[tilespmem:s13], [sflag:$0x1] =	stream.strided.gather [hbm4b:s6+s11], $0x2800, s12, s11, $0x38;
	[tilespmem:$0x1E900] =	vst v63  }
0x1f: {  	s7 =	rddreg [dreg:$0x5];
	s13 =	simm.s32 $0x16100  }
0x20: {  	[tilespmem:s13], [sflag:$0x2] =	stream.strided.gather [hbm4b:s7+s11], $0x2800, s12, s11, $0x38;
	[tilespmem:$0x1E900] =	vst v63  }
0x21: {  	s13 =	rddreg [dreg:$0x6]  }
0x22: {  	[spmem:s22@s11], [sflag:s9] =	dma.strided [hbm:s13@s2], $0x2700, s23, $0x10   }
0x23: {  	_ =	swait.ge [sflag:s21], $0x2700  }
0x24: {  	s12 =	simm.s32 @!p0 $0x80;
	s11 =	simm.s32 @!p0 $0x100;
	s6 =	rddreg [dreg:$0x8]  }
0x25: {  	[sflag:s21] =	ssyncset.done $0x0;
	s13 =	rddreg [dreg:$0x9];
	s2 =	sshrl.u32 @!p0 s6, $0x3  }
0x26: {  	[sflag:s21] =	ssyncadd.s32 $0xFFFFD900;
	s6 =	simm.s32 @!p0 $0x8;
	[dreg:$0xf] =	wrdreg s2  }
0x27: {  	[spmem:s2@s12], [sflag:s9] =	dma.strided @!p0 [hbm:s13@s11], $0x100, s6, $0x10   }
0x28: {  	s6 =	simm.s32 @!p0 $0x5  }
0x29: {  	_ =	swait.ge @!p0 [sflag:s6], $0x100  }
0x2a: {  	[sflag:s6] =	ssyncset.done @!p0 $0x0  }
0x2b: {  	s23 =	simm.s32 $0x1;
	[sflag:s6] =	ssyncadd.s32 @!p0 $0xFFFFFF00  }
0x2c: {  	_ =	swait.ge [sflag:s23], $0x2800  }
0x2d: {  	[sflag:s23] =	ssyncset.done $0x0  }
0x2e: {  	s2 =	simm.s32 $0x2;
	[sflag:s23] =	ssyncadd.s32 $0xFFFFD800  }
0x2f: {  	_ =	swait.ge [sflag:s2], $0x2800  }
0x30: {  	[sflag:s2] =	ssyncset.done $0x0  }
0x31: {  	[sflag:s2] =	ssyncadd.s32 $0xFFFFD800  }
0x32: {  	[bflag:$0x0] =	sbarrier.arrive $0xFFFF  }
0x33: {  	v17 =	vld [tilespmem:$0x13900];
	_ =	sdelay $0x4  }
0x34: {  	v18 =	vshll.u32 v17, $0x1  }
0x35: {  	v17 =	vand.u32 $0x7, v17;
	v18 =	vand.u32 $0xFFFFFFF0, v18  }
0x36: {  	v17 =	vor.u32 v17, v18  }
0x37: {  	v18 =	vperm.xlane v17, v2;
	_ =	sdelay $0x1  }
0x38: {  	v19 =	vperm.xlane v17, v1;
	v18 =	vadd.s32 v3, v18;
	_ =	sdelay $0x1  }
0x39: {  	v20 =	vperm.xlane v17, v4;
	v19 =	vadd.s32 v3, v19;
	_ =	sdelay $0x1  }
0x3a: {  	v21 =	vperm.xlane v17, v5;
	v20 =	vadd.s32 v3, v20  }
0x3b: {  	[tilespmem:s31], [sflag:$0x3] =	stream.indirect_vreg.gather [hbm4b:s8+s3], $0x80, v18, vm0, $0xb8;
	[tilespmem:$0x1E900] =	vst v63  }
0x3c: {  	s6 =	simm.s32 $0x18980;
	v62 =	vperm.xlane v17, v6;
	v18 =	vadd.s32 v3, v21  }
0x3d: {  	[tilespmem:s6], [sflag:$0x3] =	stream.indirect_vreg.gather [hbm4b:s8+s3], $0x80, v19, vm0, $0xb8;
	[tilespmem:$0x1E900] =	vst v63  }
0x3e: {  	s7 =	simm.s32 $0x18A00;
	v63 =	vperm.xlane v17, v7;
	v19 =	vadd.s32 v3, v62  }
0x3f: {  	[tilespmem:s7], [sflag:$0x3] =	stream.indirect_vreg.gather [hbm4b:s8+s3], $0x80, v20, vm0, $0xb8;
	[tilespmem:$0x1E900] =	vst v63  }
0x40: {  	s9 =	simm.s32 $0x18A80;
	v25 =	vperm.xlane v17, v8;
	v24 =	vadd.s32 v3, v63  }
0x41: {  	[tilespmem:s9], [sflag:$0x3] =	stream.indirect_vreg.gather [hbm4b:s8+s3], $0x80, v18, vm0, $0xb8;
	[tilespmem:$0x1E900] =	vst v63  }
0x42: {  	s11 =	simm.s32 $0x18B00;
	v26 =	vperm.xlane v17, v0;
	v18 =	vadd.s32 v3, v25  }
0x43: {  	[tilespmem:s11], [sflag:$0x3] =	stream.indirect_vreg.gather [hbm4b:s8+s3], $0x80, v19, vm0, $0xb8;
	[tilespmem:$0x1E900] =	vst v63  }
0x44: {  	s12 =	simm.s32 $0x18B80;
	v27 =	vperm.xlane v17, v9;
	v19 =	vadd.s32 v3, v26  }
0x45: {  	[tilespmem:s12], [sflag:$0x3] =	stream.indirect_vreg.gather [hbm4b:s8+s3], $0x80, v24, vm0, $0xb8;
	[tilespmem:$0x1E900] =	vst v63  }
0x46: {  	s13 =	simm.s32 $0x18C00;
	v29 =	vperm.xlane v17, v10;
	v28 =	vadd.s32 v3, v27  }
0x47: {  	[tilespmem:s13], [sflag:$0x3] =	stream.indirect_vreg.gather [hbm4b:s8+s3], $0x80, v18, vm0, $0xb8;
	[tilespmem:$0x1E900] =	vst v63  }
0x48: {  	s22 =	simm.s32 $0x18C80;
	v30 =	vperm.xlane v17, v11;
	v18 =	vadd.s32 v3, v29  }
0x49: {  	[tilespmem:s22], [sflag:$0x3] =	stream.indirect_vreg.gather [hbm4b:s8+s3], $0x80, v19, vm0, $0xb8;
	[tilespmem:$0x1E900] =	vst v63  }
0x4a: {  	s23 =	simm.s32 $0x18D00;
	v31 =	vperm.xlane v17, v12;
	v19 =	vadd.s32 v3, v30  }
0x4b: {  	[tilespmem:s23], [sflag:$0x3] =	stream.indirect_vreg.gather [hbm4b:s8+s3], $0x80, v28, vm0, $0xb8;
	[tilespmem:$0x1E900] =	vst v63  }
0x4c: {  	v33 =	vperm.xlane v17, v13;
	v32 =	vadd.s32 v3, v31;
	s6 =	simm.s32 $0x18D80  }
0x4d: {  	[tilespmem:s6], [sflag:$0x3] =	stream.indirect_vreg.gather [hbm4b:s8+s3], $0x80, v18, vm0, $0xb8;
	[tilespmem:$0x1E900] =	vst v63  }
0x4e: {  	v34 =	vperm.xlane v17, v14;
	s7 =	simm.s32 $0x18E00;
	v18 =	vadd.s32 v3, v33  }
0x4f: {  	[tilespmem:s7], [sflag:$0x3] =	stream.indirect_vreg.gather [hbm4b:s8+s3], $0x80, v19, vm0, $0xb8;
	[tilespmem:$0x1E900] =	vst v63  }
0x50: {  	v35 =	vperm.xlane v17, v15;
	s9 =	simm.s32 $0x18E80;
	v19 =	vadd.s32 v3, v34  }
0x51: {  	[tilespmem:s9], [sflag:$0x3] =	stream.indirect_vreg.gather [hbm4b:s8+s3], $0x80, v32, vm0, $0xb8;
	[tilespmem:$0x1E900] =	vst v63  }
0x52: {  	v17 =	vperm.xlane v17, v16;
	v36 =	vadd.s32 v3, v35;
	s11 =	simm.s32 $0x18F00  }
0x53: {  	[tilespmem:s11], [sflag:$0x3] =	stream.indirect_vreg.gather [hbm4b:s8+s3], $0x80, v18, vm0, $0xb8;
	[tilespmem:$0x1E900] =	vst v63  }
0x54: {  	v17 =	vadd.s32 v3, v17;
	s12 =	simm.s32 $0x18F80  }
0x55: {  	[tilespmem:s12], [sflag:$0x3] =	stream.indirect_vreg.gather [hbm4b:s8+s3], $0x80, v19, vm0, $0xb8;
	[tilespmem:$0x1E900] =	vst v63  }
0x56: {  	s13 =	simm.s32 $0x19000  }
0x57: {  	[tilespmem:s13], [sflag:$0x3] =	stream.indirect_vreg.gather [hbm4b:s8+s3], $0x80, v36, vm0, $0xb8;
	[tilespmem:$0x1E900] =	vst v63  }
0x58: {  	s22 =	simm.s32 $0x19080  }
0x59: {  	[tilespmem:s22], [sflag:$0x3] =	stream.indirect_vreg.gather [hbm4b:s8+s3], $0x80, v17, vm0, $0xb8;
	[tilespmem:$0x1E900] =	vst v63  }
0x5a: {  	v17 =	vld [tilespmem:$0x13910];
	_ =	sdelay $0x4  }
0x5b: {  	v18 =	vshll.u32 v17, $0x1  }
0x5c: {  	v17 =	vand.u32 $0x7, v17;
	v18 =	vand.u32 $0xFFFFFFF0, v18  }
0x5d: {  	v17 =	vor.u32 v17, v18  }
0x5e: {  	v18 =	vperm.xlane v17, v2;
	_ =	sdelay $0x1  }
0x5f: {  	v19 =	vperm.xlane v17, v1;
	v18 =	vadd.s32 v3, v18;
	_ =	sdelay $0x1  }
0x60: {  	v37 =	vperm.xlane v17, v4;
	v19 =	vadd.s32 v3, v19;
	_ =	sdelay $0x1  }
0x61: {  	s23 =	simm.s32 $0x19100;
	v38 =	vperm.xlane v17, v5;
	v20 =	vadd.s32 v3, v37  }
0x62: {  	[tilespmem:s23], [sflag:$0x3] =	stream.indirect_vreg.gather [hbm4b:s8+s3], $0x80, v18, vm0, $0xb8;
	[tilespmem:$0x1E900] =	vst v63  }
0x63: {  	s6 =	simm.s32 $0x19180;
	v39 =	vperm.xlane v17, v6;
	v18 =	vadd.s32 v3, v38  }
0x64: {  	[tilespmem:s6], [sflag:$0x3] =	stream.indirect_vreg.gather [hbm4b:s8+s3], $0x80, v19, vm0, $0xb8;
	[tilespmem:$0x1E900] =	vst v63  }
0x65: {  	s7 =	simm.s32 $0x19200;
	v40 =	vperm.xlane v17, v7;
	v19 =	vadd.s32 v3, v39  }
0x66: {  	[tilespmem:s7], [sflag:$0x3] =	stream.indirect_vreg.gather [hbm4b:s8+s3], $0x80, v20, vm0, $0xb8;
	[tilespmem:$0x1E900] =	vst v63  }
0x67: {  	s9 =	simm.s32 $0x19280;
	v42 =	vperm.xlane v17, v8;
	v41 =	vadd.s32 v3, v40  }
0x68: {  	[tilespmem:s9], [sflag:$0x3] =	stream.indirect_vreg.gather [hbm4b:s8+s3], $0x80, v18, vm0, $0xb8;
	[tilespmem:$0x1E900] =	vst v63  }
0x69: {  	s11 =	simm.s32 $0x19300;
	v43 =	vperm.xlane v17, v0;
	v18 =	vadd.s32 v3, v42  }
0x6a: {  	[tilespmem:s11], [sflag:$0x3] =	stream.indirect_vreg.gather [hbm4b:s8+s3], $0x80, v19, vm0, $0xb8;
	[tilespmem:$0x1E900] =	vst v63  }
0x6b: {  	s12 =	simm.s32 $0x19380;
	v44 =	vperm.xlane v17, v9;
	v19 =	vadd.s32 v3, v43  }
0x6c: {  	[tilespmem:s12], [sflag:$0x3] =	stream.indirect_vreg.gather [hbm4b:s8+s3], $0x80, v41, vm0, $0xb8;
	[tilespmem:$0x1E900] =	vst v63  }
0x6d: {  	s13 =	simm.s32 $0x19400;
	v46 =	vperm.xlane v17, v10;
	v45 =	vadd.s32 v3, v44  }
0x6e: {  	[tilespmem:s13], [sflag:$0x3] =	stream.indirect_vreg.gather [hbm4b:s8+s3], $0x80, v18, vm0, $0xb8;
	[tilespmem:$0x1E900] =	vst v63  }
0x6f: {  	s22 =	simm.s32 $0x19480;
	v47 =	vperm.xlane v17, v11;
	v18 =	vadd.s32 v3, v46  }
0x70: {  	[tilespmem:s22], [sflag:$0x3] =	stream.indirect_vreg.gather [hbm4b:s8+s3], $0x80, v19, vm0, $0xb8;
	[tilespmem:$0x1E900] =	vst v63  }
0x71: {  	v48 =	vperm.xlane v17, v12;
	s23 =	simm.s32 $0x19500;
	v19 =	vadd.s32 v3, v47  }
0x72: {  	[tilespmem:s23], [sflag:$0x3] =	stream.indirect_vreg.gather [hbm4b:s8+s3], $0x80, v45, vm0, $0xb8;
	[tilespmem:$0x1E900] =	vst v63  }
0x73: {  	v50 =	vperm.xlane v17, v13;
	v49 =	vadd.s32 v3, v48;
	s6 =	simm.s32 $0x19580  }
0x74: {  	[tilespmem:s6], [sflag:$0x3] =	stream.indirect_vreg.gather [hbm4b:s8+s3], $0x80, v18, vm0, $0xb8;
	[tilespmem:$0x1E900] =	vst v63  }
0x75: {  	v51 =	vperm.xlane v17, v14;
	s7 =	simm.s32 $0x19600;
	v18 =	vadd.s32 v3, v50  }
0x76: {  	[tilespmem:s7], [sflag:$0x3] =	stream.indirect_vreg.gather [hbm4b:s8+s3], $0x80, v19, vm0, $0xb8;
	[tilespmem:$0x1E900] =	vst v63  }
0x77: {  	v52 =	vperm.xlane v17, v15;
	s9 =	simm.s32 $0x19680;
	v19 =	vadd.s32 v3, v51  }
0x78: {  	[tilespmem:s9], [sflag:$0x3] =	stream.indirect_vreg.gather [hbm4b:s8+s3], $0x80, v49, vm0, $0xb8;
	[tilespmem:$0x1E900] =	vst v63  }
0x79: {  	v17 =	vperm.xlane v17, v16;
	v53 =	vadd.s32 v3, v52;
	s11 =	simm.s32 $0x19700  }
0x7a: {  	[tilespmem:s11], [sflag:$0x3] =	stream.indirect_vreg.gather [hbm4b:s8+s3], $0x80, v18, vm0, $0xb8;
	[tilespmem:$0x1E900] =	vst v63  }
0x7b: {  	v17 =	vadd.s32 v3, v17;
	s12 =	simm.s32 $0x19780  }
0x7c: {  	[tilespmem:s12], [sflag:$0x3] =	stream.indirect_vreg.gather [hbm4b:s8+s3], $0x80, v19, vm0, $0xb8;
	[tilespmem:$0x1E900] =	vst v63  }
0x7d: {  	s13 =	simm.s32 $0x19800  }
0x7e: {  	[tilespmem:s13], [sflag:$0x3] =	stream.indirect_vreg.gather [hbm4b:s8+s3], $0x80, v53, vm0, $0xb8;
	[tilespmem:$0x1E900] =	vst v63  }
0x7f: {  	s22 =	simm.s32 $0x19880  }
0x80: {  	[tilespmem:s22], [sflag:$0x3] =	stream.indirect_vreg.gather [hbm4b:s8+s3], $0x80, v17, vm0, $0xb8;
	[tilespmem:$0x1E900] =	vst v63  }
0x81: {  	v17 =	vld [tilespmem:$0x13920];
	_ =	sdelay $0x4  }
0x82: {  	v18 =	vshll.u32 v17, $0x1  }
0x83: {  	v17 =	vand.u32 $0x7, v17;
	v18 =	vand.u32 $0xFFFFFFF0, v18  }
0x84: {  	v17 =	vor.u32 v17, v18  }
0x85: {  	v18 =	vperm.xlane v17, v2;
	_ =	sdelay $0x1  }
0x86: {  	v19 =	vperm.xlane v17, v1;
	v18 =	vadd.s32 v3, v18;
	_ =	sdelay $0x1  }
0x87: {  	v54 =	vperm.xlane v17, v4;
	v19 =	vadd.s32 v3, v19;
	_ =	sdelay $0x1  }
0x88: {  	s23 =	simm.s32 $0x19900;
	v55 =	vperm.xlane v17, v5;
	v20 =	vadd.s32 v3, v54  }
0x89: {  	[tilespmem:s23], [sflag:$0x3] =	stream.indirect_vreg.gather [hbm4b:s8+s3], $0x80, v18, vm0, $0xb8;
	[tilespmem:$0x1E900] =	vst v63  }
0x8a: {  	s6 =	simm.s32 $0x19980;
	v56 =	vperm.xlane v17, v6;
	v18 =	vadd.s32 v3, v55  }
0x8b: {  	[tilespmem:s6], [sflag:$0x3] =	stream.indirect_vreg.gather [hbm4b:s8+s3], $0x80, v19, vm0, $0xb8;
	[tilespmem:$0x1E900] =	vst v63  }
0x8c: {  	s7 =	simm.s32 $0x19A00;
	v57 =	vperm.xlane v17, v7;
	v19 =	vadd.s32 v3, v56  }
0x8d: {  	[tilespmem:s7], [sflag:$0x3] =	stream.indirect_vreg.gather [hbm4b:s8+s3], $0x80, v20, vm0, $0xb8;
	[tilespmem:$0x1E900] =	vst v63  }
0x8e: {  	s9 =	simm.s32 $0x19A80;
	v59 =	vperm.xlane v17, v8;
	v58 =	vadd.s32 v3, v57  }
0x8f: {  	[tilespmem:s9], [sflag:$0x3] =	stream.indirect_vreg.gather [hbm4b:s8+s3], $0x80, v18, vm0, $0xb8;
	[tilespmem:$0x1E900] =	vst v63  }
0x90: {  	s11 =	simm.s32 $0x19B00;
	v60 =	vperm.xlane v17, v0;
	v18 =	vadd.s32 v3, v59  }
0x91: {  	[tilespmem:s11], [sflag:$0x3] =	stream.indirect_vreg.gather [hbm4b:s8+s3], $0x80, v19, vm0, $0xb8;
	[tilespmem:$0x1E900] =	vst v63  }
0x92: {  	s12 =	simm.s32 $0x19B80;
	v61 =	vperm.xlane v17, v9;
	v19 =	vadd.s32 v3, v60  }
0x93: {  	[tilespmem:s12], [sflag:$0x3] =	stream.indirect_vreg.gather [hbm4b:s8+s3], $0x80, v58, vm0, $0xb8;
	[tilespmem:$0x1E900] =	vst v63  }
0x94: {  	s13 =	simm.s32 $0x19C00;
	v63 =	vperm.xlane v17, v10;
	v62 =	vadd.s32 v3, v61  }
0x95: {  	[tilespmem:s13], [sflag:$0x3] =	stream.indirect_vreg.gather [hbm4b:s8+s3], $0x80, v18, vm0, $0xb8;
	[tilespmem:$0x1E900] =	vst v63  }
0x96: {  	s22 =	simm.s32 $0x19C80;
	v24 =	vperm.xlane v17, v11;
	v18 =	vadd.s32 v3, v63  }
0x97: {  	[tilespmem:s22], [sflag:$0x3] =	stream.indirect_vreg.gather [hbm4b:s8+s3], $0x80, v19, vm0, $0xb8;
	[tilespmem:$0x1E900] =	vst v63  }
0x98: {  	v25 =	vperm.xlane v17, v12;
	s23 =	simm.s32 $0x19D00;
	v19 =	vadd.s32 v3, v24  }
0x99: {  	[tilespmem:s23], [sflag:$0x3] =	stream.indirect_vreg.gather [hbm4b:s8+s3], $0x80, v62, vm0, $0xb8;
	[tilespmem:$0x1E900] =	vst v63  }
0x9a: {  	v27 =	vperm.xlane v17, v13;
	v26 =	vadd.s32 v3, v25;
	s6 =	simm.s32 $0x19D80  }
0x9b: {  	[tilespmem:s6], [sflag:$0x3] =	stream.indirect_vreg.gather [hbm4b:s8+s3], $0x80, v18, vm0, $0xb8;
	[tilespmem:$0x1E900] =	vst v63  }
0x9c: {  	v28 =	vperm.xlane v17, v14;
	s7 =	simm.s32 $0x19E00;
	v18 =	vadd.s32 v3, v27  }
0x9d: {  	[tilespmem:s7], [sflag:$0x3] =	stream.indirect_vreg.gather [hbm4b:s8+s3], $0x80, v19, vm0, $0xb8;
	[tilespmem:$0x1E900] =	vst v63  }
0x9e: {  	v29 =	vperm.xlane v17, v15;
	s9 =	simm.s32 $0x19E80;
	v19 =	vadd.s32 v3, v28  }
0x9f: {  	[tilespmem:s9], [sflag:$0x3] =	stream.indirect_vreg.gather [hbm4b:s8+s3], $0x80, v26, vm0, $0xb8;
	[tilespmem:$0x1E900] =	vst v63  }
0xa0: {  	v17 =	vperm.xlane v17, v16;
	v30 =	vadd.s32 v3, v29;
	s11 =	simm.s32 $0x19F00  }
0xa1: {  	[tilespmem:s11], [sflag:$0x3] =	stream.indirect_vreg.gather [hbm4b:s8+s3], $0x80, v18, vm0, $0xb8;
	[tilespmem:$0x1E900] =	vst v63  }
0xa2: {  	v17 =	vadd.s32 v3, v17;
	s12 =	simm.s32 $0x19F80  }
0xa3: {  	[tilespmem:s12], [sflag:$0x3] =	stream.indirect_vreg.gather [hbm4b:s8+s3], $0x80, v19, vm0, $0xb8;
	[tilespmem:$0x1E900] =	vst v63  }
0xa4: {  	s13 =	simm.s32 $0x1A000  }
0xa5: {  	[tilespmem:s13], [sflag:$0x3] =	stream.indirect_vreg.gather [hbm4b:s8+s3], $0x80, v30, vm0, $0xb8;
	[tilespmem:$0x1E900] =	vst v63  }
0xa6: {  	s22 =	simm.s32 $0x1A080  }
0xa7: {  	[tilespmem:s22], [sflag:$0x3] =	stream.indirect_vreg.gather [hbm4b:s8+s3], $0x80, v17, vm0, $0xb8;
	[tilespmem:$0x1E900] =	vst v63  }
0xa8: {  	v17 =	vld [tilespmem:$0x13930];
	_ =	sdelay $0x4  }
0xa9: {  	v18 =	vshll.u32 v17, $0x1  }
0xaa: {  	v17 =	vand.u32 $0x7, v17;
	v18 =	vand.u32 $0xFFFFFFF0, v18  }
0xab: {  	v17 =	vor.u32 v17, v18  }
0xac: {  	v18 =	vperm.xlane v17, v2;
	_ =	sdelay $0x1  }
0xad: {  	v19 =	vperm.xlane v17, v1;
	v18 =	vadd.s32 v3, v18;
	_ =	sdelay $0x1  }
0xae: {  	v31 =	vperm.xlane v17, v4;
	v19 =	vadd.s32 v3, v19;
	_ =	sdelay $0x1  }
0xaf: {  	s23 =	simm.s32 $0x1A100;
	v32 =	vperm.xlane v17, v5;
	v20 =	vadd.s32 v3, v31  }
0xb0: {  	[tilespmem:s23], [sflag:$0x3] =	stream.indirect_vreg.gather [hbm4b:s8+s3], $0x80, v18, vm0, $0xb8;
	[tilespmem:$0x1E900] =	vst v63  }
0xb1: {  	s6 =	simm.s32 $0x1A180;
	v33 =	vperm.xlane v17, v6;
	v18 =	vadd.s32 v3, v32  }
0xb2: {  	[tilespmem:s6], [sflag:$0x3] =	stream.indirect_vreg.gather [hbm4b:s8+s3], $0x80, v19, vm0, $0xb8;
	[tilespmem:$0x1E900] =	vst v63  }
0xb3: {  	s7 =	simm.s32 $0x1A200;
	v34 =	vperm.xlane v17, v7;
	v19 =	vadd.s32 v3, v33  }
0xb4: {  	[tilespmem:s7], [sflag:$0x3] =	stream.indirect_vreg.gather [hbm4b:s8+s3], $0x80, v20, vm0, $0xb8;
	[tilespmem:$0x1E900] =	vst v63  }
0xb5: {  	s9 =	simm.s32 $0x1A280;
	v36 =	vperm.xlane v17, v8;
	v35 =	vadd.s32 v3, v34  }
0xb6: {  	[tilespmem:s9], [sflag:$0x3] =	stream.indirect_vreg.gather [hbm4b:s8+s3], $0x80, v18, vm0, $0xb8;
	[tilespmem:$0x1E900] =	vst v63  }
0xb7: {  	s11 =	simm.s32 $0x1A300;
	v37 =	vperm.xlane v17, v0;
	v18 =	vadd.s32 v3, v36  }
0xb8: {  	[tilespmem:s11], [sflag:$0x3] =	stream.indirect_vreg.gather [hbm4b:s8+s3], $0x80, v19, vm0, $0xb8;
	[tilespmem:$0x1E900] =	vst v63  }
0xb9: {  	s12 =	simm.s32 $0x1A380;
	v38 =	vperm.xlane v17, v9;
	v19 =	vadd.s32 v3, v37  }
0xba: {  	[tilespmem:s12], [sflag:$0x3] =	stream.indirect_vreg.gather [hbm4b:s8+s3], $0x80, v35, vm0, $0xb8;
	[tilespmem:$0x1E900] =	vst v63  }
0xbb: {  	s13 =	simm.s32 $0x1A400;
	v40 =	vperm.xlane v17, v10;
	v39 =	vadd.s32 v3, v38  }
0xbc: {  	[tilespmem:s13], [sflag:$0x3] =	stream.indirect_vreg.gather [hbm4b:s8+s3], $0x80, v18, vm0, $0xb8;
	[tilespmem:$0x1E900] =	vst v63  }
0xbd: {  	s22 =	simm.s32 $0x1A480;
	v41 =	vperm.xlane v17, v11;
	v18 =	vadd.s32 v3, v40  }
0xbe: {  	[tilespmem:s22], [sflag:$0x3] =	stream.indirect_vreg.gather [hbm4b:s8+s3], $0x80, v19, vm0, $0xb8;
	[tilespmem:$0x1E900] =	vst v63  }
0xbf: {  	v42 =	vperm.xlane v17, v12;
	s23 =	simm.s32 $0x1A500;
	v19 =	vadd.s32 v3, v41  }
0xc0: {  	[tilespmem:s23], [sflag:$0x3] =	stream.indirect_vreg.gather [hbm4b:s8+s3], $0x80, v39, vm0, $0xb8;
	[tilespmem:$0x1E900] =	vst v63  }
0xc1: {  	v44 =	vperm.xlane v17, v13;
	v43 =	vadd.s32 v3, v42;
	s6 =	simm.s32 $0x1A580  }
0xc2: {  	[tilespmem:s6], [sflag:$0x3] =	stream.indirect_vreg.gather [hbm4b:s8+s3], $0x80, v18, vm0, $0xb8;
	[tilespmem:$0x1E900] =	vst v63  }
0xc3: {  	v45 =	vperm.xlane v17, v14;
	s7 =	simm.s32 $0x1A600;
	v18 =	vadd.s32 v3, v44  }
0xc4: {  	[tilespmem:s7], [sflag:$0x3] =	stream.indirect_vreg.gather [hbm4b:s8+s3], $0x80, v19, vm0, $0xb8;
	[tilespmem:$0x1E900] =	vst v63  }
0xc5: {  	v46 =	vperm.xlane v17, v15;
	s9 =	simm.s32 $0x1A680;
	v19 =	vadd.s32 v3, v45  }
0xc6: {  	[tilespmem:s9], [sflag:$0x3] =	stream.indirect_vreg.gather [hbm4b:s8+s3], $0x80, v43, vm0, $0xb8;
	[tilespmem:$0x1E900] =	vst v63  }
0xc7: {  	v17 =	vperm.xlane v17, v16;
	v47 =	vadd.s32 v3, v46;
	s11 =	simm.s32 $0x1A700  }
0xc8: {  	[tilespmem:s11], [sflag:$0x3] =	stream.indirect_vreg.gather [hbm4b:s8+s3], $0x80, v18, vm0, $0xb8;
	[tilespmem:$0x1E900] =	vst v63  }
0xc9: {  	v17 =	vadd.s32 v3, v17;
	s12 =	simm.s32 $0x1A780  }
0xca: {  	[tilespmem:s12], [sflag:$0x3] =	stream.indirect_vreg.gather [hbm4b:s8+s3], $0x80, v19, vm0, $0xb8;
	[tilespmem:$0x1E900] =	vst v63  }
0xcb: {  	s13 =	simm.s32 $0x1A800  }
0xcc: {  	[tilespmem:s13], [sflag:$0x3] =	stream.indirect_vreg.gather [hbm4b:s8+s3], $0x80, v47, vm0, $0xb8;
	[tilespmem:$0x1E900] =	vst v63  }
0xcd: {  	s22 =	simm.s32 $0x1A880  }
0xce: {  	[tilespmem:s22], [sflag:$0x3] =	stream.indirect_vreg.gather [hbm4b:s8+s3], $0x80, v17, vm0, $0xb8;
	[tilespmem:$0x1E900] =	vst v63  }
0xcf: {  	v17 =	vld [tilespmem:$0x13940];
	_ =	sdelay $0x4  }
0xd0: {  	v18 =	vshll.u32 v17, $0x1  }
0xd1: {  	v17 =	vand.u32 $0x7, v17;
	v18 =	vand.u32 $0xFFFFFFF0, v18  }
0xd2: {  	v17 =	vor.u32 v17, v18  }
0xd3: {  	v18 =	vperm.xlane v17, v2;
	_ =	sdelay $0x1  }
0xd4: {  	v19 =	vperm.xlane v17, v1;
	v18 =	vadd.s32 v3, v18;
	_ =	sdelay $0x1  }
0xd5: {  	v48 =	vperm.xlane v17, v4;
	v19 =	vadd.s32 v3, v19;
	_ =	sdelay $0x1  }
0xd6: {  	s23 =	simm.s32 $0x1A900;
	v49 =	vperm.xlane v17, v5;
	v20 =	vadd.s32 v3, v48  }
0xd7: {  	[tilespmem:s23], [sflag:$0x3] =	stream.indirect_vreg.gather [hbm4b:s8+s3], $0x80, v18, vm0, $0xb8;
	[tilespmem:$0x1E900] =	vst v63  }
0xd8: {  	s6 =	simm.s32 $0x1A980;
	v50 =	vperm.xlane v17, v6;
	v18 =	vadd.s32 v3, v49  }
0xd9: {  	[tilespmem:s6], [sflag:$0x3] =	stream.indirect_vreg.gather [hbm4b:s8+s3], $0x80, v19, vm0, $0xb8;
	[tilespmem:$0x1E900] =	vst v63  }
0xda: {  	s7 =	simm.s32 $0x1AA00;
	v51 =	vperm.xlane v17, v7;
	v19 =	vadd.s32 v3, v50  }
0xdb: {  	[tilespmem:s7], [sflag:$0x3] =	stream.indirect_vreg.gather [hbm4b:s8+s3], $0x80, v20, vm0, $0xb8;
	[tilespmem:$0x1E900] =	vst v63  }
0xdc: {  	s9 =	simm.s32 $0x1AA80;
	v53 =	vperm.xlane v17, v8;
	v52 =	vadd.s32 v3, v51  }
0xdd: {  	[tilespmem:s9], [sflag:$0x3] =	stream.indirect_vreg.gather [hbm4b:s8+s3], $0x80, v18, vm0, $0xb8;
	[tilespmem:$0x1E900] =	vst v63  }
0xde: {  	s11 =	simm.s32 $0x1AB00;
	v54 =	vperm.xlane v17, v0;
	v18 =	vadd.s32 v3, v53  }
0xdf: {  	[tilespmem:s11], [sflag:$0x3] =	stream.indirect_vreg.gather [hbm4b:s8+s3], $0x80, v19, vm0, $0xb8;
	[tilespmem:$0x1E900] =	vst v63  }
0xe0: {  	s12 =	simm.s32 $0x1AB80;
	v55 =	vperm.xlane v17, v9;
	v19 =	vadd.s32 v3, v54  }
0xe1: {  	[tilespmem:s12], [sflag:$0x3] =	stream.indirect_vreg.gather [hbm4b:s8+s3], $0x80, v52, vm0, $0xb8;
	[tilespmem:$0x1E900] =	vst v63  }
0xe2: {  	s13 =	simm.s32 $0x1AC00;
	v57 =	vperm.xlane v17, v10;
	v56 =	vadd.s32 v3, v55  }
0xe3: {  	[tilespmem:s13], [sflag:$0x3] =	stream.indirect_vreg.gather [hbm4b:s8+s3], $0x80, v18, vm0, $0xb8;
	[tilespmem:$0x1E900] =	vst v63  }
0xe4: {  	s22 =	simm.s32 $0x1AC80;
	v58 =	vperm.xlane v17, v11;
	v18 =	vadd.s32 v3, v57  }
0xe5: {  	[tilespmem:s22], [sflag:$0x3] =	stream.indirect_vreg.gather [hbm4b:s8+s3], $0x80, v19, vm0, $0xb8;
	[tilespmem:$0x1E900] =	vst v63  }
0xe6: {  	v59 =	vperm.xlane v17, v12;
	s23 =	simm.s32 $0x1AD00;
	v19 =	vadd.s32 v3, v58  }
0xe7: {  	[tilespmem:s23], [sflag:$0x3] =	stream.indirect_vreg.gather [hbm4b:s8+s3], $0x80, v56, vm0, $0xb8;
	[tilespmem:$0x1E900] =	vst v63  }
0xe8: {  	v61 =	vperm.xlane v17, v13;
	v60 =	vadd.s32 v3, v59;
	s6 =	simm.s32 $0x1AD80  }
0xe9: {  	[tilespmem:s6], [sflag:$0x3] =	stream.indirect_vreg.gather [hbm4b:s8+s3], $0x80, v18, vm0, $0xb8;
	[tilespmem:$0x1E900] =	vst v63  }
0xea: {  	v62 =	vperm.xlane v17, v14;
	s7 =	simm.s32 $0x1AE00;
	v18 =	vadd.s32 v3, v61  }
0xeb: {  	[tilespmem:s7], [sflag:$0x3] =	stream.indirect_vreg.gather [hbm4b:s8+s3], $0x80, v19, vm0, $0xb8;
	[tilespmem:$0x1E900] =	vst v63  }
0xec: {  	v63 =	vperm.xlane v17, v15;
	s9 =	simm.s32 $0x1AE80;
	v19 =	vadd.s32 v3, v62  }
0xed: {  	[tilespmem:s9], [sflag:$0x3] =	stream.indirect_vreg.gather [hbm4b:s8+s3], $0x80, v60, vm0, $0xb8;
	[tilespmem:$0x1E900] =	vst v63  }
0xee: {  	v17 =	vperm.xlane v17, v16;
	v24 =	vadd.s32 v3, v63;
	s11 =	simm.s32 $0x1AF00  }
0xef: {  	[tilespmem:s11], [sflag:$0x3] =	stream.indirect_vreg.gather [hbm4b:s8+s3], $0x80, v18, vm0, $0xb8;
	[tilespmem:$0x1E900] =	vst v63  }
0xf0: {  	v17 =	vadd.s32 v3, v17;
	s12 =	simm.s32 $0x1AF80  }
0xf1: {  	[tilespmem:s12], [sflag:$0x3] =	stream.indirect_vreg.gather [hbm4b:s8+s3], $0x80, v19, vm0, $0xb8;
	[tilespmem:$0x1E900] =	vst v63  }
0xf2: {  	s13 =	simm.s32 $0x1B000  }
0xf3: {  	[tilespmem:s13], [sflag:$0x3] =	stream.indirect_vreg.gather [hbm4b:s8+s3], $0x80, v24, vm0, $0xb8;
	[tilespmem:$0x1E900] =	vst v63  }
0xf4: {  	s22 =	simm.s32 $0x1B080  }
0xf5: {  	[tilespmem:s22], [sflag:$0x3] =	stream.indirect_vreg.gather [hbm4b:s8+s3], $0x80, v17, vm0, $0xb8;
	[tilespmem:$0x1E900] =	vst v63  }
0xf6: {  	v17 =	vld [tilespmem:$0x13950];
	_ =	sdelay $0x4  }
0xf7: {  	v18 =	vshll.u32 v17, $0x1  }
0xf8: {  	v17 =	vand.u32 $0x7, v17;
	v18 =	vand.u32 $0xFFFFFFF0, v18  }
0xf9: {  	v17 =	vor.u32 v17, v18  }
0xfa: {  	v18 =	vperm.xlane v17, v2;
	_ =	sdelay $0x1  }
0xfb: {  	v19 =	vperm.xlane v17, v1;
	v18 =	vadd.s32 v3, v18;
	_ =	sdelay $0x1  }
0xfc: {  	v25 =	vperm.xlane v17, v4;
	v19 =	vadd.s32 v3, v19;
	_ =	sdelay $0x1  }
0xfd: {  	s23 =	simm.s32 $0x1B100;
	v26 =	vperm.xlane v17, v5;
	v20 =	vadd.s32 v3, v25  }
0xfe: {  	[tilespmem:s23], [sflag:$0x3] =	stream.indirect_vreg.gather [hbm4b:s8+s3], $0x80, v18, vm0, $0xb8;
	[tilespmem:$0x1E900] =	vst v63  }
0xff: {  	s6 =	simm.s32 $0x1B180;
	v27 =	vperm.xlane v17, v6;
	v18 =	vadd.s32 v3, v26  }
0x100: {  	[tilespmem:s6], [sflag:$0x3] =	stream.indirect_vreg.gather [hbm4b:s8+s3], $0x80, v19, vm0, $0xb8;
	[tilespmem:$0x1E900] =	vst v63  }
0x101: {  	s7 =	simm.s32 $0x1B200;
	v28 =	vperm.xlane v17, v7;
	v19 =	vadd.s32 v3, v27  }
0x102: {  	[tilespmem:s7], [sflag:$0x3] =	stream.indirect_vreg.gather [hbm4b:s8+s3], $0x80, v20, vm0, $0xb8;
	[tilespmem:$0x1E900] =	vst v63  }
0x103: {  	s9 =	simm.s32 $0x1B280;
	v30 =	vperm.xlane v17, v8;
	v29 =	vadd.s32 v3, v28  }
0x104: {  	[tilespmem:s9], [sflag:$0x3] =	stream.indirect_vreg.gather [hbm4b:s8+s3], $0x80, v18, vm0, $0xb8;
	[tilespmem:$0x1E900] =	vst v63  }
0x105: {  	s11 =	simm.s32 $0x1B300;
	v31 =	vperm.xlane v17, v0;
	v18 =	vadd.s32 v3, v30  }
0x106: {  	[tilespmem:s11], [sflag:$0x3] =	stream.indirect_vreg.gather [hbm4b:s8+s3], $0x80, v19, vm0, $0xb8;
	[tilespmem:$0x1E900] =	vst v63  }
0x107: {  	s12 =	simm.s32 $0x1B380;
	v32 =	vperm.xlane v17, v9;
	v19 =	vadd.s32 v3, v31  }
0x108: {  	[tilespmem:s12], [sflag:$0x3] =	stream.indirect_vreg.gather [hbm4b:s8+s3], $0x80, v29, vm0, $0xb8;
	[tilespmem:$0x1E900] =	vst v63  }
0x109: {  	s13 =	simm.s32 $0x1B400;
	v34 =	vperm.xlane v17, v10;
	v33 =	vadd.s32 v3, v32  }
0x10a: {  	[tilespmem:s13], [sflag:$0x3] =	stream.indirect_vreg.gather [hbm4b:s8+s3], $0x80, v18, vm0, $0xb8;
	[tilespmem:$0x1E900] =	vst v63  }
0x10b: {  	s22 =	simm.s32 $0x1B480;
	v35 =	vperm.xlane v17, v11;
	v18 =	vadd.s32 v3, v34  }
0x10c: {  	[tilespmem:s22], [sflag:$0x3] =	stream.indirect_vreg.gather [hbm4b:s8+s3], $0x80, v19, vm0, $0xb8;
	[tilespmem:$0x1E900] =	vst v63  }
0x10d: {  	v36 =	vperm.xlane v17, v12;
	s23 =	simm.s32 $0x1B500;
	v19 =	vadd.s32 v3, v35  }
0x10e: {  	[tilespmem:s23], [sflag:$0x3] =	stream.indirect_vreg.gather [hbm4b:s8+s3], $0x80, v33, vm0, $0xb8;
	[tilespmem:$0x1E900] =	vst v63  }
0x10f: {  	v38 =	vperm.xlane v17, v13;
	v37 =	vadd.s32 v3, v36;
	s6 =	simm.s32 $0x1B580  }
0x110: {  	[tilespmem:s6], [sflag:$0x3] =	stream.indirect_vreg.gather [hbm4b:s8+s3], $0x80, v18, vm0, $0xb8;
	[tilespmem:$0x1E900] =	vst v63  }
0x111: {  	v39 =	vperm.xlane v17, v14;
	s7 =	simm.s32 $0x1B600;
	v18 =	vadd.s32 v3, v38  }
0x112: {  	[tilespmem:s7], [sflag:$0x3] =	stream.indirect_vreg.gather [hbm4b:s8+s3], $0x80, v19, vm0, $0xb8;
	[tilespmem:$0x1E900] =	vst v63  }
0x113: {  	v40 =	vperm.xlane v17, v15;
	s9 =	simm.s32 $0x1B680;
	v19 =	vadd.s32 v3, v39  }
0x114: {  	[tilespmem:s9], [sflag:$0x3] =	stream.indirect_vreg.gather [hbm4b:s8+s3], $0x80, v37, vm0, $0xb8;
	[tilespmem:$0x1E900] =	vst v63  }
0x115: {  	v17 =	vperm.xlane v17, v16;
	v41 =	vadd.s32 v3, v40;
	s11 =	simm.s32 $0x1B700  }
0x116: {  	[tilespmem:s11], [sflag:$0x3] =	stream.indirect_vreg.gather [hbm4b:s8+s3], $0x80, v18, vm0, $0xb8;
	[tilespmem:$0x1E900] =	vst v63  }
0x117: {  	v17 =	vadd.s32 v3, v17;
	s12 =	simm.s32 $0x1B780  }
0x118: {  	[tilespmem:s12], [sflag:$0x3] =	stream.indirect_vreg.gather [hbm4b:s8+s3], $0x80, v19, vm0, $0xb8;
	[tilespmem:$0x1E900] =	vst v63  }
0x119: {  	s13 =	simm.s32 $0x1B800  }
0x11a: {  	[tilespmem:s13], [sflag:$0x3] =	stream.indirect_vreg.gather [hbm4b:s8+s3], $0x80, v41, vm0, $0xb8;
	[tilespmem:$0x1E900] =	vst v63  }
0x11b: {  	s22 =	simm.s32 $0x1B880  }
0x11c: {  	[tilespmem:s22], [sflag:$0x3] =	stream.indirect_vreg.gather [hbm4b:s8+s3], $0x80, v17, vm0, $0xb8;
	[tilespmem:$0x1E900] =	vst v63  }
0x11d: {  	v17 =	vld [tilespmem:$0x13960];
	_ =	sdelay $0x4  }
0x11e: {  	v18 =	vshll.u32 v17, $0x1  }
0x11f: {  	v17 =	vand.u32 $0x7, v17;
	v18 =	vand.u32 $0xFFFFFFF0, v18  }
0x120: {  	v17 =	vor.u32 v17, v18  }
0x121: {  	v18 =	vperm.xlane v17, v2;
	_ =	sdelay $0x1  }
0x122: {  	v19 =	vperm.xlane v17, v1;
	v18 =	vadd.s32 v3, v18;
	_ =	sdelay $0x1  }
0x123: {  	v42 =	vperm.xlane v17, v4;
	v19 =	vadd.s32 v3, v19;
	_ =	sdelay $0x1  }
0x124: {  	v43 =	vperm.xlane v17, v5;
	v20 =	vadd.s32 v3, v42  }
0x125: {  	[tilespmem:s14], [sflag:$0x4] =	stream.indirect_vreg.gather [hbm4b:s8+s3], $0x80, v18, vm0, $0xb8;
	[tilespmem:$0x1E900] =	vst v63  }
0x126: {  	s23 =	simm.s32 $0x1B980;
	v44 =	vperm.xlane v17, v6;
	v18 =	vadd.s32 v3, v43  }
0x127: {  	[tilespmem:s23], [sflag:$0x4] =	stream.indirect_vreg.gather [hbm4b:s8+s3], $0x80, v19, vm0, $0xb8;
	[tilespmem:$0x1E900] =	vst v63  }
0x128: {  	s6 =	simm.s32 $0x1BA00;
	v45 =	vperm.xlane v17, v7;
	v19 =	vadd.s32 v3, v44  }
0x129: {  	[tilespmem:s6], [sflag:$0x4] =	stream.indirect_vreg.gather [hbm4b:s8+s3], $0x80, v20, vm0, $0xb8;
	[tilespmem:$0x1E900] =	vst v63  }
0x12a: {  	s7 =	simm.s32 $0x1BA80;
	v47 =	vperm.xlane v17, v8;
	v46 =	vadd.s32 v3, v45  }
0x12b: {  	[tilespmem:s7], [sflag:$0x4] =	stream.indirect_vreg.gather [hbm4b:s8+s3], $0x80, v18, vm0, $0xb8;
	[tilespmem:$0x1E900] =	vst v63  }
0x12c: {  	s9 =	simm.s32 $0x1BB00;
	v48 =	vperm.xlane v17, v0;
	v18 =	vadd.s32 v3, v47  }
0x12d: {  	[tilespmem:s9], [sflag:$0x4] =	stream.indirect_vreg.gather [hbm4b:s8+s3], $0x80, v19, vm0, $0xb8;
	[tilespmem:$0x1E900] =	vst v63  }
0x12e: {  	s11 =	simm.s32 $0x1BB80;
	v49 =	vperm.xlane v17, v9;
	v19 =	vadd.s32 v3, v48  }
0x12f: {  	[tilespmem:s11], [sflag:$0x4] =	stream.indirect_vreg.gather [hbm4b:s8+s3], $0x80, v46, vm0, $0xb8;
	[tilespmem:$0x1E900] =	vst v63  }
0x130: {  	s12 =	simm.s32 $0x1BC00;
	v51 =	vperm.xlane v17, v10;
	v50 =	vadd.s32 v3, v49  }
0x131: {  	[tilespmem:s12], [sflag:$0x4] =	stream.indirect_vreg.gather [hbm4b:s8+s3], $0x80, v18, vm0, $0xb8;
	[tilespmem:$0x1E900] =	vst v63  }
0x132: {  	s13 =	simm.s32 $0x1BC80;
	v52 =	vperm.xlane v17, v11;
	v18 =	vadd.s32 v3, v51  }
0x133: {  	[tilespmem:s13], [sflag:$0x4] =	stream.indirect_vreg.gather [hbm4b:s8+s3], $0x80, v19, vm0, $0xb8;
	[tilespmem:$0x1E900] =	vst v63  }
0x134: {  	v53 =	vperm.xlane v17, v12;
	s14 =	simm.s32 $0x1BD00;
	v19 =	vadd.s32 v3, v52  }
0x135: {  	[tilespmem:s14], [sflag:$0x4] =	stream.indirect_vreg.gather [hbm4b:s8+s3], $0x80, v50, vm0, $0xb8;
	[tilespmem:$0x1E900] =	vst v63  }
0x136: {  	s22 =	simm.s32 $0x1BD80;
	v55 =	vperm.xlane v17, v13;
	v54 =	vadd.s32 v3, v53  }
0x137: {  	[tilespmem:s22], [sflag:$0x4] =	stream.indirect_vreg.gather [hbm4b:s8+s3], $0x80, v18, vm0, $0xb8;
	[tilespmem:$0x1E900] =	vst v63  }
0x138: {  	v56 =	vperm.xlane v17, v14;
	s23 =	simm.s32 $0x1BE00;
	v18 =	vadd.s32 v3, v55  }
0x139: {  	[tilespmem:s23], [sflag:$0x4] =	stream.indirect_vreg.gather [hbm4b:s8+s3], $0x80, v19, vm0, $0xb8;
	[tilespmem:$0x1E900] =	vst v63  }
0x13a: {  	v57 =	vperm.xlane v17, v15;
	s6 =	simm.s32 $0x1BE80;
	v19 =	vadd.s32 v3, v56  }
0x13b: {  	[tilespmem:s6], [sflag:$0x4] =	stream.indirect_vreg.gather [hbm4b:s8+s3], $0x80, v54, vm0, $0xb8;
	[tilespmem:$0x1E900] =	vst v63  }
0x13c: {  	v17 =	vperm.xlane v17, v16;
	v58 =	vadd.s32 v3, v57;
	s7 =	simm.s32 $0x1BF00  }
0x13d: {  	[tilespmem:s7], [sflag:$0x4] =	stream.indirect_vreg.gather [hbm4b:s8+s3], $0x80, v18, vm0, $0xb8;
	[tilespmem:$0x1E900] =	vst v63  }
0x13e: {  	v17 =	vadd.s32 v3, v17;
	s9 =	simm.s32 $0x1BF80  }
0x13f: {  	[tilespmem:s9], [sflag:$0x4] =	stream.indirect_vreg.gather [hbm4b:s8+s3], $0x80, v19, vm0, $0xb8;
	[tilespmem:$0x1E900] =	vst v63  }
0x140: {  	s11 =	simm.s32 $0x1C000  }
0x141: {  	[tilespmem:s11], [sflag:$0x4] =	stream.indirect_vreg.gather [hbm4b:s8+s3], $0x80, v58, vm0, $0xb8;
	[tilespmem:$0x1E900] =	vst v63  }
0x142: {  	s12 =	simm.s32 $0x1C080  }
0x143: {  	[tilespmem:s12], [sflag:$0x4] =	stream.indirect_vreg.gather [hbm4b:s8+s3], $0x80, v17, vm0, $0xb8;
	[tilespmem:$0x1E900] =	vst v63  }
0x144: {  	v17 =	vld [tilespmem:$0x13970];
	_ =	sdelay $0x4  }
0x145: {  	v18 =	vshll.u32 v17, $0x1  }
0x146: {  	v17 =	vand.u32 $0x7, v17;
	v18 =	vand.u32 $0xFFFFFFF0, v18  }
0x147: {  	v17 =	vor.u32 v17, v18  }
0x148: {  	v18 =	vperm.xlane v17, v2;
	_ =	sdelay $0x1  }
0x149: {  	v19 =	vperm.xlane v17, v1;
	v18 =	vadd.s32 v3, v18;
	_ =	sdelay $0x1  }
0x14a: {  	v59 =	vperm.xlane v17, v4;
	v19 =	vadd.s32 v3, v19;
	_ =	sdelay $0x1  }
0x14b: {  	s13 =	simm.s32 $0x1C100;
	v60 =	vperm.xlane v17, v5;
	v20 =	vadd.s32 v3, v59  }
0x14c: {  	[tilespmem:s13], [sflag:$0x4] =	stream.indirect_vreg.gather [hbm4b:s8+s3], $0x80, v18, vm0, $0xb8;
	[tilespmem:$0x1E900] =	vst v63  }
0x14d: {  	s14 =	simm.s32 $0x1C180;
	v61 =	vperm.xlane v17, v6;
	v18 =	vadd.s32 v3, v60  }
0x14e: {  	[tilespmem:s14], [sflag:$0x4] =	stream.indirect_vreg.gather [hbm4b:s8+s3], $0x80, v19, vm0, $0xb8;
	[tilespmem:$0x1E900] =	vst v63  }
0x14f: {  	s22 =	simm.s32 $0x1C200;
	v62 =	vperm.xlane v17, v7;
	v19 =	vadd.s32 v3, v61  }
0x150: {  	[tilespmem:s22], [sflag:$0x4] =	stream.indirect_vreg.gather [hbm4b:s8+s3], $0x80, v20, vm0, $0xb8;
	[tilespmem:$0x1E900] =	vst v63  }
0x151: {  	s23 =	simm.s32 $0x1C280;
	v24 =	vperm.xlane v17, v8;
	v63 =	vadd.s32 v3, v62  }
0x152: {  	[tilespmem:s23], [sflag:$0x4] =	stream.indirect_vreg.gather [hbm4b:s8+s3], $0x80, v18, vm0, $0xb8;
	[tilespmem:$0x1E900] =	vst v63  }
0x153: {  	s6 =	simm.s32 $0x1C300;
	v25 =	vperm.xlane v17, v0;
	v18 =	vadd.s32 v3, v24  }
0x154: {  	[tilespmem:s6], [sflag:$0x4] =	stream.indirect_vreg.gather [hbm4b:s8+s3], $0x80, v19, vm0, $0xb8;
	[tilespmem:$0x1E900] =	vst v63  }
0x155: {  	s7 =	simm.s32 $0x1C380;
	v26 =	vperm.xlane v17, v9;
	v19 =	vadd.s32 v3, v25  }
0x156: {  	[tilespmem:s7], [sflag:$0x4] =	stream.indirect_vreg.gather [hbm4b:s8+s3], $0x80, v63, vm0, $0xb8;
	[tilespmem:$0x1E900] =	vst v63  }
0x157: {  	s9 =	simm.s32 $0x1C400;
	v28 =	vperm.xlane v17, v10;
	v27 =	vadd.s32 v3, v26  }
0x158: {  	[tilespmem:s9], [sflag:$0x4] =	stream.indirect_vreg.gather [hbm4b:s8+s3], $0x80, v18, vm0, $0xb8;
	[tilespmem:$0x1E900] =	vst v63  }
0x159: {  	s11 =	simm.s32 $0x1C480;
	v29 =	vperm.xlane v17, v11;
	v18 =	vadd.s32 v3, v28  }
0x15a: {  	[tilespmem:s11], [sflag:$0x4] =	stream.indirect_vreg.gather [hbm4b:s8+s3], $0x80, v19, vm0, $0xb8;
	[tilespmem:$0x1E900] =	vst v63  }
0x15b: {  	s12 =	simm.s32 $0x1C500;
	v30 =	vperm.xlane v17, v12;
	v19 =	vadd.s32 v3, v29  }
0x15c: {  	[tilespmem:s12], [sflag:$0x4] =	stream.indirect_vreg.gather [hbm4b:s8+s3], $0x80, v27, vm0, $0xb8;
	[tilespmem:$0x1E900] =	vst v63  }
0x15d: {  	v32 =	vperm.xlane v17, v13;
	v31 =	vadd.s32 v3, v30;
	s13 =	simm.s32 $0x1C580  }
0x15e: {  	[tilespmem:s13], [sflag:$0x4] =	stream.indirect_vreg.gather [hbm4b:s8+s3], $0x80, v18, vm0, $0xb8;
	[tilespmem:$0x1E900] =	vst v63  }
0x15f: {  	v33 =	vperm.xlane v17, v14;
	s14 =	simm.s32 $0x1C600;
	v18 =	vadd.s32 v3, v32  }
0x160: {  	[tilespmem:s14], [sflag:$0x4] =	stream.indirect_vreg.gather [hbm4b:s8+s3], $0x80, v19, vm0, $0xb8;
	[tilespmem:$0x1E900] =	vst v63  }
0x161: {  	v34 =	vperm.xlane v17, v15;
	s22 =	simm.s32 $0x1C680;
	v19 =	vadd.s32 v3, v33  }
0x162: {  	[tilespmem:s22], [sflag:$0x4] =	stream.indirect_vreg.gather [hbm4b:s8+s3], $0x80, v31, vm0, $0xb8;
	[tilespmem:$0x1E900] =	vst v63  }
0x163: {  	v17 =	vperm.xlane v17, v16;
	v35 =	vadd.s32 v3, v34;
	s23 =	simm.s32 $0x1C700  }
0x164: {  	[tilespmem:s23], [sflag:$0x4] =	stream.indirect_vreg.gather [hbm4b:s8+s3], $0x80, v18, vm0, $0xb8;
	[tilespmem:$0x1E900] =	vst v63  }
0x165: {  	v17 =	vadd.s32 v3, v17;
	s6 =	simm.s32 $0x1C780  }
0x166: {  	[tilespmem:s6], [sflag:$0x4] =	stream.indirect_vreg.gather [hbm4b:s8+s3], $0x80, v19, vm0, $0xb8;
	[tilespmem:$0x1E900] =	vst v63  }
0x167: {  	s7 =	simm.s32 $0x1C800  }
0x168: {  	[tilespmem:s7], [sflag:$0x4] =	stream.indirect_vreg.gather [hbm4b:s8+s3], $0x80, v35, vm0, $0xb8;
	[tilespmem:$0x1E900] =	vst v63  }
0x169: {  	s9 =	simm.s32 $0x1C880  }
0x16a: {  	[tilespmem:s9], [sflag:$0x4] =	stream.indirect_vreg.gather [hbm4b:s8+s3], $0x80, v17, vm0, $0xb8;
	[tilespmem:$0x1E900] =	vst v63  }
0x16b: {  	v17 =	vld [tilespmem:$0x13980];
	_ =	sdelay $0x4  }
0x16c: {  	v18 =	vshll.u32 v17, $0x1  }
0x16d: {  	v17 =	vand.u32 $0x7, v17;
	v18 =	vand.u32 $0xFFFFFFF0, v18  }
0x16e: {  	v17 =	vor.u32 v17, v18  }
0x16f: {  	v18 =	vperm.xlane v17, v2;
	_ =	sdelay $0x1  }
0x170: {  	v19 =	vperm.xlane v17, v1;
	v18 =	vadd.s32 v3, v18;
	_ =	sdelay $0x1  }
0x171: {  	v36 =	vperm.xlane v17, v4;
	v19 =	vadd.s32 v3, v19;
	_ =	sdelay $0x1  }
0x172: {  	s11 =	simm.s32 $0x1C900;
	v37 =	vperm.xlane v17, v5;
	v20 =	vadd.s32 v3, v36  }
0x173: {  	[tilespmem:s11], [sflag:$0x4] =	stream.indirect_vreg.gather [hbm4b:s8+s3], $0x80, v18, vm0, $0xb8;
	[tilespmem:$0x1E900] =	vst v63  }
0x174: {  	s12 =	simm.s32 $0x1C980;
	v38 =	vperm.xlane v17, v6;
	v18 =	vadd.s32 v3, v37  }
0x175: {  	[tilespmem:s12], [sflag:$0x4] =	stream.indirect_vreg.gather [hbm4b:s8+s3], $0x80, v19, vm0, $0xb8;
	[tilespmem:$0x1E900] =	vst v63  }
0x176: {  	s13 =	simm.s32 $0x1CA00;
	v39 =	vperm.xlane v17, v7;
	v19 =	vadd.s32 v3, v38  }
0x177: {  	[tilespmem:s13], [sflag:$0x4] =	stream.indirect_vreg.gather [hbm4b:s8+s3], $0x80, v20, vm0, $0xb8;
	[tilespmem:$0x1E900] =	vst v63  }
0x178: {  	s14 =	simm.s32 $0x1CA80;
	v41 =	vperm.xlane v17, v8;
	v40 =	vadd.s32 v3, v39  }
0x179: {  	[tilespmem:s14], [sflag:$0x4] =	stream.indirect_vreg.gather [hbm4b:s8+s3], $0x80, v18, vm0, $0xb8;
	[tilespmem:$0x1E900] =	vst v63  }
0x17a: {  	s22 =	simm.s32 $0x1CB00;
	v42 =	vperm.xlane v17, v0;
	v18 =	vadd.s32 v3, v41  }
0x17b: {  	[tilespmem:s22], [sflag:$0x4] =	stream.indirect_vreg.gather [hbm4b:s8+s3], $0x80, v19, vm0, $0xb8;
	[tilespmem:$0x1E900] =	vst v63  }
0x17c: {  	s23 =	simm.s32 $0x1CB80;
	v43 =	vperm.xlane v17, v9;
	v19 =	vadd.s32 v3, v42  }
0x17d: {  	[tilespmem:s23], [sflag:$0x4] =	stream.indirect_vreg.gather [hbm4b:s8+s3], $0x80, v40, vm0, $0xb8;
	[tilespmem:$0x1E900] =	vst v63  }
0x17e: {  	s6 =	simm.s32 $0x1CC00;
	v45 =	vperm.xlane v17, v10;
	v44 =	vadd.s32 v3, v43  }
0x17f: {  	[tilespmem:s6], [sflag:$0x4] =	stream.indirect_vreg.gather [hbm4b:s8+s3], $0x80, v18, vm0, $0xb8;
	[tilespmem:$0x1E900] =	vst v63  }
0x180: {  	s7 =	simm.s32 $0x1CC80;
	v46 =	vperm.xlane v17, v11;
	v18 =	vadd.s32 v3, v45  }
0x181: {  	[tilespmem:s7], [sflag:$0x4] =	stream.indirect_vreg.gather [hbm4b:s8+s3], $0x80, v19, vm0, $0xb8;
	[tilespmem:$0x1E900] =	vst v63  }
0x182: {  	s9 =	simm.s32 $0x1CD00;
	v47 =	vperm.xlane v17, v12;
	v19 =	vadd.s32 v3, v46  }
0x183: {  	[tilespmem:s9], [sflag:$0x4] =	stream.indirect_vreg.gather [hbm4b:s8+s3], $0x80, v44, vm0, $0xb8;
	[tilespmem:$0x1E900] =	vst v63  }
0x184: {  	v49 =	vperm.xlane v17, v13;
	v48 =	vadd.s32 v3, v47;
	s11 =	simm.s32 $0x1CD80  }
0x185: {  	[tilespmem:s11], [sflag:$0x4] =	stream.indirect_vreg.gather [hbm4b:s8+s3], $0x80, v18, vm0, $0xb8;
	[tilespmem:$0x1E900] =	vst v63  }
0x186: {  	v50 =	vperm.xlane v17, v14;
	s12 =	simm.s32 $0x1CE00;
	v18 =	vadd.s32 v3, v49  }
0x187: {  	[tilespmem:s12], [sflag:$0x4] =	stream.indirect_vreg.gather [hbm4b:s8+s3], $0x80, v19, vm0, $0xb8;
	[tilespmem:$0x1E900] =	vst v63  }
0x188: {  	v51 =	vperm.xlane v17, v15;
	s13 =	simm.s32 $0x1CE80;
	v19 =	vadd.s32 v3, v50  }
0x189: {  	[tilespmem:s13], [sflag:$0x4] =	stream.indirect_vreg.gather [hbm4b:s8+s3], $0x80, v48, vm0, $0xb8;
	[tilespmem:$0x1E900] =	vst v63  }
0x18a: {  	v17 =	vperm.xlane v17, v16;
	v52 =	vadd.s32 v3, v51;
	s14 =	simm.s32 $0x1CF00  }
0x18b: {  	[tilespmem:s14], [sflag:$0x4] =	stream.indirect_vreg.gather [hbm4b:s8+s3], $0x80, v18, vm0, $0xb8;
	[tilespmem:$0x1E900] =	vst v63  }
0x18c: {  	v17 =	vadd.s32 v3, v17;
	s22 =	simm.s32 $0x1CF80  }
0x18d: {  	[tilespmem:s22], [sflag:$0x4] =	stream.indirect_vreg.gather [hbm4b:s8+s3], $0x80, v19, vm0, $0xb8;
	[tilespmem:$0x1E900] =	vst v63  }
0x18e: {  	s23 =	simm.s32 $0x1D000  }
0x18f: {  	[tilespmem:s23], [sflag:$0x4] =	stream.indirect_vreg.gather [hbm4b:s8+s3], $0x80, v52, vm0, $0xb8;
	[tilespmem:$0x1E900] =	vst v63  }
0x190: {  	s6 =	simm.s32 $0x1D080  }
0x191: {  	[tilespmem:s6], [sflag:$0x4] =	stream.indirect_vreg.gather [hbm4b:s8+s3], $0x80, v17, vm0, $0xb8;
	[tilespmem:$0x1E900] =	vst v63  }
0x192: {  	v17 =	vld [tilespmem:$0x13990];
	_ =	sdelay $0x4  }
0x193: {  	v18 =	vshll.u32 v17, $0x1  }
0x194: {  	v17 =	vand.u32 $0x7, v17;
	v18 =	vand.u32 $0xFFFFFFF0, v18  }
0x195: {  	v17 =	vor.u32 v17, v18  }
0x196: {  	v18 =	vperm.xlane v17, v2;
	_ =	sdelay $0x1  }
0x197: {  	v19 =	vperm.xlane v17, v1;
	v18 =	vadd.s32 v3, v18;
	_ =	sdelay $0x1  }
0x198: {  	v53 =	vperm.xlane v17, v4;
	v19 =	vadd.s32 v3, v19;
	_ =	sdelay $0x1  }
0x199: {  	s7 =	simm.s32 $0x1D100;
	v54 =	vperm.xlane v17, v5;
	v20 =	vadd.s32 v3, v53  }
0x19a: {  	[tilespmem:s7], [sflag:$0x4] =	stream.indirect_vreg.gather [hbm4b:s8+s3], $0x80, v18, vm0, $0xb8;
	[tilespmem:$0x1E900] =	vst v63  }
0x19b: {  	s9 =	simm.s32 $0x1D180;
	v55 =	vperm.xlane v17, v6;
	v18 =	vadd.s32 v3, v54  }
0x19c: {  	[tilespmem:s9], [sflag:$0x4] =	stream.indirect_vreg.gather [hbm4b:s8+s3], $0x80, v19, vm0, $0xb8;
	[tilespmem:$0x1E900] =	vst v63  }
0x19d: {  	s11 =	simm.s32 $0x1D200;
	v56 =	vperm.xlane v17, v7;
	v19 =	vadd.s32 v3, v55  }
0x19e: {  	[tilespmem:s11], [sflag:$0x4] =	stream.indirect_vreg.gather [hbm4b:s8+s3], $0x80, v20, vm0, $0xb8;
	[tilespmem:$0x1E900] =	vst v63  }
0x19f: {  	s12 =	simm.s32 $0x1D280;
	v58 =	vperm.xlane v17, v8;
	v57 =	vadd.s32 v3, v56  }
0x1a0: {  	[tilespmem:s12], [sflag:$0x4] =	stream.indirect_vreg.gather [hbm4b:s8+s3], $0x80, v18, vm0, $0xb8;
	[tilespmem:$0x1E900] =	vst v63  }
0x1a1: {  	s13 =	simm.s32 $0x1D300;
	v59 =	vperm.xlane v17, v0;
	v18 =	vadd.s32 v3, v58  }
0x1a2: {  	[tilespmem:s13], [sflag:$0x4] =	stream.indirect_vreg.gather [hbm4b:s8+s3], $0x80, v19, vm0, $0xb8;
	[tilespmem:$0x1E900] =	vst v63  }
0x1a3: {  	s14 =	simm.s32 $0x1D380;
	v60 =	vperm.xlane v17, v9;
	v19 =	vadd.s32 v3, v59  }
0x1a4: {  	[tilespmem:s14], [sflag:$0x4] =	stream.indirect_vreg.gather [hbm4b:s8+s3], $0x80, v57, vm0, $0xb8;
	[tilespmem:$0x1E900] =	vst v63  }
0x1a5: {  	s22 =	simm.s32 $0x1D400;
	v62 =	vperm.xlane v17, v10;
	v61 =	vadd.s32 v3, v60  }
0x1a6: {  	[tilespmem:s22], [sflag:$0x4] =	stream.indirect_vreg.gather [hbm4b:s8+s3], $0x80, v18, vm0, $0xb8;
	[tilespmem:$0x1E900] =	vst v63  }
0x1a7: {  	s23 =	simm.s32 $0x1D480;
	v63 =	vperm.xlane v17, v11;
	v18 =	vadd.s32 v3, v62  }
0x1a8: {  	[tilespmem:s23], [sflag:$0x4] =	stream.indirect_vreg.gather [hbm4b:s8+s3], $0x80, v19, vm0, $0xb8;
	[tilespmem:$0x1E900] =	vst v63  }
0x1a9: {  	s6 =	simm.s32 $0x1D500;
	v24 =	vperm.xlane v17, v12;
	v19 =	vadd.s32 v3, v63  }
0x1aa: {  	[tilespmem:s6], [sflag:$0x4] =	stream.indirect_vreg.gather [hbm4b:s8+s3], $0x80, v61, vm0, $0xb8;
	[tilespmem:$0x1E900] =	vst v63  }
0x1ab: {  	v26 =	vperm.xlane v17, v13;
	v25 =	vadd.s32 v3, v24;
	s7 =	simm.s32 $0x1D580  }
0x1ac: {  	[tilespmem:s7], [sflag:$0x4] =	stream.indirect_vreg.gather [hbm4b:s8+s3], $0x80, v18, vm0, $0xb8;
	[tilespmem:$0x1E900] =	vst v63  }
0x1ad: {  	v27 =	vperm.xlane v17, v14;
	s9 =	simm.s32 $0x1D600;
	v18 =	vadd.s32 v3, v26  }
0x1ae: {  	[tilespmem:s9], [sflag:$0x4] =	stream.indirect_vreg.gather [hbm4b:s8+s3], $0x80, v19, vm0, $0xb8;
	[tilespmem:$0x1E900] =	vst v63  }
0x1af: {  	v28 =	vperm.xlane v17, v15;
	s11 =	simm.s32 $0x1D680;
	v19 =	vadd.s32 v3, v27  }
0x1b0: {  	[tilespmem:s11], [sflag:$0x4] =	stream.indirect_vreg.gather [hbm4b:s8+s3], $0x80, v25, vm0, $0xb8;
	[tilespmem:$0x1E900] =	vst v63  }
0x1b1: {  	v17 =	vperm.xlane v17, v16;
	v29 =	vadd.s32 v3, v28;
	s12 =	simm.s32 $0x1D700  }
0x1b2: {  	[tilespmem:s12], [sflag:$0x4] =	stream.indirect_vreg.gather [hbm4b:s8+s3], $0x80, v18, vm0, $0xb8;
	[tilespmem:$0x1E900] =	vst v63  }
0x1b3: {  	v17 =	vadd.s32 v3, v17;
	s13 =	simm.s32 $0x1D780  }
0x1b4: {  	[tilespmem:s13], [sflag:$0x4] =	stream.indirect_vreg.gather [hbm4b:s8+s3], $0x80, v19, vm0, $0xb8;
	[tilespmem:$0x1E900] =	vst v63  }
0x1b5: {  	s14 =	simm.s32 $0x1D800  }
0x1b6: {  	[tilespmem:s14], [sflag:$0x4] =	stream.indirect_vreg.gather [hbm4b:s8+s3], $0x80, v29, vm0, $0xb8;
	[tilespmem:$0x1E900] =	vst v63  }
0x1b7: {  	s22 =	simm.s32 $0x1D880  }
0x1b8: {  	[tilespmem:s22], [sflag:$0x4] =	stream.indirect_vreg.gather [hbm4b:s8+s3], $0x80, v17, vm0, $0xb8;
	[tilespmem:$0x1E900] =	vst v63  }
0x1b9: {  	v17 =	vld [tilespmem:$0x139A0];
	_ =	sdelay $0x4  }
0x1ba: {  	v18 =	vshll.u32 v17, $0x1  }
0x1bb: {  	v17 =	vand.u32 $0x7, v17;
	v18 =	vand.u32 $0xFFFFFFF0, v18  }
0x1bc: {  	v17 =	vor.u32 v17, v18  }
0x1bd: {  	v18 =	vperm.xlane v17, v2;
	_ =	sdelay $0x1  }
0x1be: {  	v19 =	vperm.xlane v17, v1;
	v18 =	vadd.s32 v3, v18;
	_ =	sdelay $0x1  }
0x1bf: {  	v30 =	vperm.xlane v17, v4;
	v19 =	vadd.s32 v3, v19;
	_ =	sdelay $0x1  }
0x1c0: {  	s23 =	simm.s32 $0x1D900;
	v31 =	vperm.xlane v17, v5;
	v20 =	vadd.s32 v3, v30  }
0x1c1: {  	[tilespmem:s23], [sflag:$0x4] =	stream.indirect_vreg.gather [hbm4b:s8+s3], $0x80, v18, vm0, $0xb8;
	[tilespmem:$0x1E900] =	vst v63  }
0x1c2: {  	s6 =	simm.s32 $0x1D980;
	v32 =	vperm.xlane v17, v6;
	v18 =	vadd.s32 v3, v31  }
0x1c3: {  	[tilespmem:s6], [sflag:$0x4] =	stream.indirect_vreg.gather [hbm4b:s8+s3], $0x80, v19, vm0, $0xb8;
	[tilespmem:$0x1E900] =	vst v63  }
0x1c4: {  	s7 =	simm.s32 $0x1DA00;
	v33 =	vperm.xlane v17, v7;
	v19 =	vadd.s32 v3, v32  }
0x1c5: {  	[tilespmem:s7], [sflag:$0x4] =	stream.indirect_vreg.gather [hbm4b:s8+s3], $0x80, v20, vm0, $0xb8;
	[tilespmem:$0x1E900] =	vst v63  }
0x1c6: {  	s9 =	simm.s32 $0x1DA80;
	v35 =	vperm.xlane v17, v8;
	v34 =	vadd.s32 v3, v33  }
0x1c7: {  	[tilespmem:s9], [sflag:$0x4] =	stream.indirect_vreg.gather [hbm4b:s8+s3], $0x80, v18, vm0, $0xb8;
	[tilespmem:$0x1E900] =	vst v63  }
0x1c8: {  	v36 =	vperm.xlane v17, v0;
	v18 =	vadd.s32 v3, v35  }
0x1c9: {  	[tilespmem:s28], [sflag:$0x4] =	stream.indirect_vreg.gather [hbm4b:s8+s3], $0x80, v19, vm0, $0xb8;
	[tilespmem:$0x1E900] =	vst v63  }
0x1ca: {  	v37 =	vperm.xlane v17, v9;
	v19 =	vadd.s32 v3, v36  }
0x1cb: {  	[tilespmem:s29], [sflag:$0x4] =	stream.indirect_vreg.gather [hbm4b:s8+s3], $0x80, v34, vm0, $0xb8;
	[tilespmem:$0x1E900] =	vst v63  }
0x1cc: {  	v39 =	vperm.xlane v17, v10;
	v38 =	vadd.s32 v3, v37  }
0x1cd: {  	[tilespmem:s30], [sflag:$0x4] =	stream.indirect_vreg.gather [hbm4b:s8+s3], $0x80, v18, vm0, $0xb8;
	[tilespmem:$0x1E900] =	vst v63  }
0x1ce: {  	v40 =	vperm.xlane v17, v11;
	v18 =	vadd.s32 v3, v39  }
0x1cf: {  	[tilespmem:s1], [sflag:$0x4] =	stream.indirect_vreg.gather [hbm4b:s8+s3], $0x80, v19, vm0, $0xb8;
	[tilespmem:$0x1E900] =	vst v63  }
0x1d0: {  	v41 =	vperm.xlane v17, v12;
	v19 =	vadd.s32 v3, v40  }
0x1d1: {  	[tilespmem:s0], [sflag:$0x4] =	stream.indirect_vreg.gather [hbm4b:s8+s3], $0x80, v38, vm0, $0xb8;
	[tilespmem:$0x1E900] =	vst v63  }
0x1d2: {  	v43 =	vperm.xlane v17, v13;
	v42 =	vadd.s32 v3, v41  }
0x1d3: {  	[tilespmem:s16], [sflag:$0x4] =	stream.indirect_vreg.gather [hbm4b:s8+s3], $0x80, v18, vm0, $0xb8;
	[tilespmem:$0x1E900] =	vst v63  }
0x1d4: {  	v44 =	vperm.xlane v17, v14;
	v18 =	vadd.s32 v3, v43  }
0x1d5: {  	[tilespmem:s24], [sflag:$0x4] =	stream.indirect_vreg.gather [hbm4b:s8+s3], $0x80, v19, vm0, $0xb8;
	[tilespmem:$0x1E900] =	vst v63  }
0x1d6: {  	v45 =	vperm.xlane v17, v15;
	v19 =	vadd.s32 v3, v44  }
0x1d7: {  	[tilespmem:s15], [sflag:$0x4] =	stream.indirect_vreg.gather [hbm4b:s8+s3], $0x80, v42, vm0, $0xb8;
	[tilespmem:$0x1E900] =	vst v63  }
0x1d8: {  	v17 =	vperm.xlane v17, v16;
	v46 =	vadd.s32 v3, v45  }
0x1d9: {  	[tilespmem:s17], [sflag:$0x4] =	stream.indirect_vreg.gather [hbm4b:s8+s3], $0x80, v18, vm0, $0xb8;
	[tilespmem:$0x1E900] =	vst v63  }
0x1da: {  	v17 =	vadd.s32 v3, v17  }
0x1db: {  	[tilespmem:s19], [sflag:$0x4] =	stream.indirect_vreg.gather [hbm4b:s8+s3], $0x80, v19, vm0, $0xb8;
	[tilespmem:$0x1E900] =	vst v63  }
0x1dc: {  	s11 =	simm.s32 $0x1E000  }
0x1dd: {  	[tilespmem:s11], [sflag:$0x4] =	stream.indirect_vreg.gather [hbm4b:s8+s3], $0x80, v46, vm0, $0xb8;
	[tilespmem:$0x1E900] =	vst v63  }
0x1de: {  	s12 =	simm.s32 $0x1E080  }
0x1df: {  	[tilespmem:s12], [sflag:$0x4] =	stream.indirect_vreg.gather [hbm4b:s8+s3], $0x80, v17, vm0, $0xb8;
	[tilespmem:$0x1E900] =	vst v63  }
0x1e0: {  	v17 =	vld [tilespmem:$0x139B0];
	_ =	sdelay $0x4  }
0x1e1: {  	v18 =	vshll.u32 v17, $0x1  }
0x1e2: {  	v17 =	vand.u32 $0x7, v17;
	v18 =	vand.u32 $0xFFFFFFF0, v18  }
0x1e3: {  	v17 =	vor.u32 v17, v18  }
0x1e4: {  	v18 =	vperm.xlane v17, v2;
	_ =	sdelay $0x1  }
0x1e5: {  	v19 =	vperm.xlane v17, v1;
	v18 =	vadd.s32 v3, v18;
	_ =	sdelay $0x1  }
0x1e6: {  	v47 =	vperm.xlane v17, v4;
	v19 =	vadd.s32 v3, v19;
	_ =	sdelay $0x1  }
0x1e7: {  	s13 =	simm.s32 $0x1E100;
	v48 =	vperm.xlane v17, v5;
	v20 =	vadd.s32 v3, v47  }
0x1e8: {  	[tilespmem:s13], [sflag:$0x4] =	stream.indirect_vreg.gather [hbm4b:s8+s3], $0x80, v18, vm0, $0xb8;
	[tilespmem:$0x1E900] =	vst v63  }
0x1e9: {  	s14 =	simm.s32 $0x1E180;
	v49 =	vperm.xlane v17, v6;
	v18 =	vadd.s32 v3, v48  }
0x1ea: {  	[tilespmem:s14], [sflag:$0x4] =	stream.indirect_vreg.gather [hbm4b:s8+s3], $0x80, v19, vm0, $0xb8;
	[tilespmem:$0x1E900] =	vst v63  }
0x1eb: {  	s15 =	simm.s32 $0x1E200;
	v50 =	vperm.xlane v17, v7;
	v19 =	vadd.s32 v3, v49  }
0x1ec: {  	[tilespmem:s15], [sflag:$0x4] =	stream.indirect_vreg.gather [hbm4b:s8+s3], $0x80, v20, vm0, $0xb8;
	[tilespmem:$0x1E900] =	vst v63  }
0x1ed: {  	s16 =	simm.s32 $0x1E280;
	v52 =	vperm.xlane v17, v8;
	v51 =	vadd.s32 v3, v50  }
0x1ee: {  	[tilespmem:s16], [sflag:$0x4] =	stream.indirect_vreg.gather [hbm4b:s8+s3], $0x80, v18, vm0, $0xb8;
	[tilespmem:$0x1E900] =	vst v63  }
0x1ef: {  	s17 =	simm.s32 $0x1E300;
	v53 =	vperm.xlane v17, v0;
	v18 =	vadd.s32 v3, v52  }
0x1f0: {  	[tilespmem:s17], [sflag:$0x4] =	stream.indirect_vreg.gather [hbm4b:s8+s3], $0x80, v19, vm0, $0xb8;
	[tilespmem:$0x1E900] =	vst v63  }
0x1f1: {  	s19 =	simm.s32 $0x1E380;
	v54 =	vperm.xlane v17, v9;
	v19 =	vadd.s32 v3, v53  }
0x1f2: {  	[tilespmem:s19], [sflag:$0x4] =	stream.indirect_vreg.gather [hbm4b:s8+s3], $0x80, v51, vm0, $0xb8;
	[tilespmem:$0x1E900] =	vst v63  }
0x1f3: {  	s22 =	simm.s32 $0x1E400;
	v56 =	vperm.xlane v17, v10;
	v55 =	vadd.s32 v3, v54  }
0x1f4: {  	[tilespmem:s22], [sflag:$0x4] =	stream.indirect_vreg.gather [hbm4b:s8+s3], $0x80, v18, vm0, $0xb8;
	[tilespmem:$0x1E900] =	vst v63  }
0x1f5: {  	s23 =	simm.s32 $0x1E480;
	v57 =	vperm.xlane v17, v11;
	v18 =	vadd.s32 v3, v56  }
0x1f6: {  	[tilespmem:s23], [sflag:$0x4] =	stream.indirect_vreg.gather [hbm4b:s8+s3], $0x80, v19, vm0, $0xb8;
	[tilespmem:$0x1E900] =	vst v63  }
0x1f7: {  	v58 =	vperm.xlane v17, v12;
	s22 =	simm.s32 $0x1E500;
	v19 =	vadd.s32 v3, v57  }
0x1f8: {  	[tilespmem:s22], [sflag:$0x4] =	stream.indirect_vreg.gather [hbm4b:s8+s3], $0x80, v55, vm0, $0xb8;
	[tilespmem:$0x1E900] =	vst v63  }
0x1f9: {  	v60 =	vperm.xlane v17, v13;
	v59 =	vadd.s32 v3, v58;
	s23 =	simm.s32 $0x1E580  }
0x1fa: {  	[tilespmem:s23], [sflag:$0x4] =	stream.indirect_vreg.gather [hbm4b:s8+s3], $0x80, v18, vm0, $0xb8;
	[tilespmem:$0x1E900] =	vst v63  }
0x1fb: {  	v61 =	vperm.xlane v17, v14;
	v18 =	vadd.s32 v3, v60  }
0x1fc: {  	[tilespmem:s18], [sflag:$0x4] =	stream.indirect_vreg.gather [hbm4b:s8+s3], $0x80, v19, vm0, $0xb8;
	[tilespmem:$0x1E900] =	vst v63  }
0x1fd: {  	s7 =	simm.s32 $0x1E680;
	v62 =	vperm.xlane v17, v15;
	v19 =	vadd.s32 v3, v61  }
0x1fe: {  	[tilespmem:s7], [sflag:$0x4] =	stream.indirect_vreg.gather [hbm4b:s8+s3], $0x80, v59, vm0, $0xb8;
	[tilespmem:$0x1E900] =	vst v63  }
0x1ff: {  	v17 =	vperm.xlane v17, v16;
	v63 =	vadd.s32 v3, v62  }
0x200: {  	[tilespmem:s25], [sflag:$0x4] =	stream.indirect_vreg.gather [hbm4b:s8+s3], $0x80, v18, vm0, $0xb8;
	[tilespmem:$0x1E900] =	vst v63  }
0x201: {  	v17 =	vadd.s32 v3, v17  }
0x202: {  	[tilespmem:s26], [sflag:$0x4] =	stream.indirect_vreg.gather [hbm4b:s8+s3], $0x80, v19, vm0, $0xb8;
	[tilespmem:$0x1E900] =	vst v63  }
0x203: {  	s2 =	simm.s32 $0x1E800  }
0x204: {  	[tilespmem:s2], [sflag:$0x4] =	stream.indirect_vreg.gather [hbm4b:s8+s3], $0x80, v63, vm0, $0xb8;
	[tilespmem:$0x1E900] =	vst v63  }
0x205: {  	_ = 	snop  }
0x206: {  	[tilespmem:s10], [sflag:$0x4] =	stream.indirect_vreg.gather [hbm4b:s8+s3], $0x80, v17, vm0, $0xb8;
	[tilespmem:$0x1E900] =	vst v63  }
0x207: {  	s6 =	simm.s32 $0x0;
	_ =	swait.ge [sflag:s4], $0x3000  }
0x208: {  	s28 =	simm.s32 $0x16100;
	s29 =	simm.s32 $0x1DB00;
	[sflag:s4] =	ssyncset.done $0x0  }
0x209: {  	s30 =	simm.s32 $0x1DB80;
	s1 =	simm.s32 $0x1DC80;
	[sflag:s4] =	ssyncadd.s32 $0xFFFFD000  }
0x20a: {  	s0 =	simm.s32 $0x1DD00;
	s12 =	simm.s32 $0x1DF80;
	s24 =	rddreg [dreg:$0x2]  }
0x20b: {  	[spmem:s24] =	stream.indirect.scatter.add.f32 [tilespmem:s31], [sflag:$0x5], $0x80, s28, s20, $0xb8;
	[tilespmem:$0x1E900] =	vst v63  }
0x20c: {  	s15 =	simm.s32 $0x18900;
	s16 =	simm.s32 $0x1DD80;
	_ =	swait.ge [sflag:s21], $0x3000  }
0x20d: {  	s17 =	simm.s32 $0x1DE80;
	s19 =	simm.s32 $0x1DF00;
	[sflag:s21] =	ssyncset.done $0x0  }
0x20e: {  	s24 =	simm.s32 $0x1DE00;
	s31 =	simm.s32 $0x1DC00;
	[sflag:s21] =	ssyncadd.s32 $0xFFFFD000  }
.LBB2_2:
0x20f: {  	s9 =	sshra.s32 s6, $0x2  }
0x210: {  	v17 =	vld [tilespmem:s9+$0x139C0];
	_ =	sdelay $0x4  }
0x211: {  	v18 =	vshll.u32 v17, $0x1  }
0x212: {  	v17 =	vand.u32 $0x7, v17;
	v18 =	vand.u32 $0xFFFFFFF0, v18  }
0x213: {  	v17 =	vor.u32 v17, v18  }
0x214: {  	v18 =	vperm.xlane v17, v2;
	_ =	sdelay $0x1  }
0x215: {  	v19 =	vperm.xlane v17, v1;
	v18 =	vadd.s32 v3, v18;
	_ =	sdelay $0x1  }
0x216: {  	v20 =	vperm.xlane v17, v4;
	v19 =	vadd.s32 v3, v19;
	_ =	sdelay $0x1  }
0x217: {  	v21 =	vperm.xlane v17, v5;
	v20 =	vadd.s32 v3, v20  }
0x218: {  	[tilespmem:s15], [sflag:$0x3] =	stream.indirect_vreg.gather [hbm4b:s8+s3], $0x80, v18, vm0, $0xb8;
	[tilespmem:$0x1E900] =	vst v63  }
0x219: {  	s11 =	simm.s32 $0x18980;
	v62 =	vperm.xlane v17, v6;
	v18 =	vadd.s32 v3, v21  }
0x21a: {  	[tilespmem:s11], [sflag:$0x3] =	stream.indirect_vreg.gather [hbm4b:s8+s3], $0x80, v19, vm0, $0xb8;
	[tilespmem:$0x1E900] =	vst v63  }
0x21b: {  	s13 =	simm.s32 $0x18A00;
	v63 =	vperm.xlane v17, v7;
	v19 =	vadd.s32 v3, v62  }
0x21c: {  	[tilespmem:s13], [sflag:$0x3] =	stream.indirect_vreg.gather [hbm4b:s8+s3], $0x80, v20, vm0, $0xb8;
	[tilespmem:$0x1E900] =	vst v63  }
0x21d: {  	s14 =	simm.s32 $0x18A80;
	v25 =	vperm.xlane v17, v8;
	v24 =	vadd.s32 v3, v63  }
0x21e: {  	[tilespmem:s14], [sflag:$0x3] =	stream.indirect_vreg.gather [hbm4b:s8+s3], $0x80, v18, vm0, $0xb8;
	[tilespmem:$0x1E900] =	vst v63  }
0x21f: {  	s28 =	simm.s32 $0x18B00;
	v26 =	vperm.xlane v17, v0;
	v18 =	vadd.s32 v3, v25  }
0x220: {  	[tilespmem:s28], [sflag:$0x3] =	stream.indirect_vreg.gather [hbm4b:s8+s3], $0x80, v19, vm0, $0xb8;
	[tilespmem:$0x1E900] =	vst v63  }
0x221: {  	v27 =	vperm.xlane v17, v9;
	s13 =	simm.s32 $0x18B80;
	v19 =	vadd.s32 v3, v26  }
0x222: {  	[tilespmem:s13], [sflag:$0x3] =	stream.indirect_vreg.gather [hbm4b:s8+s3], $0x80, v24, vm0, $0xb8;
	[tilespmem:$0x1E900] =	vst v63  }
0x223: {  	v29 =	vperm.xlane v17, v10;
	v28 =	vadd.s32 v3, v27;
	s14 =	simm.s32 $0x18C00  }
0x224: {  	[tilespmem:s14], [sflag:$0x3] =	stream.indirect_vreg.gather [hbm4b:s8+s3], $0x80, v18, vm0, $0xb8;
	[tilespmem:$0x1E900] =	vst v63  }
0x225: {  	v30 =	vperm.xlane v17, v11;
	s28 =	simm.s32 $0x18C80;
	v18 =	vadd.s32 v3, v29  }
0x226: {  	[tilespmem:s28], [sflag:$0x3] =	stream.indirect_vreg.gather [hbm4b:s8+s3], $0x80, v19, vm0, $0xb8;
	[tilespmem:$0x1E900] =	vst v63  }
0x227: {  	v31 =	vperm.xlane v17, v12;
	s13 =	simm.s32 $0x18D00;
	v19 =	vadd.s32 v3, v30  }
0x228: {  	[tilespmem:s13], [sflag:$0x3] =	stream.indirect_vreg.gather [hbm4b:s8+s3], $0x80, v28, vm0, $0xb8;
	[tilespmem:$0x1E900] =	vst v63  }
0x229: {  	v33 =	vperm.xlane v17, v13;
	v32 =	vadd.s32 v3, v31;
	s14 =	simm.s32 $0x18D80  }
0x22a: {  	[tilespmem:s14], [sflag:$0x3] =	stream.indirect_vreg.gather [hbm4b:s8+s3], $0x80, v18, vm0, $0xb8;
	[tilespmem:$0x1E900] =	vst v63  }
0x22b: {  	v34 =	vperm.xlane v17, v14;
	s28 =	simm.s32 $0x18E00;
	v18 =	vadd.s32 v3, v33  }
0x22c: {  	[tilespmem:s28], [sflag:$0x3] =	stream.indirect_vreg.gather [hbm4b:s8+s3], $0x80, v19, vm0, $0xb8;
	[tilespmem:$0x1E900] =	vst v63  }
0x22d: {  	v35 =	vperm.xlane v17, v15;
	s13 =	simm.s32 $0x18E80;
	v19 =	vadd.s32 v3, v34  }
0x22e: {  	[tilespmem:s13], [sflag:$0x3] =	stream.indirect_vreg.gather [hbm4b:s8+s3], $0x80, v32, vm0, $0xb8;
	[tilespmem:$0x1E900] =	vst v63  }
0x22f: {  	v17 =	vperm.xlane v17, v16;
	v36 =	vadd.s32 v3, v35;
	s14 =	simm.s32 $0x18F00  }
0x230: {  	[tilespmem:s14], [sflag:$0x3] =	stream.indirect_vreg.gather [hbm4b:s8+s3], $0x80, v18, vm0, $0xb8;
	[tilespmem:$0x1E900] =	vst v63  }
0x231: {  	v17 =	vadd.s32 v3, v17;
	s28 =	simm.s32 $0x18F80  }
0x232: {  	[tilespmem:s28], [sflag:$0x3] =	stream.indirect_vreg.gather [hbm4b:s8+s3], $0x80, v19, vm0, $0xb8;
	[tilespmem:$0x1E900] =	vst v63  }
0x233: {  	s13 =	simm.s32 $0x19000  }
0x234: {  	[tilespmem:s13], [sflag:$0x3] =	stream.indirect_vreg.gather [hbm4b:s8+s3], $0x80, v36, vm0, $0xb8;
	[tilespmem:$0x1E900] =	vst v63  }
0x235: {  	s14 =	simm.s32 $0x19080  }
0x236: {  	[tilespmem:s14], [sflag:$0x3] =	stream.indirect_vreg.gather [hbm4b:s8+s3], $0x80, v17, vm0, $0xb8;
	[tilespmem:$0x1E900] =	vst v63  }
0x237: {  	v17 =	vld [tilespmem:s9+$0x139D0];
	_ =	sdelay $0x4  }
0x238: {  	v18 =	vshll.u32 v17, $0x1  }
0x239: {  	v17 =	vand.u32 $0x7, v17;
	v18 =	vand.u32 $0xFFFFFFF0, v18  }
0x23a: {  	v17 =	vor.u32 v17, v18  }
0x23b: {  	v18 =	vperm.xlane v17, v2;
	_ =	sdelay $0x1  }
0x23c: {  	v19 =	vperm.xlane v17, v1;
	v18 =	vadd.s32 v3, v18;
	_ =	sdelay $0x1  }
0x23d: {  	v37 =	vperm.xlane v17, v4;
	v19 =	vadd.s32 v3, v19;
	_ =	sdelay $0x1  }
0x23e: {  	s28 =	simm.s32 $0x19100;
	v38 =	vperm.xlane v17, v5;
	v20 =	vadd.s32 v3, v37  }
0x23f: {  	[tilespmem:s28], [sflag:$0x3] =	stream.indirect_vreg.gather [hbm4b:s8+s3], $0x80, v18, vm0, $0xb8;
	[tilespmem:$0x1E900] =	vst v63  }
0x240: {  	s13 =	simm.s32 $0x19180;
	v39 =	vperm.xlane v17, v6;
	v18 =	vadd.s32 v3, v38  }
0x241: {  	[tilespmem:s13], [sflag:$0x3] =	stream.indirect_vreg.gather [hbm4b:s8+s3], $0x80, v19, vm0, $0xb8;
	[tilespmem:$0x1E900] =	vst v63  }
0x242: {  	s14 =	simm.s32 $0x19200;
	v40 =	vperm.xlane v17, v7;
	v19 =	vadd.s32 v3, v39  }
0x243: {  	[tilespmem:s14], [sflag:$0x3] =	stream.indirect_vreg.gather [hbm4b:s8+s3], $0x80, v20, vm0, $0xb8;
	[tilespmem:$0x1E900] =	vst v63  }
0x244: {  	v42 =	vperm.xlane v17, v8;
	v41 =	vadd.s32 v3, v40;
	s28 =	simm.s32 $0x19280  }
0x245: {  	[tilespmem:s28], [sflag:$0x3] =	stream.indirect_vreg.gather [hbm4b:s8+s3], $0x80, v18, vm0, $0xb8;
	[tilespmem:$0x1E900] =	vst v63  }
0x246: {  	v43 =	vperm.xlane v17, v0;
	s13 =	simm.s32 $0x19300;
	v18 =	vadd.s32 v3, v42  }
0x247: {  	[tilespmem:s13], [sflag:$0x3] =	stream.indirect_vreg.gather [hbm4b:s8+s3], $0x80, v19, vm0, $0xb8;
	[tilespmem:$0x1E900] =	vst v63  }
0x248: {  	v44 =	vperm.xlane v17, v9;
	s14 =	simm.s32 $0x19380;
	v19 =	vadd.s32 v3, v43  }
0x249: {  	[tilespmem:s14], [sflag:$0x3] =	stream.indirect_vreg.gather [hbm4b:s8+s3], $0x80, v41, vm0, $0xb8;
	[tilespmem:$0x1E900] =	vst v63  }
0x24a: {  	v46 =	vperm.xlane v17, v10;
	v45 =	vadd.s32 v3, v44;
	s28 =	simm.s32 $0x19400  }
0x24b: {  	[tilespmem:s28], [sflag:$0x3] =	stream.indirect_vreg.gather [hbm4b:s8+s3], $0x80, v18, vm0, $0xb8;
	[tilespmem:$0x1E900] =	vst v63  }
0x24c: {  	v47 =	vperm.xlane v17, v11;
	s13 =	simm.s32 $0x19480;
	v18 =	vadd.s32 v3, v46  }
0x24d: {  	[tilespmem:s13], [sflag:$0x3] =	stream.indirect_vreg.gather [hbm4b:s8+s3], $0x80, v19, vm0, $0xb8;
	[tilespmem:$0x1E900] =	vst v63  }
0x24e: {  	v48 =	vperm.xlane v17, v12;
	s14 =	simm.s32 $0x19500;
	v19 =	vadd.s32 v3, v47  }
0x24f: {  	[tilespmem:s14], [sflag:$0x3] =	stream.indirect_vreg.gather [hbm4b:s8+s3], $0x80, v45, vm0, $0xb8;
	[tilespmem:$0x1E900] =	vst v63  }
0x250: {  	v50 =	vperm.xlane v17, v13;
	v49 =	vadd.s32 v3, v48;
	s28 =	simm.s32 $0x19580  }
0x251: {  	[tilespmem:s28], [sflag:$0x3] =	stream.indirect_vreg.gather [hbm4b:s8+s3], $0x80, v18, vm0, $0xb8;
	[tilespmem:$0x1E900] =	vst v63  }
0x252: {  	v51 =	vperm.xlane v17, v14;
	s13 =	simm.s32 $0x19600;
	v18 =	vadd.s32 v3, v50  }
0x253: {  	[tilespmem:s13], [sflag:$0x3] =	stream.indirect_vreg.gather [hbm4b:s8+s3], $0x80, v19, vm0, $0xb8;
	[tilespmem:$0x1E900] =	vst v63  }
0x254: {  	v52 =	vperm.xlane v17, v15;
	s14 =	simm.s32 $0x19680;
	v19 =	vadd.s32 v3, v51  }
0x255: {  	[tilespmem:s14], [sflag:$0x3] =	stream.indirect_vreg.gather [hbm4b:s8+s3], $0x80, v49, vm0, $0xb8;
	[tilespmem:$0x1E900] =	vst v63  }
0x256: {  	v17 =	vperm.xlane v17, v16;
	v53 =	vadd.s32 v3, v52;
	s28 =	simm.s32 $0x19700  }
0x257: {  	[tilespmem:s28], [sflag:$0x3] =	stream.indirect_vreg.gather [hbm4b:s8+s3], $0x80, v18, vm0, $0xb8;
	[tilespmem:$0x1E900] =	vst v63  }
0x258: {  	v17 =	vadd.s32 v3, v17;
	s13 =	simm.s32 $0x19780  }
0x259: {  	[tilespmem:s13], [sflag:$0x3] =	stream.indirect_vreg.gather [hbm4b:s8+s3], $0x80, v19, vm0, $0xb8;
	[tilespmem:$0x1E900] =	vst v63  }
0x25a: {  	s14 =	simm.s32 $0x19800  }
0x25b: {  	[tilespmem:s14], [sflag:$0x3] =	stream.indirect_vreg.gather [hbm4b:s8+s3], $0x80, v53, vm0, $0xb8;
	[tilespmem:$0x1E900] =	vst v63  }
0x25c: {  	s28 =	simm.s32 $0x19880  }
0x25d: {  	[tilespmem:s28], [sflag:$0x3] =	stream.indirect_vreg.gather [hbm4b:s8+s3], $0x80, v17, vm0, $0xb8;
	[tilespmem:$0x1E900] =	vst v63  }
0x25e: {  	v17 =	vld [tilespmem:s9+$0x139E0];
	_ =	sdelay $0x4  }
0x25f: {  	v18 =	vshll.u32 v17, $0x1  }
0x260: {  	v17 =	vand.u32 $0x7, v17;
	v18 =	vand.u32 $0xFFFFFFF0, v18  }
0x261: {  	v17 =	vor.u32 v17, v18  }
0x262: {  	v18 =	vperm.xlane v17, v2;
	_ =	sdelay $0x1  }
0x263: {  	v19 =	vperm.xlane v17, v1;
	v18 =	vadd.s32 v3, v18;
	_ =	sdelay $0x1  }
0x264: {  	v54 =	vperm.xlane v17, v4;
	v19 =	vadd.s32 v3, v19;
	_ =	sdelay $0x1  }
0x265: {  	s13 =	simm.s32 $0x19900;
	v55 =	vperm.xlane v17, v5;
	v20 =	vadd.s32 v3, v54  }
0x266: {  	[tilespmem:s13], [sflag:$0x3] =	stream.indirect_vreg.gather [hbm4b:s8+s3], $0x80, v18, vm0, $0xb8;
	[tilespmem:$0x1E900] =	vst v63  }
0x267: {  	s14 =	simm.s32 $0x19980;
	v56 =	vperm.xlane v17, v6;
	v18 =	vadd.s32 v3, v55  }
0x268: {  	[tilespmem:s14], [sflag:$0x3] =	stream.indirect_vreg.gather [hbm4b:s8+s3], $0x80, v19, vm0, $0xb8;
	[tilespmem:$0x1E900] =	vst v63  }
0x269: {  	s28 =	simm.s32 $0x19A00;
	v57 =	vperm.xlane v17, v7;
	v19 =	vadd.s32 v3, v56  }
0x26a: {  	[tilespmem:s28], [sflag:$0x3] =	stream.indirect_vreg.gather [hbm4b:s8+s3], $0x80, v20, vm0, $0xb8;
	[tilespmem:$0x1E900] =	vst v63  }
0x26b: {  	v59 =	vperm.xlane v17, v8;
	v58 =	vadd.s32 v3, v57;
	s13 =	simm.s32 $0x19A80  }
0x26c: {  	[tilespmem:s13], [sflag:$0x3] =	stream.indirect_vreg.gather [hbm4b:s8+s3], $0x80, v18, vm0, $0xb8;
	[tilespmem:$0x1E900] =	vst v63  }
0x26d: {  	v60 =	vperm.xlane v17, v0;
	s14 =	simm.s32 $0x19B00;
	v18 =	vadd.s32 v3, v59  }
0x26e: {  	[tilespmem:s14], [sflag:$0x3] =	stream.indirect_vreg.gather [hbm4b:s8+s3], $0x80, v19, vm0, $0xb8;
	[tilespmem:$0x1E900] =	vst v63  }
0x26f: {  	v61 =	vperm.xlane v17, v9;
	s28 =	simm.s32 $0x19B80;
	v19 =	vadd.s32 v3, v60  }
0x270: {  	[tilespmem:s28], [sflag:$0x3] =	stream.indirect_vreg.gather [hbm4b:s8+s3], $0x80, v58, vm0, $0xb8;
	[tilespmem:$0x1E900] =	vst v63  }
0x271: {  	v63 =	vperm.xlane v17, v10;
	v62 =	vadd.s32 v3, v61;
	s13 =	simm.s32 $0x19C00  }
0x272: {  	[tilespmem:s13], [sflag:$0x3] =	stream.indirect_vreg.gather [hbm4b:s8+s3], $0x80, v18, vm0, $0xb8;
	[tilespmem:$0x1E900] =	vst v63  }
0x273: {  	v24 =	vperm.xlane v17, v11;
	s14 =	simm.s32 $0x19C80;
	v18 =	vadd.s32 v3, v63  }
0x274: {  	[tilespmem:s14], [sflag:$0x3] =	stream.indirect_vreg.gather [hbm4b:s8+s3], $0x80, v19, vm0, $0xb8;
	[tilespmem:$0x1E900] =	vst v63  }
0x275: {  	v25 =	vperm.xlane v17, v12;
	s28 =	simm.s32 $0x19D00;
	v19 =	vadd.s32 v3, v24  }
0x276: {  	[tilespmem:s28], [sflag:$0x3] =	stream.indirect_vreg.gather [hbm4b:s8+s3], $0x80, v62, vm0, $0xb8;
	[tilespmem:$0x1E900] =	vst v63  }
0x277: {  	v27 =	vperm.xlane v17, v13;
	v26 =	vadd.s32 v3, v25;
	s13 =	simm.s32 $0x19D80  }
0x278: {  	[tilespmem:s13], [sflag:$0x3] =	stream.indirect_vreg.gather [hbm4b:s8+s3], $0x80, v18, vm0, $0xb8;
	[tilespmem:$0x1E900] =	vst v63  }
0x279: {  	v28 =	vperm.xlane v17, v14;
	s14 =	simm.s32 $0x19E00;
	v18 =	vadd.s32 v3, v27  }
0x27a: {  	[tilespmem:s14], [sflag:$0x3] =	stream.indirect_vreg.gather [hbm4b:s8+s3], $0x80, v19, vm0, $0xb8;
	[tilespmem:$0x1E900] =	vst v63  }
0x27b: {  	v29 =	vperm.xlane v17, v15;
	s28 =	simm.s32 $0x19E80;
	v19 =	vadd.s32 v3, v28  }
0x27c: {  	[tilespmem:s28], [sflag:$0x3] =	stream.indirect_vreg.gather [hbm4b:s8+s3], $0x80, v26, vm0, $0xb8;
	[tilespmem:$0x1E900] =	vst v63  }
0x27d: {  	v17 =	vperm.xlane v17, v16;
	v30 =	vadd.s32 v3, v29;
	s13 =	simm.s32 $0x19F00  }
0x27e: {  	[tilespmem:s13], [sflag:$0x3] =	stream.indirect_vreg.gather [hbm4b:s8+s3], $0x80, v18, vm0, $0xb8;
	[tilespmem:$0x1E900] =	vst v63  }
0x27f: {  	v17 =	vadd.s32 v3, v17;
	s14 =	simm.s32 $0x19F80  }
0x280: {  	[tilespmem:s14], [sflag:$0x3] =	stream.indirect_vreg.gather [hbm4b:s8+s3], $0x80, v19, vm0, $0xb8;
	[tilespmem:$0x1E900] =	vst v63  }
0x281: {  	s28 =	simm.s32 $0x1A000  }
0x282: {  	[tilespmem:s28], [sflag:$0x3] =	stream.indirect_vreg.gather [hbm4b:s8+s3], $0x80, v30, vm0, $0xb8;
	[tilespmem:$0x1E900] =	vst v63  }
0x283: {  	s13 =	simm.s32 $0x1A080  }
0x284: {  	[tilespmem:s13], [sflag:$0x3] =	stream.indirect_vreg.gather [hbm4b:s8+s3], $0x80, v17, vm0, $0xb8;
	[tilespmem:$0x1E900] =	vst v63  }
0x285: {  	v17 =	vld [tilespmem:s9+$0x139F0];
	_ =	sdelay $0x4  }
0x286: {  	v18 =	vshll.u32 v17, $0x1  }
0x287: {  	v17 =	vand.u32 $0x7, v17;
	v18 =	vand.u32 $0xFFFFFFF0, v18  }
0x288: {  	v17 =	vor.u32 v17, v18  }
0x289: {  	v18 =	vperm.xlane v17, v2;
	_ =	sdelay $0x1  }
0x28a: {  	v19 =	vperm.xlane v17, v1;
	v18 =	vadd.s32 v3, v18;
	_ =	sdelay $0x1  }
0x28b: {  	v31 =	vperm.xlane v17, v4;
	v19 =	vadd.s32 v3, v19;
	_ =	sdelay $0x1  }
0x28c: {  	s14 =	simm.s32 $0x1A100;
	v32 =	vperm.xlane v17, v5;
	v20 =	vadd.s32 v3, v31  }
0x28d: {  	[tilespmem:s14], [sflag:$0x3] =	stream.indirect_vreg.gather [hbm4b:s8+s3], $0x80, v18, vm0, $0xb8;
	[tilespmem:$0x1E900] =	vst v63  }
0x28e: {  	s28 =	simm.s32 $0x1A180;
	v33 =	vperm.xlane v17, v6;
	v18 =	vadd.s32 v3, v32  }
0x28f: {  	[tilespmem:s28], [sflag:$0x3] =	stream.indirect_vreg.gather [hbm4b:s8+s3], $0x80, v19, vm0, $0xb8;
	[tilespmem:$0x1E900] =	vst v63  }
0x290: {  	s13 =	simm.s32 $0x1A200;
	v34 =	vperm.xlane v17, v7;
	v19 =	vadd.s32 v3, v33  }
0x291: {  	[tilespmem:s13], [sflag:$0x3] =	stream.indirect_vreg.gather [hbm4b:s8+s3], $0x80, v20, vm0, $0xb8;
	[tilespmem:$0x1E900] =	vst v63  }
0x292: {  	v36 =	vperm.xlane v17, v8;
	v35 =	vadd.s32 v3, v34;
	s14 =	simm.s32 $0x1A280  }
0x293: {  	[tilespmem:s14], [sflag:$0x3] =	stream.indirect_vreg.gather [hbm4b:s8+s3], $0x80, v18, vm0, $0xb8;
	[tilespmem:$0x1E900] =	vst v63  }
0x294: {  	v37 =	vperm.xlane v17, v0;
	s28 =	simm.s32 $0x1A300;
	v18 =	vadd.s32 v3, v36  }
0x295: {  	[tilespmem:s28], [sflag:$0x3] =	stream.indirect_vreg.gather [hbm4b:s8+s3], $0x80, v19, vm0, $0xb8;
	[tilespmem:$0x1E900] =	vst v63  }
0x296: {  	v38 =	vperm.xlane v17, v9;
	s13 =	simm.s32 $0x1A380;
	v19 =	vadd.s32 v3, v37  }
0x297: {  	[tilespmem:s13], [sflag:$0x3] =	stream.indirect_vreg.gather [hbm4b:s8+s3], $0x80, v35, vm0, $0xb8;
	[tilespmem:$0x1E900] =	vst v63  }
0x298: {  	v40 =	vperm.xlane v17, v10;
	v39 =	vadd.s32 v3, v38;
	s14 =	simm.s32 $0x1A400  }
0x299: {  	[tilespmem:s14], [sflag:$0x3] =	stream.indirect_vreg.gather [hbm4b:s8+s3], $0x80, v18, vm0, $0xb8;
	[tilespmem:$0x1E900] =	vst v63  }
0x29a: {  	v41 =	vperm.xlane v17, v11;
	s28 =	simm.s32 $0x1A480;
	v18 =	vadd.s32 v3, v40  }
0x29b: {  	[tilespmem:s28], [sflag:$0x3] =	stream.indirect_vreg.gather [hbm4b:s8+s3], $0x80, v19, vm0, $0xb8;
	[tilespmem:$0x1E900] =	vst v63  }
0x29c: {  	v42 =	vperm.xlane v17, v12;
	s13 =	simm.s32 $0x1A500;
	v19 =	vadd.s32 v3, v41  }
0x29d: {  	[tilespmem:s13], [sflag:$0x3] =	stream.indirect_vreg.gather [hbm4b:s8+s3], $0x80, v39, vm0, $0xb8;
	[tilespmem:$0x1E900] =	vst v63  }
0x29e: {  	v44 =	vperm.xlane v17, v13;
	v43 =	vadd.s32 v3, v42;
	s14 =	simm.s32 $0x1A580  }
0x29f: {  	[tilespmem:s14], [sflag:$0x3] =	stream.indirect_vreg.gather [hbm4b:s8+s3], $0x80, v18, vm0, $0xb8;
	[tilespmem:$0x1E900] =	vst v63  }
0x2a0: {  	v45 =	vperm.xlane v17, v14;
	s28 =	simm.s32 $0x1A600;
	v18 =	vadd.s32 v3, v44  }
0x2a1: {  	[tilespmem:s28], [sflag:$0x3] =	stream.indirect_vreg.gather [hbm4b:s8+s3], $0x80, v19, vm0, $0xb8;
	[tilespmem:$0x1E900] =	vst v63  }
0x2a2: {  	v46 =	vperm.xlane v17, v15;
	s13 =	simm.s32 $0x1A680;
	v19 =	vadd.s32 v3, v45  }
0x2a3: {  	[tilespmem:s13], [sflag:$0x3] =	stream.indirect_vreg.gather [hbm4b:s8+s3], $0x80, v43, vm0, $0xb8;
	[tilespmem:$0x1E900] =	vst v63  }
0x2a4: {  	v17 =	vperm.xlane v17, v16;
	v47 =	vadd.s32 v3, v46;
	s14 =	simm.s32 $0x1A700  }
0x2a5: {  	[tilespmem:s14], [sflag:$0x3] =	stream.indirect_vreg.gather [hbm4b:s8+s3], $0x80, v18, vm0, $0xb8;
	[tilespmem:$0x1E900] =	vst v63  }
0x2a6: {  	v17 =	vadd.s32 v3, v17;
	s28 =	simm.s32 $0x1A780  }
0x2a7: {  	[tilespmem:s28], [sflag:$0x3] =	stream.indirect_vreg.gather [hbm4b:s8+s3], $0x80, v19, vm0, $0xb8;
	[tilespmem:$0x1E900] =	vst v63  }
0x2a8: {  	s13 =	simm.s32 $0x1A800  }
0x2a9: {  	[tilespmem:s13], [sflag:$0x3] =	stream.indirect_vreg.gather [hbm4b:s8+s3], $0x80, v47, vm0, $0xb8;
	[tilespmem:$0x1E900] =	vst v63  }
0x2aa: {  	s14 =	simm.s32 $0x1A880  }
0x2ab: {  	[tilespmem:s14], [sflag:$0x3] =	stream.indirect_vreg.gather [hbm4b:s8+s3], $0x80, v17, vm0, $0xb8;
	[tilespmem:$0x1E900] =	vst v63  }
0x2ac: {  	v17 =	vld [tilespmem:s9+$0x13A00];
	_ =	sdelay $0x4  }
0x2ad: {  	v18 =	vshll.u32 v17, $0x1  }
0x2ae: {  	v17 =	vand.u32 $0x7, v17;
	v18 =	vand.u32 $0xFFFFFFF0, v18  }
0x2af: {  	v17 =	vor.u32 v17, v18  }
0x2b0: {  	v18 =	vperm.xlane v17, v2;
	_ =	sdelay $0x1  }
0x2b1: {  	v19 =	vperm.xlane v17, v1;
	v18 =	vadd.s32 v3, v18;
	_ =	sdelay $0x1  }
0x2b2: {  	v48 =	vperm.xlane v17, v4;
	v19 =	vadd.s32 v3, v19;
	_ =	sdelay $0x1  }
0x2b3: {  	s28 =	simm.s32 $0x1A900;
	v49 =	vperm.xlane v17, v5;
	v20 =	vadd.s32 v3, v48  }
0x2b4: {  	[tilespmem:s28], [sflag:$0x3] =	stream.indirect_vreg.gather [hbm4b:s8+s3], $0x80, v18, vm0, $0xb8;
	[tilespmem:$0x1E900] =	vst v63  }
0x2b5: {  	s13 =	simm.s32 $0x1A980;
	v50 =	vperm.xlane v17, v6;
	v18 =	vadd.s32 v3, v49  }
0x2b6: {  	[tilespmem:s13], [sflag:$0x3] =	stream.indirect_vreg.gather [hbm4b:s8+s3], $0x80, v19, vm0, $0xb8;
	[tilespmem:$0x1E900] =	vst v63  }
0x2b7: {  	s14 =	simm.s32 $0x1AA00;
	v51 =	vperm.xlane v17, v7;
	v19 =	vadd.s32 v3, v50  }
0x2b8: {  	[tilespmem:s14], [sflag:$0x3] =	stream.indirect_vreg.gather [hbm4b:s8+s3], $0x80, v20, vm0, $0xb8;
	[tilespmem:$0x1E900] =	vst v63  }
0x2b9: {  	v53 =	vperm.xlane v17, v8;
	v52 =	vadd.s32 v3, v51;
	s28 =	simm.s32 $0x1AA80  }
0x2ba: {  	[tilespmem:s28], [sflag:$0x3] =	stream.indirect_vreg.gather [hbm4b:s8+s3], $0x80, v18, vm0, $0xb8;
	[tilespmem:$0x1E900] =	vst v63  }
0x2bb: {  	v54 =	vperm.xlane v17, v0;
	s13 =	simm.s32 $0x1AB00;
	v18 =	vadd.s32 v3, v53  }
0x2bc: {  	[tilespmem:s13], [sflag:$0x3] =	stream.indirect_vreg.gather [hbm4b:s8+s3], $0x80, v19, vm0, $0xb8;
	[tilespmem:$0x1E900] =	vst v63  }
0x2bd: {  	v55 =	vperm.xlane v17, v9;
	s14 =	simm.s32 $0x1AB80;
	v19 =	vadd.s32 v3, v54  }
0x2be: {  	[tilespmem:s14], [sflag:$0x3] =	stream.indirect_vreg.gather [hbm4b:s8+s3], $0x80, v52, vm0, $0xb8;
	[tilespmem:$0x1E900] =	vst v63  }
0x2bf: {  	v57 =	vperm.xlane v17, v10;
	v56 =	vadd.s32 v3, v55;
	s28 =	simm.s32 $0x1AC00  }
0x2c0: {  	[tilespmem:s28], [sflag:$0x3] =	stream.indirect_vreg.gather [hbm4b:s8+s3], $0x80, v18, vm0, $0xb8;
	[tilespmem:$0x1E900] =	vst v63  }
0x2c1: {  	v58 =	vperm.xlane v17, v11;
	s13 =	simm.s32 $0x1AC80;
	v18 =	vadd.s32 v3, v57  }
0x2c2: {  	[tilespmem:s13], [sflag:$0x3] =	stream.indirect_vreg.gather [hbm4b:s8+s3], $0x80, v19, vm0, $0xb8;
	[tilespmem:$0x1E900] =	vst v63  }
0x2c3: {  	v59 =	vperm.xlane v17, v12;
	s14 =	simm.s32 $0x1AD00;
	v19 =	vadd.s32 v3, v58  }
0x2c4: {  	[tilespmem:s14], [sflag:$0x3] =	stream.indirect_vreg.gather [hbm4b:s8+s3], $0x80, v56, vm0, $0xb8;
	[tilespmem:$0x1E900] =	vst v63  }
0x2c5: {  	v61 =	vperm.xlane v17, v13;
	v60 =	vadd.s32 v3, v59;
	s28 =	simm.s32 $0x1AD80  }
0x2c6: {  	[tilespmem:s28], [sflag:$0x3] =	stream.indirect_vreg.gather [hbm4b:s8+s3], $0x80, v18, vm0, $0xb8;
	[tilespmem:$0x1E900] =	vst v63  }
0x2c7: {  	v62 =	vperm.xlane v17, v14;
	s13 =	simm.s32 $0x1AE00;
	v18 =	vadd.s32 v3, v61  }
0x2c8: {  	[tilespmem:s13], [sflag:$0x3] =	stream.indirect_vreg.gather [hbm4b:s8+s3], $0x80, v19, vm0, $0xb8;
	[tilespmem:$0x1E900] =	vst v63  }
0x2c9: {  	v63 =	vperm.xlane v17, v15;
	s14 =	simm.s32 $0x1AE80;
	v19 =	vadd.s32 v3, v62  }
0x2ca: {  	[tilespmem:s14], [sflag:$0x3] =	stream.indirect_vreg.gather [hbm4b:s8+s3], $0x80, v60, vm0, $0xb8;
	[tilespmem:$0x1E900] =	vst v63  }
0x2cb: {  	v17 =	vperm.xlane v17, v16;
	v24 =	vadd.s32 v3, v63;
	s28 =	simm.s32 $0x1AF00  }
0x2cc: {  	[tilespmem:s28], [sflag:$0x3] =	stream.indirect_vreg.gather [hbm4b:s8+s3], $0x80, v18, vm0, $0xb8;
	[tilespmem:$0x1E900] =	vst v63  }
0x2cd: {  	v17 =	vadd.s32 v3, v17;
	s13 =	simm.s32 $0x1AF80  }
0x2ce: {  	[tilespmem:s13], [sflag:$0x3] =	stream.indirect_vreg.gather [hbm4b:s8+s3], $0x80, v19, vm0, $0xb8;
	[tilespmem:$0x1E900] =	vst v63  }
0x2cf: {  	s14 =	simm.s32 $0x1B000  }
0x2d0: {  	[tilespmem:s14], [sflag:$0x3] =	stream.indirect_vreg.gather [hbm4b:s8+s3], $0x80, v24, vm0, $0xb8;
	[tilespmem:$0x1E900] =	vst v63  }
0x2d1: {  	s28 =	simm.s32 $0x1B080  }
0x2d2: {  	[tilespmem:s28], [sflag:$0x3] =	stream.indirect_vreg.gather [hbm4b:s8+s3], $0x80, v17, vm0, $0xb8;
	[tilespmem:$0x1E900] =	vst v63  }
0x2d3: {  	v17 =	vld [tilespmem:s9+$0x13A10];
	_ =	sdelay $0x4  }
0x2d4: {  	v18 =	vshll.u32 v17, $0x1  }
0x2d5: {  	v17 =	vand.u32 $0x7, v17;
	v18 =	vand.u32 $0xFFFFFFF0, v18  }
0x2d6: {  	v17 =	vor.u32 v17, v18  }
0x2d7: {  	v18 =	vperm.xlane v17, v2;
	_ =	sdelay $0x1  }
0x2d8: {  	v19 =	vperm.xlane v17, v1;
	v18 =	vadd.s32 v3, v18;
	_ =	sdelay $0x1  }
0x2d9: {  	v25 =	vperm.xlane v17, v4;
	v19 =	vadd.s32 v3, v19;
	_ =	sdelay $0x1  }
0x2da: {  	s13 =	simm.s32 $0x1B100;
	v26 =	vperm.xlane v17, v5;
	v20 =	vadd.s32 v3, v25  }
0x2db: {  	[tilespmem:s13], [sflag:$0x3] =	stream.indirect_vreg.gather [hbm4b:s8+s3], $0x80, v18, vm0, $0xb8;
	[tilespmem:$0x1E900] =	vst v63  }
0x2dc: {  	s14 =	simm.s32 $0x1B180;
	v27 =	vperm.xlane v17, v6;
	v18 =	vadd.s32 v3, v26  }
0x2dd: {  	[tilespmem:s14], [sflag:$0x3] =	stream.indirect_vreg.gather [hbm4b:s8+s3], $0x80, v19, vm0, $0xb8;
	[tilespmem:$0x1E900] =	vst v63  }
0x2de: {  	s28 =	simm.s32 $0x1B200;
	v28 =	vperm.xlane v17, v7;
	v19 =	vadd.s32 v3, v27  }
0x2df: {  	[tilespmem:s28], [sflag:$0x3] =	stream.indirect_vreg.gather [hbm4b:s8+s3], $0x80, v20, vm0, $0xb8;
	[tilespmem:$0x1E900] =	vst v63  }
0x2e0: {  	v30 =	vperm.xlane v17, v8;
	v29 =	vadd.s32 v3, v28;
	s13 =	simm.s32 $0x1B280  }
0x2e1: {  	[tilespmem:s13], [sflag:$0x3] =	stream.indirect_vreg.gather [hbm4b:s8+s3], $0x80, v18, vm0, $0xb8;
	[tilespmem:$0x1E900] =	vst v63  }
0x2e2: {  	v31 =	vperm.xlane v17, v0;
	s14 =	simm.s32 $0x1B300;
	v18 =	vadd.s32 v3, v30  }
0x2e3: {  	[tilespmem:s14], [sflag:$0x3] =	stream.indirect_vreg.gather [hbm4b:s8+s3], $0x80, v19, vm0, $0xb8;
	[tilespmem:$0x1E900] =	vst v63  }
0x2e4: {  	v32 =	vperm.xlane v17, v9;
	s28 =	simm.s32 $0x1B380;
	v19 =	vadd.s32 v3, v31  }
0x2e5: {  	[tilespmem:s28], [sflag:$0x3] =	stream.indirect_vreg.gather [hbm4b:s8+s3], $0x80, v29, vm0, $0xb8;
	[tilespmem:$0x1E900] =	vst v63  }
0x2e6: {  	v34 =	vperm.xlane v17, v10;
	v33 =	vadd.s32 v3, v32;
	s13 =	simm.s32 $0x1B400  }
0x2e7: {  	[tilespmem:s13], [sflag:$0x3] =	stream.indirect_vreg.gather [hbm4b:s8+s3], $0x80, v18, vm0, $0xb8;
	[tilespmem:$0x1E900] =	vst v63  }
0x2e8: {  	v35 =	vperm.xlane v17, v11;
	s14 =	simm.s32 $0x1B480;
	v18 =	vadd.s32 v3, v34  }
0x2e9: {  	[tilespmem:s14], [sflag:$0x3] =	stream.indirect_vreg.gather [hbm4b:s8+s3], $0x80, v19, vm0, $0xb8;
	[tilespmem:$0x1E900] =	vst v63  }
0x2ea: {  	v36 =	vperm.xlane v17, v12;
	s28 =	simm.s32 $0x1B500;
	v19 =	vadd.s32 v3, v35  }
0x2eb: {  	[tilespmem:s28], [sflag:$0x3] =	stream.indirect_vreg.gather [hbm4b:s8+s3], $0x80, v33, vm0, $0xb8;
	[tilespmem:$0x1E900] =	vst v63  }
0x2ec: {  	v38 =	vperm.xlane v17, v13;
	v37 =	vadd.s32 v3, v36;
	s13 =	simm.s32 $0x1B580  }
0x2ed: {  	[tilespmem:s13], [sflag:$0x3] =	stream.indirect_vreg.gather [hbm4b:s8+s3], $0x80, v18, vm0, $0xb8;
	[tilespmem:$0x1E900] =	vst v63  }
0x2ee: {  	v39 =	vperm.xlane v17, v14;
	s14 =	simm.s32 $0x1B600;
	v18 =	vadd.s32 v3, v38  }
0x2ef: {  	[tilespmem:s14], [sflag:$0x3] =	stream.indirect_vreg.gather [hbm4b:s8+s3], $0x80, v19, vm0, $0xb8;
	[tilespmem:$0x1E900] =	vst v63  }
0x2f0: {  	v40 =	vperm.xlane v17, v15;
	s28 =	simm.s32 $0x1B680;
	v19 =	vadd.s32 v3, v39  }
0x2f1: {  	[tilespmem:s28], [sflag:$0x3] =	stream.indirect_vreg.gather [hbm4b:s8+s3], $0x80, v37, vm0, $0xb8;
	[tilespmem:$0x1E900] =	vst v63  }
0x2f2: {  	v17 =	vperm.xlane v17, v16;
	v41 =	vadd.s32 v3, v40;
	s13 =	simm.s32 $0x1B700  }
0x2f3: {  	[tilespmem:s13], [sflag:$0x3] =	stream.indirect_vreg.gather [hbm4b:s8+s3], $0x80, v18, vm0, $0xb8;
	[tilespmem:$0x1E900] =	vst v63  }
0x2f4: {  	v17 =	vadd.s32 v3, v17;
	s14 =	simm.s32 $0x1B780  }
0x2f5: {  	[tilespmem:s14], [sflag:$0x3] =	stream.indirect_vreg.gather [hbm4b:s8+s3], $0x80, v19, vm0, $0xb8;
	[tilespmem:$0x1E900] =	vst v63  }
0x2f6: {  	s28 =	simm.s32 $0x1B800  }
0x2f7: {  	[tilespmem:s28], [sflag:$0x3] =	stream.indirect_vreg.gather [hbm4b:s8+s3], $0x80, v41, vm0, $0xb8;
	[tilespmem:$0x1E900] =	vst v63  }
0x2f8: {  	s13 =	simm.s32 $0x1B880  }
0x2f9: {  	[tilespmem:s13], [sflag:$0x3] =	stream.indirect_vreg.gather [hbm4b:s8+s3], $0x80, v17, vm0, $0xb8;
	[tilespmem:$0x1E900] =	vst v63  }
0x2fa: {  	_ =	swait.ge [sflag:s5], $0x3000  }
0x2fb: {  	[sflag:s5] =	ssyncset.done $0x0  }
0x2fc: {  	[sflag:s5] =	ssyncadd.s32 $0xFFFFD000  }
0x2fd: {  	s14 =	sadd.s32 $0x16160, s9;
	s13 =	simm.s32 $0x1B900;
	s28 =	rddreg [dreg:$0x2]  }
0x2fe: {  	[spmem:s28] =	stream.indirect.scatter.add.f32 [tilespmem:s13], [sflag:$0x5], $0x80, s14, s20, $0xb8;
	[tilespmem:$0x1E900] =	vst v63  }
0x2ff: {  	_ =	swait.ge [sflag:s21], $0x3000  }
0x300: {  	[sflag:s21] =	ssyncset.done $0x0  }
0x301: {  	[sflag:s21] =	ssyncadd.s32 $0xFFFFD000  }
0x302: {  	v17 =	vld [tilespmem:s9+$0x13A20];
	_ =	sdelay $0x4  }
0x303: {  	v18 =	vshll.u32 v17, $0x1  }
0x304: {  	v17 =	vand.u32 $0x7, v17;
	v18 =	vand.u32 $0xFFFFFFF0, v18  }
0x305: {  	v17 =	vor.u32 v17, v18  }
0x306: {  	v18 =	vperm.xlane v17, v2;
	_ =	sdelay $0x1  }
0x307: {  	v19 =	vperm.xlane v17, v1;
	v18 =	vadd.s32 v3, v18;
	_ =	sdelay $0x1  }
0x308: {  	v42 =	vperm.xlane v17, v4;
	v19 =	vadd.s32 v3, v19;
	_ =	sdelay $0x1  }
0x309: {  	v43 =	vperm.xlane v17, v5;
	v20 =	vadd.s32 v3, v42  }
0x30a: {  	[tilespmem:s13], [sflag:$0x4] =	stream.indirect_vreg.gather [hbm4b:s8+s3], $0x80, v18, vm0, $0xb8;
	[tilespmem:$0x1E900] =	vst v63  }
0x30b: {  	v44 =	vperm.xlane v17, v6;
	v18 =	vadd.s32 v3, v43;
	s13 =	simm.s32 $0x1B980  }
0x30c: {  	[tilespmem:s13], [sflag:$0x4] =	stream.indirect_vreg.gather [hbm4b:s8+s3], $0x80, v19, vm0, $0xb8;
	[tilespmem:$0x1E900] =	vst v63  }
0x30d: {  	v45 =	vperm.xlane v17, v7;
	v19 =	vadd.s32 v3, v44;
	s13 =	simm.s32 $0x1BA00  }
0x30e: {  	[tilespmem:s13], [sflag:$0x4] =	stream.indirect_vreg.gather [hbm4b:s8+s3], $0x80, v20, vm0, $0xb8;
	[tilespmem:$0x1E900] =	vst v63  }
0x30f: {  	v47 =	vperm.xlane v17, v8;
	v46 =	vadd.s32 v3, v45;
	s13 =	simm.s32 $0x1BA80  }
0x310: {  	[tilespmem:s13], [sflag:$0x4] =	stream.indirect_vreg.gather [hbm4b:s8+s3], $0x80, v18, vm0, $0xb8;
	[tilespmem:$0x1E900] =	vst v63  }
0x311: {  	v48 =	vperm.xlane v17, v0;
	v18 =	vadd.s32 v3, v47;
	s13 =	simm.s32 $0x1BB00  }
0x312: {  	[tilespmem:s13], [sflag:$0x4] =	stream.indirect_vreg.gather [hbm4b:s8+s3], $0x80, v19, vm0, $0xb8;
	[tilespmem:$0x1E900] =	vst v63  }
0x313: {  	v49 =	vperm.xlane v17, v9;
	v19 =	vadd.s32 v3, v48;
	s13 =	simm.s32 $0x1BB80  }
0x314: {  	[tilespmem:s13], [sflag:$0x4] =	stream.indirect_vreg.gather [hbm4b:s8+s3], $0x80, v46, vm0, $0xb8;
	[tilespmem:$0x1E900] =	vst v63  }
0x315: {  	v51 =	vperm.xlane v17, v10;
	v50 =	vadd.s32 v3, v49;
	s13 =	simm.s32 $0x1BC00  }
0x316: {  	[tilespmem:s13], [sflag:$0x4] =	stream.indirect_vreg.gather [hbm4b:s8+s3], $0x80, v18, vm0, $0xb8;
	[tilespmem:$0x1E900] =	vst v63  }
0x317: {  	v52 =	vperm.xlane v17, v11;
	v18 =	vadd.s32 v3, v51;
	s13 =	simm.s32 $0x1BC80  }
0x318: {  	[tilespmem:s13], [sflag:$0x4] =	stream.indirect_vreg.gather [hbm4b:s8+s3], $0x80, v19, vm0, $0xb8;
	[tilespmem:$0x1E900] =	vst v63  }
0x319: {  	v53 =	vperm.xlane v17, v12;
	v19 =	vadd.s32 v3, v52;
	s13 =	simm.s32 $0x1BD00  }
0x31a: {  	[tilespmem:s13], [sflag:$0x4] =	stream.indirect_vreg.gather [hbm4b:s8+s3], $0x80, v50, vm0, $0xb8;
	[tilespmem:$0x1E900] =	vst v63  }
0x31b: {  	v55 =	vperm.xlane v17, v13;
	v54 =	vadd.s32 v3, v53;
	s13 =	simm.s32 $0x1BD80  }
0x31c: {  	[tilespmem:s13], [sflag:$0x4] =	stream.indirect_vreg.gather [hbm4b:s8+s3], $0x80, v18, vm0, $0xb8;
	[tilespmem:$0x1E900] =	vst v63  }
0x31d: {  	v56 =	vperm.xlane v17, v14;
	v18 =	vadd.s32 v3, v55;
	s13 =	simm.s32 $0x1BE00  }
0x31e: {  	[tilespmem:s13], [sflag:$0x4] =	stream.indirect_vreg.gather [hbm4b:s8+s3], $0x80, v19, vm0, $0xb8;
	[tilespmem:$0x1E900] =	vst v63  }
0x31f: {  	v57 =	vperm.xlane v17, v15;
	v19 =	vadd.s32 v3, v56;
	s13 =	simm.s32 $0x1BE80  }
0x320: {  	[tilespmem:s13], [sflag:$0x4] =	stream.indirect_vreg.gather [hbm4b:s8+s3], $0x80, v54, vm0, $0xb8;
	[tilespmem:$0x1E900] =	vst v63  }
0x321: {  	v17 =	vperm.xlane v17, v16;
	v58 =	vadd.s32 v3, v57;
	s13 =	simm.s32 $0x1BF00  }
0x322: {  	[tilespmem:s13], [sflag:$0x4] =	stream.indirect_vreg.gather [hbm4b:s8+s3], $0x80, v18, vm0, $0xb8;
	[tilespmem:$0x1E900] =	vst v63  }
0x323: {  	v17 =	vadd.s32 v3, v17;
	s13 =	simm.s32 $0x1BF80  }
0x324: {  	[tilespmem:s13], [sflag:$0x4] =	stream.indirect_vreg.gather [hbm4b:s8+s3], $0x80, v19, vm0, $0xb8;
	[tilespmem:$0x1E900] =	vst v63  }
0x325: {  	s13 =	simm.s32 $0x1C000  }
0x326: {  	[tilespmem:s13], [sflag:$0x4] =	stream.indirect_vreg.gather [hbm4b:s8+s3], $0x80, v58, vm0, $0xb8;
	[tilespmem:$0x1E900] =	vst v63  }
0x327: {  	s13 =	simm.s32 $0x1C080  }
0x328: {  	[tilespmem:s13], [sflag:$0x4] =	stream.indirect_vreg.gather [hbm4b:s8+s3], $0x80, v17, vm0, $0xb8;
	[tilespmem:$0x1E900] =	vst v63  }
0x329: {  	v17 =	vld [tilespmem:s9+$0x13A30];
	_ =	sdelay $0x4  }
0x32a: {  	v18 =	vshll.u32 v17, $0x1  }
0x32b: {  	v17 =	vand.u32 $0x7, v17;
	v18 =	vand.u32 $0xFFFFFFF0, v18  }
0x32c: {  	v17 =	vor.u32 v17, v18  }
0x32d: {  	v18 =	vperm.xlane v17, v2;
	_ =	sdelay $0x1  }
0x32e: {  	v19 =	vperm.xlane v17, v1;
	v18 =	vadd.s32 v3, v18;
	_ =	sdelay $0x1  }
0x32f: {  	v59 =	vperm.xlane v17, v4;
	v19 =	vadd.s32 v3, v19;
	_ =	sdelay $0x1  }
0x330: {  	s13 =	simm.s32 $0x1C100;
	v60 =	vperm.xlane v17, v5;
	v20 =	vadd.s32 v3, v59  }
0x331: {  	[tilespmem:s13], [sflag:$0x4] =	stream.indirect_vreg.gather [hbm4b:s8+s3], $0x80, v18, vm0, $0xb8;
	[tilespmem:$0x1E900] =	vst v63  }
0x332: {  	v61 =	vperm.xlane v17, v6;
	v18 =	vadd.s32 v3, v60;
	s13 =	simm.s32 $0x1C180  }
0x333: {  	[tilespmem:s13], [sflag:$0x4] =	stream.indirect_vreg.gather [hbm4b:s8+s3], $0x80, v19, vm0, $0xb8;
	[tilespmem:$0x1E900] =	vst v63  }
0x334: {  	v62 =	vperm.xlane v17, v7;
	v19 =	vadd.s32 v3, v61;
	s13 =	simm.s32 $0x1C200  }
0x335: {  	[tilespmem:s13], [sflag:$0x4] =	stream.indirect_vreg.gather [hbm4b:s8+s3], $0x80, v20, vm0, $0xb8;
	[tilespmem:$0x1E900] =	vst v63  }
0x336: {  	v24 =	vperm.xlane v17, v8;
	v63 =	vadd.s32 v3, v62;
	s13 =	simm.s32 $0x1C280  }
0x337: {  	[tilespmem:s13], [sflag:$0x4] =	stream.indirect_vreg.gather [hbm4b:s8+s3], $0x80, v18, vm0, $0xb8;
	[tilespmem:$0x1E900] =	vst v63  }
0x338: {  	v25 =	vperm.xlane v17, v0;
	v18 =	vadd.s32 v3, v24;
	s13 =	simm.s32 $0x1C300  }
0x339: {  	[tilespmem:s13], [sflag:$0x4] =	stream.indirect_vreg.gather [hbm4b:s8+s3], $0x80, v19, vm0, $0xb8;
	[tilespmem:$0x1E900] =	vst v63  }
0x33a: {  	v26 =	vperm.xlane v17, v9;
	v19 =	vadd.s32 v3, v25;
	s13 =	simm.s32 $0x1C380  }
0x33b: {  	[tilespmem:s13], [sflag:$0x4] =	stream.indirect_vreg.gather [hbm4b:s8+s3], $0x80, v63, vm0, $0xb8;
	[tilespmem:$0x1E900] =	vst v63  }
0x33c: {  	v28 =	vperm.xlane v17, v10;
	v27 =	vadd.s32 v3, v26;
	s13 =	simm.s32 $0x1C400  }
0x33d: {  	[tilespmem:s13], [sflag:$0x4] =	stream.indirect_vreg.gather [hbm4b:s8+s3], $0x80, v18, vm0, $0xb8;
	[tilespmem:$0x1E900] =	vst v63  }
0x33e: {  	v29 =	vperm.xlane v17, v11;
	v18 =	vadd.s32 v3, v28;
	s13 =	simm.s32 $0x1C480  }
0x33f: {  	[tilespmem:s13], [sflag:$0x4] =	stream.indirect_vreg.gather [hbm4b:s8+s3], $0x80, v19, vm0, $0xb8;
	[tilespmem:$0x1E900] =	vst v63  }
0x340: {  	v30 =	vperm.xlane v17, v12;
	v19 =	vadd.s32 v3, v29;
	s13 =	simm.s32 $0x1C500  }
0x341: {  	[tilespmem:s13], [sflag:$0x4] =	stream.indirect_vreg.gather [hbm4b:s8+s3], $0x80, v27, vm0, $0xb8;
	[tilespmem:$0x1E900] =	vst v63  }
0x342: {  	v32 =	vperm.xlane v17, v13;
	v31 =	vadd.s32 v3, v30;
	s13 =	simm.s32 $0x1C580  }
0x343: {  	[tilespmem:s13], [sflag:$0x4] =	stream.indirect_vreg.gather [hbm4b:s8+s3], $0x80, v18, vm0, $0xb8;
	[tilespmem:$0x1E900] =	vst v63  }
0x344: {  	v33 =	vperm.xlane v17, v14;
	v18 =	vadd.s32 v3, v32;
	s13 =	simm.s32 $0x1C600  }
0x345: {  	[tilespmem:s13], [sflag:$0x4] =	stream.indirect_vreg.gather [hbm4b:s8+s3], $0x80, v19, vm0, $0xb8;
	[tilespmem:$0x1E900] =	vst v63  }
0x346: {  	v34 =	vperm.xlane v17, v15;
	v19 =	vadd.s32 v3, v33;
	s13 =	simm.s32 $0x1C680  }
0x347: {  	[tilespmem:s13], [sflag:$0x4] =	stream.indirect_vreg.gather [hbm4b:s8+s3], $0x80, v31, vm0, $0xb8;
	[tilespmem:$0x1E900] =	vst v63  }
0x348: {  	v17 =	vperm.xlane v17, v16;
	v35 =	vadd.s32 v3, v34;
	s13 =	simm.s32 $0x1C700  }
0x349: {  	[tilespmem:s13], [sflag:$0x4] =	stream.indirect_vreg.gather [hbm4b:s8+s3], $0x80, v18, vm0, $0xb8;
	[tilespmem:$0x1E900] =	vst v63  }
0x34a: {  	v17 =	vadd.s32 v3, v17;
	s13 =	simm.s32 $0x1C780  }
0x34b: {  	[tilespmem:s13], [sflag:$0x4] =	stream.indirect_vreg.gather [hbm4b:s8+s3], $0x80, v19, vm0, $0xb8;
	[tilespmem:$0x1E900] =	vst v63  }
0x34c: {  	s13 =	simm.s32 $0x1C800  }
0x34d: {  	[tilespmem:s13], [sflag:$0x4] =	stream.indirect_vreg.gather [hbm4b:s8+s3], $0x80, v35, vm0, $0xb8;
	[tilespmem:$0x1E900] =	vst v63  }
0x34e: {  	s13 =	simm.s32 $0x1C880  }
0x34f: {  	[tilespmem:s13], [sflag:$0x4] =	stream.indirect_vreg.gather [hbm4b:s8+s3], $0x80, v17, vm0, $0xb8;
	[tilespmem:$0x1E900] =	vst v63  }
0x350: {  	v17 =	vld [tilespmem:s9+$0x13A40];
	_ =	sdelay $0x4  }
0x351: {  	v18 =	vshll.u32 v17, $0x1  }
0x352: {  	v17 =	vand.u32 $0x7, v17;
	v18 =	vand.u32 $0xFFFFFFF0, v18  }
0x353: {  	v17 =	vor.u32 v17, v18  }
0x354: {  	v18 =	vperm.xlane v17, v2;
	_ =	sdelay $0x1  }
0x355: {  	v19 =	vperm.xlane v17, v1;
	v18 =	vadd.s32 v3, v18;
	_ =	sdelay $0x1  }
0x356: {  	v36 =	vperm.xlane v17, v4;
	v19 =	vadd.s32 v3, v19;
	_ =	sdelay $0x1  }
0x357: {  	s13 =	simm.s32 $0x1C900;
	v37 =	vperm.xlane v17, v5;
	v20 =	vadd.s32 v3, v36  }
0x358: {  	[tilespmem:s13], [sflag:$0x4] =	stream.indirect_vreg.gather [hbm4b:s8+s3], $0x80, v18, vm0, $0xb8;
	[tilespmem:$0x1E900] =	vst v63  }
0x359: {  	v38 =	vperm.xlane v17, v6;
	v18 =	vadd.s32 v3, v37;
	s13 =	simm.s32 $0x1C980  }
0x35a: {  	[tilespmem:s13], [sflag:$0x4] =	stream.indirect_vreg.gather [hbm4b:s8+s3], $0x80, v19, vm0, $0xb8;
	[tilespmem:$0x1E900] =	vst v63  }
0x35b: {  	v39 =	vperm.xlane v17, v7;
	v19 =	vadd.s32 v3, v38;
	s13 =	simm.s32 $0x1CA00  }
0x35c: {  	[tilespmem:s13], [sflag:$0x4] =	stream.indirect_vreg.gather [hbm4b:s8+s3], $0x80, v20, vm0, $0xb8;
	[tilespmem:$0x1E900] =	vst v63  }
0x35d: {  	v41 =	vperm.xlane v17, v8;
	v40 =	vadd.s32 v3, v39;
	s13 =	simm.s32 $0x1CA80  }
0x35e: {  	[tilespmem:s13], [sflag:$0x4] =	stream.indirect_vreg.gather [hbm4b:s8+s3], $0x80, v18, vm0, $0xb8;
	[tilespmem:$0x1E900] =	vst v63  }
0x35f: {  	v42 =	vperm.xlane v17, v0;
	v18 =	vadd.s32 v3, v41;
	s13 =	simm.s32 $0x1CB00  }
0x360: {  	[tilespmem:s13], [sflag:$0x4] =	stream.indirect_vreg.gather [hbm4b:s8+s3], $0x80, v19, vm0, $0xb8;
	[tilespmem:$0x1E900] =	vst v63  }
0x361: {  	v43 =	vperm.xlane v17, v9;
	v19 =	vadd.s32 v3, v42;
	s13 =	simm.s32 $0x1CB80  }
0x362: {  	[tilespmem:s13], [sflag:$0x4] =	stream.indirect_vreg.gather [hbm4b:s8+s3], $0x80, v40, vm0, $0xb8;
	[tilespmem:$0x1E900] =	vst v63  }
0x363: {  	v45 =	vperm.xlane v17, v10;
	v44 =	vadd.s32 v3, v43;
	s13 =	simm.s32 $0x1CC00  }
0x364: {  	[tilespmem:s13], [sflag:$0x4] =	stream.indirect_vreg.gather [hbm4b:s8+s3], $0x80, v18, vm0, $0xb8;
	[tilespmem:$0x1E900] =	vst v63  }
0x365: {  	v46 =	vperm.xlane v17, v11;
	v18 =	vadd.s32 v3, v45;
	s13 =	simm.s32 $0x1CC80  }
0x366: {  	[tilespmem:s13], [sflag:$0x4] =	stream.indirect_vreg.gather [hbm4b:s8+s3], $0x80, v19, vm0, $0xb8;
	[tilespmem:$0x1E900] =	vst v63  }
0x367: {  	v47 =	vperm.xlane v17, v12;
	v19 =	vadd.s32 v3, v46;
	s13 =	simm.s32 $0x1CD00  }
0x368: {  	[tilespmem:s13], [sflag:$0x4] =	stream.indirect_vreg.gather [hbm4b:s8+s3], $0x80, v44, vm0, $0xb8;
	[tilespmem:$0x1E900] =	vst v63  }
0x369: {  	v49 =	vperm.xlane v17, v13;
	v48 =	vadd.s32 v3, v47;
	s13 =	simm.s32 $0x1CD80  }
0x36a: {  	[tilespmem:s13], [sflag:$0x4] =	stream.indirect_vreg.gather [hbm4b:s8+s3], $0x80, v18, vm0, $0xb8;
	[tilespmem:$0x1E900] =	vst v63  }
0x36b: {  	v50 =	vperm.xlane v17, v14;
	v18 =	vadd.s32 v3, v49;
	s13 =	simm.s32 $0x1CE00  }
0x36c: {  	[tilespmem:s13], [sflag:$0x4] =	stream.indirect_vreg.gather [hbm4b:s8+s3], $0x80, v19, vm0, $0xb8;
	[tilespmem:$0x1E900] =	vst v63  }
0x36d: {  	v51 =	vperm.xlane v17, v15;
	v19 =	vadd.s32 v3, v50;
	s13 =	simm.s32 $0x1CE80  }
0x36e: {  	[tilespmem:s13], [sflag:$0x4] =	stream.indirect_vreg.gather [hbm4b:s8+s3], $0x80, v48, vm0, $0xb8;
	[tilespmem:$0x1E900] =	vst v63  }
0x36f: {  	v17 =	vperm.xlane v17, v16;
	v52 =	vadd.s32 v3, v51;
	s13 =	simm.s32 $0x1CF00  }
0x370: {  	[tilespmem:s13], [sflag:$0x4] =	stream.indirect_vreg.gather [hbm4b:s8+s3], $0x80, v18, vm0, $0xb8;
	[tilespmem:$0x1E900] =	vst v63  }
0x371: {  	v17 =	vadd.s32 v3, v17;
	s13 =	simm.s32 $0x1CF80  }
0x372: {  	[tilespmem:s13], [sflag:$0x4] =	stream.indirect_vreg.gather [hbm4b:s8+s3], $0x80, v19, vm0, $0xb8;
	[tilespmem:$0x1E900] =	vst v63  }
0x373: {  	s13 =	simm.s32 $0x1D000  }
0x374: {  	[tilespmem:s13], [sflag:$0x4] =	stream.indirect_vreg.gather [hbm4b:s8+s3], $0x80, v52, vm0, $0xb8;
	[tilespmem:$0x1E900] =	vst v63  }
0x375: {  	s13 =	simm.s32 $0x1D080  }
0x376: {  	[tilespmem:s13], [sflag:$0x4] =	stream.indirect_vreg.gather [hbm4b:s8+s3], $0x80, v17, vm0, $0xb8;
	[tilespmem:$0x1E900] =	vst v63  }
0x377: {  	v17 =	vld [tilespmem:s9+$0x13A50];
	_ =	sdelay $0x4  }
0x378: {  	v18 =	vshll.u32 v17, $0x1  }
0x379: {  	v17 =	vand.u32 $0x7, v17;
	v18 =	vand.u32 $0xFFFFFFF0, v18  }
0x37a: {  	v17 =	vor.u32 v17, v18  }
0x37b: {  	v18 =	vperm.xlane v17, v2;
	_ =	sdelay $0x1  }
0x37c: {  	v19 =	vperm.xlane v17, v1;
	v18 =	vadd.s32 v3, v18;
	_ =	sdelay $0x1  }
0x37d: {  	v53 =	vperm.xlane v17, v4;
	v19 =	vadd.s32 v3, v19;
	_ =	sdelay $0x1  }
0x37e: {  	s13 =	simm.s32 $0x1D100;
	v54 =	vperm.xlane v17, v5;
	v20 =	vadd.s32 v3, v53  }
0x37f: {  	[tilespmem:s13], [sflag:$0x4] =	stream.indirect_vreg.gather [hbm4b:s8+s3], $0x80, v18, vm0, $0xb8;
	[tilespmem:$0x1E900] =	vst v63  }
0x380: {  	v55 =	vperm.xlane v17, v6;
	v18 =	vadd.s32 v3, v54;
	s13 =	simm.s32 $0x1D180  }
0x381: {  	[tilespmem:s13], [sflag:$0x4] =	stream.indirect_vreg.gather [hbm4b:s8+s3], $0x80, v19, vm0, $0xb8;
	[tilespmem:$0x1E900] =	vst v63  }
0x382: {  	v56 =	vperm.xlane v17, v7;
	v19 =	vadd.s32 v3, v55;
	s13 =	simm.s32 $0x1D200  }
0x383: {  	[tilespmem:s13], [sflag:$0x4] =	stream.indirect_vreg.gather [hbm4b:s8+s3], $0x80, v20, vm0, $0xb8;
	[tilespmem:$0x1E900] =	vst v63  }
0x384: {  	v58 =	vperm.xlane v17, v8;
	v57 =	vadd.s32 v3, v56;
	s13 =	simm.s32 $0x1D280  }
0x385: {  	[tilespmem:s13], [sflag:$0x4] =	stream.indirect_vreg.gather [hbm4b:s8+s3], $0x80, v18, vm0, $0xb8;
	[tilespmem:$0x1E900] =	vst v63  }
0x386: {  	v59 =	vperm.xlane v17, v0;
	v18 =	vadd.s32 v3, v58;
	s13 =	simm.s32 $0x1D300  }
0x387: {  	[tilespmem:s13], [sflag:$0x4] =	stream.indirect_vreg.gather [hbm4b:s8+s3], $0x80, v19, vm0, $0xb8;
	[tilespmem:$0x1E900] =	vst v63  }
0x388: {  	v60 =	vperm.xlane v17, v9;
	v19 =	vadd.s32 v3, v59;
	s13 =	simm.s32 $0x1D380  }
0x389: {  	[tilespmem:s13], [sflag:$0x4] =	stream.indirect_vreg.gather [hbm4b:s8+s3], $0x80, v57, vm0, $0xb8;
	[tilespmem:$0x1E900] =	vst v63  }
0x38a: {  	v62 =	vperm.xlane v17, v10;
	v61 =	vadd.s32 v3, v60;
	s13 =	simm.s32 $0x1D400  }
0x38b: {  	[tilespmem:s13], [sflag:$0x4] =	stream.indirect_vreg.gather [hbm4b:s8+s3], $0x80, v18, vm0, $0xb8;
	[tilespmem:$0x1E900] =	vst v63  }
0x38c: {  	v63 =	vperm.xlane v17, v11;
	v18 =	vadd.s32 v3, v62;
	s13 =	simm.s32 $0x1D480  }
0x38d: {  	[tilespmem:s13], [sflag:$0x4] =	stream.indirect_vreg.gather [hbm4b:s8+s3], $0x80, v19, vm0, $0xb8;
	[tilespmem:$0x1E900] =	vst v63  }
0x38e: {  	v24 =	vperm.xlane v17, v12;
	v19 =	vadd.s32 v3, v63;
	s13 =	simm.s32 $0x1D500  }
0x38f: {  	[tilespmem:s13], [sflag:$0x4] =	stream.indirect_vreg.gather [hbm4b:s8+s3], $0x80, v61, vm0, $0xb8;
	[tilespmem:$0x1E900] =	vst v63  }
0x390: {  	v26 =	vperm.xlane v17, v13;
	v25 =	vadd.s32 v3, v24;
	s13 =	simm.s32 $0x1D580  }
0x391: {  	[tilespmem:s13], [sflag:$0x4] =	stream.indirect_vreg.gather [hbm4b:s8+s3], $0x80, v18, vm0, $0xb8;
	[tilespmem:$0x1E900] =	vst v63  }
0x392: {  	v27 =	vperm.xlane v17, v14;
	v18 =	vadd.s32 v3, v26;
	s13 =	simm.s32 $0x1D600  }
0x393: {  	[tilespmem:s13], [sflag:$0x4] =	stream.indirect_vreg.gather [hbm4b:s8+s3], $0x80, v19, vm0, $0xb8;
	[tilespmem:$0x1E900] =	vst v63  }
0x394: {  	v28 =	vperm.xlane v17, v15;
	v19 =	vadd.s32 v3, v27;
	s13 =	simm.s32 $0x1D680  }
0x395: {  	[tilespmem:s13], [sflag:$0x4] =	stream.indirect_vreg.gather [hbm4b:s8+s3], $0x80, v25, vm0, $0xb8;
	[tilespmem:$0x1E900] =	vst v63  }
0x396: {  	v17 =	vperm.xlane v17, v16;
	v29 =	vadd.s32 v3, v28;
	s13 =	simm.s32 $0x1D700  }
0x397: {  	[tilespmem:s13], [sflag:$0x4] =	stream.indirect_vreg.gather [hbm4b:s8+s3], $0x80, v18, vm0, $0xb8;
	[tilespmem:$0x1E900] =	vst v63  }
0x398: {  	v17 =	vadd.s32 v3, v17;
	s13 =	simm.s32 $0x1D780  }
0x399: {  	[tilespmem:s13], [sflag:$0x4] =	stream.indirect_vreg.gather [hbm4b:s8+s3], $0x80, v19, vm0, $0xb8;
	[tilespmem:$0x1E900] =	vst v63  }
0x39a: {  	s13 =	simm.s32 $0x1D800  }
0x39b: {  	[tilespmem:s13], [sflag:$0x4] =	stream.indirect_vreg.gather [hbm4b:s8+s3], $0x80, v29, vm0, $0xb8;
	[tilespmem:$0x1E900] =	vst v63  }
0x39c: {  	s13 =	simm.s32 $0x1D880  }
0x39d: {  	[tilespmem:s13], [sflag:$0x4] =	stream.indirect_vreg.gather [hbm4b:s8+s3], $0x80, v17, vm0, $0xb8;
	[tilespmem:$0x1E900] =	vst v63  }
0x39e: {  	v17 =	vld [tilespmem:s9+$0x13A60];
	_ =	sdelay $0x4  }
0x39f: {  	v18 =	vshll.u32 v17, $0x1  }
0x3a0: {  	v17 =	vand.u32 $0x7, v17;
	v18 =	vand.u32 $0xFFFFFFF0, v18  }
0x3a1: {  	v17 =	vor.u32 v17, v18  }
0x3a2: {  	v18 =	vperm.xlane v17, v2;
	_ =	sdelay $0x1  }
0x3a3: {  	v19 =	vperm.xlane v17, v1;
	v18 =	vadd.s32 v3, v18;
	_ =	sdelay $0x1  }
0x3a4: {  	v30 =	vperm.xlane v17, v4;
	v19 =	vadd.s32 v3, v19;
	_ =	sdelay $0x1  }
0x3a5: {  	s13 =	simm.s32 $0x1D900;
	v31 =	vperm.xlane v17, v5;
	v20 =	vadd.s32 v3, v30  }
0x3a6: {  	[tilespmem:s13], [sflag:$0x4] =	stream.indirect_vreg.gather [hbm4b:s8+s3], $0x80, v18, vm0, $0xb8;
	[tilespmem:$0x1E900] =	vst v63  }
0x3a7: {  	v32 =	vperm.xlane v17, v6;
	v18 =	vadd.s32 v3, v31;
	s13 =	simm.s32 $0x1D980  }
0x3a8: {  	[tilespmem:s13], [sflag:$0x4] =	stream.indirect_vreg.gather [hbm4b:s8+s3], $0x80, v19, vm0, $0xb8;
	[tilespmem:$0x1E900] =	vst v63  }
0x3a9: {  	v33 =	vperm.xlane v17, v7;
	v19 =	vadd.s32 v3, v32;
	s13 =	simm.s32 $0x1DA00  }
0x3aa: {  	[tilespmem:s13], [sflag:$0x4] =	stream.indirect_vreg.gather [hbm4b:s8+s3], $0x80, v20, vm0, $0xb8;
	[tilespmem:$0x1E900] =	vst v63  }
0x3ab: {  	v35 =	vperm.xlane v17, v8;
	v34 =	vadd.s32 v3, v33;
	s13 =	simm.s32 $0x1DA80  }
0x3ac: {  	[tilespmem:s13], [sflag:$0x4] =	stream.indirect_vreg.gather [hbm4b:s8+s3], $0x80, v18, vm0, $0xb8;
	[tilespmem:$0x1E900] =	vst v63  }
0x3ad: {  	v36 =	vperm.xlane v17, v0;
	v18 =	vadd.s32 v3, v35  }
0x3ae: {  	[tilespmem:s29], [sflag:$0x4] =	stream.indirect_vreg.gather [hbm4b:s8+s3], $0x80, v19, vm0, $0xb8;
	[tilespmem:$0x1E900] =	vst v63  }
0x3af: {  	v37 =	vperm.xlane v17, v9;
	v19 =	vadd.s32 v3, v36  }
0x3b0: {  	[tilespmem:s30], [sflag:$0x4] =	stream.indirect_vreg.gather [hbm4b:s8+s3], $0x80, v34, vm0, $0xb8;
	[tilespmem:$0x1E900] =	vst v63  }
0x3b1: {  	v39 =	vperm.xlane v17, v10;
	v38 =	vadd.s32 v3, v37  }
0x3b2: {  	[tilespmem:s31], [sflag:$0x4] =	stream.indirect_vreg.gather [hbm4b:s8+s3], $0x80, v18, vm0, $0xb8;
	[tilespmem:$0x1E900] =	vst v63  }
0x3b3: {  	v40 =	vperm.xlane v17, v11;
	v18 =	vadd.s32 v3, v39  }
0x3b4: {  	[tilespmem:s1], [sflag:$0x4] =	stream.indirect_vreg.gather [hbm4b:s8+s3], $0x80, v19, vm0, $0xb8;
	[tilespmem:$0x1E900] =	vst v63  }
0x3b5: {  	v41 =	vperm.xlane v17, v12;
	v19 =	vadd.s32 v3, v40  }
0x3b6: {  	[tilespmem:s0], [sflag:$0x4] =	stream.indirect_vreg.gather [hbm4b:s8+s3], $0x80, v38, vm0, $0xb8;
	[tilespmem:$0x1E900] =	vst v63  }
0x3b7: {  	v43 =	vperm.xlane v17, v13;
	v42 =	vadd.s32 v3, v41  }
0x3b8: {  	[tilespmem:s16], [sflag:$0x4] =	stream.indirect_vreg.gather [hbm4b:s8+s3], $0x80, v18, vm0, $0xb8;
	[tilespmem:$0x1E900] =	vst v63  }
0x3b9: {  	v44 =	vperm.xlane v17, v14;
	v18 =	vadd.s32 v3, v43  }
0x3ba: {  	[tilespmem:s24], [sflag:$0x4] =	stream.indirect_vreg.gather [hbm4b:s8+s3], $0x80, v19, vm0, $0xb8;
	[tilespmem:$0x1E900] =	vst v63  }
0x3bb: {  	v45 =	vperm.xlane v17, v15;
	v19 =	vadd.s32 v3, v44  }
0x3bc: {  	[tilespmem:s17], [sflag:$0x4] =	stream.indirect_vreg.gather [hbm4b:s8+s3], $0x80, v42, vm0, $0xb8;
	[tilespmem:$0x1E900] =	vst v63  }
0x3bd: {  	v17 =	vperm.xlane v17, v16;
	v46 =	vadd.s32 v3, v45  }
0x3be: {  	[tilespmem:s19], [sflag:$0x4] =	stream.indirect_vreg.gather [hbm4b:s8+s3], $0x80, v18, vm0, $0xb8;
	[tilespmem:$0x1E900] =	vst v63  }
0x3bf: {  	v17 =	vadd.s32 v3, v17  }
0x3c0: {  	[tilespmem:s12], [sflag:$0x4] =	stream.indirect_vreg.gather [hbm4b:s8+s3], $0x80, v19, vm0, $0xb8;
	[tilespmem:$0x1E900] =	vst v63  }
0x3c1: {  	s13 =	simm.s32 $0x1E000  }
0x3c2: {  	[tilespmem:s13], [sflag:$0x4] =	stream.indirect_vreg.gather [hbm4b:s8+s3], $0x80, v46, vm0, $0xb8;
	[tilespmem:$0x1E900] =	vst v63  }
0x3c3: {  	s13 =	simm.s32 $0x1E080  }
0x3c4: {  	[tilespmem:s13], [sflag:$0x4] =	stream.indirect_vreg.gather [hbm4b:s8+s3], $0x80, v17, vm0, $0xb8;
	[tilespmem:$0x1E900] =	vst v63  }
0x3c5: {  	v17 =	vld [tilespmem:s9+$0x13A70];
	_ =	sdelay $0x4  }
0x3c6: {  	v18 =	vshll.u32 v17, $0x1  }
0x3c7: {  	v17 =	vand.u32 $0x7, v17;
	v18 =	vand.u32 $0xFFFFFFF0, v18  }
0x3c8: {  	v17 =	vor.u32 v17, v18  }
0x3c9: {  	v18 =	vperm.xlane v17, v2;
	_ =	sdelay $0x1  }
0x3ca: {  	v19 =	vperm.xlane v17, v1;
	v18 =	vadd.s32 v3, v18;
	_ =	sdelay $0x1  }
0x3cb: {  	v47 =	vperm.xlane v17, v4;
	v19 =	vadd.s32 v3, v19;
	_ =	sdelay $0x1  }
0x3cc: {  	s13 =	simm.s32 $0x1E100;
	v48 =	vperm.xlane v17, v5;
	v20 =	vadd.s32 v3, v47  }
0x3cd: {  	[tilespmem:s13], [sflag:$0x4] =	stream.indirect_vreg.gather [hbm4b:s8+s3], $0x80, v18, vm0, $0xb8;
	[tilespmem:$0x1E900] =	vst v63  }
0x3ce: {  	v49 =	vperm.xlane v17, v6;
	v18 =	vadd.s32 v3, v48;
	s13 =	simm.s32 $0x1E180  }
0x3cf: {  	[tilespmem:s13], [sflag:$0x4] =	stream.indirect_vreg.gather [hbm4b:s8+s3], $0x80, v19, vm0, $0xb8;
	[tilespmem:$0x1E900] =	vst v63  }
0x3d0: {  	v50 =	vperm.xlane v17, v7;
	v19 =	vadd.s32 v3, v49;
	s13 =	simm.s32 $0x1E200  }
0x3d1: {  	[tilespmem:s13], [sflag:$0x4] =	stream.indirect_vreg.gather [hbm4b:s8+s3], $0x80, v20, vm0, $0xb8;
	[tilespmem:$0x1E900] =	vst v63  }
0x3d2: {  	v52 =	vperm.xlane v17, v8;
	v51 =	vadd.s32 v3, v50;
	s13 =	simm.s32 $0x1E280  }
0x3d3: {  	[tilespmem:s13], [sflag:$0x4] =	stream.indirect_vreg.gather [hbm4b:s8+s3], $0x80, v18, vm0, $0xb8;
	[tilespmem:$0x1E900] =	vst v63  }
0x3d4: {  	v53 =	vperm.xlane v17, v0;
	v18 =	vadd.s32 v3, v52;
	s13 =	simm.s32 $0x1E300  }
0x3d5: {  	[tilespmem:s13], [sflag:$0x4] =	stream.indirect_vreg.gather [hbm4b:s8+s3], $0x80, v19, vm0, $0xb8;
	[tilespmem:$0x1E900] =	vst v63  }
0x3d6: {  	v54 =	vperm.xlane v17, v9;
	v19 =	vadd.s32 v3, v53;
	s13 =	simm.s32 $0x1E380  }
0x3d7: {  	[tilespmem:s13], [sflag:$0x4] =	stream.indirect_vreg.gather [hbm4b:s8+s3], $0x80, v51, vm0, $0xb8;
	[tilespmem:$0x1E900] =	vst v63  }
0x3d8: {  	v56 =	vperm.xlane v17, v10;
	v55 =	vadd.s32 v3, v54;
	s13 =	simm.s32 $0x1E400  }
0x3d9: {  	[tilespmem:s13], [sflag:$0x4] =	stream.indirect_vreg.gather [hbm4b:s8+s3], $0x80, v18, vm0, $0xb8;
	[tilespmem:$0x1E900] =	vst v63  }
0x3da: {  	v57 =	vperm.xlane v17, v11;
	v18 =	vadd.s32 v3, v56;
	s13 =	simm.s32 $0x1E480  }
0x3db: {  	[tilespmem:s13], [sflag:$0x4] =	stream.indirect_vreg.gather [hbm4b:s8+s3], $0x80, v19, vm0, $0xb8;
	[tilespmem:$0x1E900] =	vst v63  }
0x3dc: {  	v58 =	vperm.xlane v17, v12;
	v19 =	vadd.s32 v3, v57  }
0x3dd: {  	[tilespmem:s22], [sflag:$0x4] =	stream.indirect_vreg.gather [hbm4b:s8+s3], $0x80, v55, vm0, $0xb8;
	[tilespmem:$0x1E900] =	vst v63  }
0x3de: {  	v60 =	vperm.xlane v17, v13;
	v59 =	vadd.s32 v3, v58  }
0x3df: {  	[tilespmem:s23], [sflag:$0x4] =	stream.indirect_vreg.gather [hbm4b:s8+s3], $0x80, v18, vm0, $0xb8;
	[tilespmem:$0x1E900] =	vst v63  }
0x3e0: {  	v61 =	vperm.xlane v17, v14;
	v18 =	vadd.s32 v3, v60  }
0x3e1: {  	[tilespmem:s18], [sflag:$0x4] =	stream.indirect_vreg.gather [hbm4b:s8+s3], $0x80, v19, vm0, $0xb8;
	[tilespmem:$0x1E900] =	vst v63  }
0x3e2: {  	v62 =	vperm.xlane v17, v15;
	v19 =	vadd.s32 v3, v61  }
0x3e3: {  	[tilespmem:s7], [sflag:$0x4] =	stream.indirect_vreg.gather [hbm4b:s8+s3], $0x80, v59, vm0, $0xb8;
	[tilespmem:$0x1E900] =	vst v63  }
0x3e4: {  	v17 =	vperm.xlane v17, v16;
	v63 =	vadd.s32 v3, v62  }
0x3e5: {  	[tilespmem:s25], [sflag:$0x4] =	stream.indirect_vreg.gather [hbm4b:s8+s3], $0x80, v18, vm0, $0xb8;
	[tilespmem:$0x1E900] =	vst v63  }
0x3e6: {  	v17 =	vadd.s32 v3, v17  }
0x3e7: {  	[tilespmem:s26], [sflag:$0x4] =	stream.indirect_vreg.gather [hbm4b:s8+s3], $0x80, v19, vm0, $0xb8;
	[tilespmem:$0x1E900] =	vst v63  }
0x3e8: {  	_ = 	snop  }
0x3e9: {  	[tilespmem:s2], [sflag:$0x4] =	stream.indirect_vreg.gather [hbm4b:s8+s3], $0x80, v63, vm0, $0xb8;
	[tilespmem:$0x1E900] =	vst v63  }
0x3ea: {  	_ = 	snop  }
0x3eb: {  	[tilespmem:s10], [sflag:$0x4] =	stream.indirect_vreg.gather [hbm4b:s8+s3], $0x80, v17, vm0, $0xb8;
	[tilespmem:$0x1E900] =	vst v63  }
0x3ec: {  	s6 =	sadd.s32 $0x300, s6;
	_ =	swait.ge [sflag:s4], $0x3000  }
0x3ed: {  	p1 =	sne.s32 s6, $0x9C00;
	[sflag:s4] =	ssyncset.done $0x0  }
.Ltmp0:
0x3ee: {  	s9 =	sadd.s32 $0x161C0, s9;
	[sflag:s4] =	ssyncadd.s32 $0xFFFFD000;
	(pc) =	sbr.rel @p1 .LBB2_2-.Ltmp0, $4  }
0x3ef: {  	[spmem:s28] =	stream.indirect.scatter.add.f32 [tilespmem:s15], [sflag:$0x5], $0x80, s9, s20, $0xb8;
	[tilespmem:$0x1E900] =	vst v63  }
0x3f0: {  	_ =	swait.ge [sflag:s21], $0x3000  }
0x3f1: {  	[sflag:s21] =	ssyncset.done $0x0  }
0x3f2: {  	s14 =	simm.s32 $0x1B900;
	[sflag:s21] =	ssyncadd.s32 $0xFFFFD000  }
0x3f3: {  	_ =	swait.ge [sflag:s5], $0x3000  }
0x3f4: {  	[sflag:s5] =	ssyncset.done $0x0  }
0x3f5: {  	s6 =	sshra.s32 s6, $0x2;
	[sflag:s5] =	ssyncadd.s32 $0xFFFFD000  }
0x3f6: {  	s6 =	sadd.s32 $0x16160, s6;
	s0 =	rddreg [dreg:$0x2]  }
0x3f7: {  	[spmem:s0] =	stream.indirect.scatter.add.f32 [tilespmem:s14], [sflag:$0x5], $0x80, s6, s20, $0xb8;
	[tilespmem:$0x1E900] =	vst v63  }
0x3f8: {  	_ =	swait.ge [sflag:s21], $0x3000  }
0x3f9: {  	[sflag:s21] =	ssyncset.done $0x0  }
0x3fa: {  	[sflag:s21] =	ssyncadd.s32 $0xFFFFD000  }
0x3fb: {  	[bflag:$0x0] =	sbarrier.arrive $0xFFFF  }
0x3fc: {  	s12 =	rddreg [dreg:$0x7]  }
0x3fd: {  	s9 =	simm.s32 $0x80;
	s19 =	rddreg [dreg:$0xa]  }
0x3fe: {  	s23 =	simm.s32 $0x8;
	s2 =	simm.s32 $0x100;
	s22 =	rddreg [dreg:$0xd]  }
0x3ff: {  	[hbm:s19@s2], [sflag:s12] =	dma.strided [spmem:s22@s9], $0x2700, s23, $0x10   }
0x400: {  	s11 =	simm.s32 @!p0 $0x80;
	_ =	swait.ge [sflag:s21], $0x2700  }
0x401: {  	s6 =	simm.s32 @!p0 $0x8;
	[sflag:s21] =	ssyncset.done $0x0;
	s13 =	rddreg [dreg:$0xb]  }
0x402: {  	s9 =	simm.s32 @!p0 $0x100;
	s0 =	rddreg [dreg:$0xf];
	[sflag:s21] =	ssyncadd.s32 $0xFFFFD900  }
0x403: {  	[hbm:s13@s9], [sflag:s12] =	dma.strided @!p0 [spmem:s0@s11], $0x100, s6, $0x10   }
0x404: {  	s6 =	simm.s32 @!p0 $0x5  }
0x405: {  	_ =	swait.ge @!p0 [sflag:s6], $0x100  }
0x406: {  	s7 =	rddreg [dreg:$0xe]  }
0x407: {  	s24 =	rddreg [dreg:$0xc];
	s7 =	sadd.s32 $0x1, s7  }
0x408: {  	s28 =	simm.s32 $0x1DB00;
	p1 =	sne.s32 s7, s24  }
.Ltmp1:
0x409: {  	s29 =	simm.s32 $0x1DB80;
	s30 =	simm.s32 $0x1DC00;
	(pc) =	sbr.rel @p1 .LBB2_1-.Ltmp1, $4  }
0x40a: {  	s1 =	simm.s32 $0x1DC80;
	s16 =	simm.s32 $0x1DD80;
	s31 =	simm.s32 $0x18900  }
0x40b: {  	s15 =	simm.s32 $0x1DE80;
	s17 =	simm.s32 $0x1DF00;
	s19 =	simm.s32 $0x1DF80  }
0x40c: {  	s9 =	smov.u32 s12;
	s11 =	simm.s32 $0x80;
	[sflag:s6] =	ssyncset.done @!p0 $0x0  }
0x40d: {  	s0 =	simm.s32 $0x1DD00;
	[sflag:s6] =	ssyncadd.s32 @!p0 $0xFFFFFF00;
	s24 =	simm.s32 $0x1DE00  }
0x40e: {  	_ =	sfence.sel $0x180000  }
0x40f: {  	[bflag:$0x0] =	sbarrier.arrive $0xFFFF  }
0x410: {  	_ =	strace $0x9000004A  }
0x411: {  	s0 =	stileid.u32;
	[bflag:$0x2] =	sbarrier.arrive $0xFFFF  }
0x412: {  	p0 =	sne.s32 s0, $0x0;
	s0 =	rddreg [dreg:$0x3]  }
0x413: {  	s0 =	sadd.s32 @!p0 $0x100000, s0  }
0x414: {  	[sflag:s0] =	ssyncadd.tile.s32 @!p0 $0x1;
	_ =	shalt  }
.Lfunc_end2:
_tile_overlayer_lowered:
.L_overlay_start_2:
0x415: {  	(tag) =	ssettag $0x2  }
0x416: {  	s0 =	rddreg [dreg:$0x0];
	s2 =	stileid.u32  }
0x417: {  	s1 =	rddreg [dreg:$0x1];
	p0 =	sne.s32 s2, $0x0  }
0x418: {  	s3 =	rddreg [dreg:$0x2];
	[bflag:$0x3] =	sbarrier.arrive $0xFFFF;
	s2 =	simm.s32 @!p0 $0x1C05  }
0x419: {  	[timem:s3], [sflag:s2] =	dma.local @!p0 [hbm:s0], s1  }
0x41a: {  	s0 =	simm.s32 @!p0 $0x5  }
0x41b: {  	_ =	swait.ge @!p0 [sflag:s0], s1  }
0x41c: {  	s1 =	ssub.s32 @!p0 $0x0, s1;
	[sflag:s0] =	ssyncset.done @!p0 $0x0  }
0x41d: {  	[sflag:s0] =	ssyncadd.s32 @!p0 s1  }
0x41e: {  	[bflag:$0x3] =	sbarrier.arrive $0xFFFF  }
0x41f: {  	_ =	shalt  }

// kernel: kernel.8.cloned.1.call-start
scs
__scs_entry_jumppad:
0x0: {  	(pc) =	sbr.rel $0x88, $3  }
0x1: {  	(tag) =	ssettag $0x0;
	lr =	simm.s32 $0x1  }
0x2: {  	[smem:$0x3F95] =	sst lr;
	_ =	strace $0xD0000000  }
0x3: {  	_ = 	snop  }
0x4: {  	_ = 	snop  }
0x5: {  	_ = 	snop  }
0x6: {  	_ = 	snop  }
0x7: {  	_ = 	snop  }
__scs_overlays_trampoline_lowered:
0x8: {  	[smem:$0x3FA4] =	sst s0  }
0x9: {  	[smem:$0x3FA5] =	sst s1  }
0xa: {  	[smem:$0x3FA6] =	sst s2  }
0xb: {  	[smem:$0x3FA7] =	sst s3  }
0xc: {  	[smem:$0x3FA8] =	sst s4  }
0xd: {  	[smem:$0x3FA9] =	sst s5  }
0xe: {  	[smem:$0x3FAA] =	sst s6  }
0xf: {  	[smem:$0x3FAB] =	sst s7  }
0x10: {  	[smem:$0x3FAC] =	sst s8  }
0x11: {  	[smem:$0x3FAD] =	sst s9;
	s0 =	simm.s32 @!p0 $0x0  }
0x12: {  	s1 =	sld [smem:$0x3F93];
	s0 =	simm.s32 @p0 $0x1  }
0x13: {  	[smem:$0x3FAE] =	sst s0;
	s0 =	simm.s32 @!p1 $0x0  }
0x14: {  	s2 =	sld [smem:$0x3F92];
	s0 =	simm.s32 @p1 $0x1  }
0x15: {  	[smem:$0x3FAF] =	sst s0;
	s0 =	simm.s32 @!p2 $0x0  }
0x16: {  	s3 =	sld [smem:$0x3FDB];
	s0 =	simm.s32 @p2 $0x1  }
0x17: {  	s4 =	simm.s32 $0x1BF5;
	[smem:$0x3FB1] =	sst s0  }
0x18: {  	s0 =	sld [smem:$0x3F94];
	_ =	swait.ge [sflag:s4], $0x0  }
0x19: {  	s7 =	sld [smem:$0x3F95]  }
0x1a: {  	s8 =	sadd.s32 $0xFFFFE003, lr  }
0x1b: {  	s9 =	sadd.s32 $0xFFFFFEF7, lr;
	s5 =	simm.s32 $0xFFFFFFFF;
	p2 =	slt.u32 s8, $0xFFFFF086  }
0x1c: {  	p1 =	slt.u32 s9, $0xF7A;
	s5 =	simm.s32 @!p2 $0x0  }
0x1d: {  	s5 =	simm.s32 @p1 $0x1;
	p0 =	seq.s32 s7, s2  }
0x1e: {  	s7 =	smul.u32 @!p0 $0xF7A, s2;
	p2 =	seq.s32 @!p0 s5, $0x0  }
0x1f: {  	s9 =	smul.u32 $0xF7A, s1;
	s8 =	simm.s32 @!p0 $0x1BF5;
	p2 =	por !p2, p0  }
0x20: {  	[sflag:s8] =	ssyncset.s32 @!p0 $0xFFFFF086;
	s6 =	sadd.s32 @!p0 s3, s7;
	s7 =	simm.s32 @!p0 $0x108  }
0x21: {  	s3 =	sadd.s32 s3, s9;
	s6 =	sadd.s32 @!p0 $0x88, s6;
	s7 =	simm.s32 @p2 $0x1082  }
0x22: {  	[simem:s7], [sflag:s8] =	dma.local @!p0 [hbm:s6], $0xF7A  }
0x23: {  	s9 =	sor.u32 $0xD0000000, s2;
	s6 =	simm.s32 $0x108;
	_ =	swait.ge @!p0 [sflag:s8], $0x0  }
0x24: {  	s3 =	sadd.s32 $0x88, s3;
	s6 =	simm.s32 @!p1 $0x1082;
	[sflag:s4] =	ssyncset.s32 $0xFFFFF086  }
0x25: {  	[simem:s6], [sflag:s4] =	dma.local [hbm:s3], $0xF7A  }
0x26: {  	[smem:$0x3F95] =	sst s1;
	(tag) =	ssettag s2;
	_ =	strace s9  }
0x27: {  	s1 =	sld [smem:$0x3FA5]  }
0x28: {  	s2 =	sld [smem:$0x3FA6]  }
0x29: {  	s4 =	sld [smem:$0x3FA8]  }
0x2a: {  	p0 =	seq.s32 s5, $0x0;
	s5 =	sld [smem:$0x3FA9]  }
0x2b: {  	s6 =	sld [smem:$0x3FAA]  }
0x2c: {  	s7 =	sld [smem:$0x3FAB]  }
0x2d: {  	s3 =	simm.s32 $0x108;
	s8 =	sld [smem:$0x3FAC]  }
0x2e: {  	s3 =	simm.s32 @!p0 $0x1082;
	s9 =	sld [smem:$0x3FAD]  }
0x2f: {  	lr =	sadd.s32 s0, s3;
	s0 =	sld [smem:$0x3FA4]  }
0x30: {  	s3 =	sld [smem:$0x3FA7]  }
0x31: {  	[smem:$0x3FB0] =	sst s10  }
0x32: {  	s10 =	sld [smem:$0x3FAE];
	_ =	sdelay $0x3  }
0x33: {  	p0 =	seq.s32 s10, $0x1;
	s10 =	sld [smem:$0x3FB0];
	_ =	sdelay $0x3  }
0x34: {  	[smem:$0x3FB0] =	sst s10  }
0x35: {  	s10 =	sld [smem:$0x3FAF];
	_ =	sdelay $0x3  }
0x36: {  	p1 =	seq.s32 s10, $0x1;
	s10 =	sld [smem:$0x3FB0];
	_ =	sdelay $0x3  }
0x37: {  	[smem:$0x3FB0] =	sst s10  }
0x38: {  	s10 =	sld [smem:$0x3FB1]  }
0x39: {  	_ = 	snop;
	(pc) =	sbr.ind lr, $3  }
0x3a: {  	_ = 	snop  }
0x3b: {  	_ = 	snop  }
0x3c: {  	p2 =	seq.s32 s10, $0x1;
	s10 =	sld [smem:$0x3FB0]  }
0x3d: {  	_ =	shalt  }
0x3e: {  	_ =	shalt  }
0x3f: {  	_ =	shalt  }
0x40: {  	_ =	shalt  }
0x41: {  	_ =	shalt  }
0x42: {  	_ =	shalt  }
0x43: {  	_ =	shalt  }
0x44: {  	_ =	shalt  }
0x45: {  	_ =	shalt  }
0x46: {  	_ =	shalt  }
0x47: {  	_ =	shalt  }
0x48: {  	_ =	shalt  }
0x49: {  	_ =	shalt  }
0x4a: {  	_ =	shalt  }
0x4b: {  	_ =	shalt  }
0x4c: {  	_ =	shalt  }
0x4d: {  	_ =	shalt  }
0x4e: {  	_ =	shalt  }
0x4f: {  	_ =	shalt  }
0x50: {  	_ =	shalt  }
0x51: {  	_ =	shalt  }
0x52: {  	_ =	shalt  }
0x53: {  	_ =	shalt  }
0x54: {  	_ =	shalt  }
0x55: {  	_ =	shalt  }
0x56: {  	_ =	shalt  }
0x57: {  	_ =	shalt  }
0x58: {  	_ =	shalt  }
0x59: {  	_ =	shalt  }
0x5a: {  	_ =	shalt  }
0x5b: {  	_ =	shalt  }
0x5c: {  	_ =	shalt  }
0x5d: {  	_ =	shalt  }
0x5e: {  	_ =	shalt  }
0x5f: {  	_ =	shalt  }
0x60: {  	_ =	shalt  }
0x61: {  	_ =	shalt  }
0x62: {  	_ =	shalt  }
0x63: {  	_ =	shalt  }
0x64: {  	_ =	shalt  }
0x65: {  	_ =	shalt  }
0x66: {  	_ =	shalt  }
0x67: {  	_ =	shalt  }
0x68: {  	_ =	shalt  }
0x69: {  	_ =	shalt  }
0x6a: {  	_ =	shalt  }
0x6b: {  	_ =	shalt  }
0x6c: {  	_ =	shalt  }
0x6d: {  	_ =	shalt  }
0x6e: {  	_ =	shalt  }
0x6f: {  	_ =	shalt  }
0x70: {  	_ =	shalt  }
0x71: {  	_ =	shalt  }
0x72: {  	_ =	shalt  }
0x73: {  	_ =	shalt  }
0x74: {  	_ =	shalt  }
0x75: {  	_ =	shalt  }
0x76: {  	_ =	shalt  }
0x77: {  	_ =	shalt  }
0x78: {  	_ =	shalt  }
0x79: {  	_ =	shalt  }
0x7a: {  	_ =	shalt  }
0x7b: {  	_ =	shalt  }
0x7c: {  	_ =	shalt  }
0x7d: {  	_ =	shalt  }
0x7e: {  	_ =	shalt  }
0x7f: {  	_ =	shalt  }
0x80: {  	_ =	shalt  }
0x81: {  	_ =	shalt  }
0x82: {  	_ =	shalt  }
0x83: {  	_ =	shalt  }
0x84: {  	_ =	shalt  }
0x85: {  	_ =	shalt  }
0x86: {  	_ =	shalt  }
0x87: {  	_ =	shalt  }
.Lfunc_end0:
.L_simem_size_0:
called_computation_lowered:
.L_overlay_start_0:
0x88: {  	s2 =	sld [smem:$0x3FD9]  }
0x89: {  	s3 =	sld [smem:$0x3FFE];
	_ =	sdelay $0x1  }
0x8a: {  	s1 =	srdreg.scid  }
0x8b: {  	s0 =	sand.u32 $0x1, s1  }
0x8c: {  	s17 =	sshll.u32 s0, $0xA;
	s2 =	sadd.s32 s3, s2  }
0x8d: {  	s2 =	sadd.s32 s2, s17  }
0x8e: {  	[smem:$0x3FBC] =	sst s2  }
0x8f: {  	_ = 	snop  }
0x90: {  	s2 =	sld [smem:$0x3FC9]  }
0x91: {  	s18 =	sld [smem:$0x3FD0];
	(tm) =	ssettm $0x1  }
0x92: {  	s4 =	sld [smem:$0x3FFB];
	_ =	sdelay $0x3  }
0x93: {  	_ =	strace s4  }
0x94: {  	s4 =	sld [smem:$0x3FFC];
	_ =	sdelay $0x3  }
0x95: {  	_ =	strace s4  }
0x96: {  	s4 =	sld [smem:$0x3FFD];
	_ =	sdelay $0x3  }
0x97: {  	_ =	strace s4  }
0x98: {  	_ =	strace $0x8FFFFFFF  }
0x99: {  	s19 =	sld [smem:$0x3FDB];
	_ =	sdelay $0x1  }
0x9a: {  	s5 =	simm.s32 $_scs_section_size  }
0x9b: {  	s6 =	simm.s32 $_size__tile_overlayer_lowered;
	s7 =	simm.s32 $_tile_overlayer_lowered  }
0x9c: {  	s22 =	simm.s32 $0x1BFF;
	s21 =	sshll.u32 s7, $0x1;
	s4 =	sadd.s32 s5, s19  }
0x9d: {  	s8 =	simm.s32 $0x0;
	s20 =	sshll.u32 s6, $0x1;
	s6 =	sadd.s32 s21, s4  }
0x9e: {  	[timem:s8], [sflag:s22] =	dma.local [hbm:s6], s20  }
0x9f: {  	_ =	swait.ge [sflag:s22], s20  }
0xa0: {  	s5 =	ssub.s32 $0x0, s20;
	[sflag:s22] =	ssyncset.done $0x0  }
0xa1: {  	[sflag:s22] =	ssyncadd.s32 s5;
	_ =	sdelay $0x1  }
0xa2: {  	s23 =	simm.s32 $0x1B8B  }
0xa3: {  	_ =	swait.ge [sflag:s23], $0x1  }
0xa4: {  	[sflag:s23] =	ssyncset.done $0x0  }
0xa5: {  	s25 =	simm.s32 $0x1B8E;
	s24 =	sld [smem:$0x3FFE];
	[sflag:s23] =	ssyncadd.s32 $0xFFFFFFFF  }
0xa6: {  	s26 =	simm.s32 $execute0_lowered;
	[smem:$0x3FD2] =	sst s25  }
0xa7: {  	s6 =	sshll.u32 s26, $0x1;
	_ =	strace $0x80000046;
	[dreg:$0x1] =	wrdreg $0xFFFFFFFF  }
0xa8: {  	s28 =	simm.s32 $_size_execute0_lowered;
	s4 =	sadd.s32 s4, s6;
	[dreg:$0x0] =	wrdreg $0x0  }
0xa9: {  	s6 =	sshll.u32 s28, $0x1;
	[dreg:$0x2] =	wrdreg s4  }
0xaa: {  	[dreg:$0x3] =	wrdreg s6  }
0xab: {  	[dreg:$0x4] =	wrdreg $0xC0  }
0xac: {  	_ =	task [dreg:s8], $0x5FFFF  }
0xad: {  	[dreg:$0x1] =	wrdreg $0xFFFFFFFF  }
0xae: {  	[dreg:$0x0] =	wrdreg $0x60  }
0xaf: {  	[dreg:$0x2] =	wrdreg s2  }
0xb0: {  	[dreg:$0x3] =	wrdreg s24  }
0xb1: {  	[dreg:$0x4] =	wrdreg s18  }
0xb2: {  	[dreg:$0x5] =	wrdreg $0x0  }
0xb3: {  	[dreg:$0x6] =	wrdreg $0x9  }
0xb4: {  	_ =	task.clear_ibuf [dreg:s8], $0x7FFFF;
	_ =	strace $0x90000046  }
0xb5: {  	s29 =	simm.s32 $0x9;
	_ =	strace $0x80000048  }
0xb6: {  	_ =	swait.ge [sflag:s29], $0x1  }
0xb7: {  	[sflag:s29] =	ssyncadd.s32 $0xFFFFFFFF  }
0xb8: {  	_ =	strace $0x90000048  }
0xb9: {  	_ =	sfence  }
0xba: {  	s30 =	sld [smem:$0x0];
	_ =	sdelay $0x2  }
0xbb: {  	s31 =	sshll.u32 s1, $0xD;
	s1 =	sshrl.u32 s1, $0x2  }
0xbc: {  	s3 =	sand.u32 $0x4000, s31;
	s1 =	sadd.s32 s1, s30  }
0xbd: {  	s0 =	sor.u32 s3, s0;
	s1 =	sshll.u32 s1, $0x11  }
0xbe: {  	s0 =	sor.u32 s1, s0  }
0xbf: {  	s0 =	sadd.s32 $0x8F2B, s0  }
0xc0: {  	[sflag:s0] =	ssyncadd.remote.s32 $0x1  }
0xc1: {  	_ =	sfence.sel $0xFFFF  }
0xc2: {  	[dreg:$0x0] =	wrdreg $0xFFFFFFFF;
	(pc) =	sbr.abs _section_cstart, $3  }
0xc3: {  	[dreg:$0x1] =	wrdreg $0xFFFFFFFF  }
0xc4: {  	_ =	task.clear_ibuf [dreg:s8], $0x2FFFF;
	_ =	strace $0x9FFFFFFF  }
0xc5: {  	(tm) =	ssettm $0x7FFFFFFF  }
tec
execute0_lowered:
.L_overlay_start_1:
0x0: {  	(tag) =	ssettag $0x1  }
0x1: {  	s0 =	rddreg [dreg:$0x0]  }
0x2: {  	s1 =	rddreg [dreg:$0x1]  }
0x3: {  	s4 =	rddreg [dreg:$0x2]  }
0x4: {  	s2 =	rddreg [dreg:$0x3];
	s3 =	simm.s32 $0x0  }
0x5: {  	s11 =	stileid.u32;
	s7 =	srdreg.scid;
	s31 =	simm.s32 $0x18900  }
0x6: {  	s13 =	simm.s32 $0x1B900;
	s28 =	simm.s32 $0x1DB00;
	s29 =	simm.s32 $0x1DB80  }
0x7: {  	s30 =	simm.s32 $0x1DC00;
	s14 =	simm.s32 $0x1DE80;
	[smem:$0x7FF] =	sst s3  }
0x8: {  	s5 =	sshrl.u32 s11, $0x3;
	s6 =	sshll.u32 s11, $0x7;
	s8 =	smul.u32 $0x4E000, s11  }
0x9: {  	s7 =	sand.u32 $0x1, s7;
	s10 =	smul.u32 $0x27000, s11;
	s21 =	sshll.u32 s11, $0x6  }
0xa: {  	p0 =	sne.s32 s11, $0xF;
	s11 =	simm.s32 $0x80;
	s5 =	smul.u32 $0x14000, s5  }
0xb: {  	_ =	strace $0x80000047;
	s6 =	sand.u32 $0x380, s6;
	s15 =	ssub.s32 $0x2, s7  }
0xc: {  	s17 =	sshll.u32 s7, $0xA;
	s7 =	sshll.u32 s7, $0x7;
	s22 =	sor.u32 $0x1C05, s21  }
0xd: {  	s9 =	sshrl.u32 s15, $0x1;
	s8 =	sshrl.u32 s8, $0x2;
	s25 =	sadd.s32 s7, s4  }
0xe: {  	s5 =	sor.u32 s6, s5;
	s16 =	ssub.s32 s15, s9;
	s6 =	sor.u32 s17, s10  }
0xf: {  	s19 =	sadd.s32 s8, s2;
	s9 =	sadd.s32 $0x138000, s2;
	s8 =	sadd.s32 s0, s7  }
0x10: {  	s2 =	simm.s32 $0x8;
	s17 =	simm.s32 $0x100;
	s15 =	simm.s32 $0x1DD80  }
0x11: {  	s7 =	simm.s32 $0x0;
	s10 =	simm.s32 $0x1E880;
	s26 =	smax.u32 s16, $0x1  }
0x12: {  	s21 =	sshrl.u32 @!p0 s9, $0x3;
	s9 =	smov.u32 s22;
	[dreg:$0xc] =	wrdreg s26  }
0x13: {  	s5 =	sshrl.u32 s5, $0x3;
	s23 =	sshrl.u32 s19, $0x3;
	[dreg:$0x8] =	wrdreg s9  }
0x14: {  	s6 =	sshrl.u32 s6, $0x3;
	s16 =	simm.s32 $0x1DF00;
	[dreg:$0xd] =	wrdreg s23  }
0x15: {  	s19 =	simm.s32 $0x3;
	s20 =	sadd.s32 s0, s6;
	[dreg:$0xe] =	wrdreg s21  }
0x16: {  	v0 =	vimm.s32 $0x7;
	s1 =	sadd.s32 s5, s1;
	s0 =	sadd.s32 $0x4E000, s8;
	[dreg:$0x7] =	wrdreg s20  }
0x17: {  	v1 =	vimm.s32 $0x1;
	v2 =	vimm.s32 $0x0;
	v3 =	vlaneseq.u32;
	s24 =	sadd.s32 s4, s6;
	s4 =	simm.s32 $0x60;
	[dreg:$0x9] =	wrdreg s0  }
0x18: {  	vm0 =	vmmov $0x1;
	v4 =	vimm.s32 $0x2;
	v5 =	vimm.s32 $0x3;
	s5 =	simm.s32 $0x4;
	s18 =	sadd.s32 $0x1E00, s1;
	[dreg:$0xa] =	wrdreg s24  }
0x19: {  	v6 =	vimm.s32 $0x4;
	v7 =	vimm.s32 $0x5;
	v8 =	vimm.s32 $0x6;
	s26 =	simm.s32 $0x1E780;
	s1 =	sadd.s32 $0x6E00, s1;
	[dreg:$0x5] =	wrdreg s18  }
0x1a: {  	v9 =	vimm.s32 $0x8;
	v10 =	vimm.s32 $0x9;
	v11 =	vimm.s32 $0xA;
	s0 =	sadd.s32 $0x4E000, s25;
	s20 =	simm.s32 $0x5;
	[dreg:$0x6] =	wrdreg s1  }
0x1b: {  	v12 =	vimm.s32 $0xB;
	v13 =	vimm.s32 $0xC;
	v14 =	vimm.s32 $0xD;
	s24 =	simm.s32 $0x1DE00;
	s25 =	simm.s32 $0x1E700;
	[dreg:$0xb] =	wrdreg s0  }
0x1c: {  	v15 =	vimm.s32 $0xE;
	v16 =	vimm.s32 $0xF;
	v3 =	vmul.u32 $0x8, v3;
	s0 =	simm.s32 $0x1DC80;
	s1 =	simm.s32 $0x1DD00;
	s18 =	simm.s32 $0x1DF80  }
.LBB2_1:
0x1d: {  	[dreg:$0xf] =	wrdreg s7  }
0x1e: {  	s6 =	rddreg [dreg:$0x5];
	s12 =	simm.s32 $0x400;
	s22 =	simm.s32 $0x13900  }
0x1f: {  	[tilespmem:s22], [sflag:$0x1] =	stream.strided.gather [hbm4b:s6+s11], $0x2800, s12, s11, $0x38;
	[tilespmem:$0x1E900] =	vst v63  }
0x20: {  	s7 =	rddreg [dreg:$0x6];
	s22 =	simm.s32 $0x16100  }
0x21: {  	[tilespmem:s22], [sflag:$0x2] =	stream.strided.gather [hbm4b:s7+s11], $0x2800, s12, s11, $0x38;
	[tilespmem:$0x1E900] =	vst v63  }
0x22: {  	s22 =	rddreg [dreg:$0x7]  }
0x23: {  	[spmem:s23@s11], [sflag:s9] =	dma.strided [hbm:s22@s17], $0x2700, s2, $0x10   }
0x24: {  	_ =	swait.ge [sflag:s20], $0x2700  }
0x25: {  	s6 =	simm.s32 @!p0 $0x8;
	s12 =	simm.s32 @!p0 $0x80;
	[sflag:s20] =	ssyncset.done $0x0  }
0x26: {  	s11 =	simm.s32 @!p0 $0x100;
	s22 =	rddreg [dreg:$0x9];
	[sflag:s20] =	ssyncadd.s32 $0xFFFFD900  }
0x27: {  	[spmem:s21@s12], [sflag:s9] =	dma.strided @!p0 [hbm:s22@s11], $0x100, s6, $0x10   }
0x28: {  	s6 =	simm.s32 @!p0 $0x5  }
0x29: {  	_ =	swait.ge @!p0 [sflag:s6], $0x100  }
0x2a: {  	[sflag:s6] =	ssyncset.done @!p0 $0x0  }
0x2b: {  	s23 =	simm.s32 $0x1;
	[sflag:s6] =	ssyncadd.s32 @!p0 $0xFFFFFF00  }
0x2c: {  	_ =	swait.ge [sflag:s23], $0x2800  }
0x2d: {  	[sflag:s23] =	ssyncset.done $0x0  }
0x2e: {  	s2 =	simm.s32 $0x2;
	[sflag:s23] =	ssyncadd.s32 $0xFFFFD800  }
0x2f: {  	_ =	swait.ge [sflag:s2], $0x2800  }
0x30: {  	[sflag:s2] =	ssyncset.done $0x0  }
0x31: {  	[sflag:s2] =	ssyncadd.s32 $0xFFFFD800  }
0x32: {  	[bflag:$0x0] =	sbarrier.arrive $0xFFFF  }
0x33: {  	v17 =	vld [tilespmem:$0x13900];
	_ =	sdelay $0x4  }
0x34: {  	v18 =	vshll.u32 v17, $0x1  }
0x35: {  	v17 =	vand.u32 $0x7, v17;
	v18 =	vand.u32 $0xFFFFFFF0, v18  }
0x36: {  	v17 =	vor.u32 v17, v18  }
0x37: {  	v18 =	vperm.xlane v17, v2;
	_ =	sdelay $0x1  }
0x38: {  	v19 =	vperm.xlane v17, v1;
	v18 =	vadd.s32 v3, v18;
	_ =	sdelay $0x1  }
0x39: {  	v20 =	vperm.xlane v17, v4;
	v19 =	vadd.s32 v3, v19;
	_ =	sdelay $0x1  }
0x3a: {  	v21 =	vperm.xlane v17, v5;
	v20 =	vadd.s32 v3, v20  }
0x3b: {  	[tilespmem:s31], [sflag:$0x3] =	stream.indirect_vreg.gather [hbm4b:s8+s3], $0x80, v18, vm0, $0xb8;
	[tilespmem:$0x1E900] =	vst v63  }
0x3c: {  	s7 =	simm.s32 $0x18980;
	v62 =	vperm.xlane v17, v6;
	v18 =	vadd.s32 v3, v21  }
0x3d: {  	[tilespmem:s7], [sflag:$0x3] =	stream.indirect_vreg.gather [hbm4b:s8+s3], $0x80, v19, vm0, $0xb8;
	[tilespmem:$0x1E900] =	vst v63  }
0x3e: {  	s9 =	simm.s32 $0x18A00;
	v63 =	vperm.xlane v17, v7;
	v19 =	vadd.s32 v3, v62  }
0x3f: {  	[tilespmem:s9], [sflag:$0x3] =	stream.indirect_vreg.gather [hbm4b:s8+s3], $0x80, v20, vm0, $0xb8;
	[tilespmem:$0x1E900] =	vst v63  }
0x40: {  	s11 =	simm.s32 $0x18A80;
	v25 =	vperm.xlane v17, v8;
	v24 =	vadd.s32 v3, v63  }
0x41: {  	[tilespmem:s11], [sflag:$0x3] =	stream.indirect_vreg.gather [hbm4b:s8+s3], $0x80, v18, vm0, $0xb8;
	[tilespmem:$0x1E900] =	vst v63  }
0x42: {  	s12 =	simm.s32 $0x18B00;
	v26 =	vperm.xlane v17, v0;
	v18 =	vadd.s32 v3, v25  }
0x43: {  	[tilespmem:s12], [sflag:$0x3] =	stream.indirect_vreg.gather [hbm4b:s8+s3], $0x80, v19, vm0, $0xb8;
	[tilespmem:$0x1E900] =	vst v63  }
0x44: {  	s17 =	simm.s32 $0x18B80;
	v27 =	vperm.xlane v17, v9;
	v19 =	vadd.s32 v3, v26  }
0x45: {  	[tilespmem:s17], [sflag:$0x3] =	stream.indirect_vreg.gather [hbm4b:s8+s3], $0x80, v24, vm0, $0xb8;
	[tilespmem:$0x1E900] =	vst v63  }
0x46: {  	s21 =	simm.s32 $0x18C00;
	v29 =	vperm.xlane v17, v10;
	v28 =	vadd.s32 v3, v27  }
0x47: {  	[tilespmem:s21], [sflag:$0x3] =	stream.indirect_vreg.gather [hbm4b:s8+s3], $0x80, v18, vm0, $0xb8;
	[tilespmem:$0x1E900] =	vst v63  }
0x48: {  	s22 =	simm.s32 $0x18C80;
	v30 =	vperm.xlane v17, v11;
	v18 =	vadd.s32 v3, v29  }
0x49: {  	[tilespmem:s22], [sflag:$0x3] =	stream.indirect_vreg.gather [hbm4b:s8+s3], $0x80, v19, vm0, $0xb8;
	[tilespmem:$0x1E900] =	vst v63  }
0x4a: {  	s23 =	simm.s32 $0x18D00;
	v31 =	vperm.xlane v17, v12;
	v19 =	vadd.s32 v3, v30  }
0x4b: {  	[tilespmem:s23], [sflag:$0x3] =	stream.indirect_vreg.gather [hbm4b:s8+s3], $0x80, v28, vm0, $0xb8;
	[tilespmem:$0x1E900] =	vst v63  }
0x4c: {  	s6 =	simm.s32 $0x18D80;
	v33 =	vperm.xlane v17, v13;
	v32 =	vadd.s32 v3, v31  }
0x4d: {  	[tilespmem:s6], [sflag:$0x3] =	stream.indirect_vreg.gather [hbm4b:s8+s3], $0x80, v18, vm0, $0xb8;
	[tilespmem:$0x1E900] =	vst v63  }
0x4e: {  	v34 =	vperm.xlane v17, v14;
	s7 =	simm.s32 $0x18E00;
	v18 =	vadd.s32 v3, v33  }
0x4f: {  	[tilespmem:s7], [sflag:$0x3] =	stream.indirect_vreg.gather [hbm4b:s8+s3], $0x80, v19, vm0, $0xb8;
	[tilespmem:$0x1E900] =	vst v63  }
0x50: {  	v35 =	vperm.xlane v17, v15;
	s9 =	simm.s32 $0x18E80;
	v19 =	vadd.s32 v3, v34  }
0x51: {  	[tilespmem:s9], [sflag:$0x3] =	stream.indirect_vreg.gather [hbm4b:s8+s3], $0x80, v32, vm0, $0xb8;
	[tilespmem:$0x1E900] =	vst v63  }
0x52: {  	v17 =	vperm.xlane v17, v16;
	v36 =	vadd.s32 v3, v35;
	s11 =	simm.s32 $0x18F00  }
0x53: {  	[tilespmem:s11], [sflag:$0x3] =	stream.indirect_vreg.gather [hbm4b:s8+s3], $0x80, v18, vm0, $0xb8;
	[tilespmem:$0x1E900] =	vst v63  }
0x54: {  	v17 =	vadd.s32 v3, v17;
	s12 =	simm.s32 $0x18F80  }
0x55: {  	[tilespmem:s12], [sflag:$0x3] =	stream.indirect_vreg.gather [hbm4b:s8+s3], $0x80, v19, vm0, $0xb8;
	[tilespmem:$0x1E900] =	vst v63  }
0x56: {  	s17 =	simm.s32 $0x19000  }
0x57: {  	[tilespmem:s17], [sflag:$0x3] =	stream.indirect_vreg.gather [hbm4b:s8+s3], $0x80, v36, vm0, $0xb8;
	[tilespmem:$0x1E900] =	vst v63  }
0x58: {  	s21 =	simm.s32 $0x19080  }
0x59: {  	[tilespmem:s21], [sflag:$0x3] =	stream.indirect_vreg.gather [hbm4b:s8+s3], $0x80, v17, vm0, $0xb8;
	[tilespmem:$0x1E900] =	vst v63  }
0x5a: {  	v17 =	vld [tilespmem:$0x13910];
	_ =	sdelay $0x4  }
0x5b: {  	v18 =	vshll.u32 v17, $0x1  }
0x5c: {  	v17 =	vand.u32 $0x7, v17;
	v18 =	vand.u32 $0xFFFFFFF0, v18  }
0x5d: {  	v17 =	vor.u32 v17, v18  }
0x5e: {  	v18 =	vperm.xlane v17, v2;
	_ =	sdelay $0x1  }
0x5f: {  	v19 =	vperm.xlane v17, v1;
	v18 =	vadd.s32 v3, v18;
	_ =	sdelay $0x1  }
0x60: {  	v37 =	vperm.xlane v17, v4;
	v19 =	vadd.s32 v3, v19;
	_ =	sdelay $0x1  }
0x61: {  	s22 =	simm.s32 $0x19100;
	v38 =	vperm.xlane v17, v5;
	v20 =	vadd.s32 v3, v37  }
0x62: {  	[tilespmem:s22], [sflag:$0x3] =	stream.indirect_vreg.gather [hbm4b:s8+s3], $0x80, v18, vm0, $0xb8;
	[tilespmem:$0x1E900] =	vst v63  }
0x63: {  	s23 =	simm.s32 $0x19180;
	v39 =	vperm.xlane v17, v6;
	v18 =	vadd.s32 v3, v38  }
0x64: {  	[tilespmem:s23], [sflag:$0x3] =	stream.indirect_vreg.gather [hbm4b:s8+s3], $0x80, v19, vm0, $0xb8;
	[tilespmem:$0x1E900] =	vst v63  }
0x65: {  	s6 =	simm.s32 $0x19200;
	v40 =	vperm.xlane v17, v7;
	v19 =	vadd.s32 v3, v39  }
0x66: {  	[tilespmem:s6], [sflag:$0x3] =	stream.indirect_vreg.gather [hbm4b:s8+s3], $0x80, v20, vm0, $0xb8;
	[tilespmem:$0x1E900] =	vst v63  }
0x67: {  	s7 =	simm.s32 $0x19280;
	v42 =	vperm.xlane v17, v8;
	v41 =	vadd.s32 v3, v40  }
0x68: {  	[tilespmem:s7], [sflag:$0x3] =	stream.indirect_vreg.gather [hbm4b:s8+s3], $0x80, v18, vm0, $0xb8;
	[tilespmem:$0x1E900] =	vst v63  }
0x69: {  	s9 =	simm.s32 $0x19300;
	v43 =	vperm.xlane v17, v0;
	v18 =	vadd.s32 v3, v42  }
0x6a: {  	[tilespmem:s9], [sflag:$0x3] =	stream.indirect_vreg.gather [hbm4b:s8+s3], $0x80, v19, vm0, $0xb8;
	[tilespmem:$0x1E900] =	vst v63  }
0x6b: {  	s11 =	simm.s32 $0x19380;
	v44 =	vperm.xlane v17, v9;
	v19 =	vadd.s32 v3, v43  }
0x6c: {  	[tilespmem:s11], [sflag:$0x3] =	stream.indirect_vreg.gather [hbm4b:s8+s3], $0x80, v41, vm0, $0xb8;
	[tilespmem:$0x1E900] =	vst v63  }
0x6d: {  	s12 =	simm.s32 $0x19400;
	v46 =	vperm.xlane v17, v10;
	v45 =	vadd.s32 v3, v44  }
0x6e: {  	[tilespmem:s12], [sflag:$0x3] =	stream.indirect_vreg.gather [hbm4b:s8+s3], $0x80, v18, vm0, $0xb8;
	[tilespmem:$0x1E900] =	vst v63  }
0x6f: {  	s17 =	simm.s32 $0x19480;
	v47 =	vperm.xlane v17, v11;
	v18 =	vadd.s32 v3, v46  }
0x70: {  	[tilespmem:s17], [sflag:$0x3] =	stream.indirect_vreg.gather [hbm4b:s8+s3], $0x80, v19, vm0, $0xb8;
	[tilespmem:$0x1E900] =	vst v63  }
0x71: {  	s21 =	simm.s32 $0x19500;
	v48 =	vperm.xlane v17, v12;
	v19 =	vadd.s32 v3, v47  }
0x72: {  	[tilespmem:s21], [sflag:$0x3] =	stream.indirect_vreg.gather [hbm4b:s8+s3], $0x80, v45, vm0, $0xb8;
	[tilespmem:$0x1E900] =	vst v63  }
0x73: {  	v50 =	vperm.xlane v17, v13;
	v49 =	vadd.s32 v3, v48;
	s22 =	simm.s32 $0x19580  }
0x74: {  	[tilespmem:s22], [sflag:$0x3] =	stream.indirect_vreg.gather [hbm4b:s8+s3], $0x80, v18, vm0, $0xb8;
	[tilespmem:$0x1E900] =	vst v63  }
0x75: {  	v51 =	vperm.xlane v17, v14;
	s23 =	simm.s32 $0x19600;
	v18 =	vadd.s32 v3, v50  }
0x76: {  	[tilespmem:s23], [sflag:$0x3] =	stream.indirect_vreg.gather [hbm4b:s8+s3], $0x80, v19, vm0, $0xb8;
	[tilespmem:$0x1E900] =	vst v63  }
0x77: {  	v52 =	vperm.xlane v17, v15;
	s6 =	simm.s32 $0x19680;
	v19 =	vadd.s32 v3, v51  }
0x78: {  	[tilespmem:s6], [sflag:$0x3] =	stream.indirect_vreg.gather [hbm4b:s8+s3], $0x80, v49, vm0, $0xb8;
	[tilespmem:$0x1E900] =	vst v63  }
0x79: {  	v17 =	vperm.xlane v17, v16;
	v53 =	vadd.s32 v3, v52;
	s7 =	simm.s32 $0x19700  }
0x7a: {  	[tilespmem:s7], [sflag:$0x3] =	stream.indirect_vreg.gather [hbm4b:s8+s3], $0x80, v18, vm0, $0xb8;
	[tilespmem:$0x1E900] =	vst v63  }
0x7b: {  	v17 =	vadd.s32 v3, v17;
	s9 =	simm.s32 $0x19780  }
0x7c: {  	[tilespmem:s9], [sflag:$0x3] =	stream.indirect_vreg.gather [hbm4b:s8+s3], $0x80, v19, vm0, $0xb8;
	[tilespmem:$0x1E900] =	vst v63  }
0x7d: {  	s11 =	simm.s32 $0x19800  }
0x7e: {  	[tilespmem:s11], [sflag:$0x3] =	stream.indirect_vreg.gather [hbm4b:s8+s3], $0x80, v53, vm0, $0xb8;
	[tilespmem:$0x1E900] =	vst v63  }
0x7f: {  	s12 =	simm.s32 $0x19880  }
0x80: {  	[tilespmem:s12], [sflag:$0x3] =	stream.indirect_vreg.gather [hbm4b:s8+s3], $0x80, v17, vm0, $0xb8;
	[tilespmem:$0x1E900] =	vst v63  }
0x81: {  	v17 =	vld [tilespmem:$0x13920];
	_ =	sdelay $0x4  }
0x82: {  	v18 =	vshll.u32 v17, $0x1  }
0x83: {  	v17 =	vand.u32 $0x7, v17;
	v18 =	vand.u32 $0xFFFFFFF0, v18  }
0x84: {  	v17 =	vor.u32 v17, v18  }
0x85: {  	v18 =	vperm.xlane v17, v2;
	_ =	sdelay $0x1  }
0x86: {  	v19 =	vperm.xlane v17, v1;
	v18 =	vadd.s32 v3, v18;
	_ =	sdelay $0x1  }
0x87: {  	v54 =	vperm.xlane v17, v4;
	v19 =	vadd.s32 v3, v19;
	_ =	sdelay $0x1  }
0x88: {  	s17 =	simm.s32 $0x19900;
	v55 =	vperm.xlane v17, v5;
	v20 =	vadd.s32 v3, v54  }
0x89: {  	[tilespmem:s17], [sflag:$0x3] =	stream.indirect_vreg.gather [hbm4b:s8+s3], $0x80, v18, vm0, $0xb8;
	[tilespmem:$0x1E900] =	vst v63  }
0x8a: {  	s21 =	simm.s32 $0x19980;
	v56 =	vperm.xlane v17, v6;
	v18 =	vadd.s32 v3, v55  }
0x8b: {  	[tilespmem:s21], [sflag:$0x3] =	stream.indirect_vreg.gather [hbm4b:s8+s3], $0x80, v19, vm0, $0xb8;
	[tilespmem:$0x1E900] =	vst v63  }
0x8c: {  	s22 =	simm.s32 $0x19A00;
	v57 =	vperm.xlane v17, v7;
	v19 =	vadd.s32 v3, v56  }
0x8d: {  	[tilespmem:s22], [sflag:$0x3] =	stream.indirect_vreg.gather [hbm4b:s8+s3], $0x80, v20, vm0, $0xb8;
	[tilespmem:$0x1E900] =	vst v63  }
0x8e: {  	s23 =	simm.s32 $0x19A80;
	v59 =	vperm.xlane v17, v8;
	v58 =	vadd.s32 v3, v57  }
0x8f: {  	[tilespmem:s23], [sflag:$0x3] =	stream.indirect_vreg.gather [hbm4b:s8+s3], $0x80, v18, vm0, $0xb8;
	[tilespmem:$0x1E900] =	vst v63  }
0x90: {  	s6 =	simm.s32 $0x19B00;
	v60 =	vperm.xlane v17, v0;
	v18 =	vadd.s32 v3, v59  }
0x91: {  	[tilespmem:s6], [sflag:$0x3] =	stream.indirect_vreg.gather [hbm4b:s8+s3], $0x80, v19, vm0, $0xb8;
	[tilespmem:$0x1E900] =	vst v63  }
0x92: {  	s7 =	simm.s32 $0x19B80;
	v61 =	vperm.xlane v17, v9;
	v19 =	vadd.s32 v3, v60  }
0x93: {  	[tilespmem:s7], [sflag:$0x3] =	stream.indirect_vreg.gather [hbm4b:s8+s3], $0x80, v58, vm0, $0xb8;
	[tilespmem:$0x1E900] =	vst v63  }
0x94: {  	s9 =	simm.s32 $0x19C00;
	v63 =	vperm.xlane v17, v10;
	v62 =	vadd.s32 v3, v61  }
0x95: {  	[tilespmem:s9], [sflag:$0x3] =	stream.indirect_vreg.gather [hbm4b:s8+s3], $0x80, v18, vm0, $0xb8;
	[tilespmem:$0x1E900] =	vst v63  }
0x96: {  	s11 =	simm.s32 $0x19C80;
	v24 =	vperm.xlane v17, v11;
	v18 =	vadd.s32 v3, v63  }
0x97: {  	[tilespmem:s11], [sflag:$0x3] =	stream.indirect_vreg.gather [hbm4b:s8+s3], $0x80, v19, vm0, $0xb8;
	[tilespmem:$0x1E900] =	vst v63  }
0x98: {  	s12 =	simm.s32 $0x19D00;
	v25 =	vperm.xlane v17, v12;
	v19 =	vadd.s32 v3, v24  }
0x99: {  	[tilespmem:s12], [sflag:$0x3] =	stream.indirect_vreg.gather [hbm4b:s8+s3], $0x80, v62, vm0, $0xb8;
	[tilespmem:$0x1E900] =	vst v63  }
0x9a: {  	v27 =	vperm.xlane v17, v13;
	v26 =	vadd.s32 v3, v25;
	s17 =	simm.s32 $0x19D80  }
0x9b: {  	[tilespmem:s17], [sflag:$0x3] =	stream.indirect_vreg.gather [hbm4b:s8+s3], $0x80, v18, vm0, $0xb8;
	[tilespmem:$0x1E900] =	vst v63  }
0x9c: {  	v28 =	vperm.xlane v17, v14;
	s21 =	simm.s32 $0x19E00;
	v18 =	vadd.s32 v3, v27  }
0x9d: {  	[tilespmem:s21], [sflag:$0x3] =	stream.indirect_vreg.gather [hbm4b:s8+s3], $0x80, v19, vm0, $0xb8;
	[tilespmem:$0x1E900] =	vst v63  }
0x9e: {  	v29 =	vperm.xlane v17, v15;
	s22 =	simm.s32 $0x19E80;
	v19 =	vadd.s32 v3, v28  }
0x9f: {  	[tilespmem:s22], [sflag:$0x3] =	stream.indirect_vreg.gather [hbm4b:s8+s3], $0x80, v26, vm0, $0xb8;
	[tilespmem:$0x1E900] =	vst v63  }
0xa0: {  	v17 =	vperm.xlane v17, v16;
	v30 =	vadd.s32 v3, v29;
	s23 =	simm.s32 $0x19F00  }
0xa1: {  	[tilespmem:s23], [sflag:$0x3] =	stream.indirect_vreg.gather [hbm4b:s8+s3], $0x80, v18, vm0, $0xb8;
	[tilespmem:$0x1E900] =	vst v63  }
0xa2: {  	v17 =	vadd.s32 v3, v17;
	s6 =	simm.s32 $0x19F80  }
0xa3: {  	[tilespmem:s6], [sflag:$0x3] =	stream.indirect_vreg.gather [hbm4b:s8+s3], $0x80, v19, vm0, $0xb8;
	[tilespmem:$0x1E900] =	vst v63  }
0xa4: {  	s7 =	simm.s32 $0x1A000  }
0xa5: {  	[tilespmem:s7], [sflag:$0x3] =	stream.indirect_vreg.gather [hbm4b:s8+s3], $0x80, v30, vm0, $0xb8;
	[tilespmem:$0x1E900] =	vst v63  }
0xa6: {  	s9 =	simm.s32 $0x1A080  }
0xa7: {  	[tilespmem:s9], [sflag:$0x3] =	stream.indirect_vreg.gather [hbm4b:s8+s3], $0x80, v17, vm0, $0xb8;
	[tilespmem:$0x1E900] =	vst v63  }
0xa8: {  	v17 =	vld [tilespmem:$0x13930];
	_ =	sdelay $0x4  }
0xa9: {  	v18 =	vshll.u32 v17, $0x1  }
0xaa: {  	v17 =	vand.u32 $0x7, v17;
	v18 =	vand.u32 $0xFFFFFFF0, v18  }
0xab: {  	v17 =	vor.u32 v17, v18  }
0xac: {  	v18 =	vperm.xlane v17, v2;
	_ =	sdelay $0x1  }
0xad: {  	v19 =	vperm.xlane v17, v1;
	v18 =	vadd.s32 v3, v18;
	_ =	sdelay $0x1  }
0xae: {  	v31 =	vperm.xlane v17, v4;
	v19 =	vadd.s32 v3, v19;
	_ =	sdelay $0x1  }
0xaf: {  	s11 =	simm.s32 $0x1A100;
	v32 =	vperm.xlane v17, v5;
	v20 =	vadd.s32 v3, v31  }
0xb0: {  	[tilespmem:s11], [sflag:$0x3] =	stream.indirect_vreg.gather [hbm4b:s8+s3], $0x80, v18, vm0, $0xb8;
	[tilespmem:$0x1E900] =	vst v63  }
0xb1: {  	s12 =	simm.s32 $0x1A180;
	v33 =	vperm.xlane v17, v6;
	v18 =	vadd.s32 v3, v32  }
0xb2: {  	[tilespmem:s12], [sflag:$0x3] =	stream.indirect_vreg.gather [hbm4b:s8+s3], $0x80, v19, vm0, $0xb8;
	[tilespmem:$0x1E900] =	vst v63  }
0xb3: {  	s17 =	simm.s32 $0x1A200;
	v34 =	vperm.xlane v17, v7;
	v19 =	vadd.s32 v3, v33  }
0xb4: {  	[tilespmem:s17], [sflag:$0x3] =	stream.indirect_vreg.gather [hbm4b:s8+s3], $0x80, v20, vm0, $0xb8;
	[tilespmem:$0x1E900] =	vst v63  }
0xb5: {  	s21 =	simm.s32 $0x1A280;
	v36 =	vperm.xlane v17, v8;
	v35 =	vadd.s32 v3, v34  }
0xb6: {  	[tilespmem:s21], [sflag:$0x3] =	stream.indirect_vreg.gather [hbm4b:s8+s3], $0x80, v18, vm0, $0xb8;
	[tilespmem:$0x1E900] =	vst v63  }
0xb7: {  	s22 =	simm.s32 $0x1A300;
	v37 =	vperm.xlane v17, v0;
	v18 =	vadd.s32 v3, v36  }
0xb8: {  	[tilespmem:s22], [sflag:$0x3] =	stream.indirect_vreg.gather [hbm4b:s8+s3], $0x80, v19, vm0, $0xb8;
	[tilespmem:$0x1E900] =	vst v63  }
0xb9: {  	s23 =	simm.s32 $0x1A380;
	v38 =	vperm.xlane v17, v9;
	v19 =	vadd.s32 v3, v37  }
0xba: {  	[tilespmem:s23], [sflag:$0x3] =	stream.indirect_vreg.gather [hbm4b:s8+s3], $0x80, v35, vm0, $0xb8;
	[tilespmem:$0x1E900] =	vst v63  }
0xbb: {  	s6 =	simm.s32 $0x1A400;
	v40 =	vperm.xlane v17, v10;
	v39 =	vadd.s32 v3, v38  }
0xbc: {  	[tilespmem:s6], [sflag:$0x3] =	stream.indirect_vreg.gather [hbm4b:s8+s3], $0x80, v18, vm0, $0xb8;
	[tilespmem:$0x1E900] =	vst v63  }
0xbd: {  	s7 =	simm.s32 $0x1A480;
	v41 =	vperm.xlane v17, v11;
	v18 =	vadd.s32 v3, v40  }
0xbe: {  	[tilespmem:s7], [sflag:$0x3] =	stream.indirect_vreg.gather [hbm4b:s8+s3], $0x80, v19, vm0, $0xb8;
	[tilespmem:$0x1E900] =	vst v63  }
0xbf: {  	s9 =	simm.s32 $0x1A500;
	v42 =	vperm.xlane v17, v12;
	v19 =	vadd.s32 v3, v41  }
0xc0: {  	[tilespmem:s9], [sflag:$0x3] =	stream.indirect_vreg.gather [hbm4b:s8+s3], $0x80, v39, vm0, $0xb8;
	[tilespmem:$0x1E900] =	vst v63  }
0xc1: {  	v44 =	vperm.xlane v17, v13;
	v43 =	vadd.s32 v3, v42;
	s11 =	simm.s32 $0x1A580  }
0xc2: {  	[tilespmem:s11], [sflag:$0x3] =	stream.indirect_vreg.gather [hbm4b:s8+s3], $0x80, v18, vm0, $0xb8;
	[tilespmem:$0x1E900] =	vst v63  }
0xc3: {  	v45 =	vperm.xlane v17, v14;
	s12 =	simm.s32 $0x1A600;
	v18 =	vadd.s32 v3, v44  }
0xc4: {  	[tilespmem:s12], [sflag:$0x3] =	stream.indirect_vreg.gather [hbm4b:s8+s3], $0x80, v19, vm0, $0xb8;
	[tilespmem:$0x1E900] =	vst v63  }
0xc5: {  	v46 =	vperm.xlane v17, v15;
	s17 =	simm.s32 $0x1A680;
	v19 =	vadd.s32 v3, v45  }
0xc6: {  	[tilespmem:s17], [sflag:$0x3] =	stream.indirect_vreg.gather [hbm4b:s8+s3], $0x80, v43, vm0, $0xb8;
	[tilespmem:$0x1E900] =	vst v63  }
0xc7: {  	v17 =	vperm.xlane v17, v16;
	v47 =	vadd.s32 v3, v46;
	s21 =	simm.s32 $0x1A700  }
0xc8: {  	[tilespmem:s21], [sflag:$0x3] =	stream.indirect_vreg.gather [hbm4b:s8+s3], $0x80, v18, vm0, $0xb8;
	[tilespmem:$0x1E900] =	vst v63  }
0xc9: {  	v17 =	vadd.s32 v3, v17;
	s22 =	simm.s32 $0x1A780  }
0xca: {  	[tilespmem:s22], [sflag:$0x3] =	stream.indirect_vreg.gather [hbm4b:s8+s3], $0x80, v19, vm0, $0xb8;
	[tilespmem:$0x1E900] =	vst v63  }
0xcb: {  	s23 =	simm.s32 $0x1A800  }
0xcc: {  	[tilespmem:s23], [sflag:$0x3] =	stream.indirect_vreg.gather [hbm4b:s8+s3], $0x80, v47, vm0, $0xb8;
	[tilespmem:$0x1E900] =	vst v63  }
0xcd: {  	s6 =	simm.s32 $0x1A880  }
0xce: {  	[tilespmem:s6], [sflag:$0x3] =	stream.indirect_vreg.gather [hbm4b:s8+s3], $0x80, v17, vm0, $0xb8;
	[tilespmem:$0x1E900] =	vst v63  }
0xcf: {  	v17 =	vld [tilespmem:$0x13940];
	_ =	sdelay $0x4  }
0xd0: {  	v18 =	vshll.u32 v17, $0x1  }
0xd1: {  	v17 =	vand.u32 $0x7, v17;
	v18 =	vand.u32 $0xFFFFFFF0, v18  }
0xd2: {  	v17 =	vor.u32 v17, v18  }
0xd3: {  	v18 =	vperm.xlane v17, v2;
	_ =	sdelay $0x1  }
0xd4: {  	v19 =	vperm.xlane v17, v1;
	v18 =	vadd.s32 v3, v18;
	_ =	sdelay $0x1  }
0xd5: {  	v48 =	vperm.xlane v17, v4;
	v19 =	vadd.s32 v3, v19;
	_ =	sdelay $0x1  }
0xd6: {  	s7 =	simm.s32 $0x1A900;
	v49 =	vperm.xlane v17, v5;
	v20 =	vadd.s32 v3, v48  }
0xd7: {  	[tilespmem:s7], [sflag:$0x3] =	stream.indirect_vreg.gather [hbm4b:s8+s3], $0x80, v18, vm0, $0xb8;
	[tilespmem:$0x1E900] =	vst v63  }
0xd8: {  	s9 =	simm.s32 $0x1A980;
	v50 =	vperm.xlane v17, v6;
	v18 =	vadd.s32 v3, v49  }
0xd9: {  	[tilespmem:s9], [sflag:$0x3] =	stream.indirect_vreg.gather [hbm4b:s8+s3], $0x80, v19, vm0, $0xb8;
	[tilespmem:$0x1E900] =	vst v63  }
0xda: {  	s11 =	simm.s32 $0x1AA00;
	v51 =	vperm.xlane v17, v7;
	v19 =	vadd.s32 v3, v50  }
0xdb: {  	[tilespmem:s11], [sflag:$0x3] =	stream.indirect_vreg.gather [hbm4b:s8+s3], $0x80, v20, vm0, $0xb8;
	[tilespmem:$0x1E900] =	vst v63  }
0xdc: {  	s12 =	simm.s32 $0x1AA80;
	v53 =	vperm.xlane v17, v8;
	v52 =	vadd.s32 v3, v51  }
0xdd: {  	[tilespmem:s12], [sflag:$0x3] =	stream.indirect_vreg.gather [hbm4b:s8+s3], $0x80, v18, vm0, $0xb8;
	[tilespmem:$0x1E900] =	vst v63  }
0xde: {  	s17 =	simm.s32 $0x1AB00;
	v54 =	vperm.xlane v17, v0;
	v18 =	vadd.s32 v3, v53  }
0xdf: {  	[tilespmem:s17], [sflag:$0x3] =	stream.indirect_vreg.gather [hbm4b:s8+s3], $0x80, v19, vm0, $0xb8;
	[tilespmem:$0x1E900] =	vst v63  }
0xe0: {  	s21 =	simm.s32 $0x1AB80;
	v55 =	vperm.xlane v17, v9;
	v19 =	vadd.s32 v3, v54  }
0xe1: {  	[tilespmem:s21], [sflag:$0x3] =	stream.indirect_vreg.gather [hbm4b:s8+s3], $0x80, v52, vm0, $0xb8;
	[tilespmem:$0x1E900] =	vst v63  }
0xe2: {  	s22 =	simm.s32 $0x1AC00;
	v57 =	vperm.xlane v17, v10;
	v56 =	vadd.s32 v3, v55  }
0xe3: {  	[tilespmem:s22], [sflag:$0x3] =	stream.indirect_vreg.gather [hbm4b:s8+s3], $0x80, v18, vm0, $0xb8;
	[tilespmem:$0x1E900] =	vst v63  }
0xe4: {  	s23 =	simm.s32 $0x1AC80;
	v58 =	vperm.xlane v17, v11;
	v18 =	vadd.s32 v3, v57  }
0xe5: {  	[tilespmem:s23], [sflag:$0x3] =	stream.indirect_vreg.gather [hbm4b:s8+s3], $0x80, v19, vm0, $0xb8;
	[tilespmem:$0x1E900] =	vst v63  }
0xe6: {  	s6 =	simm.s32 $0x1AD00;
	v59 =	vperm.xlane v17, v12;
	v19 =	vadd.s32 v3, v58  }
0xe7: {  	[tilespmem:s6], [sflag:$0x3] =	stream.indirect_vreg.gather [hbm4b:s8+s3], $0x80, v56, vm0, $0xb8;
	[tilespmem:$0x1E900] =	vst v63  }
0xe8: {  	v61 =	vperm.xlane v17, v13;
	v60 =	vadd.s32 v3, v59;
	s7 =	simm.s32 $0x1AD80  }
0xe9: {  	[tilespmem:s7], [sflag:$0x3] =	stream.indirect_vreg.gather [hbm4b:s8+s3], $0x80, v18, vm0, $0xb8;
	[tilespmem:$0x1E900] =	vst v63  }
0xea: {  	v62 =	vperm.xlane v17, v14;
	s9 =	simm.s32 $0x1AE00;
	v18 =	vadd.s32 v3, v61  }
0xeb: {  	[tilespmem:s9], [sflag:$0x3] =	stream.indirect_vreg.gather [hbm4b:s8+s3], $0x80, v19, vm0, $0xb8;
	[tilespmem:$0x1E900] =	vst v63  }
0xec: {  	v63 =	vperm.xlane v17, v15;
	s11 =	simm.s32 $0x1AE80;
	v19 =	vadd.s32 v3, v62  }
0xed: {  	[tilespmem:s11], [sflag:$0x3] =	stream.indirect_vreg.gather [hbm4b:s8+s3], $0x80, v60, vm0, $0xb8;
	[tilespmem:$0x1E900] =	vst v63  }
0xee: {  	v17 =	vperm.xlane v17, v16;
	v24 =	vadd.s32 v3, v63;
	s12 =	simm.s32 $0x1AF00  }
0xef: {  	[tilespmem:s12], [sflag:$0x3] =	stream.indirect_vreg.gather [hbm4b:s8+s3], $0x80, v18, vm0, $0xb8;
	[tilespmem:$0x1E900] =	vst v63  }
0xf0: {  	v17 =	vadd.s32 v3, v17;
	s17 =	simm.s32 $0x1AF80  }
0xf1: {  	[tilespmem:s17], [sflag:$0x3] =	stream.indirect_vreg.gather [hbm4b:s8+s3], $0x80, v19, vm0, $0xb8;
	[tilespmem:$0x1E900] =	vst v63  }
0xf2: {  	s21 =	simm.s32 $0x1B000  }
0xf3: {  	[tilespmem:s21], [sflag:$0x3] =	stream.indirect_vreg.gather [hbm4b:s8+s3], $0x80, v24, vm0, $0xb8;
	[tilespmem:$0x1E900] =	vst v63  }
0xf4: {  	s22 =	simm.s32 $0x1B080  }
0xf5: {  	[tilespmem:s22], [sflag:$0x3] =	stream.indirect_vreg.gather [hbm4b:s8+s3], $0x80, v17, vm0, $0xb8;
	[tilespmem:$0x1E900] =	vst v63  }
0xf6: {  	v17 =	vld [tilespmem:$0x13950];
	_ =	sdelay $0x4  }
0xf7: {  	v18 =	vshll.u32 v17, $0x1  }
0xf8: {  	v17 =	vand.u32 $0x7, v17;
	v18 =	vand.u32 $0xFFFFFFF0, v18  }
0xf9: {  	v17 =	vor.u32 v17, v18  }
0xfa: {  	v18 =	vperm.xlane v17, v2;
	_ =	sdelay $0x1  }
0xfb: {  	v19 =	vperm.xlane v17, v1;
	v18 =	vadd.s32 v3, v18;
	_ =	sdelay $0x1  }
0xfc: {  	v25 =	vperm.xlane v17, v4;
	v19 =	vadd.s32 v3, v19;
	_ =	sdelay $0x1  }
0xfd: {  	s23 =	simm.s32 $0x1B100;
	v26 =	vperm.xlane v17, v5;
	v20 =	vadd.s32 v3, v25  }
0xfe: {  	[tilespmem:s23], [sflag:$0x3] =	stream.indirect_vreg.gather [hbm4b:s8+s3], $0x80, v18, vm0, $0xb8;
	[tilespmem:$0x1E900] =	vst v63  }
0xff: {  	s6 =	simm.s32 $0x1B180;
	v27 =	vperm.xlane v17, v6;
	v18 =	vadd.s32 v3, v26  }
0x100: {  	[tilespmem:s6], [sflag:$0x3] =	stream.indirect_vreg.gather [hbm4b:s8+s3], $0x80, v19, vm0, $0xb8;
	[tilespmem:$0x1E900] =	vst v63  }
0x101: {  	s7 =	simm.s32 $0x1B200;
	v28 =	vperm.xlane v17, v7;
	v19 =	vadd.s32 v3, v27  }
0x102: {  	[tilespmem:s7], [sflag:$0x3] =	stream.indirect_vreg.gather [hbm4b:s8+s3], $0x80, v20, vm0, $0xb8;
	[tilespmem:$0x1E900] =	vst v63  }
0x103: {  	s9 =	simm.s32 $0x1B280;
	v30 =	vperm.xlane v17, v8;
	v29 =	vadd.s32 v3, v28  }
0x104: {  	[tilespmem:s9], [sflag:$0x3] =	stream.indirect_vreg.gather [hbm4b:s8+s3], $0x80, v18, vm0, $0xb8;
	[tilespmem:$0x1E900] =	vst v63  }
0x105: {  	s11 =	simm.s32 $0x1B300;
	v31 =	vperm.xlane v17, v0;
	v18 =	vadd.s32 v3, v30  }
0x106: {  	[tilespmem:s11], [sflag:$0x3] =	stream.indirect_vreg.gather [hbm4b:s8+s3], $0x80, v19, vm0, $0xb8;
	[tilespmem:$0x1E900] =	vst v63  }
0x107: {  	s12 =	simm.s32 $0x1B380;
	v32 =	vperm.xlane v17, v9;
	v19 =	vadd.s32 v3, v31  }
0x108: {  	[tilespmem:s12], [sflag:$0x3] =	stream.indirect_vreg.gather [hbm4b:s8+s3], $0x80, v29, vm0, $0xb8;
	[tilespmem:$0x1E900] =	vst v63  }
0x109: {  	s17 =	simm.s32 $0x1B400;
	v34 =	vperm.xlane v17, v10;
	v33 =	vadd.s32 v3, v32  }
0x10a: {  	[tilespmem:s17], [sflag:$0x3] =	stream.indirect_vreg.gather [hbm4b:s8+s3], $0x80, v18, vm0, $0xb8;
	[tilespmem:$0x1E900] =	vst v63  }
0x10b: {  	s21 =	simm.s32 $0x1B480;
	v35 =	vperm.xlane v17, v11;
	v18 =	vadd.s32 v3, v34  }
0x10c: {  	[tilespmem:s21], [sflag:$0x3] =	stream.indirect_vreg.gather [hbm4b:s8+s3], $0x80, v19, vm0, $0xb8;
	[tilespmem:$0x1E900] =	vst v63  }
0x10d: {  	s22 =	simm.s32 $0x1B500;
	v36 =	vperm.xlane v17, v12;
	v19 =	vadd.s32 v3, v35  }
0x10e: {  	[tilespmem:s22], [sflag:$0x3] =	stream.indirect_vreg.gather [hbm4b:s8+s3], $0x80, v33, vm0, $0xb8;
	[tilespmem:$0x1E900] =	vst v63  }
0x10f: {  	v38 =	vperm.xlane v17, v13;
	v37 =	vadd.s32 v3, v36;
	s23 =	simm.s32 $0x1B580  }
0x110: {  	[tilespmem:s23], [sflag:$0x3] =	stream.indirect_vreg.gather [hbm4b:s8+s3], $0x80, v18, vm0, $0xb8;
	[tilespmem:$0x1E900] =	vst v63  }
0x111: {  	v39 =	vperm.xlane v17, v14;
	s6 =	simm.s32 $0x1B600;
	v18 =	vadd.s32 v3, v38  }
0x112: {  	[tilespmem:s6], [sflag:$0x3] =	stream.indirect_vreg.gather [hbm4b:s8+s3], $0x80, v19, vm0, $0xb8;
	[tilespmem:$0x1E900] =	vst v63  }
0x113: {  	v40 =	vperm.xlane v17, v15;
	s7 =	simm.s32 $0x1B680;
	v19 =	vadd.s32 v3, v39  }
0x114: {  	[tilespmem:s7], [sflag:$0x3] =	stream.indirect_vreg.gather [hbm4b:s8+s3], $0x80, v37, vm0, $0xb8;
	[tilespmem:$0x1E900] =	vst v63  }
0x115: {  	v17 =	vperm.xlane v17, v16;
	v41 =	vadd.s32 v3, v40;
	s9 =	simm.s32 $0x1B700  }
0x116: {  	[tilespmem:s9], [sflag:$0x3] =	stream.indirect_vreg.gather [hbm4b:s8+s3], $0x80, v18, vm0, $0xb8;
	[tilespmem:$0x1E900] =	vst v63  }
0x117: {  	v17 =	vadd.s32 v3, v17;
	s11 =	simm.s32 $0x1B780  }
0x118: {  	[tilespmem:s11], [sflag:$0x3] =	stream.indirect_vreg.gather [hbm4b:s8+s3], $0x80, v19, vm0, $0xb8;
	[tilespmem:$0x1E900] =	vst v63  }
0x119: {  	s12 =	simm.s32 $0x1B800  }
0x11a: {  	[tilespmem:s12], [sflag:$0x3] =	stream.indirect_vreg.gather [hbm4b:s8+s3], $0x80, v41, vm0, $0xb8;
	[tilespmem:$0x1E900] =	vst v63  }
0x11b: {  	s17 =	simm.s32 $0x1B880  }
0x11c: {  	[tilespmem:s17], [sflag:$0x3] =	stream.indirect_vreg.gather [hbm4b:s8+s3], $0x80, v17, vm0, $0xb8;
	[tilespmem:$0x1E900] =	vst v63  }
0x11d: {  	v17 =	vld [tilespmem:$0x13960];
	_ =	sdelay $0x4  }
0x11e: {  	v18 =	vshll.u32 v17, $0x1  }
0x11f: {  	v17 =	vand.u32 $0x7, v17;
	v18 =	vand.u32 $0xFFFFFFF0, v18  }
0x120: {  	v17 =	vor.u32 v17, v18  }
0x121: {  	v18 =	vperm.xlane v17, v2;
	_ =	sdelay $0x1  }
0x122: {  	v19 =	vperm.xlane v17, v1;
	v18 =	vadd.s32 v3, v18;
	_ =	sdelay $0x1  }
0x123: {  	v42 =	vperm.xlane v17, v4;
	v19 =	vadd.s32 v3, v19;
	_ =	sdelay $0x1  }
0x124: {  	v43 =	vperm.xlane v17, v5;
	v20 =	vadd.s32 v3, v42  }
0x125: {  	[tilespmem:s13], [sflag:$0x4] =	stream.indirect_vreg.gather [hbm4b:s8+s3], $0x80, v18, vm0, $0xb8;
	[tilespmem:$0x1E900] =	vst v63  }
0x126: {  	s21 =	simm.s32 $0x1B980;
	v44 =	vperm.xlane v17, v6;
	v18 =	vadd.s32 v3, v43  }
0x127: {  	[tilespmem:s21], [sflag:$0x4] =	stream.indirect_vreg.gather [hbm4b:s8+s3], $0x80, v19, vm0, $0xb8;
	[tilespmem:$0x1E900] =	vst v63  }
0x128: {  	s22 =	simm.s32 $0x1BA00;
	v45 =	vperm.xlane v17, v7;
	v19 =	vadd.s32 v3, v44  }
0x129: {  	[tilespmem:s22], [sflag:$0x4] =	stream.indirect_vreg.gather [hbm4b:s8+s3], $0x80, v20, vm0, $0xb8;
	[tilespmem:$0x1E900] =	vst v63  }
0x12a: {  	s23 =	simm.s32 $0x1BA80;
	v47 =	vperm.xlane v17, v8;
	v46 =	vadd.s32 v3, v45  }
0x12b: {  	[tilespmem:s23], [sflag:$0x4] =	stream.indirect_vreg.gather [hbm4b:s8+s3], $0x80, v18, vm0, $0xb8;
	[tilespmem:$0x1E900] =	vst v63  }
0x12c: {  	s6 =	simm.s32 $0x1BB00;
	v48 =	vperm.xlane v17, v0;
	v18 =	vadd.s32 v3, v47  }
0x12d: {  	[tilespmem:s6], [sflag:$0x4] =	stream.indirect_vreg.gather [hbm4b:s8+s3], $0x80, v19, vm0, $0xb8;
	[tilespmem:$0x1E900] =	vst v63  }
0x12e: {  	s7 =	simm.s32 $0x1BB80;
	v49 =	vperm.xlane v17, v9;
	v19 =	vadd.s32 v3, v48  }
0x12f: {  	[tilespmem:s7], [sflag:$0x4] =	stream.indirect_vreg.gather [hbm4b:s8+s3], $0x80, v46, vm0, $0xb8;
	[tilespmem:$0x1E900] =	vst v63  }
0x130: {  	s9 =	simm.s32 $0x1BC00;
	v51 =	vperm.xlane v17, v10;
	v50 =	vadd.s32 v3, v49  }
0x131: {  	[tilespmem:s9], [sflag:$0x4] =	stream.indirect_vreg.gather [hbm4b:s8+s3], $0x80, v18, vm0, $0xb8;
	[tilespmem:$0x1E900] =	vst v63  }
0x132: {  	s11 =	simm.s32 $0x1BC80;
	v52 =	vperm.xlane v17, v11;
	v18 =	vadd.s32 v3, v51  }
0x133: {  	[tilespmem:s11], [sflag:$0x4] =	stream.indirect_vreg.gather [hbm4b:s8+s3], $0x80, v19, vm0, $0xb8;
	[tilespmem:$0x1E900] =	vst v63  }
0x134: {  	s12 =	simm.s32 $0x1BD00;
	v53 =	vperm.xlane v17, v12;
	v19 =	vadd.s32 v3, v52  }
0x135: {  	[tilespmem:s12], [sflag:$0x4] =	stream.indirect_vreg.gather [hbm4b:s8+s3], $0x80, v50, vm0, $0xb8;
	[tilespmem:$0x1E900] =	vst v63  }
0x136: {  	v55 =	vperm.xlane v17, v13;
	v54 =	vadd.s32 v3, v53;
	s13 =	simm.s32 $0x1BD80  }
0x137: {  	[tilespmem:s13], [sflag:$0x4] =	stream.indirect_vreg.gather [hbm4b:s8+s3], $0x80, v18, vm0, $0xb8;
	[tilespmem:$0x1E900] =	vst v63  }
0x138: {  	s17 =	simm.s32 $0x1BE00;
	v56 =	vperm.xlane v17, v14;
	v18 =	vadd.s32 v3, v55  }
0x139: {  	[tilespmem:s17], [sflag:$0x4] =	stream.indirect_vreg.gather [hbm4b:s8+s3], $0x80, v19, vm0, $0xb8;
	[tilespmem:$0x1E900] =	vst v63  }
0x13a: {  	v57 =	vperm.xlane v17, v15;
	s21 =	simm.s32 $0x1BE80;
	v19 =	vadd.s32 v3, v56  }
0x13b: {  	[tilespmem:s21], [sflag:$0x4] =	stream.indirect_vreg.gather [hbm4b:s8+s3], $0x80, v54, vm0, $0xb8;
	[tilespmem:$0x1E900] =	vst v63  }
0x13c: {  	v17 =	vperm.xlane v17, v16;
	v58 =	vadd.s32 v3, v57;
	s22 =	simm.s32 $0x1BF00  }
0x13d: {  	[tilespmem:s22], [sflag:$0x4] =	stream.indirect_vreg.gather [hbm4b:s8+s3], $0x80, v18, vm0, $0xb8;
	[tilespmem:$0x1E900] =	vst v63  }
0x13e: {  	v17 =	vadd.s32 v3, v17;
	s23 =	simm.s32 $0x1BF80  }
0x13f: {  	[tilespmem:s23], [sflag:$0x4] =	stream.indirect_vreg.gather [hbm4b:s8+s3], $0x80, v19, vm0, $0xb8;
	[tilespmem:$0x1E900] =	vst v63  }
0x140: {  	s6 =	simm.s32 $0x1C000  }
0x141: {  	[tilespmem:s6], [sflag:$0x4] =	stream.indirect_vreg.gather [hbm4b:s8+s3], $0x80, v58, vm0, $0xb8;
	[tilespmem:$0x1E900] =	vst v63  }
0x142: {  	s7 =	simm.s32 $0x1C080  }
0x143: {  	[tilespmem:s7], [sflag:$0x4] =	stream.indirect_vreg.gather [hbm4b:s8+s3], $0x80, v17, vm0, $0xb8;
	[tilespmem:$0x1E900] =	vst v63  }
0x144: {  	v17 =	vld [tilespmem:$0x13970];
	_ =	sdelay $0x4  }
0x145: {  	v18 =	vshll.u32 v17, $0x1  }
0x146: {  	v17 =	vand.u32 $0x7, v17;
	v18 =	vand.u32 $0xFFFFFFF0, v18  }
0x147: {  	v17 =	vor.u32 v17, v18  }
0x148: {  	v18 =	vperm.xlane v17, v2;
	_ =	sdelay $0x1  }
0x149: {  	v19 =	vperm.xlane v17, v1;
	v18 =	vadd.s32 v3, v18;
	_ =	sdelay $0x1  }
0x14a: {  	v59 =	vperm.xlane v17, v4;
	v19 =	vadd.s32 v3, v19;
	_ =	sdelay $0x1  }
0x14b: {  	s9 =	simm.s32 $0x1C100;
	v60 =	vperm.xlane v17, v5;
	v20 =	vadd.s32 v3, v59  }
0x14c: {  	[tilespmem:s9], [sflag:$0x4] =	stream.indirect_vreg.gather [hbm4b:s8+s3], $0x80, v18, vm0, $0xb8;
	[tilespmem:$0x1E900] =	vst v63  }
0x14d: {  	s11 =	simm.s32 $0x1C180;
	v61 =	vperm.xlane v17, v6;
	v18 =	vadd.s32 v3, v60  }
0x14e: {  	[tilespmem:s11], [sflag:$0x4] =	stream.indirect_vreg.gather [hbm4b:s8+s3], $0x80, v19, vm0, $0xb8;
	[tilespmem:$0x1E900] =	vst v63  }
0x14f: {  	s12 =	simm.s32 $0x1C200;
	v62 =	vperm.xlane v17, v7;
	v19 =	vadd.s32 v3, v61  }
0x150: {  	[tilespmem:s12], [sflag:$0x4] =	stream.indirect_vreg.gather [hbm4b:s8+s3], $0x80, v20, vm0, $0xb8;
	[tilespmem:$0x1E900] =	vst v63  }
0x151: {  	s13 =	simm.s32 $0x1C280;
	v24 =	vperm.xlane v17, v8;
	v63 =	vadd.s32 v3, v62  }
0x152: {  	[tilespmem:s13], [sflag:$0x4] =	stream.indirect_vreg.gather [hbm4b:s8+s3], $0x80, v18, vm0, $0xb8;
	[tilespmem:$0x1E900] =	vst v63  }
0x153: {  	s17 =	simm.s32 $0x1C300;
	v25 =	vperm.xlane v17, v0;
	v18 =	vadd.s32 v3, v24  }
0x154: {  	[tilespmem:s17], [sflag:$0x4] =	stream.indirect_vreg.gather [hbm4b:s8+s3], $0x80, v19, vm0, $0xb8;
	[tilespmem:$0x1E900] =	vst v63  }
0x155: {  	s21 =	simm.s32 $0x1C380;
	v26 =	vperm.xlane v17, v9;
	v19 =	vadd.s32 v3, v25  }
0x156: {  	[tilespmem:s21], [sflag:$0x4] =	stream.indirect_vreg.gather [hbm4b:s8+s3], $0x80, v63, vm0, $0xb8;
	[tilespmem:$0x1E900] =	vst v63  }
0x157: {  	s22 =	simm.s32 $0x1C400;
	v28 =	vperm.xlane v17, v10;
	v27 =	vadd.s32 v3, v26  }
0x158: {  	[tilespmem:s22], [sflag:$0x4] =	stream.indirect_vreg.gather [hbm4b:s8+s3], $0x80, v18, vm0, $0xb8;
	[tilespmem:$0x1E900] =	vst v63  }
0x159: {  	s23 =	simm.s32 $0x1C480;
	v29 =	vperm.xlane v17, v11;
	v18 =	vadd.s32 v3, v28  }
0x15a: {  	[tilespmem:s23], [sflag:$0x4] =	stream.indirect_vreg.gather [hbm4b:s8+s3], $0x80, v19, vm0, $0xb8;
	[tilespmem:$0x1E900] =	vst v63  }
0x15b: {  	s6 =	simm.s32 $0x1C500;
	v30 =	vperm.xlane v17, v12;
	v19 =	vadd.s32 v3, v29  }
0x15c: {  	[tilespmem:s6], [sflag:$0x4] =	stream.indirect_vreg.gather [hbm4b:s8+s3], $0x80, v27, vm0, $0xb8;
	[tilespmem:$0x1E900] =	vst v63  }
0x15d: {  	s7 =	simm.s32 $0x1C580;
	v32 =	vperm.xlane v17, v13;
	v31 =	vadd.s32 v3, v30  }
0x15e: {  	[tilespmem:s7], [sflag:$0x4] =	stream.indirect_vreg.gather [hbm4b:s8+s3], $0x80, v18, vm0, $0xb8;
	[tilespmem:$0x1E900] =	vst v63  }
0x15f: {  	v33 =	vperm.xlane v17, v14;
	s9 =	simm.s32 $0x1C600;
	v18 =	vadd.s32 v3, v32  }
0x160: {  	[tilespmem:s9], [sflag:$0x4] =	stream.indirect_vreg.gather [hbm4b:s8+s3], $0x80, v19, vm0, $0xb8;
	[tilespmem:$0x1E900] =	vst v63  }
0x161: {  	v34 =	vperm.xlane v17, v15;
	s11 =	simm.s32 $0x1C680;
	v19 =	vadd.s32 v3, v33  }
0x162: {  	[tilespmem:s11], [sflag:$0x4] =	stream.indirect_vreg.gather [hbm4b:s8+s3], $0x80, v31, vm0, $0xb8;
	[tilespmem:$0x1E900] =	vst v63  }
0x163: {  	v17 =	vperm.xlane v17, v16;
	v35 =	vadd.s32 v3, v34;
	s12 =	simm.s32 $0x1C700  }
0x164: {  	[tilespmem:s12], [sflag:$0x4] =	stream.indirect_vreg.gather [hbm4b:s8+s3], $0x80, v18, vm0, $0xb8;
	[tilespmem:$0x1E900] =	vst v63  }
0x165: {  	v17 =	vadd.s32 v3, v17;
	s13 =	simm.s32 $0x1C780  }
0x166: {  	[tilespmem:s13], [sflag:$0x4] =	stream.indirect_vreg.gather [hbm4b:s8+s3], $0x80, v19, vm0, $0xb8;
	[tilespmem:$0x1E900] =	vst v63  }
0x167: {  	s17 =	simm.s32 $0x1C800  }
0x168: {  	[tilespmem:s17], [sflag:$0x4] =	stream.indirect_vreg.gather [hbm4b:s8+s3], $0x80, v35, vm0, $0xb8;
	[tilespmem:$0x1E900] =	vst v63  }
0x169: {  	s21 =	simm.s32 $0x1C880  }
0x16a: {  	[tilespmem:s21], [sflag:$0x4] =	stream.indirect_vreg.gather [hbm4b:s8+s3], $0x80, v17, vm0, $0xb8;
	[tilespmem:$0x1E900] =	vst v63  }
0x16b: {  	v17 =	vld [tilespmem:$0x13980];
	_ =	sdelay $0x4  }
0x16c: {  	v18 =	vshll.u32 v17, $0x1  }
0x16d: {  	v17 =	vand.u32 $0x7, v17;
	v18 =	vand.u32 $0xFFFFFFF0, v18  }
0x16e: {  	v17 =	vor.u32 v17, v18  }
0x16f: {  	v18 =	vperm.xlane v17, v2;
	_ =	sdelay $0x1  }
0x170: {  	v19 =	vperm.xlane v17, v1;
	v18 =	vadd.s32 v3, v18;
	_ =	sdelay $0x1  }
0x171: {  	v36 =	vperm.xlane v17, v4;
	v19 =	vadd.s32 v3, v19;
	_ =	sdelay $0x1  }
0x172: {  	s22 =	simm.s32 $0x1C900;
	v37 =	vperm.xlane v17, v5;
	v20 =	vadd.s32 v3, v36  }
0x173: {  	[tilespmem:s22], [sflag:$0x4] =	stream.indirect_vreg.gather [hbm4b:s8+s3], $0x80, v18, vm0, $0xb8;
	[tilespmem:$0x1E900] =	vst v63  }
0x174: {  	s23 =	simm.s32 $0x1C980;
	v38 =	vperm.xlane v17, v6;
	v18 =	vadd.s32 v3, v37  }
0x175: {  	[tilespmem:s23], [sflag:$0x4] =	stream.indirect_vreg.gather [hbm4b:s8+s3], $0x80, v19, vm0, $0xb8;
	[tilespmem:$0x1E900] =	vst v63  }
0x176: {  	s6 =	simm.s32 $0x1CA00;
	v39 =	vperm.xlane v17, v7;
	v19 =	vadd.s32 v3, v38  }
0x177: {  	[tilespmem:s6], [sflag:$0x4] =	stream.indirect_vreg.gather [hbm4b:s8+s3], $0x80, v20, vm0, $0xb8;
	[tilespmem:$0x1E900] =	vst v63  }
0x178: {  	s7 =	simm.s32 $0x1CA80;
	v41 =	vperm.xlane v17, v8;
	v40 =	vadd.s32 v3, v39  }
0x179: {  	[tilespmem:s7], [sflag:$0x4] =	stream.indirect_vreg.gather [hbm4b:s8+s3], $0x80, v18, vm0, $0xb8;
	[tilespmem:$0x1E900] =	vst v63  }
0x17a: {  	s9 =	simm.s32 $0x1CB00;
	v42 =	vperm.xlane v17, v0;
	v18 =	vadd.s32 v3, v41  }
0x17b: {  	[tilespmem:s9], [sflag:$0x4] =	stream.indirect_vreg.gather [hbm4b:s8+s3], $0x80, v19, vm0, $0xb8;
	[tilespmem:$0x1E900] =	vst v63  }
0x17c: {  	s11 =	simm.s32 $0x1CB80;
	v43 =	vperm.xlane v17, v9;
	v19 =	vadd.s32 v3, v42  }
0x17d: {  	[tilespmem:s11], [sflag:$0x4] =	stream.indirect_vreg.gather [hbm4b:s8+s3], $0x80, v40, vm0, $0xb8;
	[tilespmem:$0x1E900] =	vst v63  }
0x17e: {  	s12 =	simm.s32 $0x1CC00;
	v45 =	vperm.xlane v17, v10;
	v44 =	vadd.s32 v3, v43  }
0x17f: {  	[tilespmem:s12], [sflag:$0x4] =	stream.indirect_vreg.gather [hbm4b:s8+s3], $0x80, v18, vm0, $0xb8;
	[tilespmem:$0x1E900] =	vst v63  }
0x180: {  	s13 =	simm.s32 $0x1CC80;
	v46 =	vperm.xlane v17, v11;
	v18 =	vadd.s32 v3, v45  }
0x181: {  	[tilespmem:s13], [sflag:$0x4] =	stream.indirect_vreg.gather [hbm4b:s8+s3], $0x80, v19, vm0, $0xb8;
	[tilespmem:$0x1E900] =	vst v63  }
0x182: {  	s17 =	simm.s32 $0x1CD00;
	v47 =	vperm.xlane v17, v12;
	v19 =	vadd.s32 v3, v46  }
0x183: {  	[tilespmem:s17], [sflag:$0x4] =	stream.indirect_vreg.gather [hbm4b:s8+s3], $0x80, v44, vm0, $0xb8;
	[tilespmem:$0x1E900] =	vst v63  }
0x184: {  	s21 =	simm.s32 $0x1CD80;
	v49 =	vperm.xlane v17, v13;
	v48 =	vadd.s32 v3, v47  }
0x185: {  	[tilespmem:s21], [sflag:$0x4] =	stream.indirect_vreg.gather [hbm4b:s8+s3], $0x80, v18, vm0, $0xb8;
	[tilespmem:$0x1E900] =	vst v63  }
0x186: {  	v50 =	vperm.xlane v17, v14;
	s22 =	simm.s32 $0x1CE00;
	v18 =	vadd.s32 v3, v49  }
0x187: {  	[tilespmem:s22], [sflag:$0x4] =	stream.indirect_vreg.gather [hbm4b:s8+s3], $0x80, v19, vm0, $0xb8;
	[tilespmem:$0x1E900] =	vst v63  }
0x188: {  	v51 =	vperm.xlane v17, v15;
	s23 =	simm.s32 $0x1CE80;
	v19 =	vadd.s32 v3, v50  }
0x189: {  	[tilespmem:s23], [sflag:$0x4] =	stream.indirect_vreg.gather [hbm4b:s8+s3], $0x80, v48, vm0, $0xb8;
	[tilespmem:$0x1E900] =	vst v63  }
0x18a: {  	v17 =	vperm.xlane v17, v16;
	v52 =	vadd.s32 v3, v51;
	s6 =	simm.s32 $0x1CF00  }
0x18b: {  	[tilespmem:s6], [sflag:$0x4] =	stream.indirect_vreg.gather [hbm4b:s8+s3], $0x80, v18, vm0, $0xb8;
	[tilespmem:$0x1E900] =	vst v63  }
0x18c: {  	v17 =	vadd.s32 v3, v17;
	s7 =	simm.s32 $0x1CF80  }
0x18d: {  	[tilespmem:s7], [sflag:$0x4] =	stream.indirect_vreg.gather [hbm4b:s8+s3], $0x80, v19, vm0, $0xb8;
	[tilespmem:$0x1E900] =	vst v63  }
0x18e: {  	s9 =	simm.s32 $0x1D000  }
0x18f: {  	[tilespmem:s9], [sflag:$0x4] =	stream.indirect_vreg.gather [hbm4b:s8+s3], $0x80, v52, vm0, $0xb8;
	[tilespmem:$0x1E900] =	vst v63  }
0x190: {  	s11 =	simm.s32 $0x1D080  }
0x191: {  	[tilespmem:s11], [sflag:$0x4] =	stream.indirect_vreg.gather [hbm4b:s8+s3], $0x80, v17, vm0, $0xb8;
	[tilespmem:$0x1E900] =	vst v63  }
0x192: {  	v17 =	vld [tilespmem:$0x13990];
	_ =	sdelay $0x4  }
0x193: {  	v18 =	vshll.u32 v17, $0x1  }
0x194: {  	v17 =	vand.u32 $0x7, v17;
	v18 =	vand.u32 $0xFFFFFFF0, v18  }
0x195: {  	v17 =	vor.u32 v17, v18  }
0x196: {  	v18 =	vperm.xlane v17, v2;
	_ =	sdelay $0x1  }
0x197: {  	v19 =	vperm.xlane v17, v1;
	v18 =	vadd.s32 v3, v18;
	_ =	sdelay $0x1  }
0x198: {  	v53 =	vperm.xlane v17, v4;
	v19 =	vadd.s32 v3, v19;
	_ =	sdelay $0x1  }
0x199: {  	s12 =	simm.s32 $0x1D100;
	v54 =	vperm.xlane v17, v5;
	v20 =	vadd.s32 v3, v53  }
0x19a: {  	[tilespmem:s12], [sflag:$0x4] =	stream.indirect_vreg.gather [hbm4b:s8+s3], $0x80, v18, vm0, $0xb8;
	[tilespmem:$0x1E900] =	vst v63  }
0x19b: {  	s13 =	simm.s32 $0x1D180;
	v55 =	vperm.xlane v17, v6;
	v18 =	vadd.s32 v3, v54  }
0x19c: {  	[tilespmem:s13], [sflag:$0x4] =	stream.indirect_vreg.gather [hbm4b:s8+s3], $0x80, v19, vm0, $0xb8;
	[tilespmem:$0x1E900] =	vst v63  }
0x19d: {  	s17 =	simm.s32 $0x1D200;
	v56 =	vperm.xlane v17, v7;
	v19 =	vadd.s32 v3, v55  }
0x19e: {  	[tilespmem:s17], [sflag:$0x4] =	stream.indirect_vreg.gather [hbm4b:s8+s3], $0x80, v20, vm0, $0xb8;
	[tilespmem:$0x1E900] =	vst v63  }
0x19f: {  	s21 =	simm.s32 $0x1D280;
	v58 =	vperm.xlane v17, v8;
	v57 =	vadd.s32 v3, v56  }
0x1a0: {  	[tilespmem:s21], [sflag:$0x4] =	stream.indirect_vreg.gather [hbm4b:s8+s3], $0x80, v18, vm0, $0xb8;
	[tilespmem:$0x1E900] =	vst v63  }
0x1a1: {  	s22 =	simm.s32 $0x1D300;
	v59 =	vperm.xlane v17, v0;
	v18 =	vadd.s32 v3, v58  }
0x1a2: {  	[tilespmem:s22], [sflag:$0x4] =	stream.indirect_vreg.gather [hbm4b:s8+s3], $0x80, v19, vm0, $0xb8;
	[tilespmem:$0x1E900] =	vst v63  }
0x1a3: {  	s23 =	simm.s32 $0x1D380;
	v60 =	vperm.xlane v17, v9;
	v19 =	vadd.s32 v3, v59  }
0x1a4: {  	[tilespmem:s23], [sflag:$0x4] =	stream.indirect_vreg.gather [hbm4b:s8+s3], $0x80, v57, vm0, $0xb8;
	[tilespmem:$0x1E900] =	vst v63  }
0x1a5: {  	s6 =	simm.s32 $0x1D400;
	v62 =	vperm.xlane v17, v10;
	v61 =	vadd.s32 v3, v60  }
0x1a6: {  	[tilespmem:s6], [sflag:$0x4] =	stream.indirect_vreg.gather [hbm4b:s8+s3], $0x80, v18, vm0, $0xb8;
	[tilespmem:$0x1E900] =	vst v63  }
0x1a7: {  	s7 =	simm.s32 $0x1D480;
	v63 =	vperm.xlane v17, v11;
	v18 =	vadd.s32 v3, v62  }
0x1a8: {  	[tilespmem:s7], [sflag:$0x4] =	stream.indirect_vreg.gather [hbm4b:s8+s3], $0x80, v19, vm0, $0xb8;
	[tilespmem:$0x1E900] =	vst v63  }
0x1a9: {  	s9 =	simm.s32 $0x1D500;
	v24 =	vperm.xlane v17, v12;
	v19 =	vadd.s32 v3, v63  }
0x1aa: {  	[tilespmem:s9], [sflag:$0x4] =	stream.indirect_vreg.gather [hbm4b:s8+s3], $0x80, v61, vm0, $0xb8;
	[tilespmem:$0x1E900] =	vst v63  }
0x1ab: {  	s11 =	simm.s32 $0x1D580;
	v26 =	vperm.xlane v17, v13;
	v25 =	vadd.s32 v3, v24  }
0x1ac: {  	[tilespmem:s11], [sflag:$0x4] =	stream.indirect_vreg.gather [hbm4b:s8+s3], $0x80, v18, vm0, $0xb8;
	[tilespmem:$0x1E900] =	vst v63  }
0x1ad: {  	v27 =	vperm.xlane v17, v14;
	s12 =	simm.s32 $0x1D600;
	v18 =	vadd.s32 v3, v26  }
0x1ae: {  	[tilespmem:s12], [sflag:$0x4] =	stream.indirect_vreg.gather [hbm4b:s8+s3], $0x80, v19, vm0, $0xb8;
	[tilespmem:$0x1E900] =	vst v63  }
0x1af: {  	v28 =	vperm.xlane v17, v15;
	s13 =	simm.s32 $0x1D680;
	v19 =	vadd.s32 v3, v27  }
0x1b0: {  	[tilespmem:s13], [sflag:$0x4] =	stream.indirect_vreg.gather [hbm4b:s8+s3], $0x80, v25, vm0, $0xb8;
	[tilespmem:$0x1E900] =	vst v63  }
0x1b1: {  	v17 =	vperm.xlane v17, v16;
	v29 =	vadd.s32 v3, v28;
	s17 =	simm.s32 $0x1D700  }
0x1b2: {  	[tilespmem:s17], [sflag:$0x4] =	stream.indirect_vreg.gather [hbm4b:s8+s3], $0x80, v18, vm0, $0xb8;
	[tilespmem:$0x1E900] =	vst v63  }
0x1b3: {  	v17 =	vadd.s32 v3, v17;
	s21 =	simm.s32 $0x1D780  }
0x1b4: {  	[tilespmem:s21], [sflag:$0x4] =	stream.indirect_vreg.gather [hbm4b:s8+s3], $0x80, v19, vm0, $0xb8;
	[tilespmem:$0x1E900] =	vst v63  }
0x1b5: {  	s22 =	simm.s32 $0x1D800  }
0x1b6: {  	[tilespmem:s22], [sflag:$0x4] =	stream.indirect_vreg.gather [hbm4b:s8+s3], $0x80, v29, vm0, $0xb8;
	[tilespmem:$0x1E900] =	vst v63  }
0x1b7: {  	s23 =	simm.s32 $0x1D880  }
0x1b8: {  	[tilespmem:s23], [sflag:$0x4] =	stream.indirect_vreg.gather [hbm4b:s8+s3], $0x80, v17, vm0, $0xb8;
	[tilespmem:$0x1E900] =	vst v63  }
0x1b9: {  	v17 =	vld [tilespmem:$0x139A0];
	_ =	sdelay $0x4  }
0x1ba: {  	v18 =	vshll.u32 v17, $0x1  }
0x1bb: {  	v17 =	vand.u32 $0x7, v17;
	v18 =	vand.u32 $0xFFFFFFF0, v18  }
0x1bc: {  	v17 =	vor.u32 v17, v18  }
0x1bd: {  	v18 =	vperm.xlane v17, v2;
	_ =	sdelay $0x1  }
0x1be: {  	v19 =	vperm.xlane v17, v1;
	v18 =	vadd.s32 v3, v18;
	_ =	sdelay $0x1  }
0x1bf: {  	v30 =	vperm.xlane v17, v4;
	v19 =	vadd.s32 v3, v19;
	_ =	sdelay $0x1  }
0x1c0: {  	s6 =	simm.s32 $0x1D900;
	v31 =	vperm.xlane v17, v5;
	v20 =	vadd.s32 v3, v30  }
0x1c1: {  	[tilespmem:s6], [sflag:$0x4] =	stream.indirect_vreg.gather [hbm4b:s8+s3], $0x80, v18, vm0, $0xb8;
	[tilespmem:$0x1E900] =	vst v63  }
0x1c2: {  	s7 =	simm.s32 $0x1D980;
	v32 =	vperm.xlane v17, v6;
	v18 =	vadd.s32 v3, v31  }
0x1c3: {  	[tilespmem:s7], [sflag:$0x4] =	stream.indirect_vreg.gather [hbm4b:s8+s3], $0x80, v19, vm0, $0xb8;
	[tilespmem:$0x1E900] =	vst v63  }
0x1c4: {  	s9 =	simm.s32 $0x1DA00;
	v33 =	vperm.xlane v17, v7;
	v19 =	vadd.s32 v3, v32  }
0x1c5: {  	[tilespmem:s9], [sflag:$0x4] =	stream.indirect_vreg.gather [hbm4b:s8+s3], $0x80, v20, vm0, $0xb8;
	[tilespmem:$0x1E900] =	vst v63  }
0x1c6: {  	s11 =	simm.s32 $0x1DA80;
	v35 =	vperm.xlane v17, v8;
	v34 =	vadd.s32 v3, v33  }
0x1c7: {  	[tilespmem:s11], [sflag:$0x4] =	stream.indirect_vreg.gather [hbm4b:s8+s3], $0x80, v18, vm0, $0xb8;
	[tilespmem:$0x1E900] =	vst v63  }
0x1c8: {  	v36 =	vperm.xlane v17, v0;
	v18 =	vadd.s32 v3, v35  }
0x1c9: {  	[tilespmem:s28], [sflag:$0x4] =	stream.indirect_vreg.gather [hbm4b:s8+s3], $0x80, v19, vm0, $0xb8;
	[tilespmem:$0x1E900] =	vst v63  }
0x1ca: {  	v37 =	vperm.xlane v17, v9;
	v19 =	vadd.s32 v3, v36  }
0x1cb: {  	[tilespmem:s29], [sflag:$0x4] =	stream.indirect_vreg.gather [hbm4b:s8+s3], $0x80, v34, vm0, $0xb8;
	[tilespmem:$0x1E900] =	vst v63  }
0x1cc: {  	v39 =	vperm.xlane v17, v10;
	v38 =	vadd.s32 v3, v37  }
0x1cd: {  	[tilespmem:s30], [sflag:$0x4] =	stream.indirect_vreg.gather [hbm4b:s8+s3], $0x80, v18, vm0, $0xb8;
	[tilespmem:$0x1E900] =	vst v63  }
0x1ce: {  	v40 =	vperm.xlane v17, v11;
	v18 =	vadd.s32 v3, v39  }
0x1cf: {  	[tilespmem:s0], [sflag:$0x4] =	stream.indirect_vreg.gather [hbm4b:s8+s3], $0x80, v19, vm0, $0xb8;
	[tilespmem:$0x1E900] =	vst v63  }
0x1d0: {  	v41 =	vperm.xlane v17, v12;
	v19 =	vadd.s32 v3, v40  }
0x1d1: {  	[tilespmem:s1], [sflag:$0x4] =	stream.indirect_vreg.gather [hbm4b:s8+s3], $0x80, v38, vm0, $0xb8;
	[tilespmem:$0x1E900] =	vst v63  }
0x1d2: {  	v43 =	vperm.xlane v17, v13;
	v42 =	vadd.s32 v3, v41  }
0x1d3: {  	[tilespmem:s15], [sflag:$0x4] =	stream.indirect_vreg.gather [hbm4b:s8+s3], $0x80, v18, vm0, $0xb8;
	[tilespmem:$0x1E900] =	vst v63  }
0x1d4: {  	v44 =	vperm.xlane v17, v14;
	v18 =	vadd.s32 v3, v43  }
0x1d5: {  	[tilespmem:s24], [sflag:$0x4] =	stream.indirect_vreg.gather [hbm4b:s8+s3], $0x80, v19, vm0, $0xb8;
	[tilespmem:$0x1E900] =	vst v63  }
0x1d6: {  	v45 =	vperm.xlane v17, v15;
	v19 =	vadd.s32 v3, v44  }
0x1d7: {  	[tilespmem:s14], [sflag:$0x4] =	stream.indirect_vreg.gather [hbm4b:s8+s3], $0x80, v42, vm0, $0xb8;
	[tilespmem:$0x1E900] =	vst v63  }
0x1d8: {  	v17 =	vperm.xlane v17, v16;
	v46 =	vadd.s32 v3, v45  }
0x1d9: {  	[tilespmem:s16], [sflag:$0x4] =	stream.indirect_vreg.gather [hbm4b:s8+s3], $0x80, v18, vm0, $0xb8;
	[tilespmem:$0x1E900] =	vst v63  }
0x1da: {  	v17 =	vadd.s32 v3, v17  }
0x1db: {  	[tilespmem:s18], [sflag:$0x4] =	stream.indirect_vreg.gather [hbm4b:s8+s3], $0x80, v19, vm0, $0xb8;
	[tilespmem:$0x1E900] =	vst v63  }
0x1dc: {  	s12 =	simm.s32 $0x1E000  }
0x1dd: {  	[tilespmem:s12], [sflag:$0x4] =	stream.indirect_vreg.gather [hbm4b:s8+s3], $0x80, v46, vm0, $0xb8;
	[tilespmem:$0x1E900] =	vst v63  }
0x1de: {  	s13 =	simm.s32 $0x1E080  }
0x1df: {  	[tilespmem:s13], [sflag:$0x4] =	stream.indirect_vreg.gather [hbm4b:s8+s3], $0x80, v17, vm0, $0xb8;
	[tilespmem:$0x1E900] =	vst v63  }
0x1e0: {  	v17 =	vld [tilespmem:$0x139B0];
	_ =	sdelay $0x4  }
0x1e1: {  	v18 =	vshll.u32 v17, $0x1  }
0x1e2: {  	v17 =	vand.u32 $0x7, v17;
	v18 =	vand.u32 $0xFFFFFFF0, v18  }
0x1e3: {  	v17 =	vor.u32 v17, v18  }
0x1e4: {  	v18 =	vperm.xlane v17, v2;
	_ =	sdelay $0x1  }
0x1e5: {  	v19 =	vperm.xlane v17, v1;
	v18 =	vadd.s32 v3, v18;
	_ =	sdelay $0x1  }
0x1e6: {  	v47 =	vperm.xlane v17, v4;
	v19 =	vadd.s32 v3, v19;
	_ =	sdelay $0x1  }
0x1e7: {  	s14 =	simm.s32 $0x1E100;
	v48 =	vperm.xlane v17, v5;
	v20 =	vadd.s32 v3, v47  }
0x1e8: {  	[tilespmem:s14], [sflag:$0x4] =	stream.indirect_vreg.gather [hbm4b:s8+s3], $0x80, v18, vm0, $0xb8;
	[tilespmem:$0x1E900] =	vst v63  }
0x1e9: {  	s15 =	simm.s32 $0x1E180;
	v49 =	vperm.xlane v17, v6;
	v18 =	vadd.s32 v3, v48  }
0x1ea: {  	[tilespmem:s15], [sflag:$0x4] =	stream.indirect_vreg.gather [hbm4b:s8+s3], $0x80, v19, vm0, $0xb8;
	[tilespmem:$0x1E900] =	vst v63  }
0x1eb: {  	s16 =	simm.s32 $0x1E200;
	v50 =	vperm.xlane v17, v7;
	v19 =	vadd.s32 v3, v49  }
0x1ec: {  	[tilespmem:s16], [sflag:$0x4] =	stream.indirect_vreg.gather [hbm4b:s8+s3], $0x80, v20, vm0, $0xb8;
	[tilespmem:$0x1E900] =	vst v63  }
0x1ed: {  	s17 =	simm.s32 $0x1E280;
	v52 =	vperm.xlane v17, v8;
	v51 =	vadd.s32 v3, v50  }
0x1ee: {  	[tilespmem:s17], [sflag:$0x4] =	stream.indirect_vreg.gather [hbm4b:s8+s3], $0x80, v18, vm0, $0xb8;
	[tilespmem:$0x1E900] =	vst v63  }
0x1ef: {  	s18 =	simm.s32 $0x1E300;
	v53 =	vperm.xlane v17, v0;
	v18 =	vadd.s32 v3, v52  }
0x1f0: {  	[tilespmem:s18], [sflag:$0x4] =	stream.indirect_vreg.gather [hbm4b:s8+s3], $0x80, v19, vm0, $0xb8;
	[tilespmem:$0x1E900] =	vst v63  }
0x1f1: {  	s21 =	simm.s32 $0x1E380;
	v54 =	vperm.xlane v17, v9;
	v19 =	vadd.s32 v3, v53  }
0x1f2: {  	[tilespmem:s21], [sflag:$0x4] =	stream.indirect_vreg.gather [hbm4b:s8+s3], $0x80, v51, vm0, $0xb8;
	[tilespmem:$0x1E900] =	vst v63  }
0x1f3: {  	s22 =	simm.s32 $0x1E400;
	v56 =	vperm.xlane v17, v10;
	v55 =	vadd.s32 v3, v54  }
0x1f4: {  	[tilespmem:s22], [sflag:$0x4] =	stream.indirect_vreg.gather [hbm4b:s8+s3], $0x80, v18, vm0, $0xb8;
	[tilespmem:$0x1E900] =	vst v63  }
0x1f5: {  	s23 =	simm.s32 $0x1E480;
	v57 =	vperm.xlane v17, v11;
	v18 =	vadd.s32 v3, v56  }
0x1f6: {  	[tilespmem:s23], [sflag:$0x4] =	stream.indirect_vreg.gather [hbm4b:s8+s3], $0x80, v19, vm0, $0xb8;
	[tilespmem:$0x1E900] =	vst v63  }
0x1f7: {  	v58 =	vperm.xlane v17, v12;
	s21 =	simm.s32 $0x1E500;
	v19 =	vadd.s32 v3, v57  }
0x1f8: {  	[tilespmem:s21], [sflag:$0x4] =	stream.indirect_vreg.gather [hbm4b:s8+s3], $0x80, v55, vm0, $0xb8;
	[tilespmem:$0x1E900] =	vst v63  }
0x1f9: {  	v60 =	vperm.xlane v17, v13;
	v59 =	vadd.s32 v3, v58;
	s22 =	simm.s32 $0x1E580  }
0x1fa: {  	[tilespmem:s22], [sflag:$0x4] =	stream.indirect_vreg.gather [hbm4b:s8+s3], $0x80, v18, vm0, $0xb8;
	[tilespmem:$0x1E900] =	vst v63  }
0x1fb: {  	v61 =	vperm.xlane v17, v14;
	s23 =	simm.s32 $0x1E600;
	v18 =	vadd.s32 v3, v60  }
0x1fc: {  	[tilespmem:s23], [sflag:$0x4] =	stream.indirect_vreg.gather [hbm4b:s8+s3], $0x80, v19, vm0, $0xb8;
	[tilespmem:$0x1E900] =	vst v63  }
0x1fd: {  	s7 =	simm.s32 $0x1E680;
	v62 =	vperm.xlane v17, v15;
	v19 =	vadd.s32 v3, v61  }
0x1fe: {  	[tilespmem:s7], [sflag:$0x4] =	stream.indirect_vreg.gather [hbm4b:s8+s3], $0x80, v59, vm0, $0xb8;
	[tilespmem:$0x1E900] =	vst v63  }
0x1ff: {  	v17 =	vperm.xlane v17, v16;
	v63 =	vadd.s32 v3, v62  }
0x200: {  	[tilespmem:s25], [sflag:$0x4] =	stream.indirect_vreg.gather [hbm4b:s8+s3], $0x80, v18, vm0, $0xb8;
	[tilespmem:$0x1E900] =	vst v63  }
0x201: {  	v17 =	vadd.s32 v3, v17  }
0x202: {  	[tilespmem:s26], [sflag:$0x4] =	stream.indirect_vreg.gather [hbm4b:s8+s3], $0x80, v19, vm0, $0xb8;
	[tilespmem:$0x1E900] =	vst v63  }
0x203: {  	s2 =	simm.s32 $0x1E800  }
0x204: {  	[tilespmem:s2], [sflag:$0x4] =	stream.indirect_vreg.gather [hbm4b:s8+s3], $0x80, v63, vm0, $0xb8;
	[tilespmem:$0x1E900] =	vst v63  }
0x205: {  	_ = 	snop  }
0x206: {  	[tilespmem:s10], [sflag:$0x4] =	stream.indirect_vreg.gather [hbm4b:s8+s3], $0x80, v17, vm0, $0xb8;
	[tilespmem:$0x1E900] =	vst v63  }
0x207: {  	s6 =	simm.s32 $0x0;
	_ =	swait.ge [sflag:s19], $0x3000  }
0x208: {  	s28 =	simm.s32 $0x16100;
	s29 =	simm.s32 $0x1DB00;
	[sflag:s19] =	ssyncset.done $0x0  }
0x209: {  	s30 =	simm.s32 $0x1DB80;
	s0 =	simm.s32 $0x1DC80;
	[sflag:s19] =	ssyncadd.s32 $0xFFFFD000  }
0x20a: {  	s1 =	simm.s32 $0x1DD00;
	s12 =	simm.s32 $0x1DF80;
	s24 =	rddreg [dreg:$0x3]  }
0x20b: {  	[spmem:s24] =	stream.indirect.scatter.add.f32 [tilespmem:s31], [sflag:$0x5], $0x80, s28, s4, $0xb8;
	[tilespmem:$0x1E900] =	vst v63  }
0x20c: {  	s14 =	simm.s32 $0x18900;
	s15 =	simm.s32 $0x1DD80;
	_ =	swait.ge [sflag:s20], $0x3000  }
0x20d: {  	s16 =	simm.s32 $0x1DE80;
	s18 =	simm.s32 $0x1DF00;
	[sflag:s20] =	ssyncset.done $0x0  }
0x20e: {  	s24 =	simm.s32 $0x1DE00;
	s31 =	simm.s32 $0x1DC00;
	[sflag:s20] =	ssyncadd.s32 $0xFFFFD000  }
.LBB2_2:
0x20f: {  	s9 =	sshra.s32 s6, $0x2  }
0x210: {  	v17 =	vld [tilespmem:s9+$0x139C0];
	_ =	sdelay $0x4  }
0x211: {  	v18 =	vshll.u32 v17, $0x1  }
0x212: {  	v17 =	vand.u32 $0x7, v17;
	v18 =	vand.u32 $0xFFFFFFF0, v18  }
0x213: {  	v17 =	vor.u32 v17, v18  }
0x214: {  	v18 =	vperm.xlane v17, v2;
	_ =	sdelay $0x1  }
0x215: {  	v19 =	vperm.xlane v17, v1;
	v18 =	vadd.s32 v3, v18;
	_ =	sdelay $0x1  }
0x216: {  	v20 =	vperm.xlane v17, v4;
	v19 =	vadd.s32 v3, v19;
	_ =	sdelay $0x1  }
0x217: {  	v21 =	vperm.xlane v17, v5;
	v20 =	vadd.s32 v3, v20  }
0x218: {  	[tilespmem:s14], [sflag:$0x3] =	stream.indirect_vreg.gather [hbm4b:s8+s3], $0x80, v18, vm0, $0xb8;
	[tilespmem:$0x1E900] =	vst v63  }
0x219: {  	s11 =	simm.s32 $0x18980;
	v62 =	vperm.xlane v17, v6;
	v18 =	vadd.s32 v3, v21  }
0x21a: {  	[tilespmem:s11], [sflag:$0x3] =	stream.indirect_vreg.gather [hbm4b:s8+s3], $0x80, v19, vm0, $0xb8;
	[tilespmem:$0x1E900] =	vst v63  }
0x21b: {  	s28 =	simm.s32 $0x18A00;
	v63 =	vperm.xlane v17, v7;
	v19 =	vadd.s32 v3, v62  }
0x21c: {  	[tilespmem:s28], [sflag:$0x3] =	stream.indirect_vreg.gather [hbm4b:s8+s3], $0x80, v20, vm0, $0xb8;
	[tilespmem:$0x1E900] =	vst v63  }
0x21d: {  	s13 =	simm.s32 $0x18A80;
	v25 =	vperm.xlane v17, v8;
	v24 =	vadd.s32 v3, v63  }
0x21e: {  	[tilespmem:s13], [sflag:$0x3] =	stream.indirect_vreg.gather [hbm4b:s8+s3], $0x80, v18, vm0, $0xb8;
	[tilespmem:$0x1E900] =	vst v63  }
0x21f: {  	s17 =	simm.s32 $0x18B00;
	v26 =	vperm.xlane v17, v0;
	v18 =	vadd.s32 v3, v25  }
0x220: {  	[tilespmem:s17], [sflag:$0x3] =	stream.indirect_vreg.gather [hbm4b:s8+s3], $0x80, v19, vm0, $0xb8;
	[tilespmem:$0x1E900] =	vst v63  }
0x221: {  	v27 =	vperm.xlane v17, v9;
	s28 =	simm.s32 $0x18B80;
	v19 =	vadd.s32 v3, v26  }
0x222: {  	[tilespmem:s28], [sflag:$0x3] =	stream.indirect_vreg.gather [hbm4b:s8+s3], $0x80, v24, vm0, $0xb8;
	[tilespmem:$0x1E900] =	vst v63  }
0x223: {  	v29 =	vperm.xlane v17, v10;
	v28 =	vadd.s32 v3, v27;
	s13 =	simm.s32 $0x18C00  }
0x224: {  	[tilespmem:s13], [sflag:$0x3] =	stream.indirect_vreg.gather [hbm4b:s8+s3], $0x80, v18, vm0, $0xb8;
	[tilespmem:$0x1E900] =	vst v63  }
0x225: {  	v30 =	vperm.xlane v17, v11;
	s17 =	simm.s32 $0x18C80;
	v18 =	vadd.s32 v3, v29  }
0x226: {  	[tilespmem:s17], [sflag:$0x3] =	stream.indirect_vreg.gather [hbm4b:s8+s3], $0x80, v19, vm0, $0xb8;
	[tilespmem:$0x1E900] =	vst v63  }
0x227: {  	v31 =	vperm.xlane v17, v12;
	s28 =	simm.s32 $0x18D00;
	v19 =	vadd.s32 v3, v30  }
0x228: {  	[tilespmem:s28], [sflag:$0x3] =	stream.indirect_vreg.gather [hbm4b:s8+s3], $0x80, v28, vm0, $0xb8;
	[tilespmem:$0x1E900] =	vst v63  }
0x229: {  	v33 =	vperm.xlane v17, v13;
	v32 =	vadd.s32 v3, v31;
	s13 =	simm.s32 $0x18D80  }
0x22a: {  	[tilespmem:s13], [sflag:$0x3] =	stream.indirect_vreg.gather [hbm4b:s8+s3], $0x80, v18, vm0, $0xb8;
	[tilespmem:$0x1E900] =	vst v63  }
0x22b: {  	v34 =	vperm.xlane v17, v14;
	s17 =	simm.s32 $0x18E00;
	v18 =	vadd.s32 v3, v33  }
0x22c: {  	[tilespmem:s17], [sflag:$0x3] =	stream.indirect_vreg.gather [hbm4b:s8+s3], $0x80, v19, vm0, $0xb8;
	[tilespmem:$0x1E900] =	vst v63  }
0x22d: {  	v35 =	vperm.xlane v17, v15;
	s28 =	simm.s32 $0x18E80;
	v19 =	vadd.s32 v3, v34  }
0x22e: {  	[tilespmem:s28], [sflag:$0x3] =	stream.indirect_vreg.gather [hbm4b:s8+s3], $0x80, v32, vm0, $0xb8;
	[tilespmem:$0x1E900] =	vst v63  }
0x22f: {  	v17 =	vperm.xlane v17, v16;
	v36 =	vadd.s32 v3, v35;
	s13 =	simm.s32 $0x18F00  }
0x230: {  	[tilespmem:s13], [sflag:$0x3] =	stream.indirect_vreg.gather [hbm4b:s8+s3], $0x80, v18, vm0, $0xb8;
	[tilespmem:$0x1E900] =	vst v63  }
0x231: {  	v17 =	vadd.s32 v3, v17;
	s17 =	simm.s32 $0x18F80  }
0x232: {  	[tilespmem:s17], [sflag:$0x3] =	stream.indirect_vreg.gather [hbm4b:s8+s3], $0x80, v19, vm0, $0xb8;
	[tilespmem:$0x1E900] =	vst v63  }
0x233: {  	s28 =	simm.s32 $0x19000  }
0x234: {  	[tilespmem:s28], [sflag:$0x3] =	stream.indirect_vreg.gather [hbm4b:s8+s3], $0x80, v36, vm0, $0xb8;
	[tilespmem:$0x1E900] =	vst v63  }
0x235: {  	s13 =	simm.s32 $0x19080  }
0x236: {  	[tilespmem:s13], [sflag:$0x3] =	stream.indirect_vreg.gather [hbm4b:s8+s3], $0x80, v17, vm0, $0xb8;
	[tilespmem:$0x1E900] =	vst v63  }
0x237: {  	v17 =	vld [tilespmem:s9+$0x139D0];
	_ =	sdelay $0x4  }
0x238: {  	v18 =	vshll.u32 v17, $0x1  }
0x239: {  	v17 =	vand.u32 $0x7, v17;
	v18 =	vand.u32 $0xFFFFFFF0, v18  }
0x23a: {  	v17 =	vor.u32 v17, v18  }
0x23b: {  	v18 =	vperm.xlane v17, v2;
	_ =	sdelay $0x1  }
0x23c: {  	v19 =	vperm.xlane v17, v1;
	v18 =	vadd.s32 v3, v18;
	_ =	sdelay $0x1  }
0x23d: {  	v37 =	vperm.xlane v17, v4;
	v19 =	vadd.s32 v3, v19;
	_ =	sdelay $0x1  }
0x23e: {  	s17 =	simm.s32 $0x19100;
	v38 =	vperm.xlane v17, v5;
	v20 =	vadd.s32 v3, v37  }
0x23f: {  	[tilespmem:s17], [sflag:$0x3] =	stream.indirect_vreg.gather [hbm4b:s8+s3], $0x80, v18, vm0, $0xb8;
	[tilespmem:$0x1E900] =	vst v63  }
0x240: {  	s28 =	simm.s32 $0x19180;
	v39 =	vperm.xlane v17, v6;
	v18 =	vadd.s32 v3, v38  }
0x241: {  	[tilespmem:s28], [sflag:$0x3] =	stream.indirect_vreg.gather [hbm4b:s8+s3], $0x80, v19, vm0, $0xb8;
	[tilespmem:$0x1E900] =	vst v63  }
0x242: {  	s13 =	simm.s32 $0x19200;
	v40 =	vperm.xlane v17, v7;
	v19 =	vadd.s32 v3, v39  }
0x243: {  	[tilespmem:s13], [sflag:$0x3] =	stream.indirect_vreg.gather [hbm4b:s8+s3], $0x80, v20, vm0, $0xb8;
	[tilespmem:$0x1E900] =	vst v63  }
0x244: {  	v42 =	vperm.xlane v17, v8;
	v41 =	vadd.s32 v3, v40;
	s17 =	simm.s32 $0x19280  }
0x245: {  	[tilespmem:s17], [sflag:$0x3] =	stream.indirect_vreg.gather [hbm4b:s8+s3], $0x80, v18, vm0, $0xb8;
	[tilespmem:$0x1E900] =	vst v63  }
0x246: {  	v43 =	vperm.xlane v17, v0;
	s28 =	simm.s32 $0x19300;
	v18 =	vadd.s32 v3, v42  }
0x247: {  	[tilespmem:s28], [sflag:$0x3] =	stream.indirect_vreg.gather [hbm4b:s8+s3], $0x80, v19, vm0, $0xb8;
	[tilespmem:$0x1E900] =	vst v63  }
0x248: {  	v44 =	vperm.xlane v17, v9;
	s13 =	simm.s32 $0x19380;
	v19 =	vadd.s32 v3, v43  }
0x249: {  	[tilespmem:s13], [sflag:$0x3] =	stream.indirect_vreg.gather [hbm4b:s8+s3], $0x80, v41, vm0, $0xb8;
	[tilespmem:$0x1E900] =	vst v63  }
0x24a: {  	v46 =	vperm.xlane v17, v10;
	v45 =	vadd.s32 v3, v44;
	s17 =	simm.s32 $0x19400  }
0x24b: {  	[tilespmem:s17], [sflag:$0x3] =	stream.indirect_vreg.gather [hbm4b:s8+s3], $0x80, v18, vm0, $0xb8;
	[tilespmem:$0x1E900] =	vst v63  }
0x24c: {  	v47 =	vperm.xlane v17, v11;
	s28 =	simm.s32 $0x19480;
	v18 =	vadd.s32 v3, v46  }
0x24d: {  	[tilespmem:s28], [sflag:$0x3] =	stream.indirect_vreg.gather [hbm4b:s8+s3], $0x80, v19, vm0, $0xb8;
	[tilespmem:$0x1E900] =	vst v63  }
0x24e: {  	v48 =	vperm.xlane v17, v12;
	s13 =	simm.s32 $0x19500;
	v19 =	vadd.s32 v3, v47  }
0x24f: {  	[tilespmem:s13], [sflag:$0x3] =	stream.indirect_vreg.gather [hbm4b:s8+s3], $0x80, v45, vm0, $0xb8;
	[tilespmem:$0x1E900] =	vst v63  }
0x250: {  	v50 =	vperm.xlane v17, v13;
	v49 =	vadd.s32 v3, v48;
	s17 =	simm.s32 $0x19580  }
0x251: {  	[tilespmem:s17], [sflag:$0x3] =	stream.indirect_vreg.gather [hbm4b:s8+s3], $0x80, v18, vm0, $0xb8;
	[tilespmem:$0x1E900] =	vst v63  }
0x252: {  	v51 =	vperm.xlane v17, v14;
	s28 =	simm.s32 $0x19600;
	v18 =	vadd.s32 v3, v50  }
0x253: {  	[tilespmem:s28], [sflag:$0x3] =	stream.indirect_vreg.gather [hbm4b:s8+s3], $0x80, v19, vm0, $0xb8;
	[tilespmem:$0x1E900] =	vst v63  }
0x254: {  	v52 =	vperm.xlane v17, v15;
	s13 =	simm.s32 $0x19680;
	v19 =	vadd.s32 v3, v51  }
0x255: {  	[tilespmem:s13], [sflag:$0x3] =	stream.indirect_vreg.gather [hbm4b:s8+s3], $0x80, v49, vm0, $0xb8;
	[tilespmem:$0x1E900] =	vst v63  }
0x256: {  	v17 =	vperm.xlane v17, v16;
	v53 =	vadd.s32 v3, v52;
	s17 =	simm.s32 $0x19700  }
0x257: {  	[tilespmem:s17], [sflag:$0x3] =	stream.indirect_vreg.gather [hbm4b:s8+s3], $0x80, v18, vm0, $0xb8;
	[tilespmem:$0x1E900] =	vst v63  }
0x258: {  	v17 =	vadd.s32 v3, v17;
	s28 =	simm.s32 $0x19780  }
0x259: {  	[tilespmem:s28], [sflag:$0x3] =	stream.indirect_vreg.gather [hbm4b:s8+s3], $0x80, v19, vm0, $0xb8;
	[tilespmem:$0x1E900] =	vst v63  }
0x25a: {  	s13 =	simm.s32 $0x19800  }
0x25b: {  	[tilespmem:s13], [sflag:$0x3] =	stream.indirect_vreg.gather [hbm4b:s8+s3], $0x80, v53, vm0, $0xb8;
	[tilespmem:$0x1E900] =	vst v63  }
0x25c: {  	s17 =	simm.s32 $0x19880  }
0x25d: {  	[tilespmem:s17], [sflag:$0x3] =	stream.indirect_vreg.gather [hbm4b:s8+s3], $0x80, v17, vm0, $0xb8;
	[tilespmem:$0x1E900] =	vst v63  }
0x25e: {  	v17 =	vld [tilespmem:s9+$0x139E0];
	_ =	sdelay $0x4  }
0x25f: {  	v18 =	vshll.u32 v17, $0x1  }
0x260: {  	v17 =	vand.u32 $0x7, v17;
	v18 =	vand.u32 $0xFFFFFFF0, v18  }
0x261: {  	v17 =	vor.u32 v17, v18  }
0x262: {  	v18 =	vperm.xlane v17, v2;
	_ =	sdelay $0x1  }
0x263: {  	v19 =	vperm.xlane v17, v1;
	v18 =	vadd.s32 v3, v18;
	_ =	sdelay $0x1  }
0x264: {  	v54 =	vperm.xlane v17, v4;
	v19 =	vadd.s32 v3, v19;
	_ =	sdelay $0x1  }
0x265: {  	s28 =	simm.s32 $0x19900;
	v55 =	vperm.xlane v17, v5;
	v20 =	vadd.s32 v3, v54  }
0x266: {  	[tilespmem:s28], [sflag:$0x3] =	stream.indirect_vreg.gather [hbm4b:s8+s3], $0x80, v18, vm0, $0xb8;
	[tilespmem:$0x1E900] =	vst v63  }
0x267: {  	s13 =	simm.s32 $0x19980;
	v56 =	vperm.xlane v17, v6;
	v18 =	vadd.s32 v3, v55  }
0x268: {  	[tilespmem:s13], [sflag:$0x3] =	stream.indirect_vreg.gather [hbm4b:s8+s3], $0x80, v19, vm0, $0xb8;
	[tilespmem:$0x1E900] =	vst v63  }
0x269: {  	s17 =	simm.s32 $0x19A00;
	v57 =	vperm.xlane v17, v7;
	v19 =	vadd.s32 v3, v56  }
0x26a: {  	[tilespmem:s17], [sflag:$0x3] =	stream.indirect_vreg.gather [hbm4b:s8+s3], $0x80, v20, vm0, $0xb8;
	[tilespmem:$0x1E900] =	vst v63  }
0x26b: {  	v59 =	vperm.xlane v17, v8;
	v58 =	vadd.s32 v3, v57;
	s28 =	simm.s32 $0x19A80  }
0x26c: {  	[tilespmem:s28], [sflag:$0x3] =	stream.indirect_vreg.gather [hbm4b:s8+s3], $0x80, v18, vm0, $0xb8;
	[tilespmem:$0x1E900] =	vst v63  }
0x26d: {  	v60 =	vperm.xlane v17, v0;
	s13 =	simm.s32 $0x19B00;
	v18 =	vadd.s32 v3, v59  }
0x26e: {  	[tilespmem:s13], [sflag:$0x3] =	stream.indirect_vreg.gather [hbm4b:s8+s3], $0x80, v19, vm0, $0xb8;
	[tilespmem:$0x1E900] =	vst v63  }
0x26f: {  	v61 =	vperm.xlane v17, v9;
	s17 =	simm.s32 $0x19B80;
	v19 =	vadd.s32 v3, v60  }
0x270: {  	[tilespmem:s17], [sflag:$0x3] =	stream.indirect_vreg.gather [hbm4b:s8+s3], $0x80, v58, vm0, $0xb8;
	[tilespmem:$0x1E900] =	vst v63  }
0x271: {  	v63 =	vperm.xlane v17, v10;
	v62 =	vadd.s32 v3, v61;
	s28 =	simm.s32 $0x19C00  }
0x272: {  	[tilespmem:s28], [sflag:$0x3] =	stream.indirect_vreg.gather [hbm4b:s8+s3], $0x80, v18, vm0, $0xb8;
	[tilespmem:$0x1E900] =	vst v63  }
0x273: {  	v24 =	vperm.xlane v17, v11;
	s13 =	simm.s32 $0x19C80;
	v18 =	vadd.s32 v3, v63  }
0x274: {  	[tilespmem:s13], [sflag:$0x3] =	stream.indirect_vreg.gather [hbm4b:s8+s3], $0x80, v19, vm0, $0xb8;
	[tilespmem:$0x1E900] =	vst v63  }
0x275: {  	v25 =	vperm.xlane v17, v12;
	s17 =	simm.s32 $0x19D00;
	v19 =	vadd.s32 v3, v24  }
0x276: {  	[tilespmem:s17], [sflag:$0x3] =	stream.indirect_vreg.gather [hbm4b:s8+s3], $0x80, v62, vm0, $0xb8;
	[tilespmem:$0x1E900] =	vst v63  }
0x277: {  	v27 =	vperm.xlane v17, v13;
	v26 =	vadd.s32 v3, v25;
	s28 =	simm.s32 $0x19D80  }
0x278: {  	[tilespmem:s28], [sflag:$0x3] =	stream.indirect_vreg.gather [hbm4b:s8+s3], $0x80, v18, vm0, $0xb8;
	[tilespmem:$0x1E900] =	vst v63  }
0x279: {  	v28 =	vperm.xlane v17, v14;
	s13 =	simm.s32 $0x19E00;
	v18 =	vadd.s32 v3, v27  }
0x27a: {  	[tilespmem:s13], [sflag:$0x3] =	stream.indirect_vreg.gather [hbm4b:s8+s3], $0x80, v19, vm0, $0xb8;
	[tilespmem:$0x1E900] =	vst v63  }
0x27b: {  	v29 =	vperm.xlane v17, v15;
	s17 =	simm.s32 $0x19E80;
	v19 =	vadd.s32 v3, v28  }
0x27c: {  	[tilespmem:s17], [sflag:$0x3] =	stream.indirect_vreg.gather [hbm4b:s8+s3], $0x80, v26, vm0, $0xb8;
	[tilespmem:$0x1E900] =	vst v63  }
0x27d: {  	v17 =	vperm.xlane v17, v16;
	v30 =	vadd.s32 v3, v29;
	s28 =	simm.s32 $0x19F00  }
0x27e: {  	[tilespmem:s28], [sflag:$0x3] =	stream.indirect_vreg.gather [hbm4b:s8+s3], $0x80, v18, vm0, $0xb8;
	[tilespmem:$0x1E900] =	vst v63  }
0x27f: {  	v17 =	vadd.s32 v3, v17;
	s13 =	simm.s32 $0x19F80  }
0x280: {  	[tilespmem:s13], [sflag:$0x3] =	stream.indirect_vreg.gather [hbm4b:s8+s3], $0x80, v19, vm0, $0xb8;
	[tilespmem:$0x1E900] =	vst v63  }
0x281: {  	s17 =	simm.s32 $0x1A000  }
0x282: {  	[tilespmem:s17], [sflag:$0x3] =	stream.indirect_vreg.gather [hbm4b:s8+s3], $0x80, v30, vm0, $0xb8;
	[tilespmem:$0x1E900] =	vst v63  }
0x283: {  	s28 =	simm.s32 $0x1A080  }
0x284: {  	[tilespmem:s28], [sflag:$0x3] =	stream.indirect_vreg.gather [hbm4b:s8+s3], $0x80, v17, vm0, $0xb8;
	[tilespmem:$0x1E900] =	vst v63  }
0x285: {  	v17 =	vld [tilespmem:s9+$0x139F0];
	_ =	sdelay $0x4  }
0x286: {  	v18 =	vshll.u32 v17, $0x1  }
0x287: {  	v17 =	vand.u32 $0x7, v17;
	v18 =	vand.u32 $0xFFFFFFF0, v18  }
0x288: {  	v17 =	vor.u32 v17, v18  }
0x289: {  	v18 =	vperm.xlane v17, v2;
	_ =	sdelay $0x1  }
0x28a: {  	v19 =	vperm.xlane v17, v1;
	v18 =	vadd.s32 v3, v18;
	_ =	sdelay $0x1  }
0x28b: {  	v31 =	vperm.xlane v17, v4;
	v19 =	vadd.s32 v3, v19;
	_ =	sdelay $0x1  }
0x28c: {  	s13 =	simm.s32 $0x1A100;
	v32 =	vperm.xlane v17, v5;
	v20 =	vadd.s32 v3, v31  }
0x28d: {  	[tilespmem:s13], [sflag:$0x3] =	stream.indirect_vreg.gather [hbm4b:s8+s3], $0x80, v18, vm0, $0xb8;
	[tilespmem:$0x1E900] =	vst v63  }
0x28e: {  	s17 =	simm.s32 $0x1A180;
	v33 =	vperm.xlane v17, v6;
	v18 =	vadd.s32 v3, v32  }
0x28f: {  	[tilespmem:s17], [sflag:$0x3] =	stream.indirect_vreg.gather [hbm4b:s8+s3], $0x80, v19, vm0, $0xb8;
	[tilespmem:$0x1E900] =	vst v63  }
0x290: {  	s28 =	simm.s32 $0x1A200;
	v34 =	vperm.xlane v17, v7;
	v19 =	vadd.s32 v3, v33  }
0x291: {  	[tilespmem:s28], [sflag:$0x3] =	stream.indirect_vreg.gather [hbm4b:s8+s3], $0x80, v20, vm0, $0xb8;
	[tilespmem:$0x1E900] =	vst v63  }
0x292: {  	v36 =	vperm.xlane v17, v8;
	v35 =	vadd.s32 v3, v34;
	s13 =	simm.s32 $0x1A280  }
0x293: {  	[tilespmem:s13], [sflag:$0x3] =	stream.indirect_vreg.gather [hbm4b:s8+s3], $0x80, v18, vm0, $0xb8;
	[tilespmem:$0x1E900] =	vst v63  }
0x294: {  	v37 =	vperm.xlane v17, v0;
	s17 =	simm.s32 $0x1A300;
	v18 =	vadd.s32 v3, v36  }
0x295: {  	[tilespmem:s17], [sflag:$0x3] =	stream.indirect_vreg.gather [hbm4b:s8+s3], $0x80, v19, vm0, $0xb8;
	[tilespmem:$0x1E900] =	vst v63  }
0x296: {  	v38 =	vperm.xlane v17, v9;
	s28 =	simm.s32 $0x1A380;
	v19 =	vadd.s32 v3, v37  }
0x297: {  	[tilespmem:s28], [sflag:$0x3] =	stream.indirect_vreg.gather [hbm4b:s8+s3], $0x80, v35, vm0, $0xb8;
	[tilespmem:$0x1E900] =	vst v63  }
0x298: {  	v40 =	vperm.xlane v17, v10;
	v39 =	vadd.s32 v3, v38;
	s13 =	simm.s32 $0x1A400  }
0x299: {  	[tilespmem:s13], [sflag:$0x3] =	stream.indirect_vreg.gather [hbm4b:s8+s3], $0x80, v18, vm0, $0xb8;
	[tilespmem:$0x1E900] =	vst v63  }
0x29a: {  	v41 =	vperm.xlane v17, v11;
	s17 =	simm.s32 $0x1A480;
	v18 =	vadd.s32 v3, v40  }
0x29b: {  	[tilespmem:s17], [sflag:$0x3] =	stream.indirect_vreg.gather [hbm4b:s8+s3], $0x80, v19, vm0, $0xb8;
	[tilespmem:$0x1E900] =	vst v63  }
0x29c: {  	v42 =	vperm.xlane v17, v12;
	s28 =	simm.s32 $0x1A500;
	v19 =	vadd.s32 v3, v41  }
0x29d: {  	[tilespmem:s28], [sflag:$0x3] =	stream.indirect_vreg.gather [hbm4b:s8+s3], $0x80, v39, vm0, $0xb8;
	[tilespmem:$0x1E900] =	vst v63  }
0x29e: {  	v44 =	vperm.xlane v17, v13;
	v43 =	vadd.s32 v3, v42;
	s13 =	simm.s32 $0x1A580  }
0x29f: {  	[tilespmem:s13], [sflag:$0x3] =	stream.indirect_vreg.gather [hbm4b:s8+s3], $0x80, v18, vm0, $0xb8;
	[tilespmem:$0x1E900] =	vst v63  }
0x2a0: {  	v45 =	vperm.xlane v17, v14;
	s17 =	simm.s32 $0x1A600;
	v18 =	vadd.s32 v3, v44  }
0x2a1: {  	[tilespmem:s17], [sflag:$0x3] =	stream.indirect_vreg.gather [hbm4b:s8+s3], $0x80, v19, vm0, $0xb8;
	[tilespmem:$0x1E900] =	vst v63  }
0x2a2: {  	v46 =	vperm.xlane v17, v15;
	s28 =	simm.s32 $0x1A680;
	v19 =	vadd.s32 v3, v45  }
0x2a3: {  	[tilespmem:s28], [sflag:$0x3] =	stream.indirect_vreg.gather [hbm4b:s8+s3], $0x80, v43, vm0, $0xb8;
	[tilespmem:$0x1E900] =	vst v63  }
0x2a4: {  	v17 =	vperm.xlane v17, v16;
	v47 =	vadd.s32 v3, v46;
	s13 =	simm.s32 $0x1A700  }
0x2a5: {  	[tilespmem:s13], [sflag:$0x3] =	stream.indirect_vreg.gather [hbm4b:s8+s3], $0x80, v18, vm0, $0xb8;
	[tilespmem:$0x1E900] =	vst v63  }
0x2a6: {  	v17 =	vadd.s32 v3, v17;
	s17 =	simm.s32 $0x1A780  }
0x2a7: {  	[tilespmem:s17], [sflag:$0x3] =	stream.indirect_vreg.gather [hbm4b:s8+s3], $0x80, v19, vm0, $0xb8;
	[tilespmem:$0x1E900] =	vst v63  }
0x2a8: {  	s28 =	simm.s32 $0x1A800  }
0x2a9: {  	[tilespmem:s28], [sflag:$0x3] =	stream.indirect_vreg.gather [hbm4b:s8+s3], $0x80, v47, vm0, $0xb8;
	[tilespmem:$0x1E900] =	vst v63  }
0x2aa: {  	s13 =	simm.s32 $0x1A880  }
0x2ab: {  	[tilespmem:s13], [sflag:$0x3] =	stream.indirect_vreg.gather [hbm4b:s8+s3], $0x80, v17, vm0, $0xb8;
	[tilespmem:$0x1E900] =	vst v63  }
0x2ac: {  	v17 =	vld [tilespmem:s9+$0x13A00];
	_ =	sdelay $0x4  }
0x2ad: {  	v18 =	vshll.u32 v17, $0x1  }
0x2ae: {  	v17 =	vand.u32 $0x7, v17;
	v18 =	vand.u32 $0xFFFFFFF0, v18  }
0x2af: {  	v17 =	vor.u32 v17, v18  }
0x2b0: {  	v18 =	vperm.xlane v17, v2;
	_ =	sdelay $0x1  }
0x2b1: {  	v19 =	vperm.xlane v17, v1;
	v18 =	vadd.s32 v3, v18;
	_ =	sdelay $0x1  }
0x2b2: {  	v48 =	vperm.xlane v17, v4;
	v19 =	vadd.s32 v3, v19;
	_ =	sdelay $0x1  }
0x2b3: {  	s17 =	simm.s32 $0x1A900;
	v49 =	vperm.xlane v17, v5;
	v20 =	vadd.s32 v3, v48  }
0x2b4: {  	[tilespmem:s17], [sflag:$0x3] =	stream.indirect_vreg.gather [hbm4b:s8+s3], $0x80, v18, vm0, $0xb8;
	[tilespmem:$0x1E900] =	vst v63  }
0x2b5: {  	s28 =	simm.s32 $0x1A980;
	v50 =	vperm.xlane v17, v6;
	v18 =	vadd.s32 v3, v49  }
0x2b6: {  	[tilespmem:s28], [sflag:$0x3] =	stream.indirect_vreg.gather [hbm4b:s8+s3], $0x80, v19, vm0, $0xb8;
	[tilespmem:$0x1E900] =	vst v63  }
0x2b7: {  	s13 =	simm.s32 $0x1AA00;
	v51 =	vperm.xlane v17, v7;
	v19 =	vadd.s32 v3, v50  }
0x2b8: {  	[tilespmem:s13], [sflag:$0x3] =	stream.indirect_vreg.gather [hbm4b:s8+s3], $0x80, v20, vm0, $0xb8;
	[tilespmem:$0x1E900] =	vst v63  }
0x2b9: {  	v53 =	vperm.xlane v17, v8;
	v52 =	vadd.s32 v3, v51;
	s17 =	simm.s32 $0x1AA80  }
0x2ba: {  	[tilespmem:s17], [sflag:$0x3] =	stream.indirect_vreg.gather [hbm4b:s8+s3], $0x80, v18, vm0, $0xb8;
	[tilespmem:$0x1E900] =	vst v63  }
0x2bb: {  	v54 =	vperm.xlane v17, v0;
	s28 =	simm.s32 $0x1AB00;
	v18 =	vadd.s32 v3, v53  }
0x2bc: {  	[tilespmem:s28], [sflag:$0x3] =	stream.indirect_vreg.gather [hbm4b:s8+s3], $0x80, v19, vm0, $0xb8;
	[tilespmem:$0x1E900] =	vst v63  }
0x2bd: {  	v55 =	vperm.xlane v17, v9;
	s13 =	simm.s32 $0x1AB80;
	v19 =	vadd.s32 v3, v54  }
0x2be: {  	[tilespmem:s13], [sflag:$0x3] =	stream.indirect_vreg.gather [hbm4b:s8+s3], $0x80, v52, vm0, $0xb8;
	[tilespmem:$0x1E900] =	vst v63  }
0x2bf: {  	v57 =	vperm.xlane v17, v10;
	v56 =	vadd.s32 v3, v55;
	s17 =	simm.s32 $0x1AC00  }
0x2c0: {  	[tilespmem:s17], [sflag:$0x3] =	stream.indirect_vreg.gather [hbm4b:s8+s3], $0x80, v18, vm0, $0xb8;
	[tilespmem:$0x1E900] =	vst v63  }
0x2c1: {  	v58 =	vperm.xlane v17, v11;
	s28 =	simm.s32 $0x1AC80;
	v18 =	vadd.s32 v3, v57  }
0x2c2: {  	[tilespmem:s28], [sflag:$0x3] =	stream.indirect_vreg.gather [hbm4b:s8+s3], $0x80, v19, vm0, $0xb8;
	[tilespmem:$0x1E900] =	vst v63  }
0x2c3: {  	v59 =	vperm.xlane v17, v12;
	s13 =	simm.s32 $0x1AD00;
	v19 =	vadd.s32 v3, v58  }
0x2c4: {  	[tilespmem:s13], [sflag:$0x3] =	stream.indirect_vreg.gather [hbm4b:s8+s3], $0x80, v56, vm0, $0xb8;
	[tilespmem:$0x1E900] =	vst v63  }
0x2c5: {  	v61 =	vperm.xlane v17, v13;
	v60 =	vadd.s32 v3, v59;
	s17 =	simm.s32 $0x1AD80  }
0x2c6: {  	[tilespmem:s17], [sflag:$0x3] =	stream.indirect_vreg.gather [hbm4b:s8+s3], $0x80, v18, vm0, $0xb8;
	[tilespmem:$0x1E900] =	vst v63  }
0x2c7: {  	v62 =	vperm.xlane v17, v14;
	s28 =	simm.s32 $0x1AE00;
	v18 =	vadd.s32 v3, v61  }
0x2c8: {  	[tilespmem:s28], [sflag:$0x3] =	stream.indirect_vreg.gather [hbm4b:s8+s3], $0x80, v19, vm0, $0xb8;
	[tilespmem:$0x1E900] =	vst v63  }
0x2c9: {  	v63 =	vperm.xlane v17, v15;
	s13 =	simm.s32 $0x1AE80;
	v19 =	vadd.s32 v3, v62  }
0x2ca: {  	[tilespmem:s13], [sflag:$0x3] =	stream.indirect_vreg.gather [hbm4b:s8+s3], $0x80, v60, vm0, $0xb8;
	[tilespmem:$0x1E900] =	vst v63  }
0x2cb: {  	v17 =	vperm.xlane v17, v16;
	v24 =	vadd.s32 v3, v63;
	s17 =	simm.s32 $0x1AF00  }
0x2cc: {  	[tilespmem:s17], [sflag:$0x3] =	stream.indirect_vreg.gather [hbm4b:s8+s3], $0x80, v18, vm0, $0xb8;
	[tilespmem:$0x1E900] =	vst v63  }
0x2cd: {  	v17 =	vadd.s32 v3, v17;
	s28 =	simm.s32 $0x1AF80  }
0x2ce: {  	[tilespmem:s28], [sflag:$0x3] =	stream.indirect_vreg.gather [hbm4b:s8+s3], $0x80, v19, vm0, $0xb8;
	[tilespmem:$0x1E900] =	vst v63  }
0x2cf: {  	s13 =	simm.s32 $0x1B000  }
0x2d0: {  	[tilespmem:s13], [sflag:$0x3] =	stream.indirect_vreg.gather [hbm4b:s8+s3], $0x80, v24, vm0, $0xb8;
	[tilespmem:$0x1E900] =	vst v63  }
0x2d1: {  	s17 =	simm.s32 $0x1B080  }
0x2d2: {  	[tilespmem:s17], [sflag:$0x3] =	stream.indirect_vreg.gather [hbm4b:s8+s3], $0x80, v17, vm0, $0xb8;
	[tilespmem:$0x1E900] =	vst v63  }
0x2d3: {  	v17 =	vld [tilespmem:s9+$0x13A10];
	_ =	sdelay $0x4  }
0x2d4: {  	v18 =	vshll.u32 v17, $0x1  }
0x2d5: {  	v17 =	vand.u32 $0x7, v17;
	v18 =	vand.u32 $0xFFFFFFF0, v18  }
0x2d6: {  	v17 =	vor.u32 v17, v18  }
0x2d7: {  	v18 =	vperm.xlane v17, v2;
	_ =	sdelay $0x1  }
0x2d8: {  	v19 =	vperm.xlane v17, v1;
	v18 =	vadd.s32 v3, v18;
	_ =	sdelay $0x1  }
0x2d9: {  	v25 =	vperm.xlane v17, v4;
	v19 =	vadd.s32 v3, v19;
	_ =	sdelay $0x1  }
0x2da: {  	s28 =	simm.s32 $0x1B100;
	v26 =	vperm.xlane v17, v5;
	v20 =	vadd.s32 v3, v25  }
0x2db: {  	[tilespmem:s28], [sflag:$0x3] =	stream.indirect_vreg.gather [hbm4b:s8+s3], $0x80, v18, vm0, $0xb8;
	[tilespmem:$0x1E900] =	vst v63  }
0x2dc: {  	s13 =	simm.s32 $0x1B180;
	v27 =	vperm.xlane v17, v6;
	v18 =	vadd.s32 v3, v26  }
0x2dd: {  	[tilespmem:s13], [sflag:$0x3] =	stream.indirect_vreg.gather [hbm4b:s8+s3], $0x80, v19, vm0, $0xb8;
	[tilespmem:$0x1E900] =	vst v63  }
0x2de: {  	s17 =	simm.s32 $0x1B200;
	v28 =	vperm.xlane v17, v7;
	v19 =	vadd.s32 v3, v27  }
0x2df: {  	[tilespmem:s17], [sflag:$0x3] =	stream.indirect_vreg.gather [hbm4b:s8+s3], $0x80, v20, vm0, $0xb8;
	[tilespmem:$0x1E900] =	vst v63  }
0x2e0: {  	v30 =	vperm.xlane v17, v8;
	v29 =	vadd.s32 v3, v28;
	s28 =	simm.s32 $0x1B280  }
0x2e1: {  	[tilespmem:s28], [sflag:$0x3] =	stream.indirect_vreg.gather [hbm4b:s8+s3], $0x80, v18, vm0, $0xb8;
	[tilespmem:$0x1E900] =	vst v63  }
0x2e2: {  	v31 =	vperm.xlane v17, v0;
	s13 =	simm.s32 $0x1B300;
	v18 =	vadd.s32 v3, v30  }
0x2e3: {  	[tilespmem:s13], [sflag:$0x3] =	stream.indirect_vreg.gather [hbm4b:s8+s3], $0x80, v19, vm0, $0xb8;
	[tilespmem:$0x1E900] =	vst v63  }
0x2e4: {  	v32 =	vperm.xlane v17, v9;
	s17 =	simm.s32 $0x1B380;
	v19 =	vadd.s32 v3, v31  }
0x2e5: {  	[tilespmem:s17], [sflag:$0x3] =	stream.indirect_vreg.gather [hbm4b:s8+s3], $0x80, v29, vm0, $0xb8;
	[tilespmem:$0x1E900] =	vst v63  }
0x2e6: {  	v34 =	vperm.xlane v17, v10;
	v33 =	vadd.s32 v3, v32;
	s28 =	simm.s32 $0x1B400  }
0x2e7: {  	[tilespmem:s28], [sflag:$0x3] =	stream.indirect_vreg.gather [hbm4b:s8+s3], $0x80, v18, vm0, $0xb8;
	[tilespmem:$0x1E900] =	vst v63  }
0x2e8: {  	v35 =	vperm.xlane v17, v11;
	s13 =	simm.s32 $0x1B480;
	v18 =	vadd.s32 v3, v34  }
0x2e9: {  	[tilespmem:s13], [sflag:$0x3] =	stream.indirect_vreg.gather [hbm4b:s8+s3], $0x80, v19, vm0, $0xb8;
	[tilespmem:$0x1E900] =	vst v63  }
0x2ea: {  	v36 =	vperm.xlane v17, v12;
	s17 =	simm.s32 $0x1B500;
	v19 =	vadd.s32 v3, v35  }
0x2eb: {  	[tilespmem:s17], [sflag:$0x3] =	stream.indirect_vreg.gather [hbm4b:s8+s3], $0x80, v33, vm0, $0xb8;
	[tilespmem:$0x1E900] =	vst v63  }
0x2ec: {  	v38 =	vperm.xlane v17, v13;
	v37 =	vadd.s32 v3, v36;
	s28 =	simm.s32 $0x1B580  }
0x2ed: {  	[tilespmem:s28], [sflag:$0x3] =	stream.indirect_vreg.gather [hbm4b:s8+s3], $0x80, v18, vm0, $0xb8;
	[tilespmem:$0x1E900] =	vst v63  }
0x2ee: {  	v39 =	vperm.xlane v17, v14;
	s13 =	simm.s32 $0x1B600;
	v18 =	vadd.s32 v3, v38  }
0x2ef: {  	[tilespmem:s13], [sflag:$0x3] =	stream.indirect_vreg.gather [hbm4b:s8+s3], $0x80, v19, vm0, $0xb8;
	[tilespmem:$0x1E900] =	vst v63  }
0x2f0: {  	v40 =	vperm.xlane v17, v15;
	s17 =	simm.s32 $0x1B680;
	v19 =	vadd.s32 v3, v39  }
0x2f1: {  	[tilespmem:s17], [sflag:$0x3] =	stream.indirect_vreg.gather [hbm4b:s8+s3], $0x80, v37, vm0, $0xb8;
	[tilespmem:$0x1E900] =	vst v63  }
0x2f2: {  	v17 =	vperm.xlane v17, v16;
	v41 =	vadd.s32 v3, v40;
	s28 =	simm.s32 $0x1B700  }
0x2f3: {  	[tilespmem:s28], [sflag:$0x3] =	stream.indirect_vreg.gather [hbm4b:s8+s3], $0x80, v18, vm0, $0xb8;
	[tilespmem:$0x1E900] =	vst v63  }
0x2f4: {  	v17 =	vadd.s32 v3, v17;
	s13 =	simm.s32 $0x1B780  }
0x2f5: {  	[tilespmem:s13], [sflag:$0x3] =	stream.indirect_vreg.gather [hbm4b:s8+s3], $0x80, v19, vm0, $0xb8;
	[tilespmem:$0x1E900] =	vst v63  }
0x2f6: {  	s17 =	simm.s32 $0x1B800  }
0x2f7: {  	[tilespmem:s17], [sflag:$0x3] =	stream.indirect_vreg.gather [hbm4b:s8+s3], $0x80, v41, vm0, $0xb8;
	[tilespmem:$0x1E900] =	vst v63  }
0x2f8: {  	s28 =	simm.s32 $0x1B880  }
0x2f9: {  	[tilespmem:s28], [sflag:$0x3] =	stream.indirect_vreg.gather [hbm4b:s8+s3], $0x80, v17, vm0, $0xb8;
	[tilespmem:$0x1E900] =	vst v63  }
0x2fa: {  	_ =	swait.ge [sflag:s5], $0x3000  }
0x2fb: {  	[sflag:s5] =	ssyncset.done $0x0  }
0x2fc: {  	[sflag:s5] =	ssyncadd.s32 $0xFFFFD000  }
0x2fd: {  	s13 =	sadd.s32 $0x16160, s9;
	s17 =	simm.s32 $0x1B900;
	s28 =	rddreg [dreg:$0x3]  }
0x2fe: {  	[spmem:s28] =	stream.indirect.scatter.add.f32 [tilespmem:s17], [sflag:$0x5], $0x80, s13, s4, $0xb8;
	[tilespmem:$0x1E900] =	vst v63  }
0x2ff: {  	_ =	swait.ge [sflag:s20], $0x3000  }
0x300: {  	[sflag:s20] =	ssyncset.done $0x0  }
0x301: {  	[sflag:s20] =	ssyncadd.s32 $0xFFFFD000  }
0x302: {  	v17 =	vld [tilespmem:s9+$0x13A20];
	_ =	sdelay $0x4  }
0x303: {  	v18 =	vshll.u32 v17, $0x1  }
0x304: {  	v17 =	vand.u32 $0x7, v17;
	v18 =	vand.u32 $0xFFFFFFF0, v18  }
0x305: {  	v17 =	vor.u32 v17, v18  }
0x306: {  	v18 =	vperm.xlane v17, v2;
	_ =	sdelay $0x1  }
0x307: {  	v19 =	vperm.xlane v17, v1;
	v18 =	vadd.s32 v3, v18;
	_ =	sdelay $0x1  }
0x308: {  	v42 =	vperm.xlane v17, v4;
	v19 =	vadd.s32 v3, v19;
	_ =	sdelay $0x1  }
0x309: {  	v43 =	vperm.xlane v17, v5;
	v20 =	vadd.s32 v3, v42  }
0x30a: {  	[tilespmem:s17], [sflag:$0x4] =	stream.indirect_vreg.gather [hbm4b:s8+s3], $0x80, v18, vm0, $0xb8;
	[tilespmem:$0x1E900] =	vst v63  }
0x30b: {  	v44 =	vperm.xlane v17, v6;
	v18 =	vadd.s32 v3, v43;
	s17 =	simm.s32 $0x1B980  }
0x30c: {  	[tilespmem:s17], [sflag:$0x4] =	stream.indirect_vreg.gather [hbm4b:s8+s3], $0x80, v19, vm0, $0xb8;
	[tilespmem:$0x1E900] =	vst v63  }
0x30d: {  	v45 =	vperm.xlane v17, v7;
	v19 =	vadd.s32 v3, v44;
	s17 =	simm.s32 $0x1BA00  }
0x30e: {  	[tilespmem:s17], [sflag:$0x4] =	stream.indirect_vreg.gather [hbm4b:s8+s3], $0x80, v20, vm0, $0xb8;
	[tilespmem:$0x1E900] =	vst v63  }
0x30f: {  	v47 =	vperm.xlane v17, v8;
	v46 =	vadd.s32 v3, v45;
	s17 =	simm.s32 $0x1BA80  }
0x310: {  	[tilespmem:s17], [sflag:$0x4] =	stream.indirect_vreg.gather [hbm4b:s8+s3], $0x80, v18, vm0, $0xb8;
	[tilespmem:$0x1E900] =	vst v63  }
0x311: {  	v48 =	vperm.xlane v17, v0;
	v18 =	vadd.s32 v3, v47;
	s17 =	simm.s32 $0x1BB00  }
0x312: {  	[tilespmem:s17], [sflag:$0x4] =	stream.indirect_vreg.gather [hbm4b:s8+s3], $0x80, v19, vm0, $0xb8;
	[tilespmem:$0x1E900] =	vst v63  }
0x313: {  	v49 =	vperm.xlane v17, v9;
	v19 =	vadd.s32 v3, v48;
	s17 =	simm.s32 $0x1BB80  }
0x314: {  	[tilespmem:s17], [sflag:$0x4] =	stream.indirect_vreg.gather [hbm4b:s8+s3], $0x80, v46, vm0, $0xb8;
	[tilespmem:$0x1E900] =	vst v63  }
0x315: {  	v51 =	vperm.xlane v17, v10;
	v50 =	vadd.s32 v3, v49;
	s17 =	simm.s32 $0x1BC00  }
0x316: {  	[tilespmem:s17], [sflag:$0x4] =	stream.indirect_vreg.gather [hbm4b:s8+s3], $0x80, v18, vm0, $0xb8;
	[tilespmem:$0x1E900] =	vst v63  }
0x317: {  	v52 =	vperm.xlane v17, v11;
	v18 =	vadd.s32 v3, v51;
	s17 =	simm.s32 $0x1BC80  }
0x318: {  	[tilespmem:s17], [sflag:$0x4] =	stream.indirect_vreg.gather [hbm4b:s8+s3], $0x80, v19, vm0, $0xb8;
	[tilespmem:$0x1E900] =	vst v63  }
0x319: {  	v53 =	vperm.xlane v17, v12;
	v19 =	vadd.s32 v3, v52;
	s17 =	simm.s32 $0x1BD00  }
0x31a: {  	[tilespmem:s17], [sflag:$0x4] =	stream.indirect_vreg.gather [hbm4b:s8+s3], $0x80, v50, vm0, $0xb8;
	[tilespmem:$0x1E900] =	vst v63  }
0x31b: {  	v55 =	vperm.xlane v17, v13;
	v54 =	vadd.s32 v3, v53;
	s17 =	simm.s32 $0x1BD80  }
0x31c: {  	[tilespmem:s17], [sflag:$0x4] =	stream.indirect_vreg.gather [hbm4b:s8+s3], $0x80, v18, vm0, $0xb8;
	[tilespmem:$0x1E900] =	vst v63  }
0x31d: {  	v56 =	vperm.xlane v17, v14;
	v18 =	vadd.s32 v3, v55;
	s17 =	simm.s32 $0x1BE00  }
0x31e: {  	[tilespmem:s17], [sflag:$0x4] =	stream.indirect_vreg.gather [hbm4b:s8+s3], $0x80, v19, vm0, $0xb8;
	[tilespmem:$0x1E900] =	vst v63  }
0x31f: {  	v57 =	vperm.xlane v17, v15;
	v19 =	vadd.s32 v3, v56;
	s17 =	simm.s32 $0x1BE80  }
0x320: {  	[tilespmem:s17], [sflag:$0x4] =	stream.indirect_vreg.gather [hbm4b:s8+s3], $0x80, v54, vm0, $0xb8;
	[tilespmem:$0x1E900] =	vst v63  }
0x321: {  	v17 =	vperm.xlane v17, v16;
	v58 =	vadd.s32 v3, v57;
	s17 =	simm.s32 $0x1BF00  }
0x322: {  	[tilespmem:s17], [sflag:$0x4] =	stream.indirect_vreg.gather [hbm4b:s8+s3], $0x80, v18, vm0, $0xb8;
	[tilespmem:$0x1E900] =	vst v63  }
0x323: {  	v17 =	vadd.s32 v3, v17;
	s17 =	simm.s32 $0x1BF80  }
0x324: {  	[tilespmem:s17], [sflag:$0x4] =	stream.indirect_vreg.gather [hbm4b:s8+s3], $0x80, v19, vm0, $0xb8;
	[tilespmem:$0x1E900] =	vst v63  }
0x325: {  	s17 =	simm.s32 $0x1C000  }
0x326: {  	[tilespmem:s17], [sflag:$0x4] =	stream.indirect_vreg.gather [hbm4b:s8+s3], $0x80, v58, vm0, $0xb8;
	[tilespmem:$0x1E900] =	vst v63  }
0x327: {  	s17 =	simm.s32 $0x1C080  }
0x328: {  	[tilespmem:s17], [sflag:$0x4] =	stream.indirect_vreg.gather [hbm4b:s8+s3], $0x80, v17, vm0, $0xb8;
	[tilespmem:$0x1E900] =	vst v63  }
0x329: {  	v17 =	vld [tilespmem:s9+$0x13A30];
	_ =	sdelay $0x4  }
0x32a: {  	v18 =	vshll.u32 v17, $0x1  }
0x32b: {  	v17 =	vand.u32 $0x7, v17;
	v18 =	vand.u32 $0xFFFFFFF0, v18  }
0x32c: {  	v17 =	vor.u32 v17, v18  }
0x32d: {  	v18 =	vperm.xlane v17, v2;
	_ =	sdelay $0x1  }
0x32e: {  	v19 =	vperm.xlane v17, v1;
	v18 =	vadd.s32 v3, v18;
	_ =	sdelay $0x1  }
0x32f: {  	v59 =	vperm.xlane v17, v4;
	v19 =	vadd.s32 v3, v19;
	_ =	sdelay $0x1  }
0x330: {  	s17 =	simm.s32 $0x1C100;
	v60 =	vperm.xlane v17, v5;
	v20 =	vadd.s32 v3, v59  }
0x331: {  	[tilespmem:s17], [sflag:$0x4] =	stream.indirect_vreg.gather [hbm4b:s8+s3], $0x80, v18, vm0, $0xb8;
	[tilespmem:$0x1E900] =	vst v63  }
0x332: {  	v61 =	vperm.xlane v17, v6;
	v18 =	vadd.s32 v3, v60;
	s17 =	simm.s32 $0x1C180  }
0x333: {  	[tilespmem:s17], [sflag:$0x4] =	stream.indirect_vreg.gather [hbm4b:s8+s3], $0x80, v19, vm0, $0xb8;
	[tilespmem:$0x1E900] =	vst v63  }
0x334: {  	v62 =	vperm.xlane v17, v7;
	v19 =	vadd.s32 v3, v61;
	s17 =	simm.s32 $0x1C200  }
0x335: {  	[tilespmem:s17], [sflag:$0x4] =	stream.indirect_vreg.gather [hbm4b:s8+s3], $0x80, v20, vm0, $0xb8;
	[tilespmem:$0x1E900] =	vst v63  }
0x336: {  	v24 =	vperm.xlane v17, v8;
	v63 =	vadd.s32 v3, v62;
	s17 =	simm.s32 $0x1C280  }
0x337: {  	[tilespmem:s17], [sflag:$0x4] =	stream.indirect_vreg.gather [hbm4b:s8+s3], $0x80, v18, vm0, $0xb8;
	[tilespmem:$0x1E900] =	vst v63  }
0x338: {  	v25 =	vperm.xlane v17, v0;
	v18 =	vadd.s32 v3, v24;
	s17 =	simm.s32 $0x1C300  }
0x339: {  	[tilespmem:s17], [sflag:$0x4] =	stream.indirect_vreg.gather [hbm4b:s8+s3], $0x80, v19, vm0, $0xb8;
	[tilespmem:$0x1E900] =	vst v63  }
0x33a: {  	v26 =	vperm.xlane v17, v9;
	v19 =	vadd.s32 v3, v25;
	s17 =	simm.s32 $0x1C380  }
0x33b: {  	[tilespmem:s17], [sflag:$0x4] =	stream.indirect_vreg.gather [hbm4b:s8+s3], $0x80, v63, vm0, $0xb8;
	[tilespmem:$0x1E900] =	vst v63  }
0x33c: {  	v28 =	vperm.xlane v17, v10;
	v27 =	vadd.s32 v3, v26;
	s17 =	simm.s32 $0x1C400  }
0x33d: {  	[tilespmem:s17], [sflag:$0x4] =	stream.indirect_vreg.gather [hbm4b:s8+s3], $0x80, v18, vm0, $0xb8;
	[tilespmem:$0x1E900] =	vst v63  }
0x33e: {  	v29 =	vperm.xlane v17, v11;
	v18 =	vadd.s32 v3, v28;
	s17 =	simm.s32 $0x1C480  }
0x33f: {  	[tilespmem:s17], [sflag:$0x4] =	stream.indirect_vreg.gather [hbm4b:s8+s3], $0x80, v19, vm0, $0xb8;
	[tilespmem:$0x1E900] =	vst v63  }
0x340: {  	v30 =	vperm.xlane v17, v12;
	v19 =	vadd.s32 v3, v29;
	s17 =	simm.s32 $0x1C500  }
0x341: {  	[tilespmem:s17], [sflag:$0x4] =	stream.indirect_vreg.gather [hbm4b:s8+s3], $0x80, v27, vm0, $0xb8;
	[tilespmem:$0x1E900] =	vst v63  }
0x342: {  	v32 =	vperm.xlane v17, v13;
	v31 =	vadd.s32 v3, v30;
	s17 =	simm.s32 $0x1C580  }
0x343: {  	[tilespmem:s17], [sflag:$0x4] =	stream.indirect_vreg.gather [hbm4b:s8+s3], $0x80, v18, vm0, $0xb8;
	[tilespmem:$0x1E900] =	vst v63  }
0x344: {  	v33 =	vperm.xlane v17, v14;
	v18 =	vadd.s32 v3, v32;
	s17 =	simm.s32 $0x1C600  }
0x345: {  	[tilespmem:s17], [sflag:$0x4] =	stream.indirect_vreg.gather [hbm4b:s8+s3], $0x80, v19, vm0, $0xb8;
	[tilespmem:$0x1E900] =	vst v63  }
0x346: {  	v34 =	vperm.xlane v17, v15;
	v19 =	vadd.s32 v3, v33;
	s17 =	simm.s32 $0x1C680  }
0x347: {  	[tilespmem:s17], [sflag:$0x4] =	stream.indirect_vreg.gather [hbm4b:s8+s3], $0x80, v31, vm0, $0xb8;
	[tilespmem:$0x1E900] =	vst v63  }
0x348: {  	v17 =	vperm.xlane v17, v16;
	v35 =	vadd.s32 v3, v34;
	s17 =	simm.s32 $0x1C700  }
0x349: {  	[tilespmem:s17], [sflag:$0x4] =	stream.indirect_vreg.gather [hbm4b:s8+s3], $0x80, v18, vm0, $0xb8;
	[tilespmem:$0x1E900] =	vst v63  }
0x34a: {  	v17 =	vadd.s32 v3, v17;
	s17 =	simm.s32 $0x1C780  }
0x34b: {  	[tilespmem:s17], [sflag:$0x4] =	stream.indirect_vreg.gather [hbm4b:s8+s3], $0x80, v19, vm0, $0xb8;
	[tilespmem:$0x1E900] =	vst v63  }
0x34c: {  	s17 =	simm.s32 $0x1C800  }
0x34d: {  	[tilespmem:s17], [sflag:$0x4] =	stream.indirect_vreg.gather [hbm4b:s8+s3], $0x80, v35, vm0, $0xb8;
	[tilespmem:$0x1E900] =	vst v63  }
0x34e: {  	s17 =	simm.s32 $0x1C880  }
0x34f: {  	[tilespmem:s17], [sflag:$0x4] =	stream.indirect_vreg.gather [hbm4b:s8+s3], $0x80, v17, vm0, $0xb8;
	[tilespmem:$0x1E900] =	vst v63  }
0x350: {  	v17 =	vld [tilespmem:s9+$0x13A40];
	_ =	sdelay $0x4  }
0x351: {  	v18 =	vshll.u32 v17, $0x1  }
0x352: {  	v17 =	vand.u32 $0x7, v17;
	v18 =	vand.u32 $0xFFFFFFF0, v18  }
0x353: {  	v17 =	vor.u32 v17, v18  }
0x354: {  	v18 =	vperm.xlane v17, v2;
	_ =	sdelay $0x1  }
0x355: {  	v19 =	vperm.xlane v17, v1;
	v18 =	vadd.s32 v3, v18;
	_ =	sdelay $0x1  }
0x356: {  	v36 =	vperm.xlane v17, v4;
	v19 =	vadd.s32 v3, v19;
	_ =	sdelay $0x1  }
0x357: {  	s17 =	simm.s32 $0x1C900;
	v37 =	vperm.xlane v17, v5;
	v20 =	vadd.s32 v3, v36  }
0x358: {  	[tilespmem:s17], [sflag:$0x4] =	stream.indirect_vreg.gather [hbm4b:s8+s3], $0x80, v18, vm0, $0xb8;
	[tilespmem:$0x1E900] =	vst v63  }
0x359: {  	v38 =	vperm.xlane v17, v6;
	v18 =	vadd.s32 v3, v37;
	s17 =	simm.s32 $0x1C980  }
0x35a: {  	[tilespmem:s17], [sflag:$0x4] =	stream.indirect_vreg.gather [hbm4b:s8+s3], $0x80, v19, vm0, $0xb8;
	[tilespmem:$0x1E900] =	vst v63  }
0x35b: {  	v39 =	vperm.xlane v17, v7;
	v19 =	vadd.s32 v3, v38;
	s17 =	simm.s32 $0x1CA00  }
0x35c: {  	[tilespmem:s17], [sflag:$0x4] =	stream.indirect_vreg.gather [hbm4b:s8+s3], $0x80, v20, vm0, $0xb8;
	[tilespmem:$0x1E900] =	vst v63  }
0x35d: {  	v41 =	vperm.xlane v17, v8;
	v40 =	vadd.s32 v3, v39;
	s17 =	simm.s32 $0x1CA80  }
0x35e: {  	[tilespmem:s17], [sflag:$0x4] =	stream.indirect_vreg.gather [hbm4b:s8+s3], $0x80, v18, vm0, $0xb8;
	[tilespmem:$0x1E900] =	vst v63  }
0x35f: {  	v42 =	vperm.xlane v17, v0;
	v18 =	vadd.s32 v3, v41;
	s17 =	simm.s32 $0x1CB00  }
0x360: {  	[tilespmem:s17], [sflag:$0x4] =	stream.indirect_vreg.gather [hbm4b:s8+s3], $0x80, v19, vm0, $0xb8;
	[tilespmem:$0x1E900] =	vst v63  }
0x361: {  	v43 =	vperm.xlane v17, v9;
	v19 =	vadd.s32 v3, v42;
	s17 =	simm.s32 $0x1CB80  }
0x362: {  	[tilespmem:s17], [sflag:$0x4] =	stream.indirect_vreg.gather [hbm4b:s8+s3], $0x80, v40, vm0, $0xb8;
	[tilespmem:$0x1E900] =	vst v63  }
0x363: {  	v45 =	vperm.xlane v17, v10;
	v44 =	vadd.s32 v3, v43;
	s17 =	simm.s32 $0x1CC00  }
0x364: {  	[tilespmem:s17], [sflag:$0x4] =	stream.indirect_vreg.gather [hbm4b:s8+s3], $0x80, v18, vm0, $0xb8;
	[tilespmem:$0x1E900] =	vst v63  }
0x365: {  	v46 =	vperm.xlane v17, v11;
	v18 =	vadd.s32 v3, v45;
	s17 =	simm.s32 $0x1CC80  }
0x366: {  	[tilespmem:s17], [sflag:$0x4] =	stream.indirect_vreg.gather [hbm4b:s8+s3], $0x80, v19, vm0, $0xb8;
	[tilespmem:$0x1E900] =	vst v63  }
0x367: {  	v47 =	vperm.xlane v17, v12;
	v19 =	vadd.s32 v3, v46;
	s17 =	simm.s32 $0x1CD00  }
0x368: {  	[tilespmem:s17], [sflag:$0x4] =	stream.indirect_vreg.gather [hbm4b:s8+s3], $0x80, v44, vm0, $0xb8;
	[tilespmem:$0x1E900] =	vst v63  }
0x369: {  	v49 =	vperm.xlane v17, v13;
	v48 =	vadd.s32 v3, v47;
	s17 =	simm.s32 $0x1CD80  }
0x36a: {  	[tilespmem:s17], [sflag:$0x4] =	stream.indirect_vreg.gather [hbm4b:s8+s3], $0x80, v18, vm0, $0xb8;
	[tilespmem:$0x1E900] =	vst v63  }
0x36b: {  	v50 =	vperm.xlane v17, v14;
	v18 =	vadd.s32 v3, v49;
	s17 =	simm.s32 $0x1CE00  }
0x36c: {  	[tilespmem:s17], [sflag:$0x4] =	stream.indirect_vreg.gather [hbm4b:s8+s3], $0x80, v19, vm0, $0xb8;
	[tilespmem:$0x1E900] =	vst v63  }
0x36d: {  	v51 =	vperm.xlane v17, v15;
	v19 =	vadd.s32 v3, v50;
	s17 =	simm.s32 $0x1CE80  }
0x36e: {  	[tilespmem:s17], [sflag:$0x4] =	stream.indirect_vreg.gather [hbm4b:s8+s3], $0x80, v48, vm0, $0xb8;
	[tilespmem:$0x1E900] =	vst v63  }
0x36f: {  	v17 =	vperm.xlane v17, v16;
	v52 =	vadd.s32 v3, v51;
	s17 =	simm.s32 $0x1CF00  }
0x370: {  	[tilespmem:s17], [sflag:$0x4] =	stream.indirect_vreg.gather [hbm4b:s8+s3], $0x80, v18, vm0, $0xb8;
	[tilespmem:$0x1E900] =	vst v63  }
0x371: {  	v17 =	vadd.s32 v3, v17;
	s17 =	simm.s32 $0x1CF80  }
0x372: {  	[tilespmem:s17], [sflag:$0x4] =	stream.indirect_vreg.gather [hbm4b:s8+s3], $0x80, v19, vm0, $0xb8;
	[tilespmem:$0x1E900] =	vst v63  }
0x373: {  	s17 =	simm.s32 $0x1D000  }
0x374: {  	[tilespmem:s17], [sflag:$0x4] =	stream.indirect_vreg.gather [hbm4b:s8+s3], $0x80, v52, vm0, $0xb8;
	[tilespmem:$0x1E900] =	vst v63  }
0x375: {  	s17 =	simm.s32 $0x1D080  }
0x376: {  	[tilespmem:s17], [sflag:$0x4] =	stream.indirect_vreg.gather [hbm4b:s8+s3], $0x80, v17, vm0, $0xb8;
	[tilespmem:$0x1E900] =	vst v63  }
0x377: {  	v17 =	vld [tilespmem:s9+$0x13A50];
	_ =	sdelay $0x4  }
0x378: {  	v18 =	vshll.u32 v17, $0x1  }
0x379: {  	v17 =	vand.u32 $0x7, v17;
	v18 =	vand.u32 $0xFFFFFFF0, v18  }
0x37a: {  	v17 =	vor.u32 v17, v18  }
0x37b: {  	v18 =	vperm.xlane v17, v2;
	_ =	sdelay $0x1  }
0x37c: {  	v19 =	vperm.xlane v17, v1;
	v18 =	vadd.s32 v3, v18;
	_ =	sdelay $0x1  }
0x37d: {  	v53 =	vperm.xlane v17, v4;
	v19 =	vadd.s32 v3, v19;
	_ =	sdelay $0x1  }
0x37e: {  	s17 =	simm.s32 $0x1D100;
	v54 =	vperm.xlane v17, v5;
	v20 =	vadd.s32 v3, v53  }
0x37f: {  	[tilespmem:s17], [sflag:$0x4] =	stream.indirect_vreg.gather [hbm4b:s8+s3], $0x80, v18, vm0, $0xb8;
	[tilespmem:$0x1E900] =	vst v63  }
0x380: {  	v55 =	vperm.xlane v17, v6;
	v18 =	vadd.s32 v3, v54;
	s17 =	simm.s32 $0x1D180  }
0x381: {  	[tilespmem:s17], [sflag:$0x4] =	stream.indirect_vreg.gather [hbm4b:s8+s3], $0x80, v19, vm0, $0xb8;
	[tilespmem:$0x1E900] =	vst v63  }
0x382: {  	v56 =	vperm.xlane v17, v7;
	v19 =	vadd.s32 v3, v55;
	s17 =	simm.s32 $0x1D200  }
0x383: {  	[tilespmem:s17], [sflag:$0x4] =	stream.indirect_vreg.gather [hbm4b:s8+s3], $0x80, v20, vm0, $0xb8;
	[tilespmem:$0x1E900] =	vst v63  }
0x384: {  	v58 =	vperm.xlane v17, v8;
	v57 =	vadd.s32 v3, v56;
	s17 =	simm.s32 $0x1D280  }
0x385: {  	[tilespmem:s17], [sflag:$0x4] =	stream.indirect_vreg.gather [hbm4b:s8+s3], $0x80, v18, vm0, $0xb8;
	[tilespmem:$0x1E900] =	vst v63  }
0x386: {  	v59 =	vperm.xlane v17, v0;
	v18 =	vadd.s32 v3, v58;
	s17 =	simm.s32 $0x1D300  }
0x387: {  	[tilespmem:s17], [sflag:$0x4] =	stream.indirect_vreg.gather [hbm4b:s8+s3], $0x80, v19, vm0, $0xb8;
	[tilespmem:$0x1E900] =	vst v63  }
0x388: {  	v60 =	vperm.xlane v17, v9;
	v19 =	vadd.s32 v3, v59;
	s17 =	simm.s32 $0x1D380  }
0x389: {  	[tilespmem:s17], [sflag:$0x4] =	stream.indirect_vreg.gather [hbm4b:s8+s3], $0x80, v57, vm0, $0xb8;
	[tilespmem:$0x1E900] =	vst v63  }
0x38a: {  	v62 =	vperm.xlane v17, v10;
	v61 =	vadd.s32 v3, v60;
	s17 =	simm.s32 $0x1D400  }
0x38b: {  	[tilespmem:s17], [sflag:$0x4] =	stream.indirect_vreg.gather [hbm4b:s8+s3], $0x80, v18, vm0, $0xb8;
	[tilespmem:$0x1E900] =	vst v63  }
0x38c: {  	v63 =	vperm.xlane v17, v11;
	v18 =	vadd.s32 v3, v62;
	s17 =	simm.s32 $0x1D480  }
0x38d: {  	[tilespmem:s17], [sflag:$0x4] =	stream.indirect_vreg.gather [hbm4b:s8+s3], $0x80, v19, vm0, $0xb8;
	[tilespmem:$0x1E900] =	vst v63  }
0x38e: {  	v24 =	vperm.xlane v17, v12;
	v19 =	vadd.s32 v3, v63;
	s17 =	simm.s32 $0x1D500  }
0x38f: {  	[tilespmem:s17], [sflag:$0x4] =	stream.indirect_vreg.gather [hbm4b:s8+s3], $0x80, v61, vm0, $0xb8;
	[tilespmem:$0x1E900] =	vst v63  }
0x390: {  	v26 =	vperm.xlane v17, v13;
	v25 =	vadd.s32 v3, v24;
	s17 =	simm.s32 $0x1D580  }
0x391: {  	[tilespmem:s17], [sflag:$0x4] =	stream.indirect_vreg.gather [hbm4b:s8+s3], $0x80, v18, vm0, $0xb8;
	[tilespmem:$0x1E900] =	vst v63  }
0x392: {  	v27 =	vperm.xlane v17, v14;
	v18 =	vadd.s32 v3, v26;
	s17 =	simm.s32 $0x1D600  }
0x393: {  	[tilespmem:s17], [sflag:$0x4] =	stream.indirect_vreg.gather [hbm4b:s8+s3], $0x80, v19, vm0, $0xb8;
	[tilespmem:$0x1E900] =	vst v63  }
0x394: {  	v28 =	vperm.xlane v17, v15;
	v19 =	vadd.s32 v3, v27;
	s17 =	simm.s32 $0x1D680  }
0x395: {  	[tilespmem:s17], [sflag:$0x4] =	stream.indirect_vreg.gather [hbm4b:s8+s3], $0x80, v25, vm0, $0xb8;
	[tilespmem:$0x1E900] =	vst v63  }
0x396: {  	v17 =	vperm.xlane v17, v16;
	v29 =	vadd.s32 v3, v28;
	s17 =	simm.s32 $0x1D700  }
0x397: {  	[tilespmem:s17], [sflag:$0x4] =	stream.indirect_vreg.gather [hbm4b:s8+s3], $0x80, v18, vm0, $0xb8;
	[tilespmem:$0x1E900] =	vst v63  }
0x398: {  	v17 =	vadd.s32 v3, v17;
	s17 =	simm.s32 $0x1D780  }
0x399: {  	[tilespmem:s17], [sflag:$0x4] =	stream.indirect_vreg.gather [hbm4b:s8+s3], $0x80, v19, vm0, $0xb8;
	[tilespmem:$0x1E900] =	vst v63  }
0x39a: {  	s17 =	simm.s32 $0x1D800  }
0x39b: {  	[tilespmem:s17], [sflag:$0x4] =	stream.indirect_vreg.gather [hbm4b:s8+s3], $0x80, v29, vm0, $0xb8;
	[tilespmem:$0x1E900] =	vst v63  }
0x39c: {  	s17 =	simm.s32 $0x1D880  }
0x39d: {  	[tilespmem:s17], [sflag:$0x4] =	stream.indirect_vreg.gather [hbm4b:s8+s3], $0x80, v17, vm0, $0xb8;
	[tilespmem:$0x1E900] =	vst v63  }
0x39e: {  	v17 =	vld [tilespmem:s9+$0x13A60];
	_ =	sdelay $0x4  }
0x39f: {  	v18 =	vshll.u32 v17, $0x1  }
0x3a0: {  	v17 =	vand.u32 $0x7, v17;
	v18 =	vand.u32 $0xFFFFFFF0, v18  }
0x3a1: {  	v17 =	vor.u32 v17, v18  }
0x3a2: {  	v18 =	vperm.xlane v17, v2;
	_ =	sdelay $0x1  }
0x3a3: {  	v19 =	vperm.xlane v17, v1;
	v18 =	vadd.s32 v3, v18;
	_ =	sdelay $0x1  }
0x3a4: {  	v30 =	vperm.xlane v17, v4;
	v19 =	vadd.s32 v3, v19;
	_ =	sdelay $0x1  }
0x3a5: {  	s17 =	simm.s32 $0x1D900;
	v31 =	vperm.xlane v17, v5;
	v20 =	vadd.s32 v3, v30  }
0x3a6: {  	[tilespmem:s17], [sflag:$0x4] =	stream.indirect_vreg.gather [hbm4b:s8+s3], $0x80, v18, vm0, $0xb8;
	[tilespmem:$0x1E900] =	vst v63  }
0x3a7: {  	v32 =	vperm.xlane v17, v6;
	v18 =	vadd.s32 v3, v31;
	s17 =	simm.s32 $0x1D980  }
0x3a8: {  	[tilespmem:s17], [sflag:$0x4] =	stream.indirect_vreg.gather [hbm4b:s8+s3], $0x80, v19, vm0, $0xb8;
	[tilespmem:$0x1E900] =	vst v63  }
0x3a9: {  	v33 =	vperm.xlane v17, v7;
	v19 =	vadd.s32 v3, v32;
	s17 =	simm.s32 $0x1DA00  }
0x3aa: {  	[tilespmem:s17], [sflag:$0x4] =	stream.indirect_vreg.gather [hbm4b:s8+s3], $0x80, v20, vm0, $0xb8;
	[tilespmem:$0x1E900] =	vst v63  }
0x3ab: {  	v35 =	vperm.xlane v17, v8;
	v34 =	vadd.s32 v3, v33;
	s17 =	simm.s32 $0x1DA80  }
0x3ac: {  	[tilespmem:s17], [sflag:$0x4] =	stream.indirect_vreg.gather [hbm4b:s8+s3], $0x80, v18, vm0, $0xb8;
	[tilespmem:$0x1E900] =	vst v63  }
0x3ad: {  	v36 =	vperm.xlane v17, v0;
	v18 =	vadd.s32 v3, v35  }
0x3ae: {  	[tilespmem:s29], [sflag:$0x4] =	stream.indirect_vreg.gather [hbm4b:s8+s3], $0x80, v19, vm0, $0xb8;
	[tilespmem:$0x1E900] =	vst v63  }
0x3af: {  	v37 =	vperm.xlane v17, v9;
	v19 =	vadd.s32 v3, v36  }
0x3b0: {  	[tilespmem:s30], [sflag:$0x4] =	stream.indirect_vreg.gather [hbm4b:s8+s3], $0x80, v34, vm0, $0xb8;
	[tilespmem:$0x1E900] =	vst v63  }
0x3b1: {  	v39 =	vperm.xlane v17, v10;
	v38 =	vadd.s32 v3, v37  }
0x3b2: {  	[tilespmem:s31], [sflag:$0x4] =	stream.indirect_vreg.gather [hbm4b:s8+s3], $0x80, v18, vm0, $0xb8;
	[tilespmem:$0x1E900] =	vst v63  }
0x3b3: {  	v40 =	vperm.xlane v17, v11;
	v18 =	vadd.s32 v3, v39  }
0x3b4: {  	[tilespmem:s0], [sflag:$0x4] =	stream.indirect_vreg.gather [hbm4b:s8+s3], $0x80, v19, vm0, $0xb8;
	[tilespmem:$0x1E900] =	vst v63  }
0x3b5: {  	v41 =	vperm.xlane v17, v12;
	v19 =	vadd.s32 v3, v40  }
0x3b6: {  	[tilespmem:s1], [sflag:$0x4] =	stream.indirect_vreg.gather [hbm4b:s8+s3], $0x80, v38, vm0, $0xb8;
	[tilespmem:$0x1E900] =	vst v63  }
0x3b7: {  	v43 =	vperm.xlane v17, v13;
	v42 =	vadd.s32 v3, v41  }
0x3b8: {  	[tilespmem:s15], [sflag:$0x4] =	stream.indirect_vreg.gather [hbm4b:s8+s3], $0x80, v18, vm0, $0xb8;
	[tilespmem:$0x1E900] =	vst v63  }
0x3b9: {  	v44 =	vperm.xlane v17, v14;
	v18 =	vadd.s32 v3, v43  }
0x3ba: {  	[tilespmem:s24], [sflag:$0x4] =	stream.indirect_vreg.gather [hbm4b:s8+s3], $0x80, v19, vm0, $0xb8;
	[tilespmem:$0x1E900] =	vst v63  }
0x3bb: {  	v45 =	vperm.xlane v17, v15;
	v19 =	vadd.s32 v3, v44  }
0x3bc: {  	[tilespmem:s16], [sflag:$0x4] =	stream.indirect_vreg.gather [hbm4b:s8+s3], $0x80, v42, vm0, $0xb8;
	[tilespmem:$0x1E900] =	vst v63  }
0x3bd: {  	v17 =	vperm.xlane v17, v16;
	v46 =	vadd.s32 v3, v45  }
0x3be: {  	[tilespmem:s18], [sflag:$0x4] =	stream.indirect_vreg.gather [hbm4b:s8+s3], $0x80, v18, vm0, $0xb8;
	[tilespmem:$0x1E900] =	vst v63  }
0x3bf: {  	v17 =	vadd.s32 v3, v17  }
0x3c0: {  	[tilespmem:s12], [sflag:$0x4] =	stream.indirect_vreg.gather [hbm4b:s8+s3], $0x80, v19, vm0, $0xb8;
	[tilespmem:$0x1E900] =	vst v63  }
0x3c1: {  	s17 =	simm.s32 $0x1E000  }
0x3c2: {  	[tilespmem:s17], [sflag:$0x4] =	stream.indirect_vreg.gather [hbm4b:s8+s3], $0x80, v46, vm0, $0xb8;
	[tilespmem:$0x1E900] =	vst v63  }
0x3c3: {  	s17 =	simm.s32 $0x1E080  }
0x3c4: {  	[tilespmem:s17], [sflag:$0x4] =	stream.indirect_vreg.gather [hbm4b:s8+s3], $0x80, v17, vm0, $0xb8;
	[tilespmem:$0x1E900] =	vst v63  }
0x3c5: {  	v17 =	vld [tilespmem:s9+$0x13A70];
	_ =	sdelay $0x4  }
0x3c6: {  	v18 =	vshll.u32 v17, $0x1  }
0x3c7: {  	v17 =	vand.u32 $0x7, v17;
	v18 =	vand.u32 $0xFFFFFFF0, v18  }
0x3c8: {  	v17 =	vor.u32 v17, v18  }
0x3c9: {  	v18 =	vperm.xlane v17, v2;
	_ =	sdelay $0x1  }
0x3ca: {  	v19 =	vperm.xlane v17, v1;
	v18 =	vadd.s32 v3, v18;
	_ =	sdelay $0x1  }
0x3cb: {  	v47 =	vperm.xlane v17, v4;
	v19 =	vadd.s32 v3, v19;
	_ =	sdelay $0x1  }
0x3cc: {  	s17 =	simm.s32 $0x1E100;
	v48 =	vperm.xlane v17, v5;
	v20 =	vadd.s32 v3, v47  }
0x3cd: {  	[tilespmem:s17], [sflag:$0x4] =	stream.indirect_vreg.gather [hbm4b:s8+s3], $0x80, v18, vm0, $0xb8;
	[tilespmem:$0x1E900] =	vst v63  }
0x3ce: {  	v49 =	vperm.xlane v17, v6;
	v18 =	vadd.s32 v3, v48;
	s17 =	simm.s32 $0x1E180  }
0x3cf: {  	[tilespmem:s17], [sflag:$0x4] =	stream.indirect_vreg.gather [hbm4b:s8+s3], $0x80, v19, vm0, $0xb8;
	[tilespmem:$0x1E900] =	vst v63  }
0x3d0: {  	v50 =	vperm.xlane v17, v7;
	v19 =	vadd.s32 v3, v49;
	s17 =	simm.s32 $0x1E200  }
0x3d1: {  	[tilespmem:s17], [sflag:$0x4] =	stream.indirect_vreg.gather [hbm4b:s8+s3], $0x80, v20, vm0, $0xb8;
	[tilespmem:$0x1E900] =	vst v63  }
0x3d2: {  	v52 =	vperm.xlane v17, v8;
	v51 =	vadd.s32 v3, v50;
	s17 =	simm.s32 $0x1E280  }
0x3d3: {  	[tilespmem:s17], [sflag:$0x4] =	stream.indirect_vreg.gather [hbm4b:s8+s3], $0x80, v18, vm0, $0xb8;
	[tilespmem:$0x1E900] =	vst v63  }
0x3d4: {  	v53 =	vperm.xlane v17, v0;
	v18 =	vadd.s32 v3, v52;
	s17 =	simm.s32 $0x1E300  }
0x3d5: {  	[tilespmem:s17], [sflag:$0x4] =	stream.indirect_vreg.gather [hbm4b:s8+s3], $0x80, v19, vm0, $0xb8;
	[tilespmem:$0x1E900] =	vst v63  }
0x3d6: {  	v54 =	vperm.xlane v17, v9;
	v19 =	vadd.s32 v3, v53;
	s17 =	simm.s32 $0x1E380  }
0x3d7: {  	[tilespmem:s17], [sflag:$0x4] =	stream.indirect_vreg.gather [hbm4b:s8+s3], $0x80, v51, vm0, $0xb8;
	[tilespmem:$0x1E900] =	vst v63  }
0x3d8: {  	v56 =	vperm.xlane v17, v10;
	v55 =	vadd.s32 v3, v54;
	s17 =	simm.s32 $0x1E400  }
0x3d9: {  	[tilespmem:s17], [sflag:$0x4] =	stream.indirect_vreg.gather [hbm4b:s8+s3], $0x80, v18, vm0, $0xb8;
	[tilespmem:$0x1E900] =	vst v63  }
0x3da: {  	v57 =	vperm.xlane v17, v11;
	v18 =	vadd.s32 v3, v56;
	s17 =	simm.s32 $0x1E480  }
0x3db: {  	[tilespmem:s17], [sflag:$0x4] =	stream.indirect_vreg.gather [hbm4b:s8+s3], $0x80, v19, vm0, $0xb8;
	[tilespmem:$0x1E900] =	vst v63  }
0x3dc: {  	v58 =	vperm.xlane v17, v12;
	v19 =	vadd.s32 v3, v57  }
0x3dd: {  	[tilespmem:s21], [sflag:$0x4] =	stream.indirect_vreg.gather [hbm4b:s8+s3], $0x80, v55, vm0, $0xb8;
	[tilespmem:$0x1E900] =	vst v63  }
0x3de: {  	v60 =	vperm.xlane v17, v13;
	v59 =	vadd.s32 v3, v58  }
0x3df: {  	[tilespmem:s22], [sflag:$0x4] =	stream.indirect_vreg.gather [hbm4b:s8+s3], $0x80, v18, vm0, $0xb8;
	[tilespmem:$0x1E900] =	vst v63  }
0x3e0: {  	v61 =	vperm.xlane v17, v14;
	v18 =	vadd.s32 v3, v60  }
0x3e1: {  	[tilespmem:s23], [sflag:$0x4] =	stream.indirect_vreg.gather [hbm4b:s8+s3], $0x80, v19, vm0, $0xb8;
	[tilespmem:$0x1E900] =	vst v63  }
0x3e2: {  	v62 =	vperm.xlane v17, v15;
	v19 =	vadd.s32 v3, v61  }
0x3e3: {  	[tilespmem:s7], [sflag:$0x4] =	stream.indirect_vreg.gather [hbm4b:s8+s3], $0x80, v59, vm0, $0xb8;
	[tilespmem:$0x1E900] =	vst v63  }
0x3e4: {  	v17 =	vperm.xlane v17, v16;
	v63 =	vadd.s32 v3, v62  }
0x3e5: {  	[tilespmem:s25], [sflag:$0x4] =	stream.indirect_vreg.gather [hbm4b:s8+s3], $0x80, v18, vm0, $0xb8;
	[tilespmem:$0x1E900] =	vst v63  }
0x3e6: {  	v17 =	vadd.s32 v3, v17  }
0x3e7: {  	[tilespmem:s26], [sflag:$0x4] =	stream.indirect_vreg.gather [hbm4b:s8+s3], $0x80, v19, vm0, $0xb8;
	[tilespmem:$0x1E900] =	vst v63  }
0x3e8: {  	_ = 	snop  }
0x3e9: {  	[tilespmem:s2], [sflag:$0x4] =	stream.indirect_vreg.gather [hbm4b:s8+s3], $0x80, v63, vm0, $0xb8;
	[tilespmem:$0x1E900] =	vst v63  }
0x3ea: {  	_ = 	snop  }
0x3eb: {  	[tilespmem:s10], [sflag:$0x4] =	stream.indirect_vreg.gather [hbm4b:s8+s3], $0x80, v17, vm0, $0xb8;
	[tilespmem:$0x1E900] =	vst v63  }
0x3ec: {  	s6 =	sadd.s32 $0x300, s6;
	_ =	swait.ge [sflag:s19], $0x3000  }
0x3ed: {  	p1 =	sne.s32 s6, $0x9C00;
	[sflag:s19] =	ssyncset.done $0x0  }
.Ltmp0:
0x3ee: {  	s9 =	sadd.s32 $0x161C0, s9;
	[sflag:s19] =	ssyncadd.s32 $0xFFFFD000;
	(pc) =	sbr.rel @p1 .LBB2_2-.Ltmp0, $4  }
0x3ef: {  	[spmem:s28] =	stream.indirect.scatter.add.f32 [tilespmem:s14], [sflag:$0x5], $0x80, s9, s4, $0xb8;
	[tilespmem:$0x1E900] =	vst v63  }
0x3f0: {  	_ =	swait.ge [sflag:s20], $0x3000  }
0x3f1: {  	[sflag:s20] =	ssyncset.done $0x0  }
0x3f2: {  	s13 =	simm.s32 $0x1B900;
	[sflag:s20] =	ssyncadd.s32 $0xFFFFD000  }
0x3f3: {  	_ =	swait.ge [sflag:s5], $0x3000  }
0x3f4: {  	[sflag:s5] =	ssyncset.done $0x0  }
0x3f5: {  	s6 =	sshra.s32 s6, $0x2;
	[sflag:s5] =	ssyncadd.s32 $0xFFFFD000  }
0x3f6: {  	s6 =	sadd.s32 $0x16160, s6;
	s0 =	rddreg [dreg:$0x3]  }
0x3f7: {  	[spmem:s0] =	stream.indirect.scatter.add.f32 [tilespmem:s13], [sflag:$0x5], $0x80, s6, s4, $0xb8;
	[tilespmem:$0x1E900] =	vst v63  }
0x3f8: {  	_ =	swait.ge [sflag:s20], $0x3000  }
0x3f9: {  	[sflag:s20] =	ssyncset.done $0x0  }
0x3fa: {  	[sflag:s20] =	ssyncadd.s32 $0xFFFFD000  }
0x3fb: {  	[bflag:$0x0] =	sbarrier.arrive $0xFFFF  }
0x3fc: {  	s12 =	rddreg [dreg:$0x8]  }
0x3fd: {  	s9 =	simm.s32 $0x80;
	s22 =	rddreg [dreg:$0xa]  }
0x3fe: {  	s2 =	simm.s32 $0x8;
	s17 =	simm.s32 $0x100;
	s23 =	rddreg [dreg:$0xd]  }
0x3ff: {  	[hbm:s22@s17], [sflag:s12] =	dma.strided [spmem:s23@s9], $0x2700, s2, $0x10   }
0x400: {  	s11 =	simm.s32 @!p0 $0x80;
	_ =	swait.ge [sflag:s20], $0x2700  }
0x401: {  	s6 =	simm.s32 @!p0 $0x8;
	[sflag:s20] =	ssyncset.done $0x0;
	s22 =	rddreg [dreg:$0xb]  }
0x402: {  	s9 =	simm.s32 @!p0 $0x100;
	s21 =	rddreg [dreg:$0xe];
	[sflag:s20] =	ssyncadd.s32 $0xFFFFD900  }
0x403: {  	[hbm:s22@s9], [sflag:s12] =	dma.strided @!p0 [spmem:s21@s11], $0x100, s6, $0x10   }
0x404: {  	s6 =	simm.s32 @!p0 $0x5  }
0x405: {  	_ =	swait.ge @!p0 [sflag:s6], $0x100  }
0x406: {  	s7 =	rddreg [dreg:$0xf]  }
0x407: {  	s24 =	rddreg [dreg:$0xc];
	s7 =	sadd.s32 $0x1, s7  }
0x408: {  	s28 =	simm.s32 $0x1DB00;
	p1 =	sne.s32 s7, s24  }
.Ltmp1:
0x409: {  	s29 =	simm.s32 $0x1DB80;
	s30 =	simm.s32 $0x1DC00;
	(pc) =	sbr.rel @p1 .LBB2_1-.Ltmp1, $4  }
0x40a: {  	s1 =	simm.s32 $0x1DD00;
	s15 =	simm.s32 $0x1DD80;
	s31 =	simm.s32 $0x18900  }
0x40b: {  	s14 =	simm.s32 $0x1DE80;
	s16 =	simm.s32 $0x1DF00;
	s18 =	simm.s32 $0x1DF80  }
0x40c: {  	s0 =	simm.s32 $0x1DC80;
	s9 =	smov.u32 s12;
	[sflag:s6] =	ssyncset.done @!p0 $0x0  }
0x40d: {  	s11 =	simm.s32 $0x80;
	[sflag:s6] =	ssyncadd.s32 @!p0 $0xFFFFFF00;
	s24 =	simm.s32 $0x1DE00  }
0x40e: {  	_ =	sfence.sel $0x180000  }
0x40f: {  	[bflag:$0x0] =	sbarrier.arrive $0xFFFF  }
0x410: {  	_ =	strace $0x90000047  }
0x411: {  	s0 =	stileid.u32;
	[bflag:$0x2] =	sbarrier.arrive $0xFFFF  }
0x412: {  	p0 =	sne.s32 s0, $0x0;
	s0 =	rddreg [dreg:$0x4]  }
0x413: {  	s0 =	sadd.s32 @!p0 $0x100000, s0  }
0x414: {  	[sflag:s0] =	ssyncadd.tile.s32 @!p0 $0x1;
	_ =	shalt  }
.Lfunc_end2:
_tile_overlayer_lowered:
.L_overlay_start_2:
0x415: {  	(tag) =	ssettag $0x2  }
0x416: {  	s0 =	rddreg [dreg:$0x0];
	s2 =	stileid.u32  }
0x417: {  	s1 =	rddreg [dreg:$0x1];
	p0 =	sne.s32 s2, $0x0  }
0x418: {  	s3 =	rddreg [dreg:$0x2];
	[bflag:$0x3] =	sbarrier.arrive $0xFFFF;
	s2 =	simm.s32 @!p0 $0x1C05  }
0x419: {  	[timem:s3], [sflag:s2] =	dma.local @!p0 [hbm:s0], s1  }
0x41a: {  	s0 =	simm.s32 @!p0 $0x5  }
0x41b: {  	_ =	swait.ge @!p0 [sflag:s0], s1  }
0x41c: {  	s1 =	ssub.s32 @!p0 $0x0, s1;
	[sflag:s0] =	ssyncset.done @!p0 $0x0  }
0x41d: {  	[sflag:s0] =	ssyncadd.s32 @!p0 s1  }
0x41e: {  	[bflag:$0x3] =	sbarrier.arrive $0xFFFF  }
0x41f: {  	_ =	shalt  }

</sc_bundles>
